<compile_context>
chip_gen: v7x
topology: tpu7x:2x2x1
jax: 0.10.2.dev20260603
libtpu: 0.0.44.dev20260713+nightly
codegen_flags: <defaults>
</compile_context>

<pallas_src>
import functools

import jax
import jax.numpy as jnp
from jax import lax
from jax.experimental import pallas as pl
from jax.experimental.pallas import tpu as pltpu
from jax.experimental.pallas import tpu_sc as plsc

N = 10000
E = 320000
D = 128
HD = D // 2
CHUNK = 125
CPT = E // (16 * CHUNK)
ROWS_PT = N // 16
RCH = 125
NRC = 5
NBUF = 4


def _segsum_sc(srcp, dst2, xv):
    mesh = plsc.VectorSubcoreMesh(core_axis_name="c", subcore_axis_name="s")

    @functools.partial(
        pl.kernel,
        out_type=jax.ShapeDtypeStruct((N, D), jnp.float32),
        mesh=mesh,
        compiler_params=pltpu.CompilerParams(use_tc_tiling_on_sc=False),
        scratch_types=[
            pltpu.VMEM((CPT, CHUNK), jnp.int32),
            pltpu.VMEM((CPT, CHUNK), jnp.int32),
            *[pltpu.VMEM((CHUNK, HD), jnp.float32) for _ in range(NBUF)],
            pltpu.VMEM_SHARED((N, HD), jnp.float32),
            *[pltpu.SemaphoreType.DMA for _ in range(2 * NBUF)],
        ],
    )
    def k(src_hbm, dst_hbm, x_hbm, out_hbm, src_v, dst_v, *rest):
        rows = list(rest[:NBUF])
        agg_sh = rest[NBUF]
        gsem = list(rest[NBUF + 1:2 * NBUF + 1])
        ssem = list(rest[2 * NBUF + 1:])
        c = lax.axis_index("c")
        s = lax.axis_index("s")
        col0 = c * HD

        zero = jnp.zeros((16,), jnp.float32)

        def zrow(i, carry):
            for j in range(HD // 16):
                rows[0][i, pl.ds(j * 16, 16)] = zero
            return carry

        lax.fori_loop(0, RCH, zrow, 0)
        for t in range(NRC):
            pltpu.sync_copy(rows[0],
                            agg_sh.at[pl.ds(s * ROWS_PT + t * RCH, RCH)])
        plsc.subcore_barrier()

        row0 = s * CPT
        pltpu.sync_copy(src_hbm.at[c, pl.ds(row0, CPT)], src_v)
        pltpu.sync_copy(dst_hbm.at[pl.ds(row0, CPT)], dst_v)

        HB = NBUF // 2

        def drain(buf, sem):
            pltpu.make_async_copy(x_hbm.at[pl.ds(0, CHUNK)], buf, sem).wait()

        def gather(j, b):
            pltpu.async_copy(x_hbm.at[src_v.at[j]], rows[b], gsem[b])

        def scatter(j, b):
            pltpu.async_copy(rows[b], agg_sh.at[dst_v.at[j]], ssem[b],
                             add=True)

        for b in range(HB):
            gather(b, b)
        for b in range(NBUF):
            drain(rows[b], gsem[b])
            scatter(b, b)
            bn = (b + HB) % NBUF
            if b >= HB:
                drain(rows[bn], ssem[bn])
            gather(b + HB, bn)

        def step(i, carry):
            for b in range(NBUF):
                j = i * NBUF + b
                bn = (b + HB) % NBUF
                drain(rows[b], gsem[b])
                scatter(j, b)
                drain(rows[bn], ssem[bn])
                gather(jnp.minimum(j + HB, CPT - 1), bn)
            return carry

        lax.fori_loop(1, CPT // NBUF, step, 0)
        for b in range(NBUF):
            if b < HB:
                drain(rows[b], gsem[b])
            else:
                drain(rows[b], ssem[b])
        plsc.subcore_barrier()

        for t in range(NRC):
            r0 = s * ROWS_PT + t * RCH
            b = t % 2
            if t >= 2:
                drain(rows[b], gsem[b])
            pltpu.sync_copy(agg_sh.at[pl.ds(r0, RCH)], rows[b])
            pltpu.async_copy(rows[b],
                             out_hbm.at[pl.ds(r0, RCH), pl.ds(col0, HD)],
                             gsem[b])
        for b in range(2):
            drain(rows[b], gsem[b])

    return k(srcp, dst2, xv)


def _zpart(xin, wo, b):
    BR = 2000

    def body(x_ref, wo_ref, b_ref, o_ref):
        o_ref[...] = jnp.dot(x_ref[...], wo_ref[...],
                             preferred_element_type=jnp.float32) + b_ref[...]

    return pl.pallas_call(
        body,
        grid=(N // BR,),
        in_specs=[
            pl.BlockSpec((BR, D), lambda i: (i, 0)),
            pl.BlockSpec((D, D), lambda i: (0, 0)),
            pl.BlockSpec((1, D), lambda i: (0, 0)),
        ],
        out_specs=pl.BlockSpec((BR, D), lambda i: (i, 0)),
        out_shape=jax.ShapeDtypeStruct((N, D), jnp.float32),
    )(xin, wo, b)


def _combine(p, z, xin, wr, relu, residual):
    BR = 2000

    def body(p_ref, z_ref, x_ref, wr_ref, o_ref):
        out = jnp.dot(p_ref[...], wr_ref[...],
                      preferred_element_type=jnp.float32) + z_ref[...]
        if relu:
            out = jnp.maximum(out, 0.0)
        if residual:
            out = out + x_ref[...]
        o_ref[...] = out

    blk = pl.BlockSpec((BR, D), lambda i: (i, 0))
    return pl.pallas_call(
        body,
        grid=(N // BR,),
        in_specs=[blk, blk, blk, pl.BlockSpec((D, D), lambda i: (0, 0))],
        out_specs=blk,
        out_shape=jax.ShapeDtypeStruct((N, D), jnp.float32),
    )(p, z, xin, wr)


def kernel(x, edge_index,
           W_rel1, W_root1, b1,
           W_rel2, W_root2, b2,
           W_rel3, W_root3, b3,
           W_rel4, W_root4, b4):
    ei = edge_index.astype(jnp.int32)
    src = ei[0].reshape(E // CHUNK, CHUNK)
    dst2 = ei[1].reshape(E // CHUNK, CHUNK)
    srcp = jnp.stack([2 * src, 2 * src + 1])

    def layer(xin, wr, wo, b, relu, residual):
        p = _segsum_sc(srcp, dst2, xin.reshape(2 * N, HD))
        z = _zpart(xin, wo, b.reshape(1, D))
        return _combine(p, z, xin, wr, relu, residual)

    x1 = layer(x, W_rel1, W_root1, b1, True, False)
    x2 = layer(x1, W_rel2, W_root2, b2, True, True)
    x3 = layer(x2, W_rel3, W_root3, b3, False, True)
    x4 = layer(x3, W_rel4, W_root4, b4, False, True)
    return x4

# --- scband reference (transcript-rebuilt; emitter-appended) ---
"""Pipeline reference for scband-gcn-39599598469120 (READ-ONLY COPY).

The authoritative reference and input builder live on the scoring server;
editing this copy changes nothing except your own understanding.
"""

import jax, jax.numpy as jnp
import numpy as np

N = 10000
E = 320000
D = 128
H = 128


def _graph_conv(x, edge_index, W_rel, W_root, b):
    # PyG GraphConv with aggr='add':
    #   out = lin_rel(sum_{j in N(i)} x_j) + lin_root(x_i)
    src = edge_index[0]
    dst = edge_index[1]
    msgs = x[src]                                  # gather  [E, d]
    agg = jax.ops.segment_sum(msgs, dst, num_segments=x.shape[0])  # scatter-add [N, d]
    return agg @ W_rel + b + x @ W_root


def setup_inputs(seed: int = 0) -> dict:
    key = jax.random.key(seed)
    ks = jax.random.split(key, 14)
    x = jax.random.normal(ks[0], (N, D), dtype=jnp.float32)
    edge_index = jax.random.randint(ks[1], (2, E), 0, N, dtype=jnp.int64)
    scale = 1.0 / np.sqrt(D)
    inp = {"x": x, "edge_index": edge_index}
    for i in range(4):
        din = D if i == 0 else H
        inp[f"W_rel{i+1}"] = jax.random.normal(ks[2 + 3 * i], (din, H), dtype=jnp.float32) * scale
        inp[f"W_root{i+1}"] = jax.random.normal(ks[3 + 3 * i], (din, H), dtype=jnp.float32) * scale
        inp[f"b{i+1}"] = jnp.zeros((H,), dtype=jnp.float32)
    return inp


def reference(x, edge_index,
              W_rel1, W_root1, b1,
              W_rel2, W_root2, b2,
              W_rel3, W_root3, b3,
              W_rel4, W_root4, b4):
    x1 = jax.nn.relu(_graph_conv(x, edge_index, W_rel1, W_root1, b1))
    x2 = jax.nn.relu(_graph_conv(x1, edge_index, W_rel2, W_root2, b2)) + x1
    x3 = _graph_conv(x2, edge_index, W_rel3, W_root3, b3) + x2
    x4 = _graph_conv(x3, edge_index, W_rel4, W_root4, b4) + x3
    return x4

if __name__ == "__main__":
    import jax
    _d = setup_inputs()
    print(jax.jit(kernel)(*tuple(_d.values())))

</pallas_src>

<mosaic_0001>
#map = affine_map<(d0, d1) -> (0, 0, 0)>
#map1 = affine_map<(d0, d1) -> (0, 0)>
module attributes {stable_mosaic.version = 14 : i64} {
  func.func @k(%arg0: i32, %arg1: i32, %arg2: memref<2x2560x125xi32, #tpu.memory_space<hbm>>, %arg3: memref<2560x125xi32, #tpu.memory_space<hbm>>, %arg4: memref<20000x64xf32, #tpu.memory_space<hbm>>, %arg5: memref<10000x128xf32, #tpu.memory_space<hbm>>, %arg6: memref<160x125xi32, #tpu.memory_space<vmem>>, %arg7: memref<160x125xi32, #tpu.memory_space<vmem>>, %arg8: memref<125x64xf32, #tpu.memory_space<vmem>>, %arg9: memref<125x64xf32, #tpu.memory_space<vmem>>, %arg10: memref<125x64xf32, #tpu.memory_space<vmem>>, %arg11: memref<125x64xf32, #tpu.memory_space<vmem>>, %arg12: memref<10000x64xf32, #tpu.memory_space<vmem_shared>>, %arg13: memref<!tpu.dma_semaphore, #tpu.memory_space<semaphore_mem>>, %arg14: memref<!tpu.dma_semaphore, #tpu.memory_space<semaphore_mem>>, %arg15: memref<!tpu.dma_semaphore, #tpu.memory_space<semaphore_mem>>, %arg16: memref<!tpu.dma_semaphore, #tpu.memory_space<semaphore_mem>>, %arg17: memref<!tpu.dma_semaphore, #tpu.memory_space<semaphore_mem>>, %arg18: memref<!tpu.dma_semaphore, #tpu.memory_space<semaphore_mem>>, %arg19: memref<!tpu.dma_semaphore, #tpu.memory_space<semaphore_mem>>, %arg20: memref<!tpu.dma_semaphore, #tpu.memory_space<semaphore_mem>>) attributes {dimension_semantics = [#tpu.dimension_semantics<core_parallel>, #tpu.dimension_semantics<subcore_parallel>], iteration_bounds = array<i64: 2, 16>, scalar_prefetch = 0 : i64, scratch_operands = 15 : i64, tpu.core_type = #tpu.core_type<sc_vector_subcore>, window_params = [{transform_indices = #map}, {transform_indices = #map1}, {transform_indices = #map1}, {transform_indices = #map1}]} {
    %mul3A = arith.constant 64 : i32
    %mul3A_0 = arith.muli %arg0, %mul3A : i32
    %broadcast_in_dim3A = arith.constant 0.000000e+00 : f32
    %broadcast_in_dim3A_1 = vector.broadcast %broadcast_in_dim3A : f32 to vector<16xf32>
    %scan3A = arith.constant 0 : i32
    %scan3A_2 = arith.constant 0 : i32
    %scan3A_3 = arith.constant 125 : i32
    %scan3A_4 = arith.addi %scan3A_2, %scan3A_3 : i32
    %scan3A_5 = arith.constant 1 : i32
    scf.for %scan3A_223 = %scan3A_2 to %scan3A_4 step %scan3A_5  : i32 {
      %swap3A = arith.index_cast %scan3A_223 : i32 to index
      %swap3A_224 = arith.constant 0 : index
      %swap3A_225 = tpu.vector_load %arg8[%swap3A, %swap3A_224] {strides = array<i32>} : memref<125x64xf32, #tpu.memory_space<vmem>>, vector<1x16xf32>,
      %swap3A_226 = vector.shape_cast %swap3A_225 : vector<1x16xf32> to vector<16xf32>
      %swap3A_227 = vector.shape_cast %broadcast_in_dim3A_1 : vector<16xf32> to vector<1x16xf32>
      tpu.vector_store %arg8[%swap3A, %swap3A_224], %swap3A_227 {strides = array<i32>} : memref<125x64xf32, #tpu.memory_space<vmem>>, vector<1x16xf32>,
      %swap3A_228 = arith.index_cast %scan3A_223 : i32 to index
      %swap3A_229 = arith.constant 16 : index
      %swap3A_230 = tpu.vector_load %arg8[%swap3A_228, %swap3A_229] {strides = array<i32>} : memref<125x64xf32, #tpu.memory_space<vmem>>, vector<1x16xf32>,
      %swap3A_231 = vector.shape_cast %swap3A_230 : vector<1x16xf32> to vector<16xf32>
      %swap3A_232 = vector.shape_cast %broadcast_in_dim3A_1 : vector<16xf32> to vector<1x16xf32>
      tpu.vector_store %arg8[%swap3A_228, %swap3A_229], %swap3A_232 {strides = array<i32>} : memref<125x64xf32, #tpu.memory_space<vmem>>, vector<1x16xf32>,
      %swap3A_233 = arith.index_cast %scan3A_223 : i32 to index
      %swap3A_234 = arith.constant 32 : index
      %swap3A_235 = tpu.vector_load %arg8[%swap3A_233, %swap3A_234] {strides = array<i32>} : memref<125x64xf32, #tpu.memory_space<vmem>>, vector<1x16xf32>,
      %swap3A_236 = vector.shape_cast %swap3A_235 : vector<1x16xf32> to vector<16xf32>
      %swap3A_237 = vector.shape_cast %broadcast_in_dim3A_1 : vector<16xf32> to vector<1x16xf32>
      tpu.vector_store %arg8[%swap3A_233, %swap3A_234], %swap3A_237 {strides = array<i32>} : memref<125x64xf32, #tpu.memory_space<vmem>>, vector<1x16xf32>,
      %swap3A_238 = arith.index_cast %scan3A_223 : i32 to index
      %swap3A_239 = arith.constant 48 : index
      %swap3A_240 = tpu.vector_load %arg8[%swap3A_238, %swap3A_239] {strides = array<i32>} : memref<125x64xf32, #tpu.memory_space<vmem>>, vector<1x16xf32>,
      %swap3A_241 = vector.shape_cast %swap3A_240 : vector<1x16xf32> to vector<16xf32>
      %swap3A_242 = vector.shape_cast %broadcast_in_dim3A_1 : vector<16xf32> to vector<1x16xf32>
      tpu.vector_store %arg8[%swap3A_238, %swap3A_239], %swap3A_242 {strides = array<i32>} : memref<125x64xf32, #tpu.memory_space<vmem>>, vector<1x16xf32>,
    }
    %scan3A_6 = arith.constant 125 : i32
    %mul3A_7 = arith.constant 625 : i32
    %mul3A_8 = arith.muli %arg1, %mul3A_7 : i32
    %add3A = arith.constant 0 : i32
    %add3A_9 = arith.addi %mul3A_8, %add3A : i32
    "tpu.region"() ({
      %run_scoped3A = tpu.sem_alloc : memref<!tpu.dma_semaphore, #tpu.memory_space<semaphore_mem>>
      %dma_start3A_223 = arith.constant 0 : i32
      %dma_start3A_224 = tpu.memref_slice %arg12[%add3A_9, %dma_start3A_223] : memref<10000x64xf32, #tpu.memory_space<vmem_shared>> -> memref<125x64xf32, #tpu.memory_space<vmem_shared>>
      %dma_start3A_225 = arith.constant 0 : i32
      %dma_start3A_226 = tpu.memref_slice %arg12[%add3A_9, %dma_start3A_225] : memref<10000x64xf32, #tpu.memory_space<vmem_shared>> -> memref<125x64xf32, #tpu.memory_space<vmem_shared>>
      tpu.enqueue_dma source(%arg8 : memref<125x64xf32, #tpu.memory_space<vmem>>) target(%dma_start3A_226 : memref<125x64xf32, #tpu.memory_space<vmem_shared>>) target_semaphore(%run_scoped3A : memref<!tpu.dma_semaphore, #tpu.memory_space<semaphore_mem>>)
      %dma_wait3A_227 = arith.constant 0 : i32
      %dma_wait3A_228 = tpu.memref_slice %arg12[%add3A_9, %dma_wait3A_227] : memref<10000x64xf32, #tpu.memory_space<vmem_shared>> -> memref<125x64xf32, #tpu.memory_space<vmem_shared>>
      %dma_wait3A_229 = arith.constant 0 : i32
      %dma_wait3A_230 = tpu.memref_slice %arg12[%add3A_9, %dma_wait3A_229] : memref<10000x64xf32, #tpu.memory_space<vmem_shared>> -> memref<125x64xf32, #tpu.memory_space<vmem_shared>>
      tpu.wait_dma2 semaphore(%run_scoped3A : memref<!tpu.dma_semaphore, #tpu.memory_space<semaphore_mem>>) src(%arg8 : memref<125x64xf32, #tpu.memory_space<vmem>>) dst(%dma_wait3A_230 : memref<125x64xf32, #tpu.memory_space<vmem_shared>>)
      tpu.yield
    }) : () -> ()
    %mul3A_10 = arith.constant 625 : i32
    %mul3A_11 = arith.muli %arg1, %mul3A_10 : i32
    %add3A_12 = arith.constant 125 : i32
    %add3A_13 = arith.addi %mul3A_11, %add3A_12 : i32
    "tpu.region"() ({
      %run_scoped3A = tpu.sem_alloc : memref<!tpu.dma_semaphore, #tpu.memory_space<semaphore_mem>>
      %dma_start3A_223 = arith.constant 0 : i32
      %dma_start3A_224 = tpu.memref_slice %arg12[%add3A_13, %dma_start3A_223] : memref<10000x64xf32, #tpu.memory_space<vmem_shared>> -> memref<125x64xf32, #tpu.memory_space<vmem_shared>>
      %dma_start3A_225 = arith.constant 0 : i32
      %dma_start3A_226 = tpu.memref_slice %arg12[%add3A_13, %dma_start3A_225] : memref<10000x64xf32, #tpu.memory_space<vmem_shared>> -> memref<125x64xf32, #tpu.memory_space<vmem_shared>>
      tpu.enqueue_dma source(%arg8 : memref<125x64xf32, #tpu.memory_space<vmem>>) target(%dma_start3A_226 : memref<125x64xf32, #tpu.memory_space<vmem_shared>>) target_semaphore(%run_scoped3A : memref<!tpu.dma_semaphore, #tpu.memory_space<semaphore_mem>>)
      %dma_wait3A_227 = arith.constant 0 : i32
      %dma_wait3A_228 = tpu.memref_slice %arg12[%add3A_13, %dma_wait3A_227] : memref<10000x64xf32, #tpu.memory_space<vmem_shared>> -> memref<125x64xf32, #tpu.memory_space<vmem_shared>>
      %dma_wait3A_229 = arith.constant 0 : i32
      %dma_wait3A_230 = tpu.memref_slice %arg12[%add3A_13, %dma_wait3A_229] : memref<10000x64xf32, #tpu.memory_space<vmem_shared>> -> memref<125x64xf32, #tpu.memory_space<vmem_shared>>
      tpu.wait_dma2 semaphore(%run_scoped3A : memref<!tpu.dma_semaphore, #tpu.memory_space<semaphore_mem>>) src(%arg8 : memref<125x64xf32, #tpu.memory_space<vmem>>) dst(%dma_wait3A_230 : memref<125x64xf32, #tpu.memory_space<vmem_shared>>)
      tpu.yield
    }) : () -> ()
    %mul3A_14 = arith.constant 625 : i32
    %mul3A_15 = arith.muli %arg1, %mul3A_14 : i32
    %add3A_16 = arith.constant 250 : i32
    %add3A_17 = arith.addi %mul3A_15, %add3A_16 : i32
    "tpu.region"() ({
      %run_scoped3A = tpu.sem_alloc : memref<!tpu.dma_semaphore, #tpu.memory_space<semaphore_mem>>
      %dma_start3A_223 = arith.constant 0 : i32
      %dma_start3A_224 = tpu.memref_slice %arg12[%add3A_17, %dma_start3A_223] : memref<10000x64xf32, #tpu.memory_space<vmem_shared>> -> memref<125x64xf32, #tpu.memory_space<vmem_shared>>
      %dma_start3A_225 = arith.constant 0 : i32
      %dma_start3A_226 = tpu.memref_slice %arg12[%add3A_17, %dma_start3A_225] : memref<10000x64xf32, #tpu.memory_space<vmem_shared>> -> memref<125x64xf32, #tpu.memory_space<vmem_shared>>
      tpu.enqueue_dma source(%arg8 : memref<125x64xf32, #tpu.memory_space<vmem>>) target(%dma_start3A_226 : memref<125x64xf32, #tpu.memory_space<vmem_shared>>) target_semaphore(%run_scoped3A : memref<!tpu.dma_semaphore, #tpu.memory_space<semaphore_mem>>)
      %dma_wait3A_227 = arith.constant 0 : i32
      %dma_wait3A_228 = tpu.memref_slice %arg12[%add3A_17, %dma_wait3A_227] : memref<10000x64xf32, #tpu.memory_space<vmem_shared>> -> memref<125x64xf32, #tpu.memory_space<vmem_shared>>
      %dma_wait3A_229 = arith.constant 0 : i32
      %dma_wait3A_230 = tpu.memref_slice %arg12[%add3A_17, %dma_wait3A_229] : memref<10000x64xf32, #tpu.memory_space<vmem_shared>> -> memref<125x64xf32, #tpu.memory_space<vmem_shared>>
      tpu.wait_dma2 semaphore(%run_scoped3A : memref<!tpu.dma_semaphore, #tpu.memory_space<semaphore_mem>>) src(%arg8 : memref<125x64xf32, #tpu.memory_space<vmem>>) dst(%dma_wait3A_230 : memref<125x64xf32, #tpu.memory_space<vmem_shared>>)
      tpu.yield
    }) : () -> ()
    %mul3A_18 = arith.constant 625 : i32
    %mul3A_19 = arith.muli %arg1, %mul3A_18 : i32
    %add3A_20 = arith.constant 375 : i32
    %add3A_21 = arith.addi %mul3A_19, %add3A_20 : i32
    "tpu.region"() ({
      %run_scoped3A = tpu.sem_alloc : memref<!tpu.dma_semaphore, #tpu.memory_space<semaphore_mem>>
      %dma_start3A_223 = arith.constant 0 : i32
      %dma_start3A_224 = tpu.memref_slice %arg12[%add3A_21, %dma_start3A_223] : memref<10000x64xf32, #tpu.memory_space<vmem_shared>> -> memref<125x64xf32, #tpu.memory_space<vmem_shared>>
      %dma_start3A_225 = arith.constant 0 : i32
      %dma_start3A_226 = tpu.memref_slice %arg12[%add3A_21, %dma_start3A_225] : memref<10000x64xf32, #tpu.memory_space<vmem_shared>> -> memref<125x64xf32, #tpu.memory_space<vmem_shared>>
      tpu.enqueue_dma source(%arg8 : memref<125x64xf32, #tpu.memory_space<vmem>>) target(%dma_start3A_226 : memref<125x64xf32, #tpu.memory_space<vmem_shared>>) target_semaphore(%run_scoped3A : memref<!tpu.dma_semaphore, #tpu.memory_space<semaphore_mem>>)
      %dma_wait3A_227 = arith.constant 0 : i32
      %dma_wait3A_228 = tpu.memref_slice %arg12[%add3A_21, %dma_wait3A_227] : memref<10000x64xf32, #tpu.memory_space<vmem_shared>> -> memref<125x64xf32, #tpu.memory_space<vmem_shared>>
      %dma_wait3A_229 = arith.constant 0 : i32
      %dma_wait3A_230 = tpu.memref_slice %arg12[%add3A_21, %dma_wait3A_229] : memref<10000x64xf32, #tpu.memory_space<vmem_shared>> -> memref<125x64xf32, #tpu.memory_space<vmem_shared>>
      tpu.wait_dma2 semaphore(%run_scoped3A : memref<!tpu.dma_semaphore, #tpu.memory_space<semaphore_mem>>) src(%arg8 : memref<125x64xf32, #tpu.memory_space<vmem>>) dst(%dma_wait3A_230 : memref<125x64xf32, #tpu.memory_space<vmem_shared>>)
      tpu.yield
    }) : () -> ()
    %mul3A_22 = arith.constant 625 : i32
    %mul3A_23 = arith.muli %arg1, %mul3A_22 : i32
    %add3A_24 = arith.constant 500 : i32
    %add3A_25 = arith.addi %mul3A_23, %add3A_24 : i32
    "tpu.region"() ({
      %run_scoped3A = tpu.sem_alloc : memref<!tpu.dma_semaphore, #tpu.memory_space<semaphore_mem>>
      %dma_start3A_223 = arith.constant 0 : i32
      %dma_start3A_224 = tpu.memref_slice %arg12[%add3A_25, %dma_start3A_223] : memref<10000x64xf32, #tpu.memory_space<vmem_shared>> -> memref<125x64xf32, #tpu.memory_space<vmem_shared>>
      %dma_start3A_225 = arith.constant 0 : i32
      %dma_start3A_226 = tpu.memref_slice %arg12[%add3A_25, %dma_start3A_225] : memref<10000x64xf32, #tpu.memory_space<vmem_shared>> -> memref<125x64xf32, #tpu.memory_space<vmem_shared>>
      tpu.enqueue_dma source(%arg8 : memref<125x64xf32, #tpu.memory_space<vmem>>) target(%dma_start3A_226 : memref<125x64xf32, #tpu.memory_space<vmem_shared>>) target_semaphore(%run_scoped3A : memref<!tpu.dma_semaphore, #tpu.memory_space<semaphore_mem>>)
      %dma_wait3A_227 = arith.constant 0 : i32
      %dma_wait3A_228 = tpu.memref_slice %arg12[%add3A_25, %dma_wait3A_227] : memref<10000x64xf32, #tpu.memory_space<vmem_shared>> -> memref<125x64xf32, #tpu.memory_space<vmem_shared>>
      %dma_wait3A_229 = arith.constant 0 : i32
      %dma_wait3A_230 = tpu.memref_slice %arg12[%add3A_25, %dma_wait3A_229] : memref<10000x64xf32, #tpu.memory_space<vmem_shared>> -> memref<125x64xf32, #tpu.memory_space<vmem_shared>>
      tpu.wait_dma2 semaphore(%run_scoped3A : memref<!tpu.dma_semaphore, #tpu.memory_space<semaphore_mem>>) src(%arg8 : memref<125x64xf32, #tpu.memory_space<vmem>>) dst(%dma_wait3A_230 : memref<125x64xf32, #tpu.memory_space<vmem_shared>>)
      tpu.yield
    }) : () -> ()
    %barrier3A = arith.constant 0 : index
    tpu.barrier barrier_id(%barrier3A)
    %mul3A_26 = arith.constant 160 : i32
    %mul3A_27 = arith.muli %arg1, %mul3A_26 : i32
    "tpu.region"() ({
      %run_scoped3A = tpu.sem_alloc : memref<!tpu.dma_semaphore, #tpu.memory_space<semaphore_mem>>
      %dma_start3A_223 = arith.constant 0 : i32
      %dma_start3A_224 = tpu.memref_slice %arg2[%arg0, %mul3A_27, %dma_start3A_223] : memref<2x2560x125xi32, #tpu.memory_space<hbm>> -> memref<1x160x125xi32, #tpu.memory_space<hbm>>
      %dma_start3A_225 = tpu.memref_squeeze %dma_start3A_224 : memref<1x160x125xi32, #tpu.memory_space<hbm>> -> memref<160x125xi32, #tpu.memory_space<hbm>>
      %dma_start3A_226 = arith.constant 0 : i32
      %dma_start3A_227 = tpu.memref_slice %arg2[%arg0, %mul3A_27, %dma_start3A_226] : memref<2x2560x125xi32, #tpu.memory_space<hbm>> -> memref<1x160x125xi32, #tpu.memory_space<hbm>>
      %dma_start3A_228 = tpu.memref_squeeze %dma_start3A_227 : memref<1x160x125xi32, #tpu.memory_space<hbm>> -> memref<160x125xi32, #tpu.memory_space<hbm>>
      tpu.enqueue_dma source(%dma_start3A_228 : memref<160x125xi32, #tpu.memory_space<hbm>>) target(%arg6 : memref<160x125xi32, #tpu.memory_space<vmem>>) target_semaphore(%run_scoped3A : memref<!tpu.dma_semaphore, #tpu.memory_space<semaphore_mem>>)
      %dma_wait3A_229 = arith.constant 0 : i32
      %dma_wait3A_230 = tpu.memref_slice %arg2[%arg0, %mul3A_27, %dma_wait3A_229] : memref<2x2560x125xi32, #tpu.memory_space<hbm>> -> memref<1x160x125xi32, #tpu.memory_space<hbm>>
      %dma_wait3A_231 = tpu.memref_squeeze %dma_wait3A_230 : memref<1x160x125xi32, #tpu.memory_space<hbm>> -> memref<160x125xi32, #tpu.memory_space<hbm>>
      %dma_wait3A_232 = arith.constant 0 : i32
      %dma_wait3A_233 = tpu.memref_slice %arg2[%arg0, %mul3A_27, %dma_wait3A_232] : memref<2x2560x125xi32, #tpu.memory_space<hbm>> -> memref<1x160x125xi32, #tpu.memory_space<hbm>>
      %dma_wait3A_234 = tpu.memref_squeeze %dma_wait3A_233 : memref<1x160x125xi32, #tpu.memory_space<hbm>> -> memref<160x125xi32, #tpu.memory_space<hbm>>
      tpu.wait_dma2 semaphore(%run_scoped3A : memref<!tpu.dma_semaphore, #tpu.memory_space<semaphore_mem>>) src(%dma_wait3A_234 : memref<160x125xi32, #tpu.memory_space<hbm>>) dst(%arg6 : memref<160x125xi32, #tpu.memory_space<vmem>>)
      tpu.yield
    }) : () -> ()
    "tpu.region"() ({
      %run_scoped3A = tpu.sem_alloc : memref<!tpu.dma_semaphore, #tpu.memory_space<semaphore_mem>>
      %dma_start3A_223 = arith.constant 0 : i32
      %dma_start3A_224 = tpu.memref_slice %arg3[%mul3A_27, %dma_start3A_223] : memref<2560x125xi32, #tpu.memory_space<hbm>> -> memref<160x125xi32, #tpu.memory_space<hbm>>
      %dma_start3A_225 = arith.constant 0 : i32
      %dma_start3A_226 = tpu.memref_slice %arg3[%mul3A_27, %dma_start3A_225] : memref<2560x125xi32, #tpu.memory_space<hbm>> -> memref<160x125xi32, #tpu.memory_space<hbm>>
      tpu.enqueue_dma source(%dma_start3A_226 : memref<160x125xi32, #tpu.memory_space<hbm>>) target(%arg7 : memref<160x125xi32, #tpu.memory_space<vmem>>) target_semaphore(%run_scoped3A : memref<!tpu.dma_semaphore, #tpu.memory_space<semaphore_mem>>)
      %dma_wait3A_227 = arith.constant 0 : i32
      %dma_wait3A_228 = tpu.memref_slice %arg3[%mul3A_27, %dma_wait3A_227] : memref<2560x125xi32, #tpu.memory_space<hbm>> -> memref<160x125xi32, #tpu.memory_space<hbm>>
      %dma_wait3A_229 = arith.constant 0 : i32
      %dma_wait3A_230 = tpu.memref_slice %arg3[%mul3A_27, %dma_wait3A_229] : memref<2560x125xi32, #tpu.memory_space<hbm>> -> memref<160x125xi32, #tpu.memory_space<hbm>>
      tpu.wait_dma2 semaphore(%run_scoped3A : memref<!tpu.dma_semaphore, #tpu.memory_space<semaphore_mem>>) src(%dma_wait3A_230 : memref<160x125xi32, #tpu.memory_space<hbm>>) dst(%arg7 : memref<160x125xi32, #tpu.memory_space<vmem>>)
      tpu.yield
    }) : () -> ()
    %dma_start3A = arith.constant 0 : i32
    %dma_start3A_28 = arith.constant 0 : i32
    %dma_start3A_29 = tpu.memref_slice %arg6[%dma_start3A, %dma_start3A_28] : memref<160x125xi32, #tpu.memory_space<vmem>> -> memref<1x125xi32, #tpu.memory_space<vmem>>
    %dma_start3A_30 = tpu.memref_squeeze %dma_start3A_29 : memref<1x125xi32, #tpu.memory_space<vmem>> -> memref<125xi32, #tpu.memory_space<vmem>>
    %dma_start3A_31 = arith.constant 0 : i32
    %dma_start3A_32 = arith.constant 0 : i32
    %dma_start3A_33 = tpu.memref_slice %arg4[%dma_start3A_31, %dma_start3A_32] : memref<20000x64xf32, #tpu.memory_space<hbm>> -> memref<20000x64xf32, #tpu.memory_space<hbm>>
    tpu.enqueue_indirect_dma source(%dma_start3A_33 : memref<20000x64xf32, #tpu.memory_space<hbm>>) target(%arg8 : memref<125x64xf32, #tpu.memory_space<vmem>>) offsets(%dma_start3A_30 : memref<125xi32, #tpu.memory_space<vmem>>) semaphore(%arg13 : memref<!tpu.dma_semaphore, #tpu.memory_space<semaphore_mem>>)
    %dma_start3A_34 = arith.constant 1 : i32
    %dma_start3A_35 = arith.constant 0 : i32
    %dma_start3A_36 = tpu.memref_slice %arg6[%dma_start3A_34, %dma_start3A_35] : memref<160x125xi32, #tpu.memory_space<vmem>> -> memref<1x125xi32, #tpu.memory_space<vmem>>
    %dma_start3A_37 = tpu.memref_squeeze %dma_start3A_36 : memref<1x125xi32, #tpu.memory_space<vmem>> -> memref<125xi32, #tpu.memory_space<vmem>>
    %dma_start3A_38 = arith.constant 0 : i32
    %dma_start3A_39 = arith.constant 0 : i32
    %dma_start3A_40 = tpu.memref_slice %arg4[%dma_start3A_38, %dma_start3A_39] : memref<20000x64xf32, #tpu.memory_space<hbm>> -> memref<20000x64xf32, #tpu.memory_space<hbm>>
    tpu.enqueue_indirect_dma source(%dma_start3A_40 : memref<20000x64xf32, #tpu.memory_space<hbm>>) target(%arg9 : memref<125x64xf32, #tpu.memory_space<vmem>>) offsets(%dma_start3A_37 : memref<125xi32, #tpu.memory_space<vmem>>) semaphore(%arg14 : memref<!tpu.dma_semaphore, #tpu.memory_space<semaphore_mem>>)
    %dma_wait3A = arith.constant 0 : i32
    %dma_wait3A_41 = arith.constant 0 : i32
    %dma_wait3A_42 = tpu.memref_slice %arg4[%dma_wait3A, %dma_wait3A_41] : memref<20000x64xf32, #tpu.memory_space<hbm>> -> memref<125x64xf32, #tpu.memory_space<hbm>>
    %dma_wait3A_43 = arith.constant 0 : i32
    %dma_wait3A_44 = arith.constant 0 : i32
    %dma_wait3A_45 = tpu.memref_slice %arg4[%dma_wait3A_43, %dma_wait3A_44] : memref<20000x64xf32, #tpu.memory_space<hbm>> -> memref<125x64xf32, #tpu.memory_space<hbm>>
    tpu.wait_dma2 semaphore(%arg13 : memref<!tpu.dma_semaphore, #tpu.memory_space<semaphore_mem>>) src(%dma_wait3A_45 : memref<125x64xf32, #tpu.memory_space<hbm>>) dst(%arg8 : memref<125x64xf32, #tpu.memory_space<vmem>>)
    %dma_start3A_46 = arith.constant 0 : i32
    %dma_start3A_47 = arith.constant 0 : i32
    %dma_start3A_48 = tpu.memref_slice %arg7[%dma_start3A_46, %dma_start3A_47] : memref<160x125xi32, #tpu.memory_space<vmem>> -> memref<1x125xi32, #tpu.memory_space<vmem>>
    %dma_start3A_49 = tpu.memref_squeeze %dma_start3A_48 : memref<1x125xi32, #tpu.memory_space<vmem>> -> memref<125xi32, #tpu.memory_space<vmem>>
    %dma_start3A_50 = arith.constant 0 : i32
    %dma_start3A_51 = arith.constant 0 : i32
    %dma_start3A_52 = tpu.memref_slice %arg12[%dma_start3A_50, %dma_start3A_51] : memref<10000x64xf32, #tpu.memory_space<vmem_shared>> -> memref<10000x64xf32, #tpu.memory_space<vmem_shared>>
    tpu.enqueue_indirect_dma source(%arg8 : memref<125x64xf32, #tpu.memory_space<vmem>>) target(%dma_start3A_52 : memref<10000x64xf32, #tpu.memory_space<vmem_shared>>) offsets(%dma_start3A_49 : memref<125xi32, #tpu.memory_space<vmem>>) semaphore(%arg17 : memref<!tpu.dma_semaphore, #tpu.memory_space<semaphore_mem>>) {add = true}
    %dma_start3A_53 = arith.constant 2 : i32
    %dma_start3A_54 = arith.constant 0 : i32
    %dma_start3A_55 = tpu.memref_slice %arg6[%dma_start3A_53, %dma_start3A_54] : memref<160x125xi32, #tpu.memory_space<vmem>> -> memref<1x125xi32, #tpu.memory_space<vmem>>
    %dma_start3A_56 = tpu.memref_squeeze %dma_start3A_55 : memref<1x125xi32, #tpu.memory_space<vmem>> -> memref<125xi32, #tpu.memory_space<vmem>>
    %dma_start3A_57 = arith.constant 0 : i32
    %dma_start3A_58 = arith.constant 0 : i32
    %dma_start3A_59 = tpu.memref_slice %arg4[%dma_start3A_57, %dma_start3A_58] : memref<20000x64xf32, #tpu.memory_space<hbm>> -> memref<20000x64xf32, #tpu.memory_space<hbm>>
    tpu.enqueue_indirect_dma source(%dma_start3A_59 : memref<20000x64xf32, #tpu.memory_space<hbm>>) target(%arg10 : memref<125x64xf32, #tpu.memory_space<vmem>>) offsets(%dma_start3A_56 : memref<125xi32, #tpu.memory_space<vmem>>) semaphore(%arg15 : memref<!tpu.dma_semaphore, #tpu.memory_space<semaphore_mem>>)
    %dma_wait3A_60 = arith.constant 0 : i32
    %dma_wait3A_61 = arith.constant 0 : i32
    %dma_wait3A_62 = tpu.memref_slice %arg4[%dma_wait3A_60, %dma_wait3A_61] : memref<20000x64xf32, #tpu.memory_space<hbm>> -> memref<125x64xf32, #tpu.memory_space<hbm>>
    %dma_wait3A_63 = arith.constant 0 : i32
    %dma_wait3A_64 = arith.constant 0 : i32
    %dma_wait3A_65 = tpu.memref_slice %arg4[%dma_wait3A_63, %dma_wait3A_64] : memref<20000x64xf32, #tpu.memory_space<hbm>> -> memref<125x64xf32, #tpu.memory_space<hbm>>
    tpu.wait_dma2 semaphore(%arg14 : memref<!tpu.dma_semaphore, #tpu.memory_space<semaphore_mem>>) src(%dma_wait3A_65 : memref<125x64xf32, #tpu.memory_space<hbm>>) dst(%arg9 : memref<125x64xf32, #tpu.memory_space<vmem>>)
    %dma_start3A_66 = arith.constant 1 : i32
    %dma_start3A_67 = arith.constant 0 : i32
    %dma_start3A_68 = tpu.memref_slice %arg7[%dma_start3A_66, %dma_start3A_67] : memref<160x125xi32, #tpu.memory_space<vmem>> -> memref<1x125xi32, #tpu.memory_space<vmem>>
    %dma_start3A_69 = tpu.memref_squeeze %dma_start3A_68 : memref<1x125xi32, #tpu.memory_space<vmem>> -> memref<125xi32, #tpu.memory_space<vmem>>
    %dma_start3A_70 = arith.constant 0 : i32
    %dma_start3A_71 = arith.constant 0 : i32
    %dma_start3A_72 = tpu.memref_slice %arg12[%dma_start3A_70, %dma_start3A_71] : memref<10000x64xf32, #tpu.memory_space<vmem_shared>> -> memref<10000x64xf32, #tpu.memory_space<vmem_shared>>
    tpu.enqueue_indirect_dma source(%arg9 : memref<125x64xf32, #tpu.memory_space<vmem>>) target(%dma_start3A_72 : memref<10000x64xf32, #tpu.memory_space<vmem_shared>>) offsets(%dma_start3A_69 : memref<125xi32, #tpu.memory_space<vmem>>) semaphore(%arg18 : memref<!tpu.dma_semaphore, #tpu.memory_space<semaphore_mem>>) {add = true}
    %dma_start3A_73 = arith.constant 3 : i32
    %dma_start3A_74 = arith.constant 0 : i32
    %dma_start3A_75 = tpu.memref_slice %arg6[%dma_start3A_73, %dma_start3A_74] : memref<160x125xi32, #tpu.memory_space<vmem>> -> memref<1x125xi32, #tpu.memory_space<vmem>>
    %dma_start3A_76 = tpu.memref_squeeze %dma_start3A_75 : memref<1x125xi32, #tpu.memory_space<vmem>> -> memref<125xi32, #tpu.memory_space<vmem>>
    %dma_start3A_77 = arith.constant 0 : i32
    %dma_start3A_78 = arith.constant 0 : i32
    %dma_start3A_79 = tpu.memref_slice %arg4[%dma_start3A_77, %dma_start3A_78] : memref<20000x64xf32, #tpu.memory_space<hbm>> -> memref<20000x64xf32, #tpu.memory_space<hbm>>
    tpu.enqueue_indirect_dma source(%dma_start3A_79 : memref<20000x64xf32, #tpu.memory_space<hbm>>) target(%arg11 : memref<125x64xf32, #tpu.memory_space<vmem>>) offsets(%dma_start3A_76 : memref<125xi32, #tpu.memory_space<vmem>>) semaphore(%arg16 : memref<!tpu.dma_semaphore, #tpu.memory_space<semaphore_mem>>)
    %dma_wait3A_80 = arith.constant 0 : i32
    %dma_wait3A_81 = arith.constant 0 : i32
    %dma_wait3A_82 = tpu.memref_slice %arg4[%dma_wait3A_80, %dma_wait3A_81] : memref<20000x64xf32, #tpu.memory_space<hbm>> -> memref<125x64xf32, #tpu.memory_space<hbm>>
    %dma_wait3A_83 = arith.constant 0 : i32
    %dma_wait3A_84 = arith.constant 0 : i32
    %dma_wait3A_85 = tpu.memref_slice %arg4[%dma_wait3A_83, %dma_wait3A_84] : memref<20000x64xf32, #tpu.memory_space<hbm>> -> memref<125x64xf32, #tpu.memory_space<hbm>>
    tpu.wait_dma2 semaphore(%arg15 : memref<!tpu.dma_semaphore, #tpu.memory_space<semaphore_mem>>) src(%dma_wait3A_85 : memref<125x64xf32, #tpu.memory_space<hbm>>) dst(%arg10 : memref<125x64xf32, #tpu.memory_space<vmem>>)
    %dma_start3A_86 = arith.constant 2 : i32
    %dma_start3A_87 = arith.constant 0 : i32
    %dma_start3A_88 = tpu.memref_slice %arg7[%dma_start3A_86, %dma_start3A_87] : memref<160x125xi32, #tpu.memory_space<vmem>> -> memref<1x125xi32, #tpu.memory_space<vmem>>
    %dma_start3A_89 = tpu.memref_squeeze %dma_start3A_88 : memref<1x125xi32, #tpu.memory_space<vmem>> -> memref<125xi32, #tpu.memory_space<vmem>>
    %dma_start3A_90 = arith.constant 0 : i32
    %dma_start3A_91 = arith.constant 0 : i32
    %dma_start3A_92 = tpu.memref_slice %arg12[%dma_start3A_90, %dma_start3A_91] : memref<10000x64xf32, #tpu.memory_space<vmem_shared>> -> memref<10000x64xf32, #tpu.memory_space<vmem_shared>>
    tpu.enqueue_indirect_dma source(%arg10 : memref<125x64xf32, #tpu.memory_space<vmem>>) target(%dma_start3A_92 : memref<10000x64xf32, #tpu.memory_space<vmem_shared>>) offsets(%dma_start3A_89 : memref<125xi32, #tpu.memory_space<vmem>>) semaphore(%arg19 : memref<!tpu.dma_semaphore, #tpu.memory_space<semaphore_mem>>) {add = true}
    %dma_wait3A_93 = arith.constant 0 : i32
    %dma_wait3A_94 = arith.constant 0 : i32
    %dma_wait3A_95 = tpu.memref_slice %arg4[%dma_wait3A_93, %dma_wait3A_94] : memref<20000x64xf32, #tpu.memory_space<hbm>> -> memref<125x64xf32, #tpu.memory_space<hbm>>
    %dma_wait3A_96 = arith.constant 0 : i32
    %dma_wait3A_97 = arith.constant 0 : i32
    %dma_wait3A_98 = tpu.memref_slice %arg4[%dma_wait3A_96, %dma_wait3A_97] : memref<20000x64xf32, #tpu.memory_space<hbm>> -> memref<125x64xf32, #tpu.memory_space<hbm>>
    tpu.wait_dma2 semaphore(%arg17 : memref<!tpu.dma_semaphore, #tpu.memory_space<semaphore_mem>>) src(%dma_wait3A_98 : memref<125x64xf32, #tpu.memory_space<hbm>>) dst(%arg8 : memref<125x64xf32, #tpu.memory_space<vmem>>)
    %dma_start3A_99 = arith.constant 4 : i32
    %dma_start3A_100 = arith.constant 0 : i32
    %dma_start3A_101 = tpu.memref_slice %arg6[%dma_start3A_99, %dma_start3A_100] : memref<160x125xi32, #tpu.memory_space<vmem>> -> memref<1x125xi32, #tpu.memory_space<vmem>>
    %dma_start3A_102 = tpu.memref_squeeze %dma_start3A_101 : memref<1x125xi32, #tpu.memory_space<vmem>> -> memref<125xi32, #tpu.memory_space<vmem>>
    %dma_start3A_103 = arith.constant 0 : i32
    %dma_start3A_104 = arith.constant 0 : i32
    %dma_start3A_105 = tpu.memref_slice %arg4[%dma_start3A_103, %dma_start3A_104] : memref<20000x64xf32, #tpu.memory_space<hbm>> -> memref<20000x64xf32, #tpu.memory_space<hbm>>
    tpu.enqueue_indirect_dma source(%dma_start3A_105 : memref<20000x64xf32, #tpu.memory_space<hbm>>) target(%arg8 : memref<125x64xf32, #tpu.memory_space<vmem>>) offsets(%dma_start3A_102 : memref<125xi32, #tpu.memory_space<vmem>>) semaphore(%arg13 : memref<!tpu.dma_semaphore, #tpu.memory_space<semaphore_mem>>)
    %dma_wait3A_106 = arith.constant 0 : i32
    %dma_wait3A_107 = arith.constant 0 : i32
    %dma_wait3A_108 = tpu.memref_slice %arg4[%dma_wait3A_106, %dma_wait3A_107] : memref<20000x64xf32, #tpu.memory_space<hbm>> -> memref<125x64xf32, #tpu.memory_space<hbm>>
    %dma_wait3A_109 = arith.constant 0 : i32
    %dma_wait3A_110 = arith.constant 0 : i32
    %dma_wait3A_111 = tpu.memref_slice %arg4[%dma_wait3A_109, %dma_wait3A_110] : memref<20000x64xf32, #tpu.memory_space<hbm>> -> memref<125x64xf32, #tpu.memory_space<hbm>>
    tpu.wait_dma2 semaphore(%arg16 : memref<!tpu.dma_semaphore, #tpu.memory_space<semaphore_mem>>) src(%dma_wait3A_111 : memref<125x64xf32, #tpu.memory_space<hbm>>) dst(%arg11 : memref<125x64xf32, #tpu.memory_space<vmem>>)
    %dma_start3A_112 = arith.constant 3 : i32
    %dma_start3A_113 = arith.constant 0 : i32
    %dma_start3A_114 = tpu.memref_slice %arg7[%dma_start3A_112, %dma_start3A_113] : memref<160x125xi32, #tpu.memory_space<vmem>> -> memref<1x125xi32, #tpu.memory_space<vmem>>
    %dma_start3A_115 = tpu.memref_squeeze %dma_start3A_114 : memref<1x125xi32, #tpu.memory_space<vmem>> -> memref<125xi32, #tpu.memory_space<vmem>>
    %dma_start3A_116 = arith.constant 0 : i32
    %dma_start3A_117 = arith.constant 0 : i32
    %dma_start3A_118 = tpu.memref_slice %arg12[%dma_start3A_116, %dma_start3A_117] : memref<10000x64xf32, #tpu.memory_space<vmem_shared>> -> memref<10000x64xf32, #tpu.memory_space<vmem_shared>>
    tpu.enqueue_indirect_dma source(%arg11 : memref<125x64xf32, #tpu.memory_space<vmem>>) target(%dma_start3A_118 : memref<10000x64xf32, #tpu.memory_space<vmem_shared>>) offsets(%dma_start3A_115 : memref<125xi32, #tpu.memory_space<vmem>>) semaphore(%arg20 : memref<!tpu.dma_semaphore, #tpu.memory_space<semaphore_mem>>) {add = true}
    %dma_wait3A_119 = arith.constant 0 : i32
    %dma_wait3A_120 = arith.constant 0 : i32
    %dma_wait3A_121 = tpu.memref_slice %arg4[%dma_wait3A_119, %dma_wait3A_120] : memref<20000x64xf32, #tpu.memory_space<hbm>> -> memref<125x64xf32, #tpu.memory_space<hbm>>
    %dma_wait3A_122 = arith.constant 0 : i32
    %dma_wait3A_123 = arith.constant 0 : i32
    %dma_wait3A_124 = tpu.memref_slice %arg4[%dma_wait3A_122, %dma_wait3A_123] : memref<20000x64xf32, #tpu.memory_space<hbm>> -> memref<125x64xf32, #tpu.memory_space<hbm>>
    tpu.wait_dma2 semaphore(%arg18 : memref<!tpu.dma_semaphore, #tpu.memory_space<semaphore_mem>>) src(%dma_wait3A_124 : memref<125x64xf32, #tpu.memory_space<hbm>>) dst(%arg9 : memref<125x64xf32, #tpu.memory_space<vmem>>)
    %dma_start3A_125 = arith.constant 5 : i32
    %dma_start3A_126 = arith.constant 0 : i32
    %dma_start3A_127 = tpu.memref_slice %arg6[%dma_start3A_125, %dma_start3A_126] : memref<160x125xi32, #tpu.memory_space<vmem>> -> memref<1x125xi32, #tpu.memory_space<vmem>>
    %dma_start3A_128 = tpu.memref_squeeze %dma_start3A_127 : memref<1x125xi32, #tpu.memory_space<vmem>> -> memref<125xi32, #tpu.memory_space<vmem>>
    %dma_start3A_129 = arith.constant 0 : i32
    %dma_start3A_130 = arith.constant 0 : i32
    %dma_start3A_131 = tpu.memref_slice %arg4[%dma_start3A_129, %dma_start3A_130] : memref<20000x64xf32, #tpu.memory_space<hbm>> -> memref<20000x64xf32, #tpu.memory_space<hbm>>
    tpu.enqueue_indirect_dma source(%dma_start3A_131 : memref<20000x64xf32, #tpu.memory_space<hbm>>) target(%arg9 : memref<125x64xf32, #tpu.memory_space<vmem>>) offsets(%dma_start3A_128 : memref<125xi32, #tpu.memory_space<vmem>>) semaphore(%arg14 : memref<!tpu.dma_semaphore, #tpu.memory_space<semaphore_mem>>)
    %scan3A_132 = arith.constant 0 : i32
    %scan3A_133 = arith.constant 1 : i32
    %scan3A_134 = arith.constant 39 : i32
    %scan3A_135 = arith.addi %scan3A_133, %scan3A_134 : i32
    %scan3A_136 = arith.constant 1 : i32
    scf.for %scan3A_223 = %scan3A_133 to %scan3A_135 step %scan3A_136  : i32 {
      %mul3A_224 = arith.constant 4 : i32
      %mul3A_225 = arith.muli %scan3A_223, %mul3A_224 : i32
      %add3A_226 = arith.constant 0 : i32
      %add3A_227 = arith.addi %mul3A_225, %add3A_226 : i32
      %dma_wait3A_228 = arith.constant 0 : i32
      %dma_wait3A_229 = arith.constant 0 : i32
      %dma_wait3A_230 = tpu.memref_slice %arg4[%dma_wait3A_228, %dma_wait3A_229] : memref<20000x64xf32, #tpu.memory_space<hbm>> -> memref<125x64xf32, #tpu.memory_space<hbm>>
      %dma_wait3A_231 = arith.constant 0 : i32
      %dma_wait3A_232 = arith.constant 0 : i32
      %dma_wait3A_233 = tpu.memref_slice %arg4[%dma_wait3A_231, %dma_wait3A_232] : memref<20000x64xf32, #tpu.memory_space<hbm>> -> memref<125x64xf32, #tpu.memory_space<hbm>>
      tpu.wait_dma2 semaphore(%arg13 : memref<!tpu.dma_semaphore, #tpu.memory_space<semaphore_mem>>) src(%dma_wait3A_233 : memref<125x64xf32, #tpu.memory_space<hbm>>) dst(%arg8 : memref<125x64xf32, #tpu.memory_space<vmem>>)
      %dma_start3A_234 = arith.constant 0 : i32
      %dma_start3A_235 = tpu.memref_slice %arg7[%add3A_227, %dma_start3A_234] : memref<160x125xi32, #tpu.memory_space<vmem>> -> memref<1x125xi32, #tpu.memory_space<vmem>>
      %dma_start3A_236 = tpu.memref_squeeze %dma_start3A_235 : memref<1x125xi32, #tpu.memory_space<vmem>> -> memref<125xi32, #tpu.memory_space<vmem>>
      %dma_start3A_237 = arith.constant 0 : i32
      %dma_start3A_238 = arith.constant 0 : i32
      %dma_start3A_239 = tpu.memref_slice %arg12[%dma_start3A_237, %dma_start3A_238] : memref<10000x64xf32, #tpu.memory_space<vmem_shared>> -> memref<10000x64xf32, #tpu.memory_space<vmem_shared>>
      tpu.enqueue_indirect_dma source(%arg8 : memref<125x64xf32, #tpu.memory_space<vmem>>) target(%dma_start3A_239 : memref<10000x64xf32, #tpu.memory_space<vmem_shared>>) offsets(%dma_start3A_236 : memref<125xi32, #tpu.memory_space<vmem>>) semaphore(%arg17 : memref<!tpu.dma_semaphore, #tpu.memory_space<semaphore_mem>>) {add = true}
      %dma_wait3A_240 = arith.constant 0 : i32
      %dma_wait3A_241 = arith.constant 0 : i32
      %dma_wait3A_242 = tpu.memref_slice %arg4[%dma_wait3A_240, %dma_wait3A_241] : memref<20000x64xf32, #tpu.memory_space<hbm>> -> memref<125x64xf32, #tpu.memory_space<hbm>>
      %dma_wait3A_243 = arith.constant 0 : i32
      %dma_wait3A_244 = arith.constant 0 : i32
      %dma_wait3A_245 = tpu.memref_slice %arg4[%dma_wait3A_243, %dma_wait3A_244] : memref<20000x64xf32, #tpu.memory_space<hbm>> -> memref<125x64xf32, #tpu.memory_space<hbm>>
      tpu.wait_dma2 semaphore(%arg19 : memref<!tpu.dma_semaphore, #tpu.memory_space<semaphore_mem>>) src(%dma_wait3A_245 : memref<125x64xf32, #tpu.memory_space<hbm>>) dst(%arg10 : memref<125x64xf32, #tpu.memory_space<vmem>>)
      %add3A_246 = arith.constant 2 : i32
      %add3A_247 = arith.addi %add3A_227, %add3A_246 : i32
      %min3A = arith.constant 159 : i32
      %min3A_248 = arith.minsi %add3A_247, %min3A : i32
      %dma_start3A_249 = arith.constant 0 : i32
      %dma_start3A_250 = tpu.memref_slice %arg6[%min3A_248, %dma_start3A_249] : memref<160x125xi32, #tpu.memory_space<vmem>> -> memref<1x125xi32, #tpu.memory_space<vmem>>
      %dma_start3A_251 = tpu.memref_squeeze %dma_start3A_250 : memref<1x125xi32, #tpu.memory_space<vmem>> -> memref<125xi32, #tpu.memory_space<vmem>>
      %dma_start3A_252 = arith.constant 0 : i32
      %dma_start3A_253 = arith.constant 0 : i32
      %dma_start3A_254 = tpu.memref_slice %arg4[%dma_start3A_252, %dma_start3A_253] : memref<20000x64xf32, #tpu.memory_space<hbm>> -> memref<20000x64xf32, #tpu.memory_space<hbm>>
      tpu.enqueue_indirect_dma source(%dma_start3A_254 : memref<20000x64xf32, #tpu.memory_space<hbm>>) target(%arg10 : memref<125x64xf32, #tpu.memory_space<vmem>>) offsets(%dma_start3A_251 : memref<125xi32, #tpu.memory_space<vmem>>) semaphore(%arg15 : memref<!tpu.dma_semaphore, #tpu.memory_space<semaphore_mem>>)
      %mul3A_255 = arith.constant 4 : i32
      %mul3A_256 = arith.muli %scan3A_223, %mul3A_255 : i32
      %add3A_257 = arith.constant 1 : i32
      %add3A_258 = arith.addi %mul3A_256, %add3A_257 : i32
      %dma_wait3A_259 = arith.constant 0 : i32
      %dma_wait3A_260 = arith.constant 0 : i32
      %dma_wait3A_261 = tpu.memref_slice %arg4[%dma_wait3A_259, %dma_wait3A_260] : memref<20000x64xf32, #tpu.memory_space<hbm>> -> memref<125x64xf32, #tpu.memory_space<hbm>>
      %dma_wait3A_262 = arith.constant 0 : i32
      %dma_wait3A_263 = arith.constant 0 : i32
      %dma_wait3A_264 = tpu.memref_slice %arg4[%dma_wait3A_262, %dma_wait3A_263] : memref<20000x64xf32, #tpu.memory_space<hbm>> -> memref<125x64xf32, #tpu.memory_space<hbm>>
      tpu.wait_dma2 semaphore(%arg14 : memref<!tpu.dma_semaphore, #tpu.memory_space<semaphore_mem>>) src(%dma_wait3A_264 : memref<125x64xf32, #tpu.memory_space<hbm>>) dst(%arg9 : memref<125x64xf32, #tpu.memory_space<vmem>>)
      %dma_start3A_265 = arith.constant 0 : i32
      %dma_start3A_266 = tpu.memref_slice %arg7[%add3A_258, %dma_start3A_265] : memref<160x125xi32, #tpu.memory_space<vmem>> -> memref<1x125xi32, #tpu.memory_space<vmem>>
      %dma_start3A_267 = tpu.memref_squeeze %dma_start3A_266 : memref<1x125xi32, #tpu.memory_space<vmem>> -> memref<125xi32, #tpu.memory_space<vmem>>
      %dma_start3A_268 = arith.constant 0 : i32
      %dma_start3A_269 = arith.constant 0 : i32
      %dma_start3A_270 = tpu.memref_slice %arg12[%dma_start3A_268, %dma_start3A_269] : memref<10000x64xf32, #tpu.memory_space<vmem_shared>> -> memref<10000x64xf32, #tpu.memory_space<vmem_shared>>
      tpu.enqueue_indirect_dma source(%arg9 : memref<125x64xf32, #tpu.memory_space<vmem>>) target(%dma_start3A_270 : memref<10000x64xf32, #tpu.memory_space<vmem_shared>>) offsets(%dma_start3A_267 : memref<125xi32, #tpu.memory_space<vmem>>) semaphore(%arg18 : memref<!tpu.dma_semaphore, #tpu.memory_space<semaphore_mem>>) {add = true}
      %dma_wait3A_271 = arith.constant 0 : i32
      %dma_wait3A_272 = arith.constant 0 : i32
      %dma_wait3A_273 = tpu.memref_slice %arg4[%dma_wait3A_271, %dma_wait3A_272] : memref<20000x64xf32, #tpu.memory_space<hbm>> -> memref<125x64xf32, #tpu.memory_space<hbm>>
      %dma_wait3A_274 = arith.constant 0 : i32
      %dma_wait3A_275 = arith.constant 0 : i32
      %dma_wait3A_276 = tpu.memref_slice %arg4[%dma_wait3A_274, %dma_wait3A_275] : memref<20000x64xf32, #tpu.memory_space<hbm>> -> memref<125x64xf32, #tpu.memory_space<hbm>>
      tpu.wait_dma2 semaphore(%arg20 : memref<!tpu.dma_semaphore, #tpu.memory_space<semaphore_mem>>) src(%dma_wait3A_276 : memref<125x64xf32, #tpu.memory_space<hbm>>) dst(%arg11 : memref<125x64xf32, #tpu.memory_space<vmem>>)
      %add3A_277 = arith.constant 2 : i32
      %add3A_278 = arith.addi %add3A_258, %add3A_277 : i32
      %min3A_279 = arith.constant 159 : i32
      %min3A_280 = arith.minsi %add3A_278, %min3A_279 : i32
      %dma_start3A_281 = arith.constant 0 : i32
      %dma_start3A_282 = tpu.memref_slice %arg6[%min3A_280, %dma_start3A_281] : memref<160x125xi32, #tpu.memory_space<vmem>> -> memref<1x125xi32, #tpu.memory_space<vmem>>
      %dma_start3A_283 = tpu.memref_squeeze %dma_start3A_282 : memref<1x125xi32, #tpu.memory_space<vmem>> -> memref<125xi32, #tpu.memory_space<vmem>>
      %dma_start3A_284 = arith.constant 0 : i32
      %dma_start3A_285 = arith.constant 0 : i32
      %dma_start3A_286 = tpu.memref_slice %arg4[%dma_start3A_284, %dma_start3A_285] : memref<20000x64xf32, #tpu.memory_space<hbm>> -> memref<20000x64xf32, #tpu.memory_space<hbm>>
      tpu.enqueue_indirect_dma source(%dma_start3A_286 : memref<20000x64xf32, #tpu.memory_space<hbm>>) target(%arg11 : memref<125x64xf32, #tpu.memory_space<vmem>>) offsets(%dma_start3A_283 : memref<125xi32, #tpu.memory_space<vmem>>) semaphore(%arg16 : memref<!tpu.dma_semaphore, #tpu.memory_space<semaphore_mem>>)
      %mul3A_287 = arith.constant 4 : i32
      %mul3A_288 = arith.muli %scan3A_223, %mul3A_287 : i32
      %add3A_289 = arith.constant 2 : i32
      %add3A_290 = arith.addi %mul3A_288, %add3A_289 : i32
      %dma_wait3A_291 = arith.constant 0 : i32
      %dma_wait3A_292 = arith.constant 0 : i32
      %dma_wait3A_293 = tpu.memref_slice %arg4[%dma_wait3A_291, %dma_wait3A_292] : memref<20000x64xf32, #tpu.memory_space<hbm>> -> memref<125x64xf32, #tpu.memory_space<hbm>>
      %dma_wait3A_294 = arith.constant 0 : i32
      %dma_wait3A_295 = arith.constant 0 : i32
      %dma_wait3A_296 = tpu.memref_slice %arg4[%dma_wait3A_294, %dma_wait3A_295] : memref<20000x64xf32, #tpu.memory_space<hbm>> -> memref<125x64xf32, #tpu.memory_space<hbm>>
      tpu.wait_dma2 semaphore(%arg15 : memref<!tpu.dma_semaphore, #tpu.memory_space<semaphore_mem>>) src(%dma_wait3A_296 : memref<125x64xf32, #tpu.memory_space<hbm>>) dst(%arg10 : memref<125x64xf32, #tpu.memory_space<vmem>>)
      %dma_start3A_297 = arith.constant 0 : i32
      %dma_start3A_298 = tpu.memref_slice %arg7[%add3A_290, %dma_start3A_297] : memref<160x125xi32, #tpu.memory_space<vmem>> -> memref<1x125xi32, #tpu.memory_space<vmem>>
      %dma_start3A_299 = tpu.memref_squeeze %dma_start3A_298 : memref<1x125xi32, #tpu.memory_space<vmem>> -> memref<125xi32, #tpu.memory_space<vmem>>
      %dma_start3A_300 = arith.constant 0 : i32
      %dma_start3A_301 = arith.constant 0 : i32
      %dma_start3A_302 = tpu.memref_slice %arg12[%dma_start3A_300, %dma_start3A_301] : memref<10000x64xf32, #tpu.memory_space<vmem_shared>> -> memref<10000x64xf32, #tpu.memory_space<vmem_shared>>
      tpu.enqueue_indirect_dma source(%arg10 : memref<125x64xf32, #tpu.memory_space<vmem>>) target(%dma_start3A_302 : memref<10000x64xf32, #tpu.memory_space<vmem_shared>>) offsets(%dma_start3A_299 : memref<125xi32, #tpu.memory_space<vmem>>) semaphore(%arg19 : memref<!tpu.dma_semaphore, #tpu.memory_space<semaphore_mem>>) {add = true}
      %dma_wait3A_303 = arith.constant 0 : i32
      %dma_wait3A_304 = arith.constant 0 : i32
      %dma_wait3A_305 = tpu.memref_slice %arg4[%dma_wait3A_303, %dma_wait3A_304] : memref<20000x64xf32, #tpu.memory_space<hbm>> -> memref<125x64xf32, #tpu.memory_space<hbm>>
      %dma_wait3A_306 = arith.constant 0 : i32
      %dma_wait3A_307 = arith.constant 0 : i32
      %dma_wait3A_308 = tpu.memref_slice %arg4[%dma_wait3A_306, %dma_wait3A_307] : memref<20000x64xf32, #tpu.memory_space<hbm>> -> memref<125x64xf32, #tpu.memory_space<hbm>>
      tpu.wait_dma2 semaphore(%arg17 : memref<!tpu.dma_semaphore, #tpu.memory_space<semaphore_mem>>) src(%dma_wait3A_308 : memref<125x64xf32, #tpu.memory_space<hbm>>) dst(%arg8 : memref<125x64xf32, #tpu.memory_space<vmem>>)
      %add3A_309 = arith.constant 2 : i32
      %add3A_310 = arith.addi %add3A_290, %add3A_309 : i32
      %min3A_311 = arith.constant 159 : i32
      %min3A_312 = arith.minsi %add3A_310, %min3A_311 : i32
      %dma_start3A_313 = arith.constant 0 : i32
      %dma_start3A_314 = tpu.memref_slice %arg6[%min3A_312, %dma_start3A_313] : memref<160x125xi32, #tpu.memory_space<vmem>> -> memref<1x125xi32, #tpu.memory_space<vmem>>
      %dma_start3A_315 = tpu.memref_squeeze %dma_start3A_314 : memref<1x125xi32, #tpu.memory_space<vmem>> -> memref<125xi32, #tpu.memory_space<vmem>>
      %dma_start3A_316 = arith.constant 0 : i32
      %dma_start3A_317 = arith.constant 0 : i32
      %dma_start3A_318 = tpu.memref_slice %arg4[%dma_start3A_316, %dma_start3A_317] : memref<20000x64xf32, #tpu.memory_space<hbm>> -> memref<20000x64xf32, #tpu.memory_space<hbm>>
      tpu.enqueue_indirect_dma source(%dma_start3A_318 : memref<20000x64xf32, #tpu.memory_space<hbm>>) target(%arg8 : memref<125x64xf32, #tpu.memory_space<vmem>>) offsets(%dma_start3A_315 : memref<125xi32, #tpu.memory_space<vmem>>) semaphore(%arg13 : memref<!tpu.dma_semaphore, #tpu.memory_space<semaphore_mem>>)
      %mul3A_319 = arith.constant 4 : i32
      %mul3A_320 = arith.muli %scan3A_223, %mul3A_319 : i32
      %add3A_321 = arith.constant 3 : i32
      %add3A_322 = arith.addi %mul3A_320, %add3A_321 : i32
      %dma_wait3A_323 = arith.constant 0 : i32
      %dma_wait3A_324 = arith.constant 0 : i32
      %dma_wait3A_325 = tpu.memref_slice %arg4[%dma_wait3A_323, %dma_wait3A_324] : memref<20000x64xf32, #tpu.memory_space<hbm>> -> memref<125x64xf32, #tpu.memory_space<hbm>>
      %dma_wait3A_326 = arith.constant 0 : i32
      %dma_wait3A_327 = arith.constant 0 : i32
      %dma_wait3A_328 = tpu.memref_slice %arg4[%dma_wait3A_326, %dma_wait3A_327] : memref<20000x64xf32, #tpu.memory_space<hbm>> -> memref<125x64xf32, #tpu.memory_space<hbm>>
      tpu.wait_dma2 semaphore(%arg16 : memref<!tpu.dma_semaphore, #tpu.memory_space<semaphore_mem>>) src(%dma_wait3A_328 : memref<125x64xf32, #tpu.memory_space<hbm>>) dst(%arg11 : memref<125x64xf32, #tpu.memory_space<vmem>>)
      %dma_start3A_329 = arith.constant 0 : i32
      %dma_start3A_330 = tpu.memref_slice %arg7[%add3A_322, %dma_start3A_329] : memref<160x125xi32, #tpu.memory_space<vmem>> -> memref<1x125xi32, #tpu.memory_space<vmem>>
      %dma_start3A_331 = tpu.memref_squeeze %dma_start3A_330 : memref<1x125xi32, #tpu.memory_space<vmem>> -> memref<125xi32, #tpu.memory_space<vmem>>
      %dma_start3A_332 = arith.constant 0 : i32
      %dma_start3A_333 = arith.constant 0 : i32
      %dma_start3A_334 = tpu.memref_slice %arg12[%dma_start3A_332, %dma_start3A_333] : memref<10000x64xf32, #tpu.memory_space<vmem_shared>> -> memref<10000x64xf32, #tpu.memory_space<vmem_shared>>
      tpu.enqueue_indirect_dma source(%arg11 : memref<125x64xf32, #tpu.memory_space<vmem>>) target(%dma_start3A_334 : memref<10000x64xf32, #tpu.memory_space<vmem_shared>>) offsets(%dma_start3A_331 : memref<125xi32, #tpu.memory_space<vmem>>) semaphore(%arg20 : memref<!tpu.dma_semaphore, #tpu.memory_space<semaphore_mem>>) {add = true}
      %dma_wait3A_335 = arith.constant 0 : i32
      %dma_wait3A_336 = arith.constant 0 : i32
      %dma_wait3A_337 = tpu.memref_slice %arg4[%dma_wait3A_335, %dma_wait3A_336] : memref<20000x64xf32, #tpu.memory_space<hbm>> -> memref<125x64xf32, #tpu.memory_space<hbm>>
      %dma_wait3A_338 = arith.constant 0 : i32
      %dma_wait3A_339 = arith.constant 0 : i32
      %dma_wait3A_340 = tpu.memref_slice %arg4[%dma_wait3A_338, %dma_wait3A_339] : memref<20000x64xf32, #tpu.memory_space<hbm>> -> memref<125x64xf32, #tpu.memory_space<hbm>>
      tpu.wait_dma2 semaphore(%arg18 : memref<!tpu.dma_semaphore, #tpu.memory_space<semaphore_mem>>) src(%dma_wait3A_340 : memref<125x64xf32, #tpu.memory_space<hbm>>) dst(%arg9 : memref<125x64xf32, #tpu.memory_space<vmem>>)
      %add3A_341 = arith.constant 2 : i32
      %add3A_342 = arith.addi %add3A_322, %add3A_341 : i32
      %min3A_343 = arith.constant 159 : i32
      %min3A_344 = arith.minsi %add3A_342, %min3A_343 : i32
      %dma_start3A_345 = arith.constant 0 : i32
      %dma_start3A_346 = tpu.memref_slice %arg6[%min3A_344, %dma_start3A_345] : memref<160x125xi32, #tpu.memory_space<vmem>> -> memref<1x125xi32, #tpu.memory_space<vmem>>
      %dma_start3A_347 = tpu.memref_squeeze %dma_start3A_346 : memref<1x125xi32, #tpu.memory_space<vmem>> -> memref<125xi32, #tpu.memory_space<vmem>>
      %dma_start3A_348 = arith.constant 0 : i32
      %dma_start3A_349 = arith.constant 0 : i32
      %dma_start3A_350 = tpu.memref_slice %arg4[%dma_start3A_348, %dma_start3A_349] : memref<20000x64xf32, #tpu.memory_space<hbm>> -> memref<20000x64xf32, #tpu.memory_space<hbm>>
      tpu.enqueue_indirect_dma source(%dma_start3A_350 : memref<20000x64xf32, #tpu.memory_space<hbm>>) target(%arg9 : memref<125x64xf32, #tpu.memory_space<vmem>>) offsets(%dma_start3A_347 : memref<125xi32, #tpu.memory_space<vmem>>) semaphore(%arg14 : memref<!tpu.dma_semaphore, #tpu.memory_space<semaphore_mem>>)
    }
    %scan3A_137 = arith.constant 39 : i32
    %dma_wait3A_138 = arith.constant 0 : i32
    %dma_wait3A_139 = arith.constant 0 : i32
    %dma_wait3A_140 = tpu.memref_slice %arg4[%dma_wait3A_138, %dma_wait3A_139] : memref<20000x64xf32, #tpu.memory_space<hbm>> -> memref<125x64xf32, #tpu.memory_space<hbm>>
    %dma_wait3A_141 = arith.constant 0 : i32
    %dma_wait3A_142 = arith.constant 0 : i32
    %dma_wait3A_143 = tpu.memref_slice %arg4[%dma_wait3A_141, %dma_wait3A_142] : memref<20000x64xf32, #tpu.memory_space<hbm>> -> memref<125x64xf32, #tpu.memory_space<hbm>>
    tpu.wait_dma2 semaphore(%arg13 : memref<!tpu.dma_semaphore, #tpu.memory_space<semaphore_mem>>) src(%dma_wait3A_143 : memref<125x64xf32, #tpu.memory_space<hbm>>) dst(%arg8 : memref<125x64xf32, #tpu.memory_space<vmem>>)
    %dma_wait3A_144 = arith.constant 0 : i32
    %dma_wait3A_145 = arith.constant 0 : i32
    %dma_wait3A_146 = tpu.memref_slice %arg4[%dma_wait3A_144, %dma_wait3A_145] : memref<20000x64xf32, #tpu.memory_space<hbm>> -> memref<125x64xf32, #tpu.memory_space<hbm>>
    %dma_wait3A_147 = arith.constant 0 : i32
    %dma_wait3A_148 = arith.constant 0 : i32
    %dma_wait3A_149 = tpu.memref_slice %arg4[%dma_wait3A_147, %dma_wait3A_148] : memref<20000x64xf32, #tpu.memory_space<hbm>> -> memref<125x64xf32, #tpu.memory_space<hbm>>
    tpu.wait_dma2 semaphore(%arg14 : memref<!tpu.dma_semaphore, #tpu.memory_space<semaphore_mem>>) src(%dma_wait3A_149 : memref<125x64xf32, #tpu.memory_space<hbm>>) dst(%arg9 : memref<125x64xf32, #tpu.memory_space<vmem>>)
    %dma_wait3A_150 = arith.constant 0 : i32
    %dma_wait3A_151 = arith.constant 0 : i32
    %dma_wait3A_152 = tpu.memref_slice %arg4[%dma_wait3A_150, %dma_wait3A_151] : memref<20000x64xf32, #tpu.memory_space<hbm>> -> memref<125x64xf32, #tpu.memory_space<hbm>>
    %dma_wait3A_153 = arith.constant 0 : i32
    %dma_wait3A_154 = arith.constant 0 : i32
    %dma_wait3A_155 = tpu.memref_slice %arg4[%dma_wait3A_153, %dma_wait3A_154] : memref<20000x64xf32, #tpu.memory_space<hbm>> -> memref<125x64xf32, #tpu.memory_space<hbm>>
    tpu.wait_dma2 semaphore(%arg19 : memref<!tpu.dma_semaphore, #tpu.memory_space<semaphore_mem>>) src(%dma_wait3A_155 : memref<125x64xf32, #tpu.memory_space<hbm>>) dst(%arg10 : memref<125x64xf32, #tpu.memory_space<vmem>>)
    %dma_wait3A_156 = arith.constant 0 : i32
    %dma_wait3A_157 = arith.constant 0 : i32
    %dma_wait3A_158 = tpu.memref_slice %arg4[%dma_wait3A_156, %dma_wait3A_157] : memref<20000x64xf32, #tpu.memory_space<hbm>> -> memref<125x64xf32, #tpu.memory_space<hbm>>
    %dma_wait3A_159 = arith.constant 0 : i32
    %dma_wait3A_160 = arith.constant 0 : i32
    %dma_wait3A_161 = tpu.memref_slice %arg4[%dma_wait3A_159, %dma_wait3A_160] : memref<20000x64xf32, #tpu.memory_space<hbm>> -> memref<125x64xf32, #tpu.memory_space<hbm>>
    tpu.wait_dma2 semaphore(%arg20 : memref<!tpu.dma_semaphore, #tpu.memory_space<semaphore_mem>>) src(%dma_wait3A_161 : memref<125x64xf32, #tpu.memory_space<hbm>>) dst(%arg11 : memref<125x64xf32, #tpu.memory_space<vmem>>)
    %barrier3A_162 = arith.constant 0 : index
    tpu.barrier barrier_id(%barrier3A_162)
    %mul3A_163 = arith.constant 625 : i32
    %mul3A_164 = arith.muli %arg1, %mul3A_163 : i32
    %add3A_165 = arith.constant 0 : i32
    %add3A_166 = arith.addi %mul3A_164, %add3A_165 : i32
    "tpu.region"() ({
      %run_scoped3A = tpu.sem_alloc : memref<!tpu.dma_semaphore, #tpu.memory_space<semaphore_mem>>
      %dma_start3A_223 = arith.constant 0 : i32
      %dma_start3A_224 = tpu.memref_slice %arg12[%add3A_166, %dma_start3A_223] : memref<10000x64xf32, #tpu.memory_space<vmem_shared>> -> memref<125x64xf32, #tpu.memory_space<vmem_shared>>
      %dma_start3A_225 = arith.constant 0 : i32
      %dma_start3A_226 = tpu.memref_slice %arg12[%add3A_166, %dma_start3A_225] : memref<10000x64xf32, #tpu.memory_space<vmem_shared>> -> memref<125x64xf32, #tpu.memory_space<vmem_shared>>
      tpu.enqueue_dma source(%dma_start3A_226 : memref<125x64xf32, #tpu.memory_space<vmem_shared>>) target(%arg8 : memref<125x64xf32, #tpu.memory_space<vmem>>) target_semaphore(%run_scoped3A : memref<!tpu.dma_semaphore, #tpu.memory_space<semaphore_mem>>)
      %dma_wait3A_227 = arith.constant 0 : i32
      %dma_wait3A_228 = tpu.memref_slice %arg12[%add3A_166, %dma_wait3A_227] : memref<10000x64xf32, #tpu.memory_space<vmem_shared>> -> memref<125x64xf32, #tpu.memory_space<vmem_shared>>
      %dma_wait3A_229 = arith.constant 0 : i32
      %dma_wait3A_230 = tpu.memref_slice %arg12[%add3A_166, %dma_wait3A_229] : memref<10000x64xf32, #tpu.memory_space<vmem_shared>> -> memref<125x64xf32, #tpu.memory_space<vmem_shared>>
      tpu.wait_dma2 semaphore(%run_scoped3A : memref<!tpu.dma_semaphore, #tpu.memory_space<semaphore_mem>>) src(%dma_wait3A_230 : memref<125x64xf32, #tpu.memory_space<vmem_shared>>) dst(%arg8 : memref<125x64xf32, #tpu.memory_space<vmem>>)
      tpu.yield
    }) : () -> ()
    %dma_start3A_167 = tpu.memref_slice %arg5[%add3A_166, %mul3A_0] : memref<10000x128xf32, #tpu.memory_space<hbm>> -> memref<125x64xf32, #tpu.memory_space<hbm>>
    %dma_start3A_168 = tpu.memref_slice %arg5[%add3A_166, %mul3A_0] : memref<10000x128xf32, #tpu.memory_space<hbm>> -> memref<125x64xf32, #tpu.memory_space<hbm>>
    tpu.enqueue_dma source(%arg8 : memref<125x64xf32, #tpu.memory_space<vmem>>) target(%dma_start3A_168 : memref<125x64xf32, #tpu.memory_space<hbm>>) target_semaphore(%arg13 : memref<!tpu.dma_semaphore, #tpu.memory_space<semaphore_mem>>)
    %mul3A_169 = arith.constant 625 : i32
    %mul3A_170 = arith.muli %arg1, %mul3A_169 : i32
    %add3A_171 = arith.constant 125 : i32
    %add3A_172 = arith.addi %mul3A_170, %add3A_171 : i32
    "tpu.region"() ({
      %run_scoped3A = tpu.sem_alloc : memref<!tpu.dma_semaphore, #tpu.memory_space<semaphore_mem>>
      %dma_start3A_223 = arith.constant 0 : i32
      %dma_start3A_224 = tpu.memref_slice %arg12[%add3A_172, %dma_start3A_223] : memref<10000x64xf32, #tpu.memory_space<vmem_shared>> -> memref<125x64xf32, #tpu.memory_space<vmem_shared>>
      %dma_start3A_225 = arith.constant 0 : i32
      %dma_start3A_226 = tpu.memref_slice %arg12[%add3A_172, %dma_start3A_225] : memref<10000x64xf32, #tpu.memory_space<vmem_shared>> -> memref<125x64xf32, #tpu.memory_space<vmem_shared>>
      tpu.enqueue_dma source(%dma_start3A_226 : memref<125x64xf32, #tpu.memory_space<vmem_shared>>) target(%arg9 : memref<125x64xf32, #tpu.memory_space<vmem>>) target_semaphore(%run_scoped3A : memref<!tpu.dma_semaphore, #tpu.memory_space<semaphore_mem>>)
      %dma_wait3A_227 = arith.constant 0 : i32
      %dma_wait3A_228 = tpu.memref_slice %arg12[%add3A_172, %dma_wait3A_227] : memref<10000x64xf32, #tpu.memory_space<vmem_shared>> -> memref<125x64xf32, #tpu.memory_space<vmem_shared>>
      %dma_wait3A_229 = arith.constant 0 : i32
      %dma_wait3A_230 = tpu.memref_slice %arg12[%add3A_172, %dma_wait3A_229] : memref<10000x64xf32, #tpu.memory_space<vmem_shared>> -> memref<125x64xf32, #tpu.memory_space<vmem_shared>>
      tpu.wait_dma2 semaphore(%run_scoped3A : memref<!tpu.dma_semaphore, #tpu.memory_space<semaphore_mem>>) src(%dma_wait3A_230 : memref<125x64xf32, #tpu.memory_space<vmem_shared>>) dst(%arg9 : memref<125x64xf32, #tpu.memory_space<vmem>>)
      tpu.yield
    }) : () -> ()
    %dma_start3A_173 = tpu.memref_slice %arg5[%add3A_172, %mul3A_0] : memref<10000x128xf32, #tpu.memory_space<hbm>> -> memref<125x64xf32, #tpu.memory_space<hbm>>
    %dma_start3A_174 = tpu.memref_slice %arg5[%add3A_172, %mul3A_0] : memref<10000x128xf32, #tpu.memory_space<hbm>> -> memref<125x64xf32, #tpu.memory_space<hbm>>
    tpu.enqueue_dma source(%arg9 : memref<125x64xf32, #tpu.memory_space<vmem>>) target(%dma_start3A_174 : memref<125x64xf32, #tpu.memory_space<hbm>>) target_semaphore(%arg14 : memref<!tpu.dma_semaphore, #tpu.memory_space<semaphore_mem>>)
    %mul3A_175 = arith.constant 625 : i32
    %mul3A_176 = arith.muli %arg1, %mul3A_175 : i32
    %add3A_177 = arith.constant 250 : i32
    %add3A_178 = arith.addi %mul3A_176, %add3A_177 : i32
    %dma_wait3A_179 = arith.constant 0 : i32
    %dma_wait3A_180 = arith.constant 0 : i32
    %dma_wait3A_181 = tpu.memref_slice %arg4[%dma_wait3A_179, %dma_wait3A_180] : memref<20000x64xf32, #tpu.memory_space<hbm>> -> memref<125x64xf32, #tpu.memory_space<hbm>>
    %dma_wait3A_182 = arith.constant 0 : i32
    %dma_wait3A_183 = arith.constant 0 : i32
    %dma_wait3A_184 = tpu.memref_slice %arg4[%dma_wait3A_182, %dma_wait3A_183] : memref<20000x64xf32, #tpu.memory_space<hbm>> -> memref<125x64xf32, #tpu.memory_space<hbm>>
    tpu.wait_dma2 semaphore(%arg13 : memref<!tpu.dma_semaphore, #tpu.memory_space<semaphore_mem>>) src(%dma_wait3A_184 : memref<125x64xf32, #tpu.memory_space<hbm>>) dst(%arg8 : memref<125x64xf32, #tpu.memory_space<vmem>>)
    "tpu.region"() ({
      %run_scoped3A = tpu.sem_alloc : memref<!tpu.dma_semaphore, #tpu.memory_space<semaphore_mem>>
      %dma_start3A_223 = arith.constant 0 : i32
      %dma_start3A_224 = tpu.memref_slice %arg12[%add3A_178, %dma_start3A_223] : memref<10000x64xf32, #tpu.memory_space<vmem_shared>> -> memref<125x64xf32, #tpu.memory_space<vmem_shared>>
      %dma_start3A_225 = arith.constant 0 : i32
      %dma_start3A_226 = tpu.memref_slice %arg12[%add3A_178, %dma_start3A_225] : memref<10000x64xf32, #tpu.memory_space<vmem_shared>> -> memref<125x64xf32, #tpu.memory_space<vmem_shared>>
      tpu.enqueue_dma source(%dma_start3A_226 : memref<125x64xf32, #tpu.memory_space<vmem_shared>>) target(%arg8 : memref<125x64xf32, #tpu.memory_space<vmem>>) target_semaphore(%run_scoped3A : memref<!tpu.dma_semaphore, #tpu.memory_space<semaphore_mem>>)
      %dma_wait3A_227 = arith.constant 0 : i32
      %dma_wait3A_228 = tpu.memref_slice %arg12[%add3A_178, %dma_wait3A_227] : memref<10000x64xf32, #tpu.memory_space<vmem_shared>> -> memref<125x64xf32, #tpu.memory_space<vmem_shared>>
      %dma_wait3A_229 = arith.constant 0 : i32
      %dma_wait3A_230 = tpu.memref_slice %arg12[%add3A_178, %dma_wait3A_229] : memref<10000x64xf32, #tpu.memory_space<vmem_shared>> -> memref<125x64xf32, #tpu.memory_space<vmem_shared>>
      tpu.wait_dma2 semaphore(%run_scoped3A : memref<!tpu.dma_semaphore, #tpu.memory_space<semaphore_mem>>) src(%dma_wait3A_230 : memref<125x64xf32, #tpu.memory_space<vmem_shared>>) dst(%arg8 : memref<125x64xf32, #tpu.memory_space<vmem>>)
      tpu.yield
    }) : () -> ()
    %dma_start3A_185 = tpu.memref_slice %arg5[%add3A_178, %mul3A_0] : memref<10000x128xf32, #tpu.memory_space<hbm>> -> memref<125x64xf32, #tpu.memory_space<hbm>>
    %dma_start3A_186 = tpu.memref_slice %arg5[%add3A_178, %mul3A_0] : memref<10000x128xf32, #tpu.memory_space<hbm>> -> memref<125x64xf32, #tpu.memory_space<hbm>>
    tpu.enqueue_dma source(%arg8 : memref<125x64xf32, #tpu.memory_space<vmem>>) target(%dma_start3A_186 : memref<125x64xf32, #tpu.memory_space<hbm>>) target_semaphore(%arg13 : memref<!tpu.dma_semaphore, #tpu.memory_space<semaphore_mem>>)
    %mul3A_187 = arith.constant 625 : i32
    %mul3A_188 = arith.muli %arg1, %mul3A_187 : i32
    %add3A_189 = arith.constant 375 : i32
    %add3A_190 = arith.addi %mul3A_188, %add3A_189 : i32
    %dma_wait3A_191 = arith.constant 0 : i32
    %dma_wait3A_192 = arith.constant 0 : i32
    %dma_wait3A_193 = tpu.memref_slice %arg4[%dma_wait3A_191, %dma_wait3A_192] : memref<20000x64xf32, #tpu.memory_space<hbm>> -> memref<125x64xf32, #tpu.memory_space<hbm>>
    %dma_wait3A_194 = arith.constant 0 : i32
    %dma_wait3A_195 = arith.constant 0 : i32
    %dma_wait3A_196 = tpu.memref_slice %arg4[%dma_wait3A_194, %dma_wait3A_195] : memref<20000x64xf32, #tpu.memory_space<hbm>> -> memref<125x64xf32, #tpu.memory_space<hbm>>
    tpu.wait_dma2 semaphore(%arg14 : memref<!tpu.dma_semaphore, #tpu.memory_space<semaphore_mem>>) src(%dma_wait3A_196 : memref<125x64xf32, #tpu.memory_space<hbm>>) dst(%arg9 : memref<125x64xf32, #tpu.memory_space<vmem>>)
    "tpu.region"() ({
      %run_scoped3A = tpu.sem_alloc : memref<!tpu.dma_semaphore, #tpu.memory_space<semaphore_mem>>
      %dma_start3A_223 = arith.constant 0 : i32
      %dma_start3A_224 = tpu.memref_slice %arg12[%add3A_190, %dma_start3A_223] : memref<10000x64xf32, #tpu.memory_space<vmem_shared>> -> memref<125x64xf32, #tpu.memory_space<vmem_shared>>
      %dma_start3A_225 = arith.constant 0 : i32
      %dma_start3A_226 = tpu.memref_slice %arg12[%add3A_190, %dma_start3A_225] : memref<10000x64xf32, #tpu.memory_space<vmem_shared>> -> memref<125x64xf32, #tpu.memory_space<vmem_shared>>
      tpu.enqueue_dma source(%dma_start3A_226 : memref<125x64xf32, #tpu.memory_space<vmem_shared>>) target(%arg9 : memref<125x64xf32, #tpu.memory_space<vmem>>) target_semaphore(%run_scoped3A : memref<!tpu.dma_semaphore, #tpu.memory_space<semaphore_mem>>)
      %dma_wait3A_227 = arith.constant 0 : i32
      %dma_wait3A_228 = tpu.memref_slice %arg12[%add3A_190, %dma_wait3A_227] : memref<10000x64xf32, #tpu.memory_space<vmem_shared>> -> memref<125x64xf32, #tpu.memory_space<vmem_shared>>
      %dma_wait3A_229 = arith.constant 0 : i32
      %dma_wait3A_230 = tpu.memref_slice %arg12[%add3A_190, %dma_wait3A_229] : memref<10000x64xf32, #tpu.memory_space<vmem_shared>> -> memref<125x64xf32, #tpu.memory_space<vmem_shared>>
      tpu.wait_dma2 semaphore(%run_scoped3A : memref<!tpu.dma_semaphore, #tpu.memory_space<semaphore_mem>>) src(%dma_wait3A_230 : memref<125x64xf32, #tpu.memory_space<vmem_shared>>) dst(%arg9 : memref<125x64xf32, #tpu.memory_space<vmem>>)
      tpu.yield
    }) : () -> ()
    %dma_start3A_197 = tpu.memref_slice %arg5[%add3A_190, %mul3A_0] : memref<10000x128xf32, #tpu.memory_space<hbm>> -> memref<125x64xf32, #tpu.memory_space<hbm>>
    %dma_start3A_198 = tpu.memref_slice %arg5[%add3A_190, %mul3A_0] : memref<10000x128xf32, #tpu.memory_space<hbm>> -> memref<125x64xf32, #tpu.memory_space<hbm>>
    tpu.enqueue_dma source(%arg9 : memref<125x64xf32, #tpu.memory_space<vmem>>) target(%dma_start3A_198 : memref<125x64xf32, #tpu.memory_space<hbm>>) target_semaphore(%arg14 : memref<!tpu.dma_semaphore, #tpu.memory_space<semaphore_mem>>)
    %mul3A_199 = arith.constant 625 : i32
    %mul3A_200 = arith.muli %arg1, %mul3A_199 : i32
    %add3A_201 = arith.constant 500 : i32
    %add3A_202 = arith.addi %mul3A_200, %add3A_201 : i32
    %dma_wait3A_203 = arith.constant 0 : i32
    %dma_wait3A_204 = arith.constant 0 : i32
    %dma_wait3A_205 = tpu.memref_slice %arg4[%dma_wait3A_203, %dma_wait3A_204] : memref<20000x64xf32, #tpu.memory_space<hbm>> -> memref<125x64xf32, #tpu.memory_space<hbm>>
    %dma_wait3A_206 = arith.constant 0 : i32
    %dma_wait3A_207 = arith.constant 0 : i32
    %dma_wait3A_208 = tpu.memref_slice %arg4[%dma_wait3A_206, %dma_wait3A_207] : memref<20000x64xf32, #tpu.memory_space<hbm>> -> memref<125x64xf32, #tpu.memory_space<hbm>>
    tpu.wait_dma2 semaphore(%arg13 : memref<!tpu.dma_semaphore, #tpu.memory_space<semaphore_mem>>) src(%dma_wait3A_208 : memref<125x64xf32, #tpu.memory_space<hbm>>) dst(%arg8 : memref<125x64xf32, #tpu.memory_space<vmem>>)
    "tpu.region"() ({
      %run_scoped3A = tpu.sem_alloc : memref<!tpu.dma_semaphore, #tpu.memory_space<semaphore_mem>>
      %dma_start3A_223 = arith.constant 0 : i32
      %dma_start3A_224 = tpu.memref_slice %arg12[%add3A_202, %dma_start3A_223] : memref<10000x64xf32, #tpu.memory_space<vmem_shared>> -> memref<125x64xf32, #tpu.memory_space<vmem_shared>>
      %dma_start3A_225 = arith.constant 0 : i32
      %dma_start3A_226 = tpu.memref_slice %arg12[%add3A_202, %dma_start3A_225] : memref<10000x64xf32, #tpu.memory_space<vmem_shared>> -> memref<125x64xf32, #tpu.memory_space<vmem_shared>>
      tpu.enqueue_dma source(%dma_start3A_226 : memref<125x64xf32, #tpu.memory_space<vmem_shared>>) target(%arg8 : memref<125x64xf32, #tpu.memory_space<vmem>>) target_semaphore(%run_scoped3A : memref<!tpu.dma_semaphore, #tpu.memory_space<semaphore_mem>>)
      %dma_wait3A_227 = arith.constant 0 : i32
      %dma_wait3A_228 = tpu.memref_slice %arg12[%add3A_202, %dma_wait3A_227] : memref<10000x64xf32, #tpu.memory_space<vmem_shared>> -> memref<125x64xf32, #tpu.memory_space<vmem_shared>>
      %dma_wait3A_229 = arith.constant 0 : i32
      %dma_wait3A_230 = tpu.memref_slice %arg12[%add3A_202, %dma_wait3A_229] : memref<10000x64xf32, #tpu.memory_space<vmem_shared>> -> memref<125x64xf32, #tpu.memory_space<vmem_shared>>
      tpu.wait_dma2 semaphore(%run_scoped3A : memref<!tpu.dma_semaphore, #tpu.memory_space<semaphore_mem>>) src(%dma_wait3A_230 : memref<125x64xf32, #tpu.memory_space<vmem_shared>>) dst(%arg8 : memref<125x64xf32, #tpu.memory_space<vmem>>)
      tpu.yield
    }) : () -> ()
    %dma_start3A_209 = tpu.memref_slice %arg5[%add3A_202, %mul3A_0] : memref<10000x128xf32, #tpu.memory_space<hbm>> -> memref<125x64xf32, #tpu.memory_space<hbm>>
    %dma_start3A_210 = tpu.memref_slice %arg5[%add3A_202, %mul3A_0] : memref<10000x128xf32, #tpu.memory_space<hbm>> -> memref<125x64xf32, #tpu.memory_space<hbm>>
    tpu.enqueue_dma source(%arg8 : memref<125x64xf32, #tpu.memory_space<vmem>>) target(%dma_start3A_210 : memref<125x64xf32, #tpu.memory_space<hbm>>) target_semaphore(%arg13 : memref<!tpu.dma_semaphore, #tpu.memory_space<semaphore_mem>>)
    %dma_wait3A_211 = arith.constant 0 : i32
    %dma_wait3A_212 = arith.constant 0 : i32
    %dma_wait3A_213 = tpu.memref_slice %arg4[%dma_wait3A_211, %dma_wait3A_212] : memref<20000x64xf32, #tpu.memory_space<hbm>> -> memref<125x64xf32, #tpu.memory_space<hbm>>
    %dma_wait3A_214 = arith.constant 0 : i32
    %dma_wait3A_215 = arith.constant 0 : i32
    %dma_wait3A_216 = tpu.memref_slice %arg4[%dma_wait3A_214, %dma_wait3A_215] : memref<20000x64xf32, #tpu.memory_space<hbm>> -> memref<125x64xf32, #tpu.memory_space<hbm>>
    tpu.wait_dma2 semaphore(%arg13 : memref<!tpu.dma_semaphore, #tpu.memory_space<semaphore_mem>>) src(%dma_wait3A_216 : memref<125x64xf32, #tpu.memory_space<hbm>>) dst(%arg8 : memref<125x64xf32, #tpu.memory_space<vmem>>)
    %dma_wait3A_217 = arith.constant 0 : i32
    %dma_wait3A_218 = arith.constant 0 : i32
    %dma_wait3A_219 = tpu.memref_slice %arg4[%dma_wait3A_217, %dma_wait3A_218] : memref<20000x64xf32, #tpu.memory_space<hbm>> -> memref<125x64xf32, #tpu.memory_space<hbm>>
    %dma_wait3A_220 = arith.constant 0 : i32
    %dma_wait3A_221 = arith.constant 0 : i32
    %dma_wait3A_222 = tpu.memref_slice %arg4[%dma_wait3A_220, %dma_wait3A_221] : memref<20000x64xf32, #tpu.memory_space<hbm>> -> memref<125x64xf32, #tpu.memory_space<hbm>>
    tpu.wait_dma2 semaphore(%arg14 : memref<!tpu.dma_semaphore, #tpu.memory_space<semaphore_mem>>) src(%dma_wait3A_222 : memref<125x64xf32, #tpu.memory_space<hbm>>) dst(%arg9 : memref<125x64xf32, #tpu.memory_space<vmem>>)
    return
  }
}

#map = affine_map<(d0, d1) -> (0, 0, 0)>
#map1 = affine_map<(d0, d1) -> (0, 0)>
module attributes {stable_mosaic.version = 14 : i64} {
  func.func @k(%arg0: i32, %arg1: i32, %arg2: memref<2x2560x125xi32, #tpu.memory_space<hbm>>, %arg3: memref<2560x125xi32, #tpu.memory_space<hbm>>, %arg4: memref<20000x64xf32, #tpu.memory_space<hbm>>, %arg5: memref<10000x128xf32, #tpu.memory_space<hbm>>, %arg6: memref<160x125xi32, #tpu.memory_space<vmem>>, %arg7: memref<160x125xi32, #tpu.memory_space<vmem>>, %arg8: memref<125x64xf32, #tpu.memory_space<vmem>>, %arg9: memref<125x64xf32, #tpu.memory_space<vmem>>, %arg10: memref<125x64xf32, #tpu.memory_space<vmem>>, %arg11: memref<125x64xf32, #tpu.memory_space<vmem>>, %arg12: memref<10000x64xf32, #tpu.memory_space<vmem_shared>>, %arg13: memref<!tpu.dma_semaphore, #tpu.memory_space<semaphore_mem>>, %arg14: memref<!tpu.dma_semaphore, #tpu.memory_space<semaphore_mem>>, %arg15: memref<!tpu.dma_semaphore, #tpu.memory_space<semaphore_mem>>, %arg16: memref<!tpu.dma_semaphore, #tpu.memory_space<semaphore_mem>>, %arg17: memref<!tpu.dma_semaphore, #tpu.memory_space<semaphore_mem>>, %arg18: memref<!tpu.dma_semaphore, #tpu.memory_space<semaphore_mem>>, %arg19: memref<!tpu.dma_semaphore, #tpu.memory_space<semaphore_mem>>, %arg20: memref<!tpu.dma_semaphore, #tpu.memory_space<semaphore_mem>>) attributes {dimension_semantics = [#tpu.dimension_semantics<core_parallel>, #tpu.dimension_semantics<subcore_parallel>], iteration_bounds = array<i64: 2, 16>, scalar_prefetch = 0 : i64, scratch_operands = 15 : i64, tpu.core_type = #tpu.core_type<sc_vector_subcore>, window_params = [{transform_indices = #map}, {transform_indices = #map1}, {transform_indices = #map1}, {transform_indices = #map1}]} {
    %mul3A = arith.constant 64 : i32
    %mul3A_0 = arith.muli %arg0, %mul3A : i32
    %broadcast_in_dim3A = arith.constant 0.000000e+00 : f32
    %broadcast_in_dim3A_1 = vector.broadcast %broadcast_in_dim3A : f32 to vector<16xf32>
    %scan3A = arith.constant 0 : i32
    %scan3A_2 = arith.constant 0 : i32
    %scan3A_3 = arith.constant 125 : i32
    %scan3A_4 = arith.addi %scan3A_2, %scan3A_3 : i32
    %scan3A_5 = arith.constant 1 : i32
    scf.for %scan3A_223 = %scan3A_2 to %scan3A_4 step %scan3A_5  : i32 {
      %swap3A = arith.index_cast %scan3A_223 : i32 to index
      %swap3A_224 = arith.constant 0 : index
      %swap3A_225 = tpu.vector_load %arg8[%swap3A, %swap3A_224] {strides = array<i32>} : memref<125x64xf32, #tpu.memory_space<vmem>>, vector<1x16xf32>,
      %swap3A_226 = vector.shape_cast %swap3A_225 : vector<1x16xf32> to vector<16xf32>
      %swap3A_227 = vector.shape_cast %broadcast_in_dim3A_1 : vector<16xf32> to vector<1x16xf32>
      tpu.vector_store %arg8[%swap3A, %swap3A_224], %swap3A_227 {strides = array<i32>} : memref<125x64xf32, #tpu.memory_space<vmem>>, vector<1x16xf32>,
      %swap3A_228 = arith.index_cast %scan3A_223 : i32 to index
      %swap3A_229 = arith.constant 16 : index
      %swap3A_230 = tpu.vector_load %arg8[%swap3A_228, %swap3A_229] {strides = array<i32>} : memref<125x64xf32, #tpu.memory_space<vmem>>, vector<1x16xf32>,
      %swap3A_231 = vector.shape_cast %swap3A_230 : vector<1x16xf32> to vector<16xf32>
      %swap3A_232 = vector.shape_cast %broadcast_in_dim3A_1 : vector<16xf32> to vector<1x16xf32>
      tpu.vector_store %arg8[%swap3A_228, %swap3A_229], %swap3A_232 {strides = array<i32>} : memref<125x64xf32, #tpu.memory_space<vmem>>, vector<1x16xf32>,
      %swap3A_233 = arith.index_cast %scan3A_223 : i32 to index
      %swap3A_234 = arith.constant 32 : index
      %swap3A_235 = tpu.vector_load %arg8[%swap3A_233, %swap3A_234] {strides = array<i32>} : memref<125x64xf32, #tpu.memory_space<vmem>>, vector<1x16xf32>,
      %swap3A_236 = vector.shape_cast %swap3A_235 : vector<1x16xf32> to vector<16xf32>
      %swap3A_237 = vector.shape_cast %broadcast_in_dim3A_1 : vector<16xf32> to vector<1x16xf32>
      tpu.vector_store %arg8[%swap3A_233, %swap3A_234], %swap3A_237 {strides = array<i32>} : memref<125x64xf32, #tpu.memory_space<vmem>>, vector<1x16xf32>,
      %swap3A_238 = arith.index_cast %scan3A_223 : i32 to index
      %swap3A_239 = arith.constant 48 : index
      %swap3A_240 = tpu.vector_load %arg8[%swap3A_238, %swap3A_239] {strides = array<i32>} : memref<125x64xf32, #tpu.memory_space<vmem>>, vector<1x16xf32>,
      %swap3A_241 = vector.shape_cast %swap3A_240 : vector<1x16xf32> to vector<16xf32>
      %swap3A_242 = vector.shape_cast %broadcast_in_dim3A_1 : vector<16xf32> to vector<1x16xf32>
      tpu.vector_store %arg8[%swap3A_238, %swap3A_239], %swap3A_242 {strides = array<i32>} : memref<125x64xf32, #tpu.memory_space<vmem>>, vector<1x16xf32>,
    }
    %scan3A_6 = arith.constant 125 : i32
    %mul3A_7 = arith.constant 625 : i32
    %mul3A_8 = arith.muli %arg1, %mul3A_7 : i32
    %add3A = arith.constant 0 : i32
    %add3A_9 = arith.addi %mul3A_8, %add3A : i32
    "tpu.region"() ({
      %run_scoped3A = tpu.sem_alloc : memref<!tpu.dma_semaphore, #tpu.memory_space<semaphore_mem>>
      %dma_start3A_223 = arith.constant 0 : i32
      %dma_start3A_224 = tpu.memref_slice %arg12[%add3A_9, %dma_start3A_223] : memref<10000x64xf32, #tpu.memory_space<vmem_shared>> -> memref<125x64xf32, #tpu.memory_space<vmem_shared>>
      %dma_start3A_225 = arith.constant 0 : i32
      %dma_start3A_226 = tpu.memref_slice %arg12[%add3A_9, %dma_start3A_225] : memref<10000x64xf32, #tpu.memory_space<vmem_shared>> -> memref<125x64xf32, #tpu.memory_space<vmem_shared>>
      tpu.enqueue_dma source(%arg8 : memref<125x64xf32, #tpu.memory_space<vmem>>) target(%dma_start3A_226 : memref<125x64xf32, #tpu.memory_space<vmem_shared>>) target_semaphore(%run_scoped3A : memref<!tpu.dma_semaphore, #tpu.memory_space<semaphore_mem>>)
      %dma_wait3A_227 = arith.constant 0 : i32
      %dma_wait3A_228 = tpu.memref_slice %arg12[%add3A_9, %dma_wait3A_227] : memref<10000x64xf32, #tpu.memory_space<vmem_shared>> -> memref<125x64xf32, #tpu.memory_space<vmem_shared>>
      %dma_wait3A_229 = arith.constant 0 : i32
      %dma_wait3A_230 = tpu.memref_slice %arg12[%add3A_9, %dma_wait3A_229] : memref<10000x64xf32, #tpu.memory_space<vmem_shared>> -> memref<125x64xf32, #tpu.memory_space<vmem_shared>>
      tpu.wait_dma2 semaphore(%run_scoped3A : memref<!tpu.dma_semaphore, #tpu.memory_space<semaphore_mem>>) src(%arg8 : memref<125x64xf32, #tpu.memory_space<vmem>>) dst(%dma_wait3A_230 : memref<125x64xf32, #tpu.memory_space<vmem_shared>>)
      tpu.yield
    }) : () -> ()
    %mul3A_10 = arith.constant 625 : i32
    %mul3A_11 = arith.muli %arg1, %mul3A_10 : i32
    %add3A_12 = arith.constant 125 : i32
    %add3A_13 = arith.addi %mul3A_11, %add3A_12 : i32
    "tpu.region"() ({
      %run_scoped3A = tpu.sem_alloc : memref<!tpu.dma_semaphore, #tpu.memory_space<semaphore_mem>>
      %dma_start3A_223 = arith.constant 0 : i32
      %dma_start3A_224 = tpu.memref_slice %arg12[%add3A_13, %dma_start3A_223] : memref<10000x64xf32, #tpu.memory_space<vmem_shared>> -> memref<125x64xf32, #tpu.memory_space<vmem_shared>>
      %dma_start3A_225 = arith.constant 0 : i32
      %dma_start3A_226 = tpu.memref_slice %arg12[%add3A_13, %dma_start3A_225] : memref<10000x64xf32, #tpu.memory_space<vmem_shared>> -> memref<125x64xf32, #tpu.memory_space<vmem_shared>>
      tpu.enqueue_dma source(%arg8 : memref<125x64xf32, #tpu.memory_space<vmem>>) target(%dma_start3A_226 : memref<125x64xf32, #tpu.memory_space<vmem_shared>>) target_semaphore(%run_scoped3A : memref<!tpu.dma_semaphore, #tpu.memory_space<semaphore_mem>>)
      %dma_wait3A_227 = arith.constant 0 : i32
      %dma_wait3A_228 = tpu.memref_slice %arg12[%add3A_13, %dma_wait3A_227] : memref<10000x64xf32, #tpu.memory_space<vmem_shared>> -> memref<125x64xf32, #tpu.memory_space<vmem_shared>>
      %dma_wait3A_229 = arith.constant 0 : i32
      %dma_wait3A_230 = tpu.memref_slice %arg12[%add3A_13, %dma_wait3A_229] : memref<10000x64xf32, #tpu.memory_space<vmem_shared>> -> memref<125x64xf32, #tpu.memory_space<vmem_shared>>
      tpu.wait_dma2 semaphore(%run_scoped3A : memref<!tpu.dma_semaphore, #tpu.memory_space<semaphore_mem>>) src(%arg8 : memref<125x64xf32, #tpu.memory_space<vmem>>) dst(%dma_wait3A_230 : memref<125x64xf32, #tpu.memory_space<vmem_shared>>)
      tpu.yield
    }) : () -> ()
    %mul3A_14 = arith.constant 625 : i32
    %mul3A_15 = arith.muli %arg1, %mul3A_14 : i32
    %add3A_16 = arith.constant 250 : i32
    %add3A_17 = arith.addi %mul3A_15, %add3A_16 : i32
    "tpu.region"() ({
      %run_scoped3A = tpu.sem_alloc : memref<!tpu.dma_semaphore, #tpu.memory_space<semaphore_mem>>
      %dma_start3A_223 = arith.constant 0 : i32
      %dma_start3A_224 = tpu.memref_slice %arg12[%add3A_17, %dma_start3A_223] : memref<10000x64xf32, #tpu.memory_space<vmem_shared>> -> memref<125x64xf32, #tpu.memory_space<vmem_shared>>
      %dma_start3A_225 = arith.constant 0 : i32
      %dma_start3A_226 = tpu.memref_slice %arg12[%add3A_17, %dma_start3A_225] : memref<10000x64xf32, #tpu.memory_space<vmem_shared>> -> memref<125x64xf32, #tpu.memory_space<vmem_shared>>
      tpu.enqueue_dma source(%arg8 : memref<125x64xf32, #tpu.memory_space<vmem>>) target(%dma_start3A_226 : memref<125x64xf32, #tpu.memory_space<vmem_shared>>) target_semaphore(%run_scoped3A : memref<!tpu.dma_semaphore, #tpu.memory_space<semaphore_mem>>)
      %dma_wait3A_227 = arith.constant 0 : i32
      %dma_wait3A_228 = tpu.memref_slice %arg12[%add3A_17, %dma_wait3A_227] : memref<10000x64xf32, #tpu.memory_space<vmem_shared>> -> memref<125x64xf32, #tpu.memory_space<vmem_shared>>
      %dma_wait3A_229 = arith.constant 0 : i32
      %dma_wait3A_230 = tpu.memref_slice %arg12[%add3A_17, %dma_wait3A_229] : memref<10000x64xf32, #tpu.memory_space<vmem_shared>> -> memref<125x64xf32, #tpu.memory_space<vmem_shared>>
      tpu.wait_dma2 semaphore(%run_scoped3A : memref<!tpu.dma_semaphore, #tpu.memory_space<semaphore_mem>>) src(%arg8 : memref<125x64xf32, #tpu.memory_space<vmem>>) dst(%dma_wait3A_230 : memref<125x64xf32, #tpu.memory_space<vmem_shared>>)
      tpu.yield
    }) : () -> ()
    %mul3A_18 = arith.constant 625 : i32
    %mul3A_19 = arith.muli %arg1, %mul3A_18 : i32
    %add3A_20 = arith.constant 375 : i32
    %add3A_21 = arith.addi %mul3A_19, %add3A_20 : i32
    "tpu.region"() ({
      %run_scoped3A = tpu.sem_alloc : memref<!tpu.dma_semaphore, #tpu.memory_space<semaphore_mem>>
      %dma_start3A_223 = arith.constant 0 : i32
      %dma_start3A_224 = tpu.memref_slice %arg12[%add3A_21, %dma_start3A_223] : memref<10000x64xf32, #tpu.memory_space<vmem_shared>> -> memref<125x64xf32, #tpu.memory_space<vmem_shared>>
      %dma_start3A_225 = arith.constant 0 : i32
      %dma_start3A_226 = tpu.memref_slice %arg12[%add3A_21, %dma_start3A_225] : memref<10000x64xf32, #tpu.memory_space<vmem_shared>> -> memref<125x64xf32, #tpu.memory_space<vmem_shared>>
      tpu.enqueue_dma source(%arg8 : memref<125x64xf32, #tpu.memory_space<vmem>>) target(%dma_start3A_226 : memref<125x64xf32, #tpu.memory_space<vmem_shared>>) target_semaphore(%run_scoped3A : memref<!tpu.dma_semaphore, #tpu.memory_space<semaphore_mem>>)
      %dma_wait3A_227 = arith.constant 0 : i32
      %dma_wait3A_228 = tpu.memref_slice %arg12[%add3A_21, %dma_wait3A_227] : memref<10000x64xf32, #tpu.memory_space<vmem_shared>> -> memref<125x64xf32, #tpu.memory_space<vmem_shared>>
      %dma_wait3A_229 = arith.constant 0 : i32
      %dma_wait3A_230 = tpu.memref_slice %arg12[%add3A_21, %dma_wait3A_229] : memref<10000x64xf32, #tpu.memory_space<vmem_shared>> -> memref<125x64xf32, #tpu.memory_space<vmem_shared>>
      tpu.wait_dma2 semaphore(%run_scoped3A : memref<!tpu.dma_semaphore, #tpu.memory_space<semaphore_mem>>) src(%arg8 : memref<125x64xf32, #tpu.memory_space<vmem>>) dst(%dma_wait3A_230 : memref<125x64xf32, #tpu.memory_space<vmem_shared>>)
      tpu.yield
    }) : () -> ()
    %mul3A_22 = arith.constant 625 : i32
    %mul3A_23 = arith.muli %arg1, %mul3A_22 : i32
    %add3A_24 = arith.constant 500 : i32
    %add3A_25 = arith.addi %mul3A_23, %add3A_24 : i32
    "tpu.region"() ({
      %run_scoped3A = tpu.sem_alloc : memref<!tpu.dma_semaphore, #tpu.memory_space<semaphore_mem>>
      %dma_start3A_223 = arith.constant 0 : i32
      %dma_start3A_224 = tpu.memref_slice %arg12[%add3A_25, %dma_start3A_223] : memref<10000x64xf32, #tpu.memory_space<vmem_shared>> -> memref<125x64xf32, #tpu.memory_space<vmem_shared>>
      %dma_start3A_225 = arith.constant 0 : i32
      %dma_start3A_226 = tpu.memref_slice %arg12[%add3A_25, %dma_start3A_225] : memref<10000x64xf32, #tpu.memory_space<vmem_shared>> -> memref<125x64xf32, #tpu.memory_space<vmem_shared>>
      tpu.enqueue_dma source(%arg8 : memref<125x64xf32, #tpu.memory_space<vmem>>) target(%dma_start3A_226 : memref<125x64xf32, #tpu.memory_space<vmem_shared>>) target_semaphore(%run_scoped3A : memref<!tpu.dma_semaphore, #tpu.memory_space<semaphore_mem>>)
      %dma_wait3A_227 = arith.constant 0 : i32
      %dma_wait3A_228 = tpu.memref_slice %arg12[%add3A_25, %dma_wait3A_227] : memref<10000x64xf32, #tpu.memory_space<vmem_shared>> -> memref<125x64xf32, #tpu.memory_space<vmem_shared>>
      %dma_wait3A_229 = arith.constant 0 : i32
      %dma_wait3A_230 = tpu.memref_slice %arg12[%add3A_25, %dma_wait3A_229] : memref<10000x64xf32, #tpu.memory_space<vmem_shared>> -> memref<125x64xf32, #tpu.memory_space<vmem_shared>>
      tpu.wait_dma2 semaphore(%run_scoped3A : memref<!tpu.dma_semaphore, #tpu.memory_space<semaphore_mem>>) src(%arg8 : memref<125x64xf32, #tpu.memory_space<vmem>>) dst(%dma_wait3A_230 : memref<125x64xf32, #tpu.memory_space<vmem_shared>>)
      tpu.yield
    }) : () -> ()
    %barrier3A = arith.constant 0 : index
    tpu.barrier barrier_id(%barrier3A)
    %mul3A_26 = arith.constant 160 : i32
    %mul3A_27 = arith.muli %arg1, %mul3A_26 : i32
    "tpu.region"() ({
      %run_scoped3A = tpu.sem_alloc : memref<!tpu.dma_semaphore, #tpu.memory_space<semaphore_mem>>
      %dma_start3A_223 = arith.constant 0 : i32
      %dma_start3A_224 = tpu.memref_slice %arg2[%arg0, %mul3A_27, %dma_start3A_223] : memref<2x2560x125xi32, #tpu.memory_space<hbm>> -> memref<1x160x125xi32, #tpu.memory_space<hbm>>
      %dma_start3A_225 = tpu.memref_squeeze %dma_start3A_224 : memref<1x160x125xi32, #tpu.memory_space<hbm>> -> memref<160x125xi32, #tpu.memory_space<hbm>>
      %dma_start3A_226 = arith.constant 0 : i32
      %dma_start3A_227 = tpu.memref_slice %arg2[%arg0, %mul3A_27, %dma_start3A_226] : memref<2x2560x125xi32, #tpu.memory_space<hbm>> -> memref<1x160x125xi32, #tpu.memory_space<hbm>>
      %dma_start3A_228 = tpu.memref_squeeze %dma_start3A_227 : memref<1x160x125xi32, #tpu.memory_space<hbm>> -> memref<160x125xi32, #tpu.memory_space<hbm>>
      tpu.enqueue_dma source(%dma_start3A_228 : memref<160x125xi32, #tpu.memory_space<hbm>>) target(%arg6 : memref<160x125xi32, #tpu.memory_space<vmem>>) target_semaphore(%run_scoped3A : memref<!tpu.dma_semaphore, #tpu.memory_space<semaphore_mem>>)
      %dma_wait3A_229 = arith.constant 0 : i32
      %dma_wait3A_230 = tpu.memref_slice %arg2[%arg0, %mul3A_27, %dma_wait3A_229] : memref<2x2560x125xi32, #tpu.memory_space<hbm>> -> memref<1x160x125xi32, #tpu.memory_space<hbm>>
      %dma_wait3A_231 = tpu.memref_squeeze %dma_wait3A_230 : memref<1x160x125xi32, #tpu.memory_space<hbm>> -> memref<160x125xi32, #tpu.memory_space<hbm>>
      %dma_wait3A_232 = arith.constant 0 : i32
      %dma_wait3A_233 = tpu.memref_slice %arg2[%arg0, %mul3A_27, %dma_wait3A_232] : memref<2x2560x125xi32, #tpu.memory_space<hbm>> -> memref<1x160x125xi32, #tpu.memory_space<hbm>>
      %dma_wait3A_234 = tpu.memref_squeeze %dma_wait3A_233 : memref<1x160x125xi32, #tpu.memory_space<hbm>> -> memref<160x125xi32, #tpu.memory_space<hbm>>
      tpu.wait_dma2 semaphore(%run_scoped3A : memref<!tpu.dma_semaphore, #tpu.memory_space<semaphore_mem>>) src(%dma_wait3A_234 : memref<160x125xi32, #tpu.memory_space<hbm>>) dst(%arg6 : memref<160x125xi32, #tpu.memory_space<vmem>>)
      tpu.yield
    }) : () -> ()
    "tpu.region"() ({
      %run_scoped3A = tpu.sem_alloc : memref<!tpu.dma_semaphore, #tpu.memory_space<semaphore_mem>>
      %dma_start3A_223 = arith.constant 0 : i32
      %dma_start3A_224 = tpu.memref_slice %arg3[%mul3A_27, %dma_start3A_223] : memref<2560x125xi32, #tpu.memory_space<hbm>> -> memref<160x125xi32, #tpu.memory_space<hbm>>
      %dma_start3A_225 = arith.constant 0 : i32
      %dma_start3A_226 = tpu.memref_slice %arg3[%mul3A_27, %dma_start3A_225] : memref<2560x125xi32, #tpu.memory_space<hbm>> -> memref<160x125xi32, #tpu.memory_space<hbm>>
      tpu.enqueue_dma source(%dma_start3A_226 : memref<160x125xi32, #tpu.memory_space<hbm>>) target(%arg7 : memref<160x125xi32, #tpu.memory_space<vmem>>) target_semaphore(%run_scoped3A : memref<!tpu.dma_semaphore, #tpu.memory_space<semaphore_mem>>)
      %dma_wait3A_227 = arith.constant 0 : i32
      %dma_wait3A_228 = tpu.memref_slice %arg3[%mul3A_27, %dma_wait3A_227] : memref<2560x125xi32, #tpu.memory_space<hbm>> -> memref<160x125xi32, #tpu.memory_space<hbm>>
      %dma_wait3A_229 = arith.constant 0 : i32
      %dma_wait3A_230 = tpu.memref_slice %arg3[%mul3A_27, %dma_wait3A_229] : memref<2560x125xi32, #tpu.memory_space<hbm>> -> memref<160x125xi32, #tpu.memory_space<hbm>>
      tpu.wait_dma2 semaphore(%run_scoped3A : memref<!tpu.dma_semaphore, #tpu.memory_space<semaphore_mem>>) src(%dma_wait3A_230 : memref<160x125xi32, #tpu.memory_space<hbm>>) dst(%arg7 : memref<160x125xi32, #tpu.memory_space<vmem>>)
      tpu.yield
    }) : () -> ()
    %dma_start3A = arith.constant 0 : i32
    %dma_start3A_28 = arith.constant 0 : i32
    %dma_start3A_29 = tpu.memref_slice %arg6[%dma_start3A, %dma_start3A_28] : memref<160x125xi32, #tpu.memory_space<vmem>> -> memref<1x125xi32, #tpu.memory_space<vmem>>
    %dma_start3A_30 = tpu.memref_squeeze %dma_start3A_29 : memref<1x125xi32, #tpu.memory_space<vmem>> -> memref<125xi32, #tpu.memory_space<vmem>>
    %dma_start3A_31 = arith.constant 0 : i32
    %dma_start3A_32 = arith.constant 0 : i32
    %dma_start3A_33 = tpu.memref_slice %arg4[%dma_start3A_31, %dma_start3A_32] : memref<20000x64xf32, #tpu.memory_space<hbm>> -> memref<20000x64xf32, #tpu.memory_space<hbm>>
    tpu.enqueue_indirect_dma source(%dma_start3A_33 : memref<20000x64xf32, #tpu.memory_space<hbm>>) target(%arg8 : memref<125x64xf32, #tpu.memory_space<vmem>>) offsets(%dma_start3A_30 : memref<125xi32, #tpu.memory_space<vmem>>) semaphore(%arg13 : memref<!tpu.dma_semaphore, #tpu.memory_space<semaphore_mem>>)
    %dma_start3A_34 = arith.constant 1 : i32
    %dma_start3A_35 = arith.constant 0 : i32
    %dma_start3A_36 = tpu.memref_slice %arg6[%dma_start3A_34, %dma_start3A_35] : memref<160x125xi32, #tpu.memory_space<vmem>> -> memref<1x125xi32, #tpu.memory_space<vmem>>
    %dma_start3A_37 = tpu.memref_squeeze %dma_start3A_36 : memref<1x125xi32, #tpu.memory_space<vmem>> -> memref<125xi32, #tpu.memory_space<vmem>>
    %dma_start3A_38 = arith.constant 0 : i32
    %dma_start3A_39 = arith.constant 0 : i32
    %dma_start3A_40 = tpu.memref_slice %arg4[%dma_start3A_38, %dma_start3A_39] : memref<20000x64xf32, #tpu.memory_space<hbm>> -> memref<20000x64xf32, #tpu.memory_space<hbm>>
    tpu.enqueue_indirect_dma source(%dma_start3A_40 : memref<20000x64xf32, #tpu.memory_space<hbm>>) target(%arg9 : memref<125x64xf32, #tpu.memory_space<vmem>>) offsets(%dma_start3A_37 : memref<125xi32, #tpu.memory_space<vmem>>) semaphore(%arg14 : memref<!tpu.dma_semaphore, #tpu.memory_space<semaphore_mem>>)
    %dma_wait3A = arith.constant 0 : i32
    %dma_wait3A_41 = arith.constant 0 : i32
    %dma_wait3A_42 = tpu.memref_slice %arg4[%dma_wait3A, %dma_wait3A_41] : memref<20000x64xf32, #tpu.memory_space<hbm>> -> memref<125x64xf32, #tpu.memory_space<hbm>>
    %dma_wait3A_43 = arith.constant 0 : i32
    %dma_wait3A_44 = arith.constant 0 : i32
    %dma_wait3A_45 = tpu.memref_slice %arg4[%dma_wait3A_43, %dma_wait3A_44] : memref<20000x64xf32, #tpu.memory_space<hbm>> -> memref<125x64xf32, #tpu.memory_space<hbm>>
    tpu.wait_dma2 semaphore(%arg13 : memref<!tpu.dma_semaphore, #tpu.memory_space<semaphore_mem>>) src(%dma_wait3A_45 : memref<125x64xf32, #tpu.memory_space<hbm>>) dst(%arg8 : memref<125x64xf32, #tpu.memory_space<vmem>>)
    %dma_start3A_46 = arith.constant 0 : i32
    %dma_start3A_47 = arith.constant 0 : i32
    %dma_start3A_48 = tpu.memref_slice %arg7[%dma_start3A_46, %dma_start3A_47] : memref<160x125xi32, #tpu.memory_space<vmem>> -> memref<1x125xi32, #tpu.memory_space<vmem>>
    %dma_start3A_49 = tpu.memref_squeeze %dma_start3A_48 : memref<1x125xi32, #tpu.memory_space<vmem>> -> memref<125xi32, #tpu.memory_space<vmem>>
    %dma_start3A_50 = arith.constant 0 : i32
    %dma_start3A_51 = arith.constant 0 : i32
    %dma_start3A_52 = tpu.memref_slice %arg12[%dma_start3A_50, %dma_start3A_51] : memref<10000x64xf32, #tpu.memory_space<vmem_shared>> -> memref<10000x64xf32, #tpu.memory_space<vmem_shared>>
    tpu.enqueue_indirect_dma source(%arg8 : memref<125x64xf32, #tpu.memory_space<vmem>>) target(%dma_start3A_52 : memref<10000x64xf32, #tpu.memory_space<vmem_shared>>) offsets(%dma_start3A_49 : memref<125xi32, #tpu.memory_space<vmem>>) semaphore(%arg17 : memref<!tpu.dma_semaphore, #tpu.memory_space<semaphore_mem>>) {add = true}
    %dma_start3A_53 = arith.constant 2 : i32
    %dma_start3A_54 = arith.constant 0 : i32
    %dma_start3A_55 = tpu.memref_slice %arg6[%dma_start3A_53, %dma_start3A_54] : memref<160x125xi32, #tpu.memory_space<vmem>> -> memref<1x125xi32, #tpu.memory_space<vmem>>
    %dma_start3A_56 = tpu.memref_squeeze %dma_start3A_55 : memref<1x125xi32, #tpu.memory_space<vmem>> -> memref<125xi32, #tpu.memory_space<vmem>>
    %dma_start3A_57 = arith.constant 0 : i32
    %dma_start3A_58 = arith.constant 0 : i32
    %dma_start3A_59 = tpu.memref_slice %arg4[%dma_start3A_57, %dma_start3A_58] : memref<20000x64xf32, #tpu.memory_space<hbm>> -> memref<20000x64xf32, #tpu.memory_space<hbm>>
    tpu.enqueue_indirect_dma source(%dma_start3A_59 : memref<20000x64xf32, #tpu.memory_space<hbm>>) target(%arg10 : memref<125x64xf32, #tpu.memory_space<vmem>>) offsets(%dma_start3A_56 : memref<125xi32, #tpu.memory_space<vmem>>) semaphore(%arg15 : memref<!tpu.dma_semaphore, #tpu.memory_space<semaphore_mem>>)
    %dma_wait3A_60 = arith.constant 0 : i32
    %dma_wait3A_61 = arith.constant 0 : i32
    %dma_wait3A_62 = tpu.memref_slice %arg4[%dma_wait3A_60, %dma_wait3A_61] : memref<20000x64xf32, #tpu.memory_space<hbm>> -> memref<125x64xf32, #tpu.memory_space<hbm>>
    %dma_wait3A_63 = arith.constant 0 : i32
    %dma_wait3A_64 = arith.constant 0 : i32
    %dma_wait3A_65 = tpu.memref_slice %arg4[%dma_wait3A_63, %dma_wait3A_64] : memref<20000x64xf32, #tpu.memory_space<hbm>> -> memref<125x64xf32, #tpu.memory_space<hbm>>
    tpu.wait_dma2 semaphore(%arg14 : memref<!tpu.dma_semaphore, #tpu.memory_space<semaphore_mem>>) src(%dma_wait3A_65 : memref<125x64xf32, #tpu.memory_space<hbm>>) dst(%arg9 : memref<125x64xf32, #tpu.memory_space<vmem>>)
    %dma_start3A_66 = arith.constant 1 : i32
    %dma_start3A_67 = arith.constant 0 : i32
    %dma_start3A_68 = tpu.memref_slice %arg7[%dma_start3A_66, %dma_start3A_67] : memref<160x125xi32, #tpu.memory_space<vmem>> -> memref<1x125xi32, #tpu.memory_space<vmem>>
    %dma_start3A_69 = tpu.memref_squeeze %dma_start3A_68 : memref<1x125xi32, #tpu.memory_space<vmem>> -> memref<125xi32, #tpu.memory_space<vmem>>
    %dma_start3A_70 = arith.constant 0 : i32
    %dma_start3A_71 = arith.constant 0 : i32
    %dma_start3A_72 = tpu.memref_slice %arg12[%dma_start3A_70, %dma_start3A_71] : memref<10000x64xf32, #tpu.memory_space<vmem_shared>> -> memref<10000x64xf32, #tpu.memory_space<vmem_shared>>
    tpu.enqueue_indirect_dma source(%arg9 : memref<125x64xf32, #tpu.memory_space<vmem>>) target(%dma_start3A_72 : memref<10000x64xf32, #tpu.memory_space<vmem_shared>>) offsets(%dma_start3A_69 : memref<125xi32, #tpu.memory_space<vmem>>) semaphore(%arg18 : memref<!tpu.dma_semaphore, #tpu.memory_space<semaphore_mem>>) {add = true}
    %dma_start3A_73 = arith.constant 3 : i32
    %dma_start3A_74 = arith.constant 0 : i32
    %dma_start3A_75 = tpu.memref_slice %arg6[%dma_start3A_73, %dma_start3A_74] : memref<160x125xi32, #tpu.memory_space<vmem>> -> memref<1x125xi32, #tpu.memory_space<vmem>>
    %dma_start3A_76 = tpu.memref_squeeze %dma_start3A_75 : memref<1x125xi32, #tpu.memory_space<vmem>> -> memref<125xi32, #tpu.memory_space<vmem>>
    %dma_start3A_77 = arith.constant 0 : i32
    %dma_start3A_78 = arith.constant 0 : i32
    %dma_start3A_79 = tpu.memref_slice %arg4[%dma_start3A_77, %dma_start3A_78] : memref<20000x64xf32, #tpu.memory_space<hbm>> -> memref<20000x64xf32, #tpu.memory_space<hbm>>
    tpu.enqueue_indirect_dma source(%dma_start3A_79 : memref<20000x64xf32, #tpu.memory_space<hbm>>) target(%arg11 : memref<125x64xf32, #tpu.memory_space<vmem>>) offsets(%dma_start3A_76 : memref<125xi32, #tpu.memory_space<vmem>>) semaphore(%arg16 : memref<!tpu.dma_semaphore, #tpu.memory_space<semaphore_mem>>)
    %dma_wait3A_80 = arith.constant 0 : i32
    %dma_wait3A_81 = arith.constant 0 : i32
    %dma_wait3A_82 = tpu.memref_slice %arg4[%dma_wait3A_80, %dma_wait3A_81] : memref<20000x64xf32, #tpu.memory_space<hbm>> -> memref<125x64xf32, #tpu.memory_space<hbm>>
    %dma_wait3A_83 = arith.constant 0 : i32
    %dma_wait3A_84 = arith.constant 0 : i32
    %dma_wait3A_85 = tpu.memref_slice %arg4[%dma_wait3A_83, %dma_wait3A_84] : memref<20000x64xf32, #tpu.memory_space<hbm>> -> memref<125x64xf32, #tpu.memory_space<hbm>>
    tpu.wait_dma2 semaphore(%arg15 : memref<!tpu.dma_semaphore, #tpu.memory_space<semaphore_mem>>) src(%dma_wait3A_85 : memref<125x64xf32, #tpu.memory_space<hbm>>) dst(%arg10 : memref<125x64xf32, #tpu.memory_space<vmem>>)
    %dma_start3A_86 = arith.constant 2 : i32
    %dma_start3A_87 = arith.constant 0 : i32
    %dma_start3A_88 = tpu.memref_slice %arg7[%dma_start3A_86, %dma_start3A_87] : memref<160x125xi32, #tpu.memory_space<vmem>> -> memref<1x125xi32, #tpu.memory_space<vmem>>
    %dma_start3A_89 = tpu.memref_squeeze %dma_start3A_88 : memref<1x125xi32, #tpu.memory_space<vmem>> -> memref<125xi32, #tpu.memory_space<vmem>>
    %dma_start3A_90 = arith.constant 0 : i32
    %dma_start3A_91 = arith.constant 0 : i32
    %dma_start3A_92 = tpu.memref_slice %arg12[%dma_start3A_90, %dma_start3A_91] : memref<10000x64xf32, #tpu.memory_space<vmem_shared>> -> memref<10000x64xf32, #tpu.memory_space<vmem_shared>>
    tpu.enqueue_indirect_dma source(%arg10 : memref<125x64xf32, #tpu.memory_space<vmem>>) target(%dma_start3A_92 : memref<10000x64xf32, #tpu.memory_space<vmem_shared>>) offsets(%dma_start3A_89 : memref<125xi32, #tpu.memory_space<vmem>>) semaphore(%arg19 : memref<!tpu.dma_semaphore, #tpu.memory_space<semaphore_mem>>) {add = true}
    %dma_wait3A_93 = arith.constant 0 : i32
    %dma_wait3A_94 = arith.constant 0 : i32
    %dma_wait3A_95 = tpu.memref_slice %arg4[%dma_wait3A_93, %dma_wait3A_94] : memref<20000x64xf32, #tpu.memory_space<hbm>> -> memref<125x64xf32, #tpu.memory_space<hbm>>
    %dma_wait3A_96 = arith.constant 0 : i32
    %dma_wait3A_97 = arith.constant 0 : i32
    %dma_wait3A_98 = tpu.memref_slice %arg4[%dma_wait3A_96, %dma_wait3A_97] : memref<20000x64xf32, #tpu.memory_space<hbm>> -> memref<125x64xf32, #tpu.memory_space<hbm>>
    tpu.wait_dma2 semaphore(%arg17 : memref<!tpu.dma_semaphore, #tpu.memory_space<semaphore_mem>>) src(%dma_wait3A_98 : memref<125x64xf32, #tpu.memory_space<hbm>>) dst(%arg8 : memref<125x64xf32, #tpu.memory_space<vmem>>)
    %dma_start3A_99 = arith.constant 4 : i32
    %dma_start3A_100 = arith.constant 0 : i32
    %dma_start3A_101 = tpu.memref_slice %arg6[%dma_start3A_99, %dma_start3A_100] : memref<160x125xi32, #tpu.memory_space<vmem>> -> memref<1x125xi32, #tpu.memory_space<vmem>>
    %dma_start3A_102 = tpu.memref_squeeze %dma_start3A_101 : memref<1x125xi32, #tpu.memory_space<vmem>> -> memref<125xi32, #tpu.memory_space<vmem>>
    %dma_start3A_103 = arith.constant 0 : i32
    %dma_start3A_104 = arith.constant 0 : i32
    %dma_start3A_105 = tpu.memref_slice %arg4[%dma_start3A_103, %dma_start3A_104] : memref<20000x64xf32, #tpu.memory_space<hbm>> -> memref<20000x64xf32, #tpu.memory_space<hbm>>
    tpu.enqueue_indirect_dma source(%dma_start3A_105 : memref<20000x64xf32, #tpu.memory_space<hbm>>) target(%arg8 : memref<125x64xf32, #tpu.memory_space<vmem>>) offsets(%dma_start3A_102 : memref<125xi32, #tpu.memory_space<vmem>>) semaphore(%arg13 : memref<!tpu.dma_semaphore, #tpu.memory_space<semaphore_mem>>)
    %dma_wait3A_106 = arith.constant 0 : i32
    %dma_wait3A_107 = arith.constant 0 : i32
    %dma_wait3A_108 = tpu.memref_slice %arg4[%dma_wait3A_106, %dma_wait3A_107] : memref<20000x64xf32, #tpu.memory_space<hbm>> -> memref<125x64xf32, #tpu.memory_space<hbm>>
    %dma_wait3A_109 = arith.constant 0 : i32
    %dma_wait3A_110 = arith.constant 0 : i32
    %dma_wait3A_111 = tpu.memref_slice %arg4[%dma_wait3A_109, %dma_wait3A_110] : memref<20000x64xf32, #tpu.memory_space<hbm>> -> memref<125x64xf32, #tpu.memory_space<hbm>>
    tpu.wait_dma2 semaphore(%arg16 : memref<!tpu.dma_semaphore, #tpu.memory_space<semaphore_mem>>) src(%dma_wait3A_111 : memref<125x64xf32, #tpu.memory_space<hbm>>) dst(%arg11 : memref<125x64xf32, #tpu.memory_space<vmem>>)
    %dma_start3A_112 = arith.constant 3 : i32
    %dma_start3A_113 = arith.constant 0 : i32
    %dma_start3A_114 = tpu.memref_slice %arg7[%dma_start3A_112, %dma_start3A_113] : memref<160x125xi32, #tpu.memory_space<vmem>> -> memref<1x125xi32, #tpu.memory_space<vmem>>
    %dma_start3A_115 = tpu.memref_squeeze %dma_start3A_114 : memref<1x125xi32, #tpu.memory_space<vmem>> -> memref<125xi32, #tpu.memory_space<vmem>>
    %dma_start3A_116 = arith.constant 0 : i32
    %dma_start3A_117 = arith.constant 0 : i32
    %dma_start3A_118 = tpu.memref_slice %arg12[%dma_start3A_116, %dma_start3A_117] : memref<10000x64xf32, #tpu.memory_space<vmem_shared>> -> memref<10000x64xf32, #tpu.memory_space<vmem_shared>>
    tpu.enqueue_indirect_dma source(%arg11 : memref<125x64xf32, #tpu.memory_space<vmem>>) target(%dma_start3A_118 : memref<10000x64xf32, #tpu.memory_space<vmem_shared>>) offsets(%dma_start3A_115 : memref<125xi32, #tpu.memory_space<vmem>>) semaphore(%arg20 : memref<!tpu.dma_semaphore, #tpu.memory_space<semaphore_mem>>) {add = true}
    %dma_wait3A_119 = arith.constant 0 : i32
    %dma_wait3A_120 = arith.constant 0 : i32
    %dma_wait3A_121 = tpu.memref_slice %arg4[%dma_wait3A_119, %dma_wait3A_120] : memref<20000x64xf32, #tpu.memory_space<hbm>> -> memref<125x64xf32, #tpu.memory_space<hbm>>
    %dma_wait3A_122 = arith.constant 0 : i32
    %dma_wait3A_123 = arith.constant 0 : i32
    %dma_wait3A_124 = tpu.memref_slice %arg4[%dma_wait3A_122, %dma_wait3A_123] : memref<20000x64xf32, #tpu.memory_space<hbm>> -> memref<125x64xf32, #tpu.memory_space<hbm>>
    tpu.wait_dma2 semaphore(%arg18 : memref<!tpu.dma_semaphore, #tpu.memory_space<semaphore_mem>>) src(%dma_wait3A_124 : memref<125x64xf32, #tpu.memory_space<hbm>>) dst(%arg9 : memref<125x64xf32, #tpu.memory_space<vmem>>)
    %dma_start3A_125 = arith.constant 5 : i32
    %dma_start3A_126 = arith.constant 0 : i32
    %dma_start3A_127 = tpu.memref_slice %arg6[%dma_start3A_125, %dma_start3A_126] : memref<160x125xi32, #tpu.memory_space<vmem>> -> memref<1x125xi32, #tpu.memory_space<vmem>>
    %dma_start3A_128 = tpu.memref_squeeze %dma_start3A_127 : memref<1x125xi32, #tpu.memory_space<vmem>> -> memref<125xi32, #tpu.memory_space<vmem>>
    %dma_start3A_129 = arith.constant 0 : i32
    %dma_start3A_130 = arith.constant 0 : i32
    %dma_start3A_131 = tpu.memref_slice %arg4[%dma_start3A_129, %dma_start3A_130] : memref<20000x64xf32, #tpu.memory_space<hbm>> -> memref<20000x64xf32, #tpu.memory_space<hbm>>
    tpu.enqueue_indirect_dma source(%dma_start3A_131 : memref<20000x64xf32, #tpu.memory_space<hbm>>) target(%arg9 : memref<125x64xf32, #tpu.memory_space<vmem>>) offsets(%dma_start3A_128 : memref<125xi32, #tpu.memory_space<vmem>>) semaphore(%arg14 : memref<!tpu.dma_semaphore, #tpu.memory_space<semaphore_mem>>)
    %scan3A_132 = arith.constant 0 : i32
    %scan3A_133 = arith.constant 1 : i32
    %scan3A_134 = arith.constant 39 : i32
    %scan3A_135 = arith.addi %scan3A_133, %scan3A_134 : i32
    %scan3A_136 = arith.constant 1 : i32
    scf.for %scan3A_223 = %scan3A_133 to %scan3A_135 step %scan3A_136  : i32 {
      %mul3A_224 = arith.constant 4 : i32
      %mul3A_225 = arith.muli %scan3A_223, %mul3A_224 : i32
      %add3A_226 = arith.constant 0 : i32
      %add3A_227 = arith.addi %mul3A_225, %add3A_226 : i32
      %dma_wait3A_228 = arith.constant 0 : i32
      %dma_wait3A_229 = arith.constant 0 : i32
      %dma_wait3A_230 = tpu.memref_slice %arg4[%dma_wait3A_228, %dma_wait3A_229] : memref<20000x64xf32, #tpu.memory_space<hbm>> -> memref<125x64xf32, #tpu.memory_space<hbm>>
      %dma_wait3A_231 = arith.constant 0 : i32
      %dma_wait3A_232 = arith.constant 0 : i32
      %dma_wait3A_233 = tpu.memref_slice %arg4[%dma_wait3A_231, %dma_wait3A_232] : memref<20000x64xf32, #tpu.memory_space<hbm>> -> memref<125x64xf32, #tpu.memory_space<hbm>>
      tpu.wait_dma2 semaphore(%arg13 : memref<!tpu.dma_semaphore, #tpu.memory_space<semaphore_mem>>) src(%dma_wait3A_233 : memref<125x64xf32, #tpu.memory_space<hbm>>) dst(%arg8 : memref<125x64xf32, #tpu.memory_space<vmem>>)
      %dma_start3A_234 = arith.constant 0 : i32
      %dma_start3A_235 = tpu.memref_slice %arg7[%add3A_227, %dma_start3A_234] : memref<160x125xi32, #tpu.memory_space<vmem>> -> memref<1x125xi32, #tpu.memory_space<vmem>>
      %dma_start3A_236 = tpu.memref_squeeze %dma_start3A_235 : memref<1x125xi32, #tpu.memory_space<vmem>> -> memref<125xi32, #tpu.memory_space<vmem>>
      %dma_start3A_237 = arith.constant 0 : i32
      %dma_start3A_238 = arith.constant 0 : i32
      %dma_start3A_239 = tpu.memref_slice %arg12[%dma_start3A_237, %dma_start3A_238] : memref<10000x64xf32, #tpu.memory_space<vmem_shared>> -> memref<10000x64xf32, #tpu.memory_space<vmem_shared>>
      tpu.enqueue_indirect_dma source(%arg8 : memref<125x64xf32, #tpu.memory_space<vmem>>) target(%dma_start3A_239 : memref<10000x64xf32, #tpu.memory_space<vmem_shared>>) offsets(%dma_start3A_236 : memref<125xi32, #tpu.memory_space<vmem>>) semaphore(%arg17 : memref<!tpu.dma_semaphore, #tpu.memory_space<semaphore_mem>>) {add = true}
      %dma_wait3A_240 = arith.constant 0 : i32
      %dma_wait3A_241 = arith.constant 0 : i32
      %dma_wait3A_242 = tpu.memref_slice %arg4[%dma_wait3A_240, %dma_wait3A_241] : memref<20000x64xf32, #tpu.memory_space<hbm>> -> memref<125x64xf32, #tpu.memory_space<hbm>>
      %dma_wait3A_243 = arith.constant 0 : i32
      %dma_wait3A_244 = arith.constant 0 : i32
      %dma_wait3A_245 = tpu.memref_slice %arg4[%dma_wait3A_243, %dma_wait3A_244] : memref<20000x64xf32, #tpu.memory_space<hbm>> -> memref<125x64xf32, #tpu.memory_space<hbm>>
      tpu.wait_dma2 semaphore(%arg19 : memref<!tpu.dma_semaphore, #tpu.memory_space<semaphore_mem>>) src(%dma_wait3A_245 : memref<125x64xf32, #tpu.memory_space<hbm>>) dst(%arg10 : memref<125x64xf32, #tpu.memory_space<vmem>>)
      %add3A_246 = arith.constant 2 : i32
      %add3A_247 = arith.addi %add3A_227, %add3A_246 : i32
      %min3A = arith.constant 159 : i32
      %min3A_248 = arith.minsi %add3A_247, %min3A : i32
      %dma_start3A_249 = arith.constant 0 : i32
      %dma_start3A_250 = tpu.memref_slice %arg6[%min3A_248, %dma_start3A_249] : memref<160x125xi32, #tpu.memory_space<vmem>> -> memref<1x125xi32, #tpu.memory_space<vmem>>
      %dma_start3A_251 = tpu.memref_squeeze %dma_start3A_250 : memref<1x125xi32, #tpu.memory_space<vmem>> -> memref<125xi32, #tpu.memory_space<vmem>>
      %dma_start3A_252 = arith.constant 0 : i32
      %dma_start3A_253 = arith.constant 0 : i32
      %dma_start3A_254 = tpu.memref_slice %arg4[%dma_start3A_252, %dma_start3A_253] : memref<20000x64xf32, #tpu.memory_space<hbm>> -> memref<20000x64xf32, #tpu.memory_space<hbm>>
      tpu.enqueue_indirect_dma source(%dma_start3A_254 : memref<20000x64xf32, #tpu.memory_space<hbm>>) target(%arg10 : memref<125x64xf32, #tpu.memory_space<vmem>>) offsets(%dma_start3A_251 : memref<125xi32, #tpu.memory_space<vmem>>) semaphore(%arg15 : memref<!tpu.dma_semaphore, #tpu.memory_space<semaphore_mem>>)
      %mul3A_255 = arith.constant 4 : i32
      %mul3A_256 = arith.muli %scan3A_223, %mul3A_255 : i32
      %add3A_257 = arith.constant 1 : i32
      %add3A_258 = arith.addi %mul3A_256, %add3A_257 : i32
      %dma_wait3A_259 = arith.constant 0 : i32
      %dma_wait3A_260 = arith.constant 0 : i32
      %dma_wait3A_261 = tpu.memref_slice %arg4[%dma_wait3A_259, %dma_wait3A_260] : memref<20000x64xf32, #tpu.memory_space<hbm>> -> memref<125x64xf32, #tpu.memory_space<hbm>>
      %dma_wait3A_262 = arith.constant 0 : i32
      %dma_wait3A_263 = arith.constant 0 : i32
      %dma_wait3A_264 = tpu.memref_slice %arg4[%dma_wait3A_262, %dma_wait3A_263] : memref<20000x64xf32, #tpu.memory_space<hbm>> -> memref<125x64xf32, #tpu.memory_space<hbm>>
      tpu.wait_dma2 semaphore(%arg14 : memref<!tpu.dma_semaphore, #tpu.memory_space<semaphore_mem>>) src(%dma_wait3A_264 : memref<125x64xf32, #tpu.memory_space<hbm>>) dst(%arg9 : memref<125x64xf32, #tpu.memory_space<vmem>>)
      %dma_start3A_265 = arith.constant 0 : i32
      %dma_start3A_266 = tpu.memref_slice %arg7[%add3A_258, %dma_start3A_265] : memref<160x125xi32, #tpu.memory_space<vmem>> -> memref<1x125xi32, #tpu.memory_space<vmem>>
      %dma_start3A_267 = tpu.memref_squeeze %dma_start3A_266 : memref<1x125xi32, #tpu.memory_space<vmem>> -> memref<125xi32, #tpu.memory_space<vmem>>
      %dma_start3A_268 = arith.constant 0 : i32
      %dma_start3A_269 = arith.constant 0 : i32
      %dma_start3A_270 = tpu.memref_slice %arg12[%dma_start3A_268, %dma_start3A_269] : memref<10000x64xf32, #tpu.memory_space<vmem_shared>> -> memref<10000x64xf32, #tpu.memory_space<vmem_shared>>
      tpu.enqueue_indirect_dma source(%arg9 : memref<125x64xf32, #tpu.memory_space<vmem>>) target(%dma_start3A_270 : memref<10000x64xf32, #tpu.memory_space<vmem_shared>>) offsets(%dma_start3A_267 : memref<125xi32, #tpu.memory_space<vmem>>) semaphore(%arg18 : memref<!tpu.dma_semaphore, #tpu.memory_space<semaphore_mem>>) {add = true}
      %dma_wait3A_271 = arith.constant 0 : i32
      %dma_wait3A_272 = arith.constant 0 : i32
      %dma_wait3A_273 = tpu.memref_slice %arg4[%dma_wait3A_271, %dma_wait3A_272] : memref<20000x64xf32, #tpu.memory_space<hbm>> -> memref<125x64xf32, #tpu.memory_space<hbm>>
      %dma_wait3A_274 = arith.constant 0 : i32
      %dma_wait3A_275 = arith.constant 0 : i32
      %dma_wait3A_276 = tpu.memref_slice %arg4[%dma_wait3A_274, %dma_wait3A_275] : memref<20000x64xf32, #tpu.memory_space<hbm>> -> memref<125x64xf32, #tpu.memory_space<hbm>>
      tpu.wait_dma2 semaphore(%arg20 : memref<!tpu.dma_semaphore, #tpu.memory_space<semaphore_mem>>) src(%dma_wait3A_276 : memref<125x64xf32, #tpu.memory_space<hbm>>) dst(%arg11 : memref<125x64xf32, #tpu.memory_space<vmem>>)
      %add3A_277 = arith.constant 2 : i32
      %add3A_278 = arith.addi %add3A_258, %add3A_277 : i32
      %min3A_279 = arith.constant 159 : i32
      %min3A_280 = arith.minsi %add3A_278, %min3A_279 : i32
      %dma_start3A_281 = arith.constant 0 : i32
      %dma_start3A_282 = tpu.memref_slice %arg6[%min3A_280, %dma_start3A_281] : memref<160x125xi32, #tpu.memory_space<vmem>> -> memref<1x125xi32, #tpu.memory_space<vmem>>
      %dma_start3A_283 = tpu.memref_squeeze %dma_start3A_282 : memref<1x125xi32, #tpu.memory_space<vmem>> -> memref<125xi32, #tpu.memory_space<vmem>>
      %dma_start3A_284 = arith.constant 0 : i32
      %dma_start3A_285 = arith.constant 0 : i32
      %dma_start3A_286 = tpu.memref_slice %arg4[%dma_start3A_284, %dma_start3A_285] : memref<20000x64xf32, #tpu.memory_space<hbm>> -> memref<20000x64xf32, #tpu.memory_space<hbm>>
      tpu.enqueue_indirect_dma source(%dma_start3A_286 : memref<20000x64xf32, #tpu.memory_space<hbm>>) target(%arg11 : memref<125x64xf32, #tpu.memory_space<vmem>>) offsets(%dma_start3A_283 : memref<125xi32, #tpu.memory_space<vmem>>) semaphore(%arg16 : memref<!tpu.dma_semaphore, #tpu.memory_space<semaphore_mem>>)
      %mul3A_287 = arith.constant 4 : i32
      %mul3A_288 = arith.muli %scan3A_223, %mul3A_287 : i32
      %add3A_289 = arith.constant 2 : i32
      %add3A_290 = arith.addi %mul3A_288, %add3A_289 : i32
      %dma_wait3A_291 = arith.constant 0 : i32
      %dma_wait3A_292 = arith.constant 0 : i32
      %dma_wait3A_293 = tpu.memref_slice %arg4[%dma_wait3A_291, %dma_wait3A_292] : memref<20000x64xf32, #tpu.memory_space<hbm>> -> memref<125x64xf32, #tpu.memory_space<hbm>>
      %dma_wait3A_294 = arith.constant 0 : i32
      %dma_wait3A_295 = arith.constant 0 : i32
      %dma_wait3A_296 = tpu.memref_slice %arg4[%dma_wait3A_294, %dma_wait3A_295] : memref<20000x64xf32, #tpu.memory_space<hbm>> -> memref<125x64xf32, #tpu.memory_space<hbm>>
      tpu.wait_dma2 semaphore(%arg15 : memref<!tpu.dma_semaphore, #tpu.memory_space<semaphore_mem>>) src(%dma_wait3A_296 : memref<125x64xf32, #tpu.memory_space<hbm>>) dst(%arg10 : memref<125x64xf32, #tpu.memory_space<vmem>>)
      %dma_start3A_297 = arith.constant 0 : i32
      %dma_start3A_298 = tpu.memref_slice %arg7[%add3A_290, %dma_start3A_297] : memref<160x125xi32, #tpu.memory_space<vmem>> -> memref<1x125xi32, #tpu.memory_space<vmem>>
      %dma_start3A_299 = tpu.memref_squeeze %dma_start3A_298 : memref<1x125xi32, #tpu.memory_space<vmem>> -> memref<125xi32, #tpu.memory_space<vmem>>
      %dma_start3A_300 = arith.constant 0 : i32
      %dma_start3A_301 = arith.constant 0 : i32
      %dma_start3A_302 = tpu.memref_slice %arg12[%dma_start3A_300, %dma_start3A_301] : memref<10000x64xf32, #tpu.memory_space<vmem_shared>> -> memref<10000x64xf32, #tpu.memory_space<vmem_shared>>
      tpu.enqueue_indirect_dma source(%arg10 : memref<125x64xf32, #tpu.memory_space<vmem>>) target(%dma_start3A_302 : memref<10000x64xf32, #tpu.memory_space<vmem_shared>>) offsets(%dma_start3A_299 : memref<125xi32, #tpu.memory_space<vmem>>) semaphore(%arg19 : memref<!tpu.dma_semaphore, #tpu.memory_space<semaphore_mem>>) {add = true}
      %dma_wait3A_303 = arith.constant 0 : i32
      %dma_wait3A_304 = arith.constant 0 : i32
      %dma_wait3A_305 = tpu.memref_slice %arg4[%dma_wait3A_303, %dma_wait3A_304] : memref<20000x64xf32, #tpu.memory_space<hbm>> -> memref<125x64xf32, #tpu.memory_space<hbm>>
      %dma_wait3A_306 = arith.constant 0 : i32
      %dma_wait3A_307 = arith.constant 0 : i32
      %dma_wait3A_308 = tpu.memref_slice %arg4[%dma_wait3A_306, %dma_wait3A_307] : memref<20000x64xf32, #tpu.memory_space<hbm>> -> memref<125x64xf32, #tpu.memory_space<hbm>>
      tpu.wait_dma2 semaphore(%arg17 : memref<!tpu.dma_semaphore, #tpu.memory_space<semaphore_mem>>) src(%dma_wait3A_308 : memref<125x64xf32, #tpu.memory_space<hbm>>) dst(%arg8 : memref<125x64xf32, #tpu.memory_space<vmem>>)
      %add3A_309 = arith.constant 2 : i32
      %add3A_310 = arith.addi %add3A_290, %add3A_309 : i32
      %min3A_311 = arith.constant 159 : i32
      %min3A_312 = arith.minsi %add3A_310, %min3A_311 : i32
      %dma_start3A_313 = arith.constant 0 : i32
      %dma_start3A_314 = tpu.memref_slice %arg6[%min3A_312, %dma_start3A_313] : memref<160x125xi32, #tpu.memory_space<vmem>> -> memref<1x125xi32, #tpu.memory_space<vmem>>
      %dma_start3A_315 = tpu.memref_squeeze %dma_start3A_314 : memref<1x125xi32, #tpu.memory_space<vmem>> -> memref<125xi32, #tpu.memory_space<vmem>>
      %dma_start3A_316 = arith.constant 0 : i32
      %dma_start3A_317 = arith.constant 0 : i32
      %dma_start3A_318 = tpu.memref_slice %arg4[%dma_start3A_316, %dma_start3A_317] : memref<20000x64xf32, #tpu.memory_space<hbm>> -> memref<20000x64xf32, #tpu.memory_space<hbm>>
      tpu.enqueue_indirect_dma source(%dma_start3A_318 : memref<20000x64xf32, #tpu.memory_space<hbm>>) target(%arg8 : memref<125x64xf32, #tpu.memory_space<vmem>>) offsets(%dma_start3A_315 : memref<125xi32, #tpu.memory_space<vmem>>) semaphore(%arg13 : memref<!tpu.dma_semaphore, #tpu.memory_space<semaphore_mem>>)
      %mul3A_319 = arith.constant 4 : i32
      %mul3A_320 = arith.muli %scan3A_223, %mul3A_319 : i32
      %add3A_321 = arith.constant 3 : i32
      %add3A_322 = arith.addi %mul3A_320, %add3A_321 : i32
      %dma_wait3A_323 = arith.constant 0 : i32
      %dma_wait3A_324 = arith.constant 0 : i32
      %dma_wait3A_325 = tpu.memref_slice %arg4[%dma_wait3A_323, %dma_wait3A_324] : memref<20000x64xf32, #tpu.memory_space<hbm>> -> memref<125x64xf32, #tpu.memory_space<hbm>>
      %dma_wait3A_326 = arith.constant 0 : i32
      %dma_wait3A_327 = arith.constant 0 : i32
      %dma_wait3A_328 = tpu.memref_slice %arg4[%dma_wait3A_326, %dma_wait3A_327] : memref<20000x64xf32, #tpu.memory_space<hbm>> -> memref<125x64xf32, #tpu.memory_space<hbm>>
      tpu.wait_dma2 semaphore(%arg16 : memref<!tpu.dma_semaphore, #tpu.memory_space<semaphore_mem>>) src(%dma_wait3A_328 : memref<125x64xf32, #tpu.memory_space<hbm>>) dst(%arg11 : memref<125x64xf32, #tpu.memory_space<vmem>>)
      %dma_start3A_329 = arith.constant 0 : i32
      %dma_start3A_330 = tpu.memref_slice %arg7[%add3A_322, %dma_start3A_329] : memref<160x125xi32, #tpu.memory_space<vmem>> -> memref<1x125xi32, #tpu.memory_space<vmem>>
      %dma_start3A_331 = tpu.memref_squeeze %dma_start3A_330 : memref<1x125xi32, #tpu.memory_space<vmem>> -> memref<125xi32, #tpu.memory_space<vmem>>
      %dma_start3A_332 = arith.constant 0 : i32
      %dma_start3A_333 = arith.constant 0 : i32
      %dma_start3A_334 = tpu.memref_slice %arg12[%dma_start3A_332, %dma_start3A_333] : memref<10000x64xf32, #tpu.memory_space<vmem_shared>> -> memref<10000x64xf32, #tpu.memory_space<vmem_shared>>
      tpu.enqueue_indirect_dma source(%arg11 : memref<125x64xf32, #tpu.memory_space<vmem>>) target(%dma_start3A_334 : memref<10000x64xf32, #tpu.memory_space<vmem_shared>>) offsets(%dma_start3A_331 : memref<125xi32, #tpu.memory_space<vmem>>) semaphore(%arg20 : memref<!tpu.dma_semaphore, #tpu.memory_space<semaphore_mem>>) {add = true}
      %dma_wait3A_335 = arith.constant 0 : i32
      %dma_wait3A_336 = arith.constant 0 : i32
      %dma_wait3A_337 = tpu.memref_slice %arg4[%dma_wait3A_335, %dma_wait3A_336] : memref<20000x64xf32, #tpu.memory_space<hbm>> -> memref<125x64xf32, #tpu.memory_space<hbm>>
      %dma_wait3A_338 = arith.constant 0 : i32
      %dma_wait3A_339 = arith.constant 0 : i32
      %dma_wait3A_340 = tpu.memref_slice %arg4[%dma_wait3A_338, %dma_wait3A_339] : memref<20000x64xf32, #tpu.memory_space<hbm>> -> memref<125x64xf32, #tpu.memory_space<hbm>>
      tpu.wait_dma2 semaphore(%arg18 : memref<!tpu.dma_semaphore, #tpu.memory_space<semaphore_mem>>) src(%dma_wait3A_340 : memref<125x64xf32, #tpu.memory_space<hbm>>) dst(%arg9 : memref<125x64xf32, #tpu.memory_space<vmem>>)
      %add3A_341 = arith.constant 2 : i32
      %add3A_342 = arith.addi %add3A_322, %add3A_341 : i32
      %min3A_343 = arith.constant 159 : i32
      %min3A_344 = arith.minsi %add3A_342, %min3A_343 : i32
      %dma_start3A_345 = arith.constant 0 : i32
      %dma_start3A_346 = tpu.memref_slice %arg6[%min3A_344, %dma_start3A_345] : memref<160x125xi32, #tpu.memory_space<vmem>> -> memref<1x125xi32, #tpu.memory_space<vmem>>
      %dma_start3A_347 = tpu.memref_squeeze %dma_start3A_346 : memref<1x125xi32, #tpu.memory_space<vmem>> -> memref<125xi32, #tpu.memory_space<vmem>>
      %dma_start3A_348 = arith.constant 0 : i32
      %dma_start3A_349 = arith.constant 0 : i32
      %dma_start3A_350 = tpu.memref_slice %arg4[%dma_start3A_348, %dma_start3A_349] : memref<20000x64xf32, #tpu.memory_space<hbm>> -> memref<20000x64xf32, #tpu.memory_space<hbm>>
      tpu.enqueue_indirect_dma source(%dma_start3A_350 : memref<20000x64xf32, #tpu.memory_space<hbm>>) target(%arg9 : memref<125x64xf32, #tpu.memory_space<vmem>>) offsets(%dma_start3A_347 : memref<125xi32, #tpu.memory_space<vmem>>) semaphore(%arg14 : memref<!tpu.dma_semaphore, #tpu.memory_space<semaphore_mem>>)
    }
    %scan3A_137 = arith.constant 39 : i32
    %dma_wait3A_138 = arith.constant 0 : i32
    %dma_wait3A_139 = arith.constant 0 : i32
    %dma_wait3A_140 = tpu.memref_slice %arg4[%dma_wait3A_138, %dma_wait3A_139] : memref<20000x64xf32, #tpu.memory_space<hbm>> -> memref<125x64xf32, #tpu.memory_space<hbm>>
    %dma_wait3A_141 = arith.constant 0 : i32
    %dma_wait3A_142 = arith.constant 0 : i32
    %dma_wait3A_143 = tpu.memref_slice %arg4[%dma_wait3A_141, %dma_wait3A_142] : memref<20000x64xf32, #tpu.memory_space<hbm>> -> memref<125x64xf32, #tpu.memory_space<hbm>>
    tpu.wait_dma2 semaphore(%arg13 : memref<!tpu.dma_semaphore, #tpu.memory_space<semaphore_mem>>) src(%dma_wait3A_143 : memref<125x64xf32, #tpu.memory_space<hbm>>) dst(%arg8 : memref<125x64xf32, #tpu.memory_space<vmem>>)
    %dma_wait3A_144 = arith.constant 0 : i32
    %dma_wait3A_145 = arith.constant 0 : i32
    %dma_wait3A_146 = tpu.memref_slice %arg4[%dma_wait3A_144, %dma_wait3A_145] : memref<20000x64xf32, #tpu.memory_space<hbm>> -> memref<125x64xf32, #tpu.memory_space<hbm>>
    %dma_wait3A_147 = arith.constant 0 : i32
    %dma_wait3A_148 = arith.constant 0 : i32
    %dma_wait3A_149 = tpu.memref_slice %arg4[%dma_wait3A_147, %dma_wait3A_148] : memref<20000x64xf32, #tpu.memory_space<hbm>> -> memref<125x64xf32, #tpu.memory_space<hbm>>
    tpu.wait_dma2 semaphore(%arg14 : memref<!tpu.dma_semaphore, #tpu.memory_space<semaphore_mem>>) src(%dma_wait3A_149 : memref<125x64xf32, #tpu.memory_space<hbm>>) dst(%arg9 : memref<125x64xf32, #tpu.memory_space<vmem>>)
    %dma_wait3A_150 = arith.constant 0 : i32
    %dma_wait3A_151 = arith.constant 0 : i32
    %dma_wait3A_152 = tpu.memref_slice %arg4[%dma_wait3A_150, %dma_wait3A_151] : memref<20000x64xf32, #tpu.memory_space<hbm>> -> memref<125x64xf32, #tpu.memory_space<hbm>>
    %dma_wait3A_153 = arith.constant 0 : i32
    %dma_wait3A_154 = arith.constant 0 : i32
    %dma_wait3A_155 = tpu.memref_slice %arg4[%dma_wait3A_153, %dma_wait3A_154] : memref<20000x64xf32, #tpu.memory_space<hbm>> -> memref<125x64xf32, #tpu.memory_space<hbm>>
    tpu.wait_dma2 semaphore(%arg19 : memref<!tpu.dma_semaphore, #tpu.memory_space<semaphore_mem>>) src(%dma_wait3A_155 : memref<125x64xf32, #tpu.memory_space<hbm>>) dst(%arg10 : memref<125x64xf32, #tpu.memory_space<vmem>>)
    %dma_wait3A_156 = arith.constant 0 : i32
    %dma_wait3A_157 = arith.constant 0 : i32
    %dma_wait3A_158 = tpu.memref_slice %arg4[%dma_wait3A_156, %dma_wait3A_157] : memref<20000x64xf32, #tpu.memory_space<hbm>> -> memref<125x64xf32, #tpu.memory_space<hbm>>
    %dma_wait3A_159 = arith.constant 0 : i32
    %dma_wait3A_160 = arith.constant 0 : i32
    %dma_wait3A_161 = tpu.memref_slice %arg4[%dma_wait3A_159, %dma_wait3A_160] : memref<20000x64xf32, #tpu.memory_space<hbm>> -> memref<125x64xf32, #tpu.memory_space<hbm>>
    tpu.wait_dma2 semaphore(%arg20 : memref<!tpu.dma_semaphore, #tpu.memory_space<semaphore_mem>>) src(%dma_wait3A_161 : memref<125x64xf32, #tpu.memory_space<hbm>>) dst(%arg11 : memref<125x64xf32, #tpu.memory_space<vmem>>)
    %barrier3A_162 = arith.constant 0 : index
    tpu.barrier barrier_id(%barrier3A_162)
    %mul3A_163 = arith.constant 625 : i32
    %mul3A_164 = arith.muli %arg1, %mul3A_163 : i32
    %add3A_165 = arith.constant 0 : i32
    %add3A_166 = arith.addi %mul3A_164, %add3A_165 : i32
    "tpu.region"() ({
      %run_scoped3A = tpu.sem_alloc : memref<!tpu.dma_semaphore, #tpu.memory_space<semaphore_mem>>
      %dma_start3A_223 = arith.constant 0 : i32
      %dma_start3A_224 = tpu.memref_slice %arg12[%add3A_166, %dma_start3A_223] : memref<10000x64xf32, #tpu.memory_space<vmem_shared>> -> memref<125x64xf32, #tpu.memory_space<vmem_shared>>
      %dma_start3A_225 = arith.constant 0 : i32
      %dma_start3A_226 = tpu.memref_slice %arg12[%add3A_166, %dma_start3A_225] : memref<10000x64xf32, #tpu.memory_space<vmem_shared>> -> memref<125x64xf32, #tpu.memory_space<vmem_shared>>
      tpu.enqueue_dma source(%dma_start3A_226 : memref<125x64xf32, #tpu.memory_space<vmem_shared>>) target(%arg8 : memref<125x64xf32, #tpu.memory_space<vmem>>) target_semaphore(%run_scoped3A : memref<!tpu.dma_semaphore, #tpu.memory_space<semaphore_mem>>)
      %dma_wait3A_227 = arith.constant 0 : i32
      %dma_wait3A_228 = tpu.memref_slice %arg12[%add3A_166, %dma_wait3A_227] : memref<10000x64xf32, #tpu.memory_space<vmem_shared>> -> memref<125x64xf32, #tpu.memory_space<vmem_shared>>
      %dma_wait3A_229 = arith.constant 0 : i32
      %dma_wait3A_230 = tpu.memref_slice %arg12[%add3A_166, %dma_wait3A_229] : memref<10000x64xf32, #tpu.memory_space<vmem_shared>> -> memref<125x64xf32, #tpu.memory_space<vmem_shared>>
      tpu.wait_dma2 semaphore(%run_scoped3A : memref<!tpu.dma_semaphore, #tpu.memory_space<semaphore_mem>>) src(%dma_wait3A_230 : memref<125x64xf32, #tpu.memory_space<vmem_shared>>) dst(%arg8 : memref<125x64xf32, #tpu.memory_space<vmem>>)
      tpu.yield
    }) : () -> ()
    %dma_start3A_167 = tpu.memref_slice %arg5[%add3A_166, %mul3A_0] : memref<10000x128xf32, #tpu.memory_space<hbm>> -> memref<125x64xf32, #tpu.memory_space<hbm>>
    %dma_start3A_168 = tpu.memref_slice %arg5[%add3A_166, %mul3A_0] : memref<10000x128xf32, #tpu.memory_space<hbm>> -> memref<125x64xf32, #tpu.memory_space<hbm>>
    tpu.enqueue_dma source(%arg8 : memref<125x64xf32, #tpu.memory_space<vmem>>) target(%dma_start3A_168 : memref<125x64xf32, #tpu.memory_space<hbm>>) target_semaphore(%arg13 : memref<!tpu.dma_semaphore, #tpu.memory_space<semaphore_mem>>)
    %mul3A_169 = arith.constant 625 : i32
    %mul3A_170 = arith.muli %arg1, %mul3A_169 : i32
    %add3A_171 = arith.constant 125 : i32
    %add3A_172 = arith.addi %mul3A_170, %add3A_171 : i32
    "tpu.region"() ({
      %run_scoped3A = tpu.sem_alloc : memref<!tpu.dma_semaphore, #tpu.memory_space<semaphore_mem>>
      %dma_start3A_223 = arith.constant 0 : i32
      %dma_start3A_224 = tpu.memref_slice %arg12[%add3A_172, %dma_start3A_223] : memref<10000x64xf32, #tpu.memory_space<vmem_shared>> -> memref<125x64xf32, #tpu.memory_space<vmem_shared>>
      %dma_start3A_225 = arith.constant 0 : i32
      %dma_start3A_226 = tpu.memref_slice %arg12[%add3A_172, %dma_start3A_225] : memref<10000x64xf32, #tpu.memory_space<vmem_shared>> -> memref<125x64xf32, #tpu.memory_space<vmem_shared>>
      tpu.enqueue_dma source(%dma_start3A_226 : memref<125x64xf32, #tpu.memory_space<vmem_shared>>) target(%arg9 : memref<125x64xf32, #tpu.memory_space<vmem>>) target_semaphore(%run_scoped3A : memref<!tpu.dma_semaphore, #tpu.memory_space<semaphore_mem>>)
      %dma_wait3A_227 = arith.constant 0 : i32
      %dma_wait3A_228 = tpu.memref_slice %arg12[%add3A_172, %dma_wait3A_227] : memref<10000x64xf32, #tpu.memory_space<vmem_shared>> -> memref<125x64xf32, #tpu.memory_space<vmem_shared>>
      %dma_wait3A_229 = arith.constant 0 : i32
      %dma_wait3A_230 = tpu.memref_slice %arg12[%add3A_172, %dma_wait3A_229] : memref<10000x64xf32, #tpu.memory_space<vmem_shared>> -> memref<125x64xf32, #tpu.memory_space<vmem_shared>>
      tpu.wait_dma2 semaphore(%run_scoped3A : memref<!tpu.dma_semaphore, #tpu.memory_space<semaphore_mem>>) src(%dma_wait3A_230 : memref<125x64xf32, #tpu.memory_space<vmem_shared>>) dst(%arg9 : memref<125x64xf32, #tpu.memory_space<vmem>>)
      tpu.yield
    }) : () -> ()
    %dma_start3A_173 = tpu.memref_slice %arg5[%add3A_172, %mul3A_0] : memref<10000x128xf32, #tpu.memory_space<hbm>> -> memref<125x64xf32, #tpu.memory_space<hbm>>
    %dma_start3A_174 = tpu.memref_slice %arg5[%add3A_172, %mul3A_0] : memref<10000x128xf32, #tpu.memory_space<hbm>> -> memref<125x64xf32, #tpu.memory_space<hbm>>
    tpu.enqueue_dma source(%arg9 : memref<125x64xf32, #tpu.memory_space<vmem>>) target(%dma_start3A_174 : memref<125x64xf32, #tpu.memory_space<hbm>>) target_semaphore(%arg14 : memref<!tpu.dma_semaphore, #tpu.memory_space<semaphore_mem>>)
    %mul3A_175 = arith.constant 625 : i32
    %mul3A_176 = arith.muli %arg1, %mul3A_175 : i32
    %add3A_177 = arith.constant 250 : i32
    %add3A_178 = arith.addi %mul3A_176, %add3A_177 : i32
    %dma_wait3A_179 = arith.constant 0 : i32
    %dma_wait3A_180 = arith.constant 0 : i32
    %dma_wait3A_181 = tpu.memref_slice %arg4[%dma_wait3A_179, %dma_wait3A_180] : memref<20000x64xf32, #tpu.memory_space<hbm>> -> memref<125x64xf32, #tpu.memory_space<hbm>>
    %dma_wait3A_182 = arith.constant 0 : i32
    %dma_wait3A_183 = arith.constant 0 : i32
    %dma_wait3A_184 = tpu.memref_slice %arg4[%dma_wait3A_182, %dma_wait3A_183] : memref<20000x64xf32, #tpu.memory_space<hbm>> -> memref<125x64xf32, #tpu.memory_space<hbm>>
    tpu.wait_dma2 semaphore(%arg13 : memref<!tpu.dma_semaphore, #tpu.memory_space<semaphore_mem>>) src(%dma_wait3A_184 : memref<125x64xf32, #tpu.memory_space<hbm>>) dst(%arg8 : memref<125x64xf32, #tpu.memory_space<vmem>>)
    "tpu.region"() ({
      %run_scoped3A = tpu.sem_alloc : memref<!tpu.dma_semaphore, #tpu.memory_space<semaphore_mem>>
      %dma_start3A_223 = arith.constant 0 : i32
      %dma_start3A_224 = tpu.memref_slice %arg12[%add3A_178, %dma_start3A_223] : memref<10000x64xf32, #tpu.memory_space<vmem_shared>> -> memref<125x64xf32, #tpu.memory_space<vmem_shared>>
      %dma_start3A_225 = arith.constant 0 : i32
      %dma_start3A_226 = tpu.memref_slice %arg12[%add3A_178, %dma_start3A_225] : memref<10000x64xf32, #tpu.memory_space<vmem_shared>> -> memref<125x64xf32, #tpu.memory_space<vmem_shared>>
      tpu.enqueue_dma source(%dma_start3A_226 : memref<125x64xf32, #tpu.memory_space<vmem_shared>>) target(%arg8 : memref<125x64xf32, #tpu.memory_space<vmem>>) target_semaphore(%run_scoped3A : memref<!tpu.dma_semaphore, #tpu.memory_space<semaphore_mem>>)
      %dma_wait3A_227 = arith.constant 0 : i32
      %dma_wait3A_228 = tpu.memref_slice %arg12[%add3A_178, %dma_wait3A_227] : memref<10000x64xf32, #tpu.memory_space<vmem_shared>> -> memref<125x64xf32, #tpu.memory_space<vmem_shared>>
      %dma_wait3A_229 = arith.constant 0 : i32
      %dma_wait3A_230 = tpu.memref_slice %arg12[%add3A_178, %dma_wait3A_229] : memref<10000x64xf32, #tpu.memory_space<vmem_shared>> -> memref<125x64xf32, #tpu.memory_space<vmem_shared>>
      tpu.wait_dma2 semaphore(%run_scoped3A : memref<!tpu.dma_semaphore, #tpu.memory_space<semaphore_mem>>) src(%dma_wait3A_230 : memref<125x64xf32, #tpu.memory_space<vmem_shared>>) dst(%arg8 : memref<125x64xf32, #tpu.memory_space<vmem>>)
      tpu.yield
    }) : () -> ()
    %dma_start3A_185 = tpu.memref_slice %arg5[%add3A_178, %mul3A_0] : memref<10000x128xf32, #tpu.memory_space<hbm>> -> memref<125x64xf32, #tpu.memory_space<hbm>>
    %dma_start3A_186 = tpu.memref_slice %arg5[%add3A_178, %mul3A_0] : memref<10000x128xf32, #tpu.memory_space<hbm>> -> memref<125x64xf32, #tpu.memory_space<hbm>>
    tpu.enqueue_dma source(%arg8 : memref<125x64xf32, #tpu.memory_space<vmem>>) target(%dma_start3A_186 : memref<125x64xf32, #tpu.memory_space<hbm>>) target_semaphore(%arg13 : memref<!tpu.dma_semaphore, #tpu.memory_space<semaphore_mem>>)
    %mul3A_187 = arith.constant 625 : i32
    %mul3A_188 = arith.muli %arg1, %mul3A_187 : i32
    %add3A_189 = arith.constant 375 : i32
    %add3A_190 = arith.addi %mul3A_188, %add3A_189 : i32
    %dma_wait3A_191 = arith.constant 0 : i32
    %dma_wait3A_192 = arith.constant 0 : i32
    %dma_wait3A_193 = tpu.memref_slice %arg4[%dma_wait3A_191, %dma_wait3A_192] : memref<20000x64xf32, #tpu.memory_space<hbm>> -> memref<125x64xf32, #tpu.memory_space<hbm>>
    %dma_wait3A_194 = arith.constant 0 : i32
    %dma_wait3A_195 = arith.constant 0 : i32
    %dma_wait3A_196 = tpu.memref_slice %arg4[%dma_wait3A_194, %dma_wait3A_195] : memref<20000x64xf32, #tpu.memory_space<hbm>> -> memref<125x64xf32, #tpu.memory_space<hbm>>
    tpu.wait_dma2 semaphore(%arg14 : memref<!tpu.dma_semaphore, #tpu.memory_space<semaphore_mem>>) src(%dma_wait3A_196 : memref<125x64xf32, #tpu.memory_space<hbm>>) dst(%arg9 : memref<125x64xf32, #tpu.memory_space<vmem>>)
    "tpu.region"() ({
      %run_scoped3A = tpu.sem_alloc : memref<!tpu.dma_semaphore, #tpu.memory_space<semaphore_mem>>
      %dma_start3A_223 = arith.constant 0 : i32
      %dma_start3A_224 = tpu.memref_slice %arg12[%add3A_190, %dma_start3A_223] : memref<10000x64xf32, #tpu.memory_space<vmem_shared>> -> memref<125x64xf32, #tpu.memory_space<vmem_shared>>
      %dma_start3A_225 = arith.constant 0 : i32
      %dma_start3A_226 = tpu.memref_slice %arg12[%add3A_190, %dma_start3A_225] : memref<10000x64xf32, #tpu.memory_space<vmem_shared>> -> memref<125x64xf32, #tpu.memory_space<vmem_shared>>
      tpu.enqueue_dma source(%dma_start3A_226 : memref<125x64xf32, #tpu.memory_space<vmem_shared>>) target(%arg9 : memref<125x64xf32, #tpu.memory_space<vmem>>) target_semaphore(%run_scoped3A : memref<!tpu.dma_semaphore, #tpu.memory_space<semaphore_mem>>)
      %dma_wait3A_227 = arith.constant 0 : i32
      %dma_wait3A_228 = tpu.memref_slice %arg12[%add3A_190, %dma_wait3A_227] : memref<10000x64xf32, #tpu.memory_space<vmem_shared>> -> memref<125x64xf32, #tpu.memory_space<vmem_shared>>
      %dma_wait3A_229 = arith.constant 0 : i32
      %dma_wait3A_230 = tpu.memref_slice %arg12[%add3A_190, %dma_wait3A_229] : memref<10000x64xf32, #tpu.memory_space<vmem_shared>> -> memref<125x64xf32, #tpu.memory_space<vmem_shared>>
      tpu.wait_dma2 semaphore(%run_scoped3A : memref<!tpu.dma_semaphore, #tpu.memory_space<semaphore_mem>>) src(%dma_wait3A_230 : memref<125x64xf32, #tpu.memory_space<vmem_shared>>) dst(%arg9 : memref<125x64xf32, #tpu.memory_space<vmem>>)
      tpu.yield
    }) : () -> ()
    %dma_start3A_197 = tpu.memref_slice %arg5[%add3A_190, %mul3A_0] : memref<10000x128xf32, #tpu.memory_space<hbm>> -> memref<125x64xf32, #tpu.memory_space<hbm>>
    %dma_start3A_198 = tpu.memref_slice %arg5[%add3A_190, %mul3A_0] : memref<10000x128xf32, #tpu.memory_space<hbm>> -> memref<125x64xf32, #tpu.memory_space<hbm>>
    tpu.enqueue_dma source(%arg9 : memref<125x64xf32, #tpu.memory_space<vmem>>) target(%dma_start3A_198 : memref<125x64xf32, #tpu.memory_space<hbm>>) target_semaphore(%arg14 : memref<!tpu.dma_semaphore, #tpu.memory_space<semaphore_mem>>)
    %mul3A_199 = arith.constant 625 : i32
    %mul3A_200 = arith.muli %arg1, %mul3A_199 : i32
    %add3A_201 = arith.constant 500 : i32
    %add3A_202 = arith.addi %mul3A_200, %add3A_201 : i32
    %dma_wait3A_203 = arith.constant 0 : i32
    %dma_wait3A_204 = arith.constant 0 : i32
    %dma_wait3A_205 = tpu.memref_slice %arg4[%dma_wait3A_203, %dma_wait3A_204] : memref<20000x64xf32, #tpu.memory_space<hbm>> -> memref<125x64xf32, #tpu.memory_space<hbm>>
    %dma_wait3A_206 = arith.constant 0 : i32
    %dma_wait3A_207 = arith.constant 0 : i32
    %dma_wait3A_208 = tpu.memref_slice %arg4[%dma_wait3A_206, %dma_wait3A_207] : memref<20000x64xf32, #tpu.memory_space<hbm>> -> memref<125x64xf32, #tpu.memory_space<hbm>>
    tpu.wait_dma2 semaphore(%arg13 : memref<!tpu.dma_semaphore, #tpu.memory_space<semaphore_mem>>) src(%dma_wait3A_208 : memref<125x64xf32, #tpu.memory_space<hbm>>) dst(%arg8 : memref<125x64xf32, #tpu.memory_space<vmem>>)
    "tpu.region"() ({
      %run_scoped3A = tpu.sem_alloc : memref<!tpu.dma_semaphore, #tpu.memory_space<semaphore_mem>>
      %dma_start3A_223 = arith.constant 0 : i32
      %dma_start3A_224 = tpu.memref_slice %arg12[%add3A_202, %dma_start3A_223] : memref<10000x64xf32, #tpu.memory_space<vmem_shared>> -> memref<125x64xf32, #tpu.memory_space<vmem_shared>>
      %dma_start3A_225 = arith.constant 0 : i32
      %dma_start3A_226 = tpu.memref_slice %arg12[%add3A_202, %dma_start3A_225] : memref<10000x64xf32, #tpu.memory_space<vmem_shared>> -> memref<125x64xf32, #tpu.memory_space<vmem_shared>>
      tpu.enqueue_dma source(%dma_start3A_226 : memref<125x64xf32, #tpu.memory_space<vmem_shared>>) target(%arg8 : memref<125x64xf32, #tpu.memory_space<vmem>>) target_semaphore(%run_scoped3A : memref<!tpu.dma_semaphore, #tpu.memory_space<semaphore_mem>>)
      %dma_wait3A_227 = arith.constant 0 : i32
      %dma_wait3A_228 = tpu.memref_slice %arg12[%add3A_202, %dma_wait3A_227] : memref<10000x64xf32, #tpu.memory_space<vmem_shared>> -> memref<125x64xf32, #tpu.memory_space<vmem_shared>>
      %dma_wait3A_229 = arith.constant 0 : i32
      %dma_wait3A_230 = tpu.memref_slice %arg12[%add3A_202, %dma_wait3A_229] : memref<10000x64xf32, #tpu.memory_space<vmem_shared>> -> memref<125x64xf32, #tpu.memory_space<vmem_shared>>
      tpu.wait_dma2 semaphore(%run_scoped3A : memref<!tpu.dma_semaphore, #tpu.memory_space<semaphore_mem>>) src(%dma_wait3A_230 : memref<125x64xf32, #tpu.memory_space<vmem_shared>>) dst(%arg8 : memref<125x64xf32, #tpu.memory_space<vmem>>)
      tpu.yield
    }) : () -> ()
    %dma_start3A_209 = tpu.memref_slice %arg5[%add3A_202, %mul3A_0] : memref<10000x128xf32, #tpu.memory_space<hbm>> -> memref<125x64xf32, #tpu.memory_space<hbm>>
    %dma_start3A_210 = tpu.memref_slice %arg5[%add3A_202, %mul3A_0] : memref<10000x128xf32, #tpu.memory_space<hbm>> -> memref<125x64xf32, #tpu.memory_space<hbm>>
    tpu.enqueue_dma source(%arg8 : memref<125x64xf32, #tpu.memory_space<vmem>>) target(%dma_start3A_210 : memref<125x64xf32, #tpu.memory_space<hbm>>) target_semaphore(%arg13 : memref<!tpu.dma_semaphore, #tpu.memory_space<semaphore_mem>>)
    %dma_wait3A_211 = arith.constant 0 : i32
    %dma_wait3A_212 = arith.constant 0 : i32
    %dma_wait3A_213 = tpu.memref_slice %arg4[%dma_wait3A_211, %dma_wait3A_212] : memref<20000x64xf32, #tpu.memory_space<hbm>> -> memref<125x64xf32, #tpu.memory_space<hbm>>
    %dma_wait3A_214 = arith.constant 0 : i32
    %dma_wait3A_215 = arith.constant 0 : i32
    %dma_wait3A_216 = tpu.memref_slice %arg4[%dma_wait3A_214, %dma_wait3A_215] : memref<20000x64xf32, #tpu.memory_space<hbm>> -> memref<125x64xf32, #tpu.memory_space<hbm>>
    tpu.wait_dma2 semaphore(%arg13 : memref<!tpu.dma_semaphore, #tpu.memory_space<semaphore_mem>>) src(%dma_wait3A_216 : memref<125x64xf32, #tpu.memory_space<hbm>>) dst(%arg8 : memref<125x64xf32, #tpu.memory_space<vmem>>)
    %dma_wait3A_217 = arith.constant 0 : i32
    %dma_wait3A_218 = arith.constant 0 : i32
    %dma_wait3A_219 = tpu.memref_slice %arg4[%dma_wait3A_217, %dma_wait3A_218] : memref<20000x64xf32, #tpu.memory_space<hbm>> -> memref<125x64xf32, #tpu.memory_space<hbm>>
    %dma_wait3A_220 = arith.constant 0 : i32
    %dma_wait3A_221 = arith.constant 0 : i32
    %dma_wait3A_222 = tpu.memref_slice %arg4[%dma_wait3A_220, %dma_wait3A_221] : memref<20000x64xf32, #tpu.memory_space<hbm>> -> memref<125x64xf32, #tpu.memory_space<hbm>>
    tpu.wait_dma2 semaphore(%arg14 : memref<!tpu.dma_semaphore, #tpu.memory_space<semaphore_mem>>) src(%dma_wait3A_222 : memref<125x64xf32, #tpu.memory_space<hbm>>) dst(%arg9 : memref<125x64xf32, #tpu.memory_space<vmem>>)
    return
  }
}

#map = affine_map<(d0, d1) -> (0, 0, 0)>
#map1 = affine_map<(d0, d1) -> (0, 0)>
module attributes {stable_mosaic.version = 14 : i64} {
  func.func @k(%arg0: i32, %arg1: i32, %arg2: memref<2x2560x125xi32, #tpu.memory_space<hbm>>, %arg3: memref<2560x125xi32, #tpu.memory_space<hbm>>, %arg4: memref<20000x64xf32, #tpu.memory_space<hbm>>, %arg5: memref<10000x128xf32, #tpu.memory_space<hbm>>, %arg6: memref<160x125xi32, #tpu.memory_space<vmem>>, %arg7: memref<160x125xi32, #tpu.memory_space<vmem>>, %arg8: memref<125x64xf32, #tpu.memory_space<vmem>>, %arg9: memref<125x64xf32, #tpu.memory_space<vmem>>, %arg10: memref<125x64xf32, #tpu.memory_space<vmem>>, %arg11: memref<125x64xf32, #tpu.memory_space<vmem>>, %arg12: memref<10000x64xf32, #tpu.memory_space<vmem_shared>>, %arg13: memref<!tpu.dma_semaphore, #tpu.memory_space<semaphore_mem>>, %arg14: memref<!tpu.dma_semaphore, #tpu.memory_space<semaphore_mem>>, %arg15: memref<!tpu.dma_semaphore, #tpu.memory_space<semaphore_mem>>, %arg16: memref<!tpu.dma_semaphore, #tpu.memory_space<semaphore_mem>>, %arg17: memref<!tpu.dma_semaphore, #tpu.memory_space<semaphore_mem>>, %arg18: memref<!tpu.dma_semaphore, #tpu.memory_space<semaphore_mem>>, %arg19: memref<!tpu.dma_semaphore, #tpu.memory_space<semaphore_mem>>, %arg20: memref<!tpu.dma_semaphore, #tpu.memory_space<semaphore_mem>>) attributes {dimension_semantics = [#tpu.dimension_semantics<core_parallel>, #tpu.dimension_semantics<subcore_parallel>], iteration_bounds = array<i64: 2, 16>, scalar_prefetch = 0 : i64, scratch_operands = 15 : i64, tpu.core_type = #tpu.core_type<sc_vector_subcore>, window_params = [{transform_indices = #map}, {transform_indices = #map1}, {transform_indices = #map1}, {transform_indices = #map1}]} {
    %mul3A = arith.constant 64 : i32
    %mul3A_0 = arith.muli %arg0, %mul3A : i32
    %broadcast_in_dim3A = arith.constant 0.000000e+00 : f32
    %broadcast_in_dim3A_1 = vector.broadcast %broadcast_in_dim3A : f32 to vector<16xf32>
    %scan3A = arith.constant 0 : i32
    %scan3A_2 = arith.constant 0 : i32
    %scan3A_3 = arith.constant 125 : i32
    %scan3A_4 = arith.addi %scan3A_2, %scan3A_3 : i32
    %scan3A_5 = arith.constant 1 : i32
    scf.for %scan3A_223 = %scan3A_2 to %scan3A_4 step %scan3A_5  : i32 {
      %swap3A = arith.index_cast %scan3A_223 : i32 to index
      %swap3A_224 = arith.constant 0 : index
      %swap3A_225 = tpu.vector_load %arg8[%swap3A, %swap3A_224] {strides = array<i32>} : memref<125x64xf32, #tpu.memory_space<vmem>>, vector<1x16xf32>,
      %swap3A_226 = vector.shape_cast %swap3A_225 : vector<1x16xf32> to vector<16xf32>
      %swap3A_227 = vector.shape_cast %broadcast_in_dim3A_1 : vector<16xf32> to vector<1x16xf32>
      tpu.vector_store %arg8[%swap3A, %swap3A_224], %swap3A_227 {strides = array<i32>} : memref<125x64xf32, #tpu.memory_space<vmem>>, vector<1x16xf32>,
      %swap3A_228 = arith.index_cast %scan3A_223 : i32 to index
      %swap3A_229 = arith.constant 16 : index
      %swap3A_230 = tpu.vector_load %arg8[%swap3A_228, %swap3A_229] {strides = array<i32>} : memref<125x64xf32, #tpu.memory_space<vmem>>, vector<1x16xf32>,
      %swap3A_231 = vector.shape_cast %swap3A_230 : vector<1x16xf32> to vector<16xf32>
      %swap3A_232 = vector.shape_cast %broadcast_in_dim3A_1 : vector<16xf32> to vector<1x16xf32>
      tpu.vector_store %arg8[%swap3A_228, %swap3A_229], %swap3A_232 {strides = array<i32>} : memref<125x64xf32, #tpu.memory_space<vmem>>, vector<1x16xf32>,
      %swap3A_233 = arith.index_cast %scan3A_223 : i32 to index
      %swap3A_234 = arith.constant 32 : index
      %swap3A_235 = tpu.vector_load %arg8[%swap3A_233, %swap3A_234] {strides = array<i32>} : memref<125x64xf32, #tpu.memory_space<vmem>>, vector<1x16xf32>,
      %swap3A_236 = vector.shape_cast %swap3A_235 : vector<1x16xf32> to vector<16xf32>
      %swap3A_237 = vector.shape_cast %broadcast_in_dim3A_1 : vector<16xf32> to vector<1x16xf32>
      tpu.vector_store %arg8[%swap3A_233, %swap3A_234], %swap3A_237 {strides = array<i32>} : memref<125x64xf32, #tpu.memory_space<vmem>>, vector<1x16xf32>,
      %swap3A_238 = arith.index_cast %scan3A_223 : i32 to index
      %swap3A_239 = arith.constant 48 : index
      %swap3A_240 = tpu.vector_load %arg8[%swap3A_238, %swap3A_239] {strides = array<i32>} : memref<125x64xf32, #tpu.memory_space<vmem>>, vector<1x16xf32>,
      %swap3A_241 = vector.shape_cast %swap3A_240 : vector<1x16xf32> to vector<16xf32>
      %swap3A_242 = vector.shape_cast %broadcast_in_dim3A_1 : vector<16xf32> to vector<1x16xf32>
      tpu.vector_store %arg8[%swap3A_238, %swap3A_239], %swap3A_242 {strides = array<i32>} : memref<125x64xf32, #tpu.memory_space<vmem>>, vector<1x16xf32>,
    }
    %scan3A_6 = arith.constant 125 : i32
    %mul3A_7 = arith.constant 625 : i32
    %mul3A_8 = arith.muli %arg1, %mul3A_7 : i32
    %add3A = arith.constant 0 : i32
    %add3A_9 = arith.addi %mul3A_8, %add3A : i32
    "tpu.region"() ({
      %run_scoped3A = tpu.sem_alloc : memref<!tpu.dma_semaphore, #tpu.memory_space<semaphore_mem>>
      %dma_start3A_223 = arith.constant 0 : i32
      %dma_start3A_224 = tpu.memref_slice %arg12[%add3A_9, %dma_start3A_223] : memref<10000x64xf32, #tpu.memory_space<vmem_shared>> -> memref<125x64xf32, #tpu.memory_space<vmem_shared>>
      %dma_start3A_225 = arith.constant 0 : i32
      %dma_start3A_226 = tpu.memref_slice %arg12[%add3A_9, %dma_start3A_225] : memref<10000x64xf32, #tpu.memory_space<vmem_shared>> -> memref<125x64xf32, #tpu.memory_space<vmem_shared>>
      tpu.enqueue_dma source(%arg8 : memref<125x64xf32, #tpu.memory_space<vmem>>) target(%dma_start3A_226 : memref<125x64xf32, #tpu.memory_space<vmem_shared>>) target_semaphore(%run_scoped3A : memref<!tpu.dma_semaphore, #tpu.memory_space<semaphore_mem>>)
      %dma_wait3A_227 = arith.constant 0 : i32
      %dma_wait3A_228 = tpu.memref_slice %arg12[%add3A_9, %dma_wait3A_227] : memref<10000x64xf32, #tpu.memory_space<vmem_shared>> -> memref<125x64xf32, #tpu.memory_space<vmem_shared>>
      %dma_wait3A_229 = arith.constant 0 : i32
      %dma_wait3A_230 = tpu.memref_slice %arg12[%add3A_9, %dma_wait3A_229] : memref<10000x64xf32, #tpu.memory_space<vmem_shared>> -> memref<125x64xf32, #tpu.memory_space<vmem_shared>>
      tpu.wait_dma2 semaphore(%run_scoped3A : memref<!tpu.dma_semaphore, #tpu.memory_space<semaphore_mem>>) src(%arg8 : memref<125x64xf32, #tpu.memory_space<vmem>>) dst(%dma_wait3A_230 : memref<125x64xf32, #tpu.memory_space<vmem_shared>>)
      tpu.yield
    }) : () -> ()
    %mul3A_10 = arith.constant 625 : i32
    %mul3A_11 = arith.muli %arg1, %mul3A_10 : i32
    %add3A_12 = arith.constant 125 : i32
    %add3A_13 = arith.addi %mul3A_11, %add3A_12 : i32
    "tpu.region"() ({
      %run_scoped3A = tpu.sem_alloc : memref<!tpu.dma_semaphore, #tpu.memory_space<semaphore_mem>>
      %dma_start3A_223 = arith.constant 0 : i32
      %dma_start3A_224 = tpu.memref_slice %arg12[%add3A_13, %dma_start3A_223] : memref<10000x64xf32, #tpu.memory_space<vmem_shared>> -> memref<125x64xf32, #tpu.memory_space<vmem_shared>>
      %dma_start3A_225 = arith.constant 0 : i32
      %dma_start3A_226 = tpu.memref_slice %arg12[%add3A_13, %dma_start3A_225] : memref<10000x64xf32, #tpu.memory_space<vmem_shared>> -> memref<125x64xf32, #tpu.memory_space<vmem_shared>>
      tpu.enqueue_dma source(%arg8 : memref<125x64xf32, #tpu.memory_space<vmem>>) target(%dma_start3A_226 : memref<125x64xf32, #tpu.memory_space<vmem_shared>>) target_semaphore(%run_scoped3A : memref<!tpu.dma_semaphore, #tpu.memory_space<semaphore_mem>>)
      %dma_wait3A_227 = arith.constant 0 : i32
      %dma_wait3A_228 = tpu.memref_slice %arg12[%add3A_13, %dma_wait3A_227] : memref<10000x64xf32, #tpu.memory_space<vmem_shared>> -> memref<125x64xf32, #tpu.memory_space<vmem_shared>>
      %dma_wait3A_229 = arith.constant 0 : i32
      %dma_wait3A_230 = tpu.memref_slice %arg12[%add3A_13, %dma_wait3A_229] : memref<10000x64xf32, #tpu.memory_space<vmem_shared>> -> memref<125x64xf32, #tpu.memory_space<vmem_shared>>
      tpu.wait_dma2 semaphore(%run_scoped3A : memref<!tpu.dma_semaphore, #tpu.memory_space<semaphore_mem>>) src(%arg8 : memref<125x64xf32, #tpu.memory_space<vmem>>) dst(%dma_wait3A_230 : memref<125x64xf32, #tpu.memory_space<vmem_shared>>)
      tpu.yield
    }) : () -> ()
    %mul3A_14 = arith.constant 625 : i32
    %mul3A_15 = arith.muli %arg1, %mul3A_14 : i32
    %add3A_16 = arith.constant 250 : i32
    %add3A_17 = arith.addi %mul3A_15, %add3A_16 : i32
    "tpu.region"() ({
      %run_scoped3A = tpu.sem_alloc : memref<!tpu.dma_semaphore, #tpu.memory_space<semaphore_mem>>
      %dma_start3A_223 = arith.constant 0 : i32
      %dma_start3A_224 = tpu.memref_slice %arg12[%add3A_17, %dma_start3A_223] : memref<10000x64xf32, #tpu.memory_space<vmem_shared>> -> memref<125x64xf32, #tpu.memory_space<vmem_shared>>
      %dma_start3A_225 = arith.constant 0 : i32
      %dma_start3A_226 = tpu.memref_slice %arg12[%add3A_17, %dma_start3A_225] : memref<10000x64xf32, #tpu.memory_space<vmem_shared>> -> memref<125x64xf32, #tpu.memory_space<vmem_shared>>
      tpu.enqueue_dma source(%arg8 : memref<125x64xf32, #tpu.memory_space<vmem>>) target(%dma_start3A_226 : memref<125x64xf32, #tpu.memory_space<vmem_shared>>) target_semaphore(%run_scoped3A : memref<!tpu.dma_semaphore, #tpu.memory_space<semaphore_mem>>)
      %dma_wait3A_227 = arith.constant 0 : i32
      %dma_wait3A_228 = tpu.memref_slice %arg12[%add3A_17, %dma_wait3A_227] : memref<10000x64xf32, #tpu.memory_space<vmem_shared>> -> memref<125x64xf32, #tpu.memory_space<vmem_shared>>
      %dma_wait3A_229 = arith.constant 0 : i32
      %dma_wait3A_230 = tpu.memref_slice %arg12[%add3A_17, %dma_wait3A_229] : memref<10000x64xf32, #tpu.memory_space<vmem_shared>> -> memref<125x64xf32, #tpu.memory_space<vmem_shared>>
      tpu.wait_dma2 semaphore(%run_scoped3A : memref<!tpu.dma_semaphore, #tpu.memory_space<semaphore_mem>>) src(%arg8 : memref<125x64xf32, #tpu.memory_space<vmem>>) dst(%dma_wait3A_230 : memref<125x64xf32, #tpu.memory_space<vmem_shared>>)
      tpu.yield
    }) : () -> ()
    %mul3A_18 = arith.constant 625 : i32
    %mul3A_19 = arith.muli %arg1, %mul3A_18 : i32
    %add3A_20 = arith.constant 375 : i32
    %add3A_21 = arith.addi %mul3A_19, %add3A_20 : i32
    "tpu.region"() ({
      %run_scoped3A = tpu.sem_alloc : memref<!tpu.dma_semaphore, #tpu.memory_space<semaphore_mem>>
      %dma_start3A_223 = arith.constant 0 : i32
      %dma_start3A_224 = tpu.memref_slice %arg12[%add3A_21, %dma_start3A_223] : memref<10000x64xf32, #tpu.memory_space<vmem_shared>> -> memref<125x64xf32, #tpu.memory_space<vmem_shared>>
      %dma_start3A_225 = arith.constant 0 : i32
      %dma_start3A_226 = tpu.memref_slice %arg12[%add3A_21, %dma_start3A_225] : memref<10000x64xf32, #tpu.memory_space<vmem_shared>> -> memref<125x64xf32, #tpu.memory_space<vmem_shared>>
      tpu.enqueue_dma source(%arg8 : memref<125x64xf32, #tpu.memory_space<vmem>>) target(%dma_start3A_226 : memref<125x64xf32, #tpu.memory_space<vmem_shared>>) target_semaphore(%run_scoped3A : memref<!tpu.dma_semaphore, #tpu.memory_space<semaphore_mem>>)
      %dma_wait3A_227 = arith.constant 0 : i32
      %dma_wait3A_228 = tpu.memref_slice %arg12[%add3A_21, %dma_wait3A_227] : memref<10000x64xf32, #tpu.memory_space<vmem_shared>> -> memref<125x64xf32, #tpu.memory_space<vmem_shared>>
      %dma_wait3A_229 = arith.constant 0 : i32
      %dma_wait3A_230 = tpu.memref_slice %arg12[%add3A_21, %dma_wait3A_229] : memref<10000x64xf32, #tpu.memory_space<vmem_shared>> -> memref<125x64xf32, #tpu.memory_space<vmem_shared>>
      tpu.wait_dma2 semaphore(%run_scoped3A : memref<!tpu.dma_semaphore, #tpu.memory_space<semaphore_mem>>) src(%arg8 : memref<125x64xf32, #tpu.memory_space<vmem>>) dst(%dma_wait3A_230 : memref<125x64xf32, #tpu.memory_space<vmem_shared>>)
      tpu.yield
    }) : () -> ()
    %mul3A_22 = arith.constant 625 : i32
    %mul3A_23 = arith.muli %arg1, %mul3A_22 : i32
    %add3A_24 = arith.constant 500 : i32
    %add3A_25 = arith.addi %mul3A_23, %add3A_24 : i32
    "tpu.region"() ({
      %run_scoped3A = tpu.sem_alloc : memref<!tpu.dma_semaphore, #tpu.memory_space<semaphore_mem>>
      %dma_start3A_223 = arith.constant 0 : i32
      %dma_start3A_224 = tpu.memref_slice %arg12[%add3A_25, %dma_start3A_223] : memref<10000x64xf32, #tpu.memory_space<vmem_shared>> -> memref<125x64xf32, #tpu.memory_space<vmem_shared>>
      %dma_start3A_225 = arith.constant 0 : i32
      %dma_start3A_226 = tpu.memref_slice %arg12[%add3A_25, %dma_start3A_225] : memref<10000x64xf32, #tpu.memory_space<vmem_shared>> -> memref<125x64xf32, #tpu.memory_space<vmem_shared>>
      tpu.enqueue_dma source(%arg8 : memref<125x64xf32, #tpu.memory_space<vmem>>) target(%dma_start3A_226 : memref<125x64xf32, #tpu.memory_space<vmem_shared>>) target_semaphore(%run_scoped3A : memref<!tpu.dma_semaphore, #tpu.memory_space<semaphore_mem>>)
      %dma_wait3A_227 = arith.constant 0 : i32
      %dma_wait3A_228 = tpu.memref_slice %arg12[%add3A_25, %dma_wait3A_227] : memref<10000x64xf32, #tpu.memory_space<vmem_shared>> -> memref<125x64xf32, #tpu.memory_space<vmem_shared>>
      %dma_wait3A_229 = arith.constant 0 : i32
      %dma_wait3A_230 = tpu.memref_slice %arg12[%add3A_25, %dma_wait3A_229] : memref<10000x64xf32, #tpu.memory_space<vmem_shared>> -> memref<125x64xf32, #tpu.memory_space<vmem_shared>>
      tpu.wait_dma2 semaphore(%run_scoped3A : memref<!tpu.dma_semaphore, #tpu.memory_space<semaphore_mem>>) src(%arg8 : memref<125x64xf32, #tpu.memory_space<vmem>>) dst(%dma_wait3A_230 : memref<125x64xf32, #tpu.memory_space<vmem_shared>>)
      tpu.yield
    }) : () -> ()
    %barrier3A = arith.constant 0 : index
    tpu.barrier barrier_id(%barrier3A)
    %mul3A_26 = arith.constant 160 : i32
    %mul3A_27 = arith.muli %arg1, %mul3A_26 : i32
    "tpu.region"() ({
      %run_scoped3A = tpu.sem_alloc : memref<!tpu.dma_semaphore, #tpu.memory_space<semaphore_mem>>
      %dma_start3A_223 = arith.constant 0 : i32
      %dma_start3A_224 = tpu.memref_slice %arg2[%arg0, %mul3A_27, %dma_start3A_223] : memref<2x2560x125xi32, #tpu.memory_space<hbm>> -> memref<1x160x125xi32, #tpu.memory_space<hbm>>
      %dma_start3A_225 = tpu.memref_squeeze %dma_start3A_224 : memref<1x160x125xi32, #tpu.memory_space<hbm>> -> memref<160x125xi32, #tpu.memory_space<hbm>>
      %dma_start3A_226 = arith.constant 0 : i32
      %dma_start3A_227 = tpu.memref_slice %arg2[%arg0, %mul3A_27, %dma_start3A_226] : memref<2x2560x125xi32, #tpu.memory_space<hbm>> -> memref<1x160x125xi32, #tpu.memory_space<hbm>>
      %dma_start3A_228 = tpu.memref_squeeze %dma_start3A_227 : memref<1x160x125xi32, #tpu.memory_space<hbm>> -> memref<160x125xi32, #tpu.memory_space<hbm>>
      tpu.enqueue_dma source(%dma_start3A_228 : memref<160x125xi32, #tpu.memory_space<hbm>>) target(%arg6 : memref<160x125xi32, #tpu.memory_space<vmem>>) target_semaphore(%run_scoped3A : memref<!tpu.dma_semaphore, #tpu.memory_space<semaphore_mem>>)
      %dma_wait3A_229 = arith.constant 0 : i32
      %dma_wait3A_230 = tpu.memref_slice %arg2[%arg0, %mul3A_27, %dma_wait3A_229] : memref<2x2560x125xi32, #tpu.memory_space<hbm>> -> memref<1x160x125xi32, #tpu.memory_space<hbm>>
      %dma_wait3A_231 = tpu.memref_squeeze %dma_wait3A_230 : memref<1x160x125xi32, #tpu.memory_space<hbm>> -> memref<160x125xi32, #tpu.memory_space<hbm>>
      %dma_wait3A_232 = arith.constant 0 : i32
      %dma_wait3A_233 = tpu.memref_slice %arg2[%arg0, %mul3A_27, %dma_wait3A_232] : memref<2x2560x125xi32, #tpu.memory_space<hbm>> -> memref<1x160x125xi32, #tpu.memory_space<hbm>>
      %dma_wait3A_234 = tpu.memref_squeeze %dma_wait3A_233 : memref<1x160x125xi32, #tpu.memory_space<hbm>> -> memref<160x125xi32, #tpu.memory_space<hbm>>
      tpu.wait_dma2 semaphore(%run_scoped3A : memref<!tpu.dma_semaphore, #tpu.memory_space<semaphore_mem>>) src(%dma_wait3A_234 : memref<160x125xi32, #tpu.memory_space<hbm>>) dst(%arg6 : memref<160x125xi32, #tpu.memory_space<vmem>>)
      tpu.yield
    }) : () -> ()
    "tpu.region"() ({
      %run_scoped3A = tpu.sem_alloc : memref<!tpu.dma_semaphore, #tpu.memory_space<semaphore_mem>>
      %dma_start3A_223 = arith.constant 0 : i32
      %dma_start3A_224 = tpu.memref_slice %arg3[%mul3A_27, %dma_start3A_223] : memref<2560x125xi32, #tpu.memory_space<hbm>> -> memref<160x125xi32, #tpu.memory_space<hbm>>
      %dma_start3A_225 = arith.constant 0 : i32
      %dma_start3A_226 = tpu.memref_slice %arg3[%mul3A_27, %dma_start3A_225] : memref<2560x125xi32, #tpu.memory_space<hbm>> -> memref<160x125xi32, #tpu.memory_space<hbm>>
      tpu.enqueue_dma source(%dma_start3A_226 : memref<160x125xi32, #tpu.memory_space<hbm>>) target(%arg7 : memref<160x125xi32, #tpu.memory_space<vmem>>) target_semaphore(%run_scoped3A : memref<!tpu.dma_semaphore, #tpu.memory_space<semaphore_mem>>)
      %dma_wait3A_227 = arith.constant 0 : i32
      %dma_wait3A_228 = tpu.memref_slice %arg3[%mul3A_27, %dma_wait3A_227] : memref<2560x125xi32, #tpu.memory_space<hbm>> -> memref<160x125xi32, #tpu.memory_space<hbm>>
      %dma_wait3A_229 = arith.constant 0 : i32
      %dma_wait3A_230 = tpu.memref_slice %arg3[%mul3A_27, %dma_wait3A_229] : memref<2560x125xi32, #tpu.memory_space<hbm>> -> memref<160x125xi32, #tpu.memory_space<hbm>>
      tpu.wait_dma2 semaphore(%run_scoped3A : memref<!tpu.dma_semaphore, #tpu.memory_space<semaphore_mem>>) src(%dma_wait3A_230 : memref<160x125xi32, #tpu.memory_space<hbm>>) dst(%arg7 : memref<160x125xi32, #tpu.memory_space<vmem>>)
      tpu.yield
    }) : () -> ()
    %dma_start3A = arith.constant 0 : i32
    %dma_start3A_28 = arith.constant 0 : i32
    %dma_start3A_29 = tpu.memref_slice %arg6[%dma_start3A, %dma_start3A_28] : memref<160x125xi32, #tpu.memory_space<vmem>> -> memref<1x125xi32, #tpu.memory_space<vmem>>
    %dma_start3A_30 = tpu.memref_squeeze %dma_start3A_29 : memref<1x125xi32, #tpu.memory_space<vmem>> -> memref<125xi32, #tpu.memory_space<vmem>>
    %dma_start3A_31 = arith.constant 0 : i32
    %dma_start3A_32 = arith.constant 0 : i32
    %dma_start3A_33 = tpu.memref_slice %arg4[%dma_start3A_31, %dma_start3A_32] : memref<20000x64xf32, #tpu.memory_space<hbm>> -> memref<20000x64xf32, #tpu.memory_space<hbm>>
    tpu.enqueue_indirect_dma source(%dma_start3A_33 : memref<20000x64xf32, #tpu.memory_space<hbm>>) target(%arg8 : memref<125x64xf32, #tpu.memory_space<vmem>>) offsets(%dma_start3A_30 : memref<125xi32, #tpu.memory_space<vmem>>) semaphore(%arg13 : memref<!tpu.dma_semaphore, #tpu.memory_space<semaphore_mem>>)
    %dma_start3A_34 = arith.constant 1 : i32
    %dma_start3A_35 = arith.constant 0 : i32
    %dma_start3A_36 = tpu.memref_slice %arg6[%dma_start3A_34, %dma_start3A_35] : memref<160x125xi32, #tpu.memory_space<vmem>> -> memref<1x125xi32, #tpu.memory_space<vmem>>
    %dma_start3A_37 = tpu.memref_squeeze %dma_start3A_36 : memref<1x125xi32, #tpu.memory_space<vmem>> -> memref<125xi32, #tpu.memory_space<vmem>>
    %dma_start3A_38 = arith.constant 0 : i32
    %dma_start3A_39 = arith.constant 0 : i32
    %dma_start3A_40 = tpu.memref_slice %arg4[%dma_start3A_38, %dma_start3A_39] : memref<20000x64xf32, #tpu.memory_space<hbm>> -> memref<20000x64xf32, #tpu.memory_space<hbm>>
    tpu.enqueue_indirect_dma source(%dma_start3A_40 : memref<20000x64xf32, #tpu.memory_space<hbm>>) target(%arg9 : memref<125x64xf32, #tpu.memory_space<vmem>>) offsets(%dma_start3A_37 : memref<125xi32, #tpu.memory_space<vmem>>) semaphore(%arg14 : memref<!tpu.dma_semaphore, #tpu.memory_space<semaphore_mem>>)
    %dma_wait3A = arith.constant 0 : i32
    %dma_wait3A_41 = arith.constant 0 : i32
    %dma_wait3A_42 = tpu.memref_slice %arg4[%dma_wait3A, %dma_wait3A_41] : memref<20000x64xf32, #tpu.memory_space<hbm>> -> memref<125x64xf32, #tpu.memory_space<hbm>>
    %dma_wait3A_43 = arith.constant 0 : i32
    %dma_wait3A_44 = arith.constant 0 : i32
    %dma_wait3A_45 = tpu.memref_slice %arg4[%dma_wait3A_43, %dma_wait3A_44] : memref<20000x64xf32, #tpu.memory_space<hbm>> -> memref<125x64xf32, #tpu.memory_space<hbm>>
    tpu.wait_dma2 semaphore(%arg13 : memref<!tpu.dma_semaphore, #tpu.memory_space<semaphore_mem>>) src(%dma_wait3A_45 : memref<125x64xf32, #tpu.memory_space<hbm>>) dst(%arg8 : memref<125x64xf32, #tpu.memory_space<vmem>>)
    %dma_start3A_46 = arith.constant 0 : i32
    %dma_start3A_47 = arith.constant 0 : i32
    %dma_start3A_48 = tpu.memref_slice %arg7[%dma_start3A_46, %dma_start3A_47] : memref<160x125xi32, #tpu.memory_space<vmem>> -> memref<1x125xi32, #tpu.memory_space<vmem>>
    %dma_start3A_49 = tpu.memref_squeeze %dma_start3A_48 : memref<1x125xi32, #tpu.memory_space<vmem>> -> memref<125xi32, #tpu.memory_space<vmem>>
    %dma_start3A_50 = arith.constant 0 : i32
    %dma_start3A_51 = arith.constant 0 : i32
    %dma_start3A_52 = tpu.memref_slice %arg12[%dma_start3A_50, %dma_start3A_51] : memref<10000x64xf32, #tpu.memory_space<vmem_shared>> -> memref<10000x64xf32, #tpu.memory_space<vmem_shared>>
    tpu.enqueue_indirect_dma source(%arg8 : memref<125x64xf32, #tpu.memory_space<vmem>>) target(%dma_start3A_52 : memref<10000x64xf32, #tpu.memory_space<vmem_shared>>) offsets(%dma_start3A_49 : memref<125xi32, #tpu.memory_space<vmem>>) semaphore(%arg17 : memref<!tpu.dma_semaphore, #tpu.memory_space<semaphore_mem>>) {add = true}
    %dma_start3A_53 = arith.constant 2 : i32
    %dma_start3A_54 = arith.constant 0 : i32
    %dma_start3A_55 = tpu.memref_slice %arg6[%dma_start3A_53, %dma_start3A_54] : memref<160x125xi32, #tpu.memory_space<vmem>> -> memref<1x125xi32, #tpu.memory_space<vmem>>
    %dma_start3A_56 = tpu.memref_squeeze %dma_start3A_55 : memref<1x125xi32, #tpu.memory_space<vmem>> -> memref<125xi32, #tpu.memory_space<vmem>>
    %dma_start3A_57 = arith.constant 0 : i32
    %dma_start3A_58 = arith.constant 0 : i32
    %dma_start3A_59 = tpu.memref_slice %arg4[%dma_start3A_57, %dma_start3A_58] : memref<20000x64xf32, #tpu.memory_space<hbm>> -> memref<20000x64xf32, #tpu.memory_space<hbm>>
    tpu.enqueue_indirect_dma source(%dma_start3A_59 : memref<20000x64xf32, #tpu.memory_space<hbm>>) target(%arg10 : memref<125x64xf32, #tpu.memory_space<vmem>>) offsets(%dma_start3A_56 : memref<125xi32, #tpu.memory_space<vmem>>) semaphore(%arg15 : memref<!tpu.dma_semaphore, #tpu.memory_space<semaphore_mem>>)
    %dma_wait3A_60 = arith.constant 0 : i32
    %dma_wait3A_61 = arith.constant 0 : i32
    %dma_wait3A_62 = tpu.memref_slice %arg4[%dma_wait3A_60, %dma_wait3A_61] : memref<20000x64xf32, #tpu.memory_space<hbm>> -> memref<125x64xf32, #tpu.memory_space<hbm>>
    %dma_wait3A_63 = arith.constant 0 : i32
    %dma_wait3A_64 = arith.constant 0 : i32
    %dma_wait3A_65 = tpu.memref_slice %arg4[%dma_wait3A_63, %dma_wait3A_64] : memref<20000x64xf32, #tpu.memory_space<hbm>> -> memref<125x64xf32, #tpu.memory_space<hbm>>
    tpu.wait_dma2 semaphore(%arg14 : memref<!tpu.dma_semaphore, #tpu.memory_space<semaphore_mem>>) src(%dma_wait3A_65 : memref<125x64xf32, #tpu.memory_space<hbm>>) dst(%arg9 : memref<125x64xf32, #tpu.memory_space<vmem>>)
    %dma_start3A_66 = arith.constant 1 : i32
    %dma_start3A_67 = arith.constant 0 : i32
    %dma_start3A_68 = tpu.memref_slice %arg7[%dma_start3A_66, %dma_start3A_67] : memref<160x125xi32, #tpu.memory_space<vmem>> -> memref<1x125xi32, #tpu.memory_space<vmem>>
    %dma_start3A_69 = tpu.memref_squeeze %dma_start3A_68 : memref<1x125xi32, #tpu.memory_space<vmem>> -> memref<125xi32, #tpu.memory_space<vmem>>
    %dma_start3A_70 = arith.constant 0 : i32
    %dma_start3A_71 = arith.constant 0 : i32
    %dma_start3A_72 = tpu.memref_slice %arg12[%dma_start3A_70, %dma_start3A_71] : memref<10000x64xf32, #tpu.memory_space<vmem_shared>> -> memref<10000x64xf32, #tpu.memory_space<vmem_shared>>
    tpu.enqueue_indirect_dma source(%arg9 : memref<125x64xf32, #tpu.memory_space<vmem>>) target(%dma_start3A_72 : memref<10000x64xf32, #tpu.memory_space<vmem_shared>>) offsets(%dma_start3A_69 : memref<125xi32, #tpu.memory_space<vmem>>) semaphore(%arg18 : memref<!tpu.dma_semaphore, #tpu.memory_space<semaphore_mem>>) {add = true}
    %dma_start3A_73 = arith.constant 3 : i32
    %dma_start3A_74 = arith.constant 0 : i32
    %dma_start3A_75 = tpu.memref_slice %arg6[%dma_start3A_73, %dma_start3A_74] : memref<160x125xi32, #tpu.memory_space<vmem>> -> memref<1x125xi32, #tpu.memory_space<vmem>>
    %dma_start3A_76 = tpu.memref_squeeze %dma_start3A_75 : memref<1x125xi32, #tpu.memory_space<vmem>> -> memref<125xi32, #tpu.memory_space<vmem>>
    %dma_start3A_77 = arith.constant 0 : i32
    %dma_start3A_78 = arith.constant 0 : i32
    %dma_start3A_79 = tpu.memref_slice %arg4[%dma_start3A_77, %dma_start3A_78] : memref<20000x64xf32, #tpu.memory_space<hbm>> -> memref<20000x64xf32, #tpu.memory_space<hbm>>
    tpu.enqueue_indirect_dma source(%dma_start3A_79 : memref<20000x64xf32, #tpu.memory_space<hbm>>) target(%arg11 : memref<125x64xf32, #tpu.memory_space<vmem>>) offsets(%dma_start3A_76 : memref<125xi32, #tpu.memory_space<vmem>>) semaphore(%arg16 : memref<!tpu.dma_semaphore, #tpu.memory_space<semaphore_mem>>)
    %dma_wait3A_80 = arith.constant 0 : i32
    %dma_wait3A_81 = arith.constant 0 : i32
    %dma_wait3A_82 = tpu.memref_slice %arg4[%dma_wait3A_80, %dma_wait3A_81] : memref<20000x64xf32, #tpu.memory_space<hbm>> -> memref<125x64xf32, #tpu.memory_space<hbm>>
    %dma_wait3A_83 = arith.constant 0 : i32
    %dma_wait3A_84 = arith.constant 0 : i32
    %dma_wait3A_85 = tpu.memref_slice %arg4[%dma_wait3A_83, %dma_wait3A_84] : memref<20000x64xf32, #tpu.memory_space<hbm>> -> memref<125x64xf32, #tpu.memory_space<hbm>>
    tpu.wait_dma2 semaphore(%arg15 : memref<!tpu.dma_semaphore, #tpu.memory_space<semaphore_mem>>) src(%dma_wait3A_85 : memref<125x64xf32, #tpu.memory_space<hbm>>) dst(%arg10 : memref<125x64xf32, #tpu.memory_space<vmem>>)
    %dma_start3A_86 = arith.constant 2 : i32
    %dma_start3A_87 = arith.constant 0 : i32
    %dma_start3A_88 = tpu.memref_slice %arg7[%dma_start3A_86, %dma_start3A_87] : memref<160x125xi32, #tpu.memory_space<vmem>> -> memref<1x125xi32, #tpu.memory_space<vmem>>
    %dma_start3A_89 = tpu.memref_squeeze %dma_start3A_88 : memref<1x125xi32, #tpu.memory_space<vmem>> -> memref<125xi32, #tpu.memory_space<vmem>>
    %dma_start3A_90 = arith.constant 0 : i32
    %dma_start3A_91 = arith.constant 0 : i32
    %dma_start3A_92 = tpu.memref_slice %arg12[%dma_start3A_90, %dma_start3A_91] : memref<10000x64xf32, #tpu.memory_space<vmem_shared>> -> memref<10000x64xf32, #tpu.memory_space<vmem_shared>>
    tpu.enqueue_indirect_dma source(%arg10 : memref<125x64xf32, #tpu.memory_space<vmem>>) target(%dma_start3A_92 : memref<10000x64xf32, #tpu.memory_space<vmem_shared>>) offsets(%dma_start3A_89 : memref<125xi32, #tpu.memory_space<vmem>>) semaphore(%arg19 : memref<!tpu.dma_semaphore, #tpu.memory_space<semaphore_mem>>) {add = true}
    %dma_wait3A_93 = arith.constant 0 : i32
    %dma_wait3A_94 = arith.constant 0 : i32
    %dma_wait3A_95 = tpu.memref_slice %arg4[%dma_wait3A_93, %dma_wait3A_94] : memref<20000x64xf32, #tpu.memory_space<hbm>> -> memref<125x64xf32, #tpu.memory_space<hbm>>
    %dma_wait3A_96 = arith.constant 0 : i32
    %dma_wait3A_97 = arith.constant 0 : i32
    %dma_wait3A_98 = tpu.memref_slice %arg4[%dma_wait3A_96, %dma_wait3A_97] : memref<20000x64xf32, #tpu.memory_space<hbm>> -> memref<125x64xf32, #tpu.memory_space<hbm>>
    tpu.wait_dma2 semaphore(%arg17 : memref<!tpu.dma_semaphore, #tpu.memory_space<semaphore_mem>>) src(%dma_wait3A_98 : memref<125x64xf32, #tpu.memory_space<hbm>>) dst(%arg8 : memref<125x64xf32, #tpu.memory_space<vmem>>)
    %dma_start3A_99 = arith.constant 4 : i32
    %dma_start3A_100 = arith.constant 0 : i32
    %dma_start3A_101 = tpu.memref_slice %arg6[%dma_start3A_99, %dma_start3A_100] : memref<160x125xi32, #tpu.memory_space<vmem>> -> memref<1x125xi32, #tpu.memory_space<vmem>>
    %dma_start3A_102 = tpu.memref_squeeze %dma_start3A_101 : memref<1x125xi32, #tpu.memory_space<vmem>> -> memref<125xi32, #tpu.memory_space<vmem>>
    %dma_start3A_103 = arith.constant 0 : i32
    %dma_start3A_104 = arith.constant 0 : i32
    %dma_start3A_105 = tpu.memref_slice %arg4[%dma_start3A_103, %dma_start3A_104] : memref<20000x64xf32, #tpu.memory_space<hbm>> -> memref<20000x64xf32, #tpu.memory_space<hbm>>
    tpu.enqueue_indirect_dma source(%dma_start3A_105 : memref<20000x64xf32, #tpu.memory_space<hbm>>) target(%arg8 : memref<125x64xf32, #tpu.memory_space<vmem>>) offsets(%dma_start3A_102 : memref<125xi32, #tpu.memory_space<vmem>>) semaphore(%arg13 : memref<!tpu.dma_semaphore, #tpu.memory_space<semaphore_mem>>)
    %dma_wait3A_106 = arith.constant 0 : i32
    %dma_wait3A_107 = arith.constant 0 : i32
    %dma_wait3A_108 = tpu.memref_slice %arg4[%dma_wait3A_106, %dma_wait3A_107] : memref<20000x64xf32, #tpu.memory_space<hbm>> -> memref<125x64xf32, #tpu.memory_space<hbm>>
    %dma_wait3A_109 = arith.constant 0 : i32
    %dma_wait3A_110 = arith.constant 0 : i32
    %dma_wait3A_111 = tpu.memref_slice %arg4[%dma_wait3A_109, %dma_wait3A_110] : memref<20000x64xf32, #tpu.memory_space<hbm>> -> memref<125x64xf32, #tpu.memory_space<hbm>>
    tpu.wait_dma2 semaphore(%arg16 : memref<!tpu.dma_semaphore, #tpu.memory_space<semaphore_mem>>) src(%dma_wait3A_111 : memref<125x64xf32, #tpu.memory_space<hbm>>) dst(%arg11 : memref<125x64xf32, #tpu.memory_space<vmem>>)
    %dma_start3A_112 = arith.constant 3 : i32
    %dma_start3A_113 = arith.constant 0 : i32
    %dma_start3A_114 = tpu.memref_slice %arg7[%dma_start3A_112, %dma_start3A_113] : memref<160x125xi32, #tpu.memory_space<vmem>> -> memref<1x125xi32, #tpu.memory_space<vmem>>
    %dma_start3A_115 = tpu.memref_squeeze %dma_start3A_114 : memref<1x125xi32, #tpu.memory_space<vmem>> -> memref<125xi32, #tpu.memory_space<vmem>>
    %dma_start3A_116 = arith.constant 0 : i32
    %dma_start3A_117 = arith.constant 0 : i32
    %dma_start3A_118 = tpu.memref_slice %arg12[%dma_start3A_116, %dma_start3A_117] : memref<10000x64xf32, #tpu.memory_space<vmem_shared>> -> memref<10000x64xf32, #tpu.memory_space<vmem_shared>>
    tpu.enqueue_indirect_dma source(%arg11 : memref<125x64xf32, #tpu.memory_space<vmem>>) target(%dma_start3A_118 : memref<10000x64xf32, #tpu.memory_space<vmem_shared>>) offsets(%dma_start3A_115 : memref<125xi32, #tpu.memory_space<vmem>>) semaphore(%arg20 : memref<!tpu.dma_semaphore, #tpu.memory_space<semaphore_mem>>) {add = true}
    %dma_wait3A_119 = arith.constant 0 : i32
    %dma_wait3A_120 = arith.constant 0 : i32
    %dma_wait3A_121 = tpu.memref_slice %arg4[%dma_wait3A_119, %dma_wait3A_120] : memref<20000x64xf32, #tpu.memory_space<hbm>> -> memref<125x64xf32, #tpu.memory_space<hbm>>
    %dma_wait3A_122 = arith.constant 0 : i32
    %dma_wait3A_123 = arith.constant 0 : i32
    %dma_wait3A_124 = tpu.memref_slice %arg4[%dma_wait3A_122, %dma_wait3A_123] : memref<20000x64xf32, #tpu.memory_space<hbm>> -> memref<125x64xf32, #tpu.memory_space<hbm>>
    tpu.wait_dma2 semaphore(%arg18 : memref<!tpu.dma_semaphore, #tpu.memory_space<semaphore_mem>>) src(%dma_wait3A_124 : memref<125x64xf32, #tpu.memory_space<hbm>>) dst(%arg9 : memref<125x64xf32, #tpu.memory_space<vmem>>)
    %dma_start3A_125 = arith.constant 5 : i32
    %dma_start3A_126 = arith.constant 0 : i32
    %dma_start3A_127 = tpu.memref_slice %arg6[%dma_start3A_125, %dma_start3A_126] : memref<160x125xi32, #tpu.memory_space<vmem>> -> memref<1x125xi32, #tpu.memory_space<vmem>>
    %dma_start3A_128 = tpu.memref_squeeze %dma_start3A_127 : memref<1x125xi32, #tpu.memory_space<vmem>> -> memref<125xi32, #tpu.memory_space<vmem>>
    %dma_start3A_129 = arith.constant 0 : i32
    %dma_start3A_130 = arith.constant 0 : i32
    %dma_start3A_131 = tpu.memref_slice %arg4[%dma_start3A_129, %dma_start3A_130] : memref<20000x64xf32, #tpu.memory_space<hbm>> -> memref<20000x64xf32, #tpu.memory_space<hbm>>
    tpu.enqueue_indirect_dma source(%dma_start3A_131 : memref<20000x64xf32, #tpu.memory_space<hbm>>) target(%arg9 : memref<125x64xf32, #tpu.memory_space<vmem>>) offsets(%dma_start3A_128 : memref<125xi32, #tpu.memory_space<vmem>>) semaphore(%arg14 : memref<!tpu.dma_semaphore, #tpu.memory_space<semaphore_mem>>)
    %scan3A_132 = arith.constant 0 : i32
    %scan3A_133 = arith.constant 1 : i32
    %scan3A_134 = arith.constant 39 : i32
    %scan3A_135 = arith.addi %scan3A_133, %scan3A_134 : i32
    %scan3A_136 = arith.constant 1 : i32
    scf.for %scan3A_223 = %scan3A_133 to %scan3A_135 step %scan3A_136  : i32 {
      %mul3A_224 = arith.constant 4 : i32
      %mul3A_225 = arith.muli %scan3A_223, %mul3A_224 : i32
      %add3A_226 = arith.constant 0 : i32
      %add3A_227 = arith.addi %mul3A_225, %add3A_226 : i32
      %dma_wait3A_228 = arith.constant 0 : i32
      %dma_wait3A_229 = arith.constant 0 : i32
      %dma_wait3A_230 = tpu.memref_slice %arg4[%dma_wait3A_228, %dma_wait3A_229] : memref<20000x64xf32, #tpu.memory_space<hbm>> -> memref<125x64xf32, #tpu.memory_space<hbm>>
      %dma_wait3A_231 = arith.constant 0 : i32
      %dma_wait3A_232 = arith.constant 0 : i32
      %dma_wait3A_233 = tpu.memref_slice %arg4[%dma_wait3A_231, %dma_wait3A_232] : memref<20000x64xf32, #tpu.memory_space<hbm>> -> memref<125x64xf32, #tpu.memory_space<hbm>>
      tpu.wait_dma2 semaphore(%arg13 : memref<!tpu.dma_semaphore, #tpu.memory_space<semaphore_mem>>) src(%dma_wait3A_233 : memref<125x64xf32, #tpu.memory_space<hbm>>) dst(%arg8 : memref<125x64xf32, #tpu.memory_space<vmem>>)
      %dma_start3A_234 = arith.constant 0 : i32
      %dma_start3A_235 = tpu.memref_slice %arg7[%add3A_227, %dma_start3A_234] : memref<160x125xi32, #tpu.memory_space<vmem>> -> memref<1x125xi32, #tpu.memory_space<vmem>>
      %dma_start3A_236 = tpu.memref_squeeze %dma_start3A_235 : memref<1x125xi32, #tpu.memory_space<vmem>> -> memref<125xi32, #tpu.memory_space<vmem>>
      %dma_start3A_237 = arith.constant 0 : i32
      %dma_start3A_238 = arith.constant 0 : i32
      %dma_start3A_239 = tpu.memref_slice %arg12[%dma_start3A_237, %dma_start3A_238] : memref<10000x64xf32, #tpu.memory_space<vmem_shared>> -> memref<10000x64xf32, #tpu.memory_space<vmem_shared>>
      tpu.enqueue_indirect_dma source(%arg8 : memref<125x64xf32, #tpu.memory_space<vmem>>) target(%dma_start3A_239 : memref<10000x64xf32, #tpu.memory_space<vmem_shared>>) offsets(%dma_start3A_236 : memref<125xi32, #tpu.memory_space<vmem>>) semaphore(%arg17 : memref<!tpu.dma_semaphore, #tpu.memory_space<semaphore_mem>>) {add = true}
      %dma_wait3A_240 = arith.constant 0 : i32
      %dma_wait3A_241 = arith.constant 0 : i32
      %dma_wait3A_242 = tpu.memref_slice %arg4[%dma_wait3A_240, %dma_wait3A_241] : memref<20000x64xf32, #tpu.memory_space<hbm>> -> memref<125x64xf32, #tpu.memory_space<hbm>>
      %dma_wait3A_243 = arith.constant 0 : i32
      %dma_wait3A_244 = arith.constant 0 : i32
      %dma_wait3A_245 = tpu.memref_slice %arg4[%dma_wait3A_243, %dma_wait3A_244] : memref<20000x64xf32, #tpu.memory_space<hbm>> -> memref<125x64xf32, #tpu.memory_space<hbm>>
      tpu.wait_dma2 semaphore(%arg19 : memref<!tpu.dma_semaphore, #tpu.memory_space<semaphore_mem>>) src(%dma_wait3A_245 : memref<125x64xf32, #tpu.memory_space<hbm>>) dst(%arg10 : memref<125x64xf32, #tpu.memory_space<vmem>>)
      %add3A_246 = arith.constant 2 : i32
      %add3A_247 = arith.addi %add3A_227, %add3A_246 : i32
      %min3A = arith.constant 159 : i32
      %min3A_248 = arith.minsi %add3A_247, %min3A : i32
      %dma_start3A_249 = arith.constant 0 : i32
      %dma_start3A_250 = tpu.memref_slice %arg6[%min3A_248, %dma_start3A_249] : memref<160x125xi32, #tpu.memory_space<vmem>> -> memref<1x125xi32, #tpu.memory_space<vmem>>
      %dma_start3A_251 = tpu.memref_squeeze %dma_start3A_250 : memref<1x125xi32, #tpu.memory_space<vmem>> -> memref<125xi32, #tpu.memory_space<vmem>>
      %dma_start3A_252 = arith.constant 0 : i32
      %dma_start3A_253 = arith.constant 0 : i32
      %dma_start3A_254 = tpu.memref_slice %arg4[%dma_start3A_252, %dma_start3A_253] : memref<20000x64xf32, #tpu.memory_space<hbm>> -> memref<20000x64xf32, #tpu.memory_space<hbm>>
      tpu.enqueue_indirect_dma source(%dma_start3A_254 : memref<20000x64xf32, #tpu.memory_space<hbm>>) target(%arg10 : memref<125x64xf32, #tpu.memory_space<vmem>>) offsets(%dma_start3A_251 : memref<125xi32, #tpu.memory_space<vmem>>) semaphore(%arg15 : memref<!tpu.dma_semaphore, #tpu.memory_space<semaphore_mem>>)
      %mul3A_255 = arith.constant 4 : i32
      %mul3A_256 = arith.muli %scan3A_223, %mul3A_255 : i32
      %add3A_257 = arith.constant 1 : i32
      %add3A_258 = arith.addi %mul3A_256, %add3A_257 : i32
      %dma_wait3A_259 = arith.constant 0 : i32
      %dma_wait3A_260 = arith.constant 0 : i32
      %dma_wait3A_261 = tpu.memref_slice %arg4[%dma_wait3A_259, %dma_wait3A_260] : memref<20000x64xf32, #tpu.memory_space<hbm>> -> memref<125x64xf32, #tpu.memory_space<hbm>>
      %dma_wait3A_262 = arith.constant 0 : i32
      %dma_wait3A_263 = arith.constant 0 : i32
      %dma_wait3A_264 = tpu.memref_slice %arg4[%dma_wait3A_262, %dma_wait3A_263] : memref<20000x64xf32, #tpu.memory_space<hbm>> -> memref<125x64xf32, #tpu.memory_space<hbm>>
      tpu.wait_dma2 semaphore(%arg14 : memref<!tpu.dma_semaphore, #tpu.memory_space<semaphore_mem>>) src(%dma_wait3A_264 : memref<125x64xf32, #tpu.memory_space<hbm>>) dst(%arg9 : memref<125x64xf32, #tpu.memory_space<vmem>>)
      %dma_start3A_265 = arith.constant 0 : i32
      %dma_start3A_266 = tpu.memref_slice %arg7[%add3A_258, %dma_start3A_265] : memref<160x125xi32, #tpu.memory_space<vmem>> -> memref<1x125xi32, #tpu.memory_space<vmem>>
      %dma_start3A_267 = tpu.memref_squeeze %dma_start3A_266 : memref<1x125xi32, #tpu.memory_space<vmem>> -> memref<125xi32, #tpu.memory_space<vmem>>
      %dma_start3A_268 = arith.constant 0 : i32
      %dma_start3A_269 = arith.constant 0 : i32
      %dma_start3A_270 = tpu.memref_slice %arg12[%dma_start3A_268, %dma_start3A_269] : memref<10000x64xf32, #tpu.memory_space<vmem_shared>> -> memref<10000x64xf32, #tpu.memory_space<vmem_shared>>
      tpu.enqueue_indirect_dma source(%arg9 : memref<125x64xf32, #tpu.memory_space<vmem>>) target(%dma_start3A_270 : memref<10000x64xf32, #tpu.memory_space<vmem_shared>>) offsets(%dma_start3A_267 : memref<125xi32, #tpu.memory_space<vmem>>) semaphore(%arg18 : memref<!tpu.dma_semaphore, #tpu.memory_space<semaphore_mem>>) {add = true}
      %dma_wait3A_271 = arith.constant 0 : i32
      %dma_wait3A_272 = arith.constant 0 : i32
      %dma_wait3A_273 = tpu.memref_slice %arg4[%dma_wait3A_271, %dma_wait3A_272] : memref<20000x64xf32, #tpu.memory_space<hbm>> -> memref<125x64xf32, #tpu.memory_space<hbm>>
      %dma_wait3A_274 = arith.constant 0 : i32
      %dma_wait3A_275 = arith.constant 0 : i32
      %dma_wait3A_276 = tpu.memref_slice %arg4[%dma_wait3A_274, %dma_wait3A_275] : memref<20000x64xf32, #tpu.memory_space<hbm>> -> memref<125x64xf32, #tpu.memory_space<hbm>>
      tpu.wait_dma2 semaphore(%arg20 : memref<!tpu.dma_semaphore, #tpu.memory_space<semaphore_mem>>) src(%dma_wait3A_276 : memref<125x64xf32, #tpu.memory_space<hbm>>) dst(%arg11 : memref<125x64xf32, #tpu.memory_space<vmem>>)
      %add3A_277 = arith.constant 2 : i32
      %add3A_278 = arith.addi %add3A_258, %add3A_277 : i32
      %min3A_279 = arith.constant 159 : i32
      %min3A_280 = arith.minsi %add3A_278, %min3A_279 : i32
      %dma_start3A_281 = arith.constant 0 : i32
      %dma_start3A_282 = tpu.memref_slice %arg6[%min3A_280, %dma_start3A_281] : memref<160x125xi32, #tpu.memory_space<vmem>> -> memref<1x125xi32, #tpu.memory_space<vmem>>
      %dma_start3A_283 = tpu.memref_squeeze %dma_start3A_282 : memref<1x125xi32, #tpu.memory_space<vmem>> -> memref<125xi32, #tpu.memory_space<vmem>>
      %dma_start3A_284 = arith.constant 0 : i32
      %dma_start3A_285 = arith.constant 0 : i32
      %dma_start3A_286 = tpu.memref_slice %arg4[%dma_start3A_284, %dma_start3A_285] : memref<20000x64xf32, #tpu.memory_space<hbm>> -> memref<20000x64xf32, #tpu.memory_space<hbm>>
      tpu.enqueue_indirect_dma source(%dma_start3A_286 : memref<20000x64xf32, #tpu.memory_space<hbm>>) target(%arg11 : memref<125x64xf32, #tpu.memory_space<vmem>>) offsets(%dma_start3A_283 : memref<125xi32, #tpu.memory_space<vmem>>) semaphore(%arg16 : memref<!tpu.dma_semaphore, #tpu.memory_space<semaphore_mem>>)
      %mul3A_287 = arith.constant 4 : i32
      %mul3A_288 = arith.muli %scan3A_223, %mul3A_287 : i32
      %add3A_289 = arith.constant 2 : i32
      %add3A_290 = arith.addi %mul3A_288, %add3A_289 : i32
      %dma_wait3A_291 = arith.constant 0 : i32
      %dma_wait3A_292 = arith.constant 0 : i32
      %dma_wait3A_293 = tpu.memref_slice %arg4[%dma_wait3A_291, %dma_wait3A_292] : memref<20000x64xf32, #tpu.memory_space<hbm>> -> memref<125x64xf32, #tpu.memory_space<hbm>>
      %dma_wait3A_294 = arith.constant 0 : i32
      %dma_wait3A_295 = arith.constant 0 : i32
      %dma_wait3A_296 = tpu.memref_slice %arg4[%dma_wait3A_294, %dma_wait3A_295] : memref<20000x64xf32, #tpu.memory_space<hbm>> -> memref<125x64xf32, #tpu.memory_space<hbm>>
      tpu.wait_dma2 semaphore(%arg15 : memref<!tpu.dma_semaphore, #tpu.memory_space<semaphore_mem>>) src(%dma_wait3A_296 : memref<125x64xf32, #tpu.memory_space<hbm>>) dst(%arg10 : memref<125x64xf32, #tpu.memory_space<vmem>>)
      %dma_start3A_297 = arith.constant 0 : i32
      %dma_start3A_298 = tpu.memref_slice %arg7[%add3A_290, %dma_start3A_297] : memref<160x125xi32, #tpu.memory_space<vmem>> -> memref<1x125xi32, #tpu.memory_space<vmem>>
      %dma_start3A_299 = tpu.memref_squeeze %dma_start3A_298 : memref<1x125xi32, #tpu.memory_space<vmem>> -> memref<125xi32, #tpu.memory_space<vmem>>
      %dma_start3A_300 = arith.constant 0 : i32
      %dma_start3A_301 = arith.constant 0 : i32
      %dma_start3A_302 = tpu.memref_slice %arg12[%dma_start3A_300, %dma_start3A_301] : memref<10000x64xf32, #tpu.memory_space<vmem_shared>> -> memref<10000x64xf32, #tpu.memory_space<vmem_shared>>
      tpu.enqueue_indirect_dma source(%arg10 : memref<125x64xf32, #tpu.memory_space<vmem>>) target(%dma_start3A_302 : memref<10000x64xf32, #tpu.memory_space<vmem_shared>>) offsets(%dma_start3A_299 : memref<125xi32, #tpu.memory_space<vmem>>) semaphore(%arg19 : memref<!tpu.dma_semaphore, #tpu.memory_space<semaphore_mem>>) {add = true}
      %dma_wait3A_303 = arith.constant 0 : i32
      %dma_wait3A_304 = arith.constant 0 : i32
      %dma_wait3A_305 = tpu.memref_slice %arg4[%dma_wait3A_303, %dma_wait3A_304] : memref<20000x64xf32, #tpu.memory_space<hbm>> -> memref<125x64xf32, #tpu.memory_space<hbm>>
      %dma_wait3A_306 = arith.constant 0 : i32
      %dma_wait3A_307 = arith.constant 0 : i32
      %dma_wait3A_308 = tpu.memref_slice %arg4[%dma_wait3A_306, %dma_wait3A_307] : memref<20000x64xf32, #tpu.memory_space<hbm>> -> memref<125x64xf32, #tpu.memory_space<hbm>>
      tpu.wait_dma2 semaphore(%arg17 : memref<!tpu.dma_semaphore, #tpu.memory_space<semaphore_mem>>) src(%dma_wait3A_308 : memref<125x64xf32, #tpu.memory_space<hbm>>) dst(%arg8 : memref<125x64xf32, #tpu.memory_space<vmem>>)
      %add3A_309 = arith.constant 2 : i32
      %add3A_310 = arith.addi %add3A_290, %add3A_309 : i32
      %min3A_311 = arith.constant 159 : i32
      %min3A_312 = arith.minsi %add3A_310, %min3A_311 : i32
      %dma_start3A_313 = arith.constant 0 : i32
      %dma_start3A_314 = tpu.memref_slice %arg6[%min3A_312, %dma_start3A_313] : memref<160x125xi32, #tpu.memory_space<vmem>> -> memref<1x125xi32, #tpu.memory_space<vmem>>
      %dma_start3A_315 = tpu.memref_squeeze %dma_start3A_314 : memref<1x125xi32, #tpu.memory_space<vmem>> -> memref<125xi32, #tpu.memory_space<vmem>>
      %dma_start3A_316 = arith.constant 0 : i32
      %dma_start3A_317 = arith.constant 0 : i32
      %dma_start3A_318 = tpu.memref_slice %arg4[%dma_start3A_316, %dma_start3A_317] : memref<20000x64xf32, #tpu.memory_space<hbm>> -> memref<20000x64xf32, #tpu.memory_space<hbm>>
      tpu.enqueue_indirect_dma source(%dma_start3A_318 : memref<20000x64xf32, #tpu.memory_space<hbm>>) target(%arg8 : memref<125x64xf32, #tpu.memory_space<vmem>>) offsets(%dma_start3A_315 : memref<125xi32, #tpu.memory_space<vmem>>) semaphore(%arg13 : memref<!tpu.dma_semaphore, #tpu.memory_space<semaphore_mem>>)
      %mul3A_319 = arith.constant 4 : i32
      %mul3A_320 = arith.muli %scan3A_223, %mul3A_319 : i32
      %add3A_321 = arith.constant 3 : i32
      %add3A_322 = arith.addi %mul3A_320, %add3A_321 : i32
      %dma_wait3A_323 = arith.constant 0 : i32
      %dma_wait3A_324 = arith.constant 0 : i32
      %dma_wait3A_325 = tpu.memref_slice %arg4[%dma_wait3A_323, %dma_wait3A_324] : memref<20000x64xf32, #tpu.memory_space<hbm>> -> memref<125x64xf32, #tpu.memory_space<hbm>>
      %dma_wait3A_326 = arith.constant 0 : i32
      %dma_wait3A_327 = arith.constant 0 : i32
      %dma_wait3A_328 = tpu.memref_slice %arg4[%dma_wait3A_326, %dma_wait3A_327] : memref<20000x64xf32, #tpu.memory_space<hbm>> -> memref<125x64xf32, #tpu.memory_space<hbm>>
      tpu.wait_dma2 semaphore(%arg16 : memref<!tpu.dma_semaphore, #tpu.memory_space<semaphore_mem>>) src(%dma_wait3A_328 : memref<125x64xf32, #tpu.memory_space<hbm>>) dst(%arg11 : memref<125x64xf32, #tpu.memory_space<vmem>>)
      %dma_start3A_329 = arith.constant 0 : i32
      %dma_start3A_330 = tpu.memref_slice %arg7[%add3A_322, %dma_start3A_329] : memref<160x125xi32, #tpu.memory_space<vmem>> -> memref<1x125xi32, #tpu.memory_space<vmem>>
      %dma_start3A_331 = tpu.memref_squeeze %dma_start3A_330 : memref<1x125xi32, #tpu.memory_space<vmem>> -> memref<125xi32, #tpu.memory_space<vmem>>
      %dma_start3A_332 = arith.constant 0 : i32
      %dma_start3A_333 = arith.constant 0 : i32
      %dma_start3A_334 = tpu.memref_slice %arg12[%dma_start3A_332, %dma_start3A_333] : memref<10000x64xf32, #tpu.memory_space<vmem_shared>> -> memref<10000x64xf32, #tpu.memory_space<vmem_shared>>
      tpu.enqueue_indirect_dma source(%arg11 : memref<125x64xf32, #tpu.memory_space<vmem>>) target(%dma_start3A_334 : memref<10000x64xf32, #tpu.memory_space<vmem_shared>>) offsets(%dma_start3A_331 : memref<125xi32, #tpu.memory_space<vmem>>) semaphore(%arg20 : memref<!tpu.dma_semaphore, #tpu.memory_space<semaphore_mem>>) {add = true}
      %dma_wait3A_335 = arith.constant 0 : i32
      %dma_wait3A_336 = arith.constant 0 : i32
      %dma_wait3A_337 = tpu.memref_slice %arg4[%dma_wait3A_335, %dma_wait3A_336] : memref<20000x64xf32, #tpu.memory_space<hbm>> -> memref<125x64xf32, #tpu.memory_space<hbm>>
      %dma_wait3A_338 = arith.constant 0 : i32
      %dma_wait3A_339 = arith.constant 0 : i32
      %dma_wait3A_340 = tpu.memref_slice %arg4[%dma_wait3A_338, %dma_wait3A_339] : memref<20000x64xf32, #tpu.memory_space<hbm>> -> memref<125x64xf32, #tpu.memory_space<hbm>>
      tpu.wait_dma2 semaphore(%arg18 : memref<!tpu.dma_semaphore, #tpu.memory_space<semaphore_mem>>) src(%dma_wait3A_340 : memref<125x64xf32, #tpu.memory_space<hbm>>) dst(%arg9 : memref<125x64xf32, #tpu.memory_space<vmem>>)
      %add3A_341 = arith.constant 2 : i32
      %add3A_342 = arith.addi %add3A_322, %add3A_341 : i32
      %min3A_343 = arith.constant 159 : i32
      %min3A_344 = arith.minsi %add3A_342, %min3A_343 : i32
      %dma_start3A_345 = arith.constant 0 : i32
      %dma_start3A_346 = tpu.memref_slice %arg6[%min3A_344, %dma_start3A_345] : memref<160x125xi32, #tpu.memory_space<vmem>> -> memref<1x125xi32, #tpu.memory_space<vmem>>
      %dma_start3A_347 = tpu.memref_squeeze %dma_start3A_346 : memref<1x125xi32, #tpu.memory_space<vmem>> -> memref<125xi32, #tpu.memory_space<vmem>>
      %dma_start3A_348 = arith.constant 0 : i32
      %dma_start3A_349 = arith.constant 0 : i32
      %dma_start3A_350 = tpu.memref_slice %arg4[%dma_start3A_348, %dma_start3A_349] : memref<20000x64xf32, #tpu.memory_space<hbm>> -> memref<20000x64xf32, #tpu.memory_space<hbm>>
      tpu.enqueue_indirect_dma source(%dma_start3A_350 : memref<20000x64xf32, #tpu.memory_space<hbm>>) target(%arg9 : memref<125x64xf32, #tpu.memory_space<vmem>>) offsets(%dma_start3A_347 : memref<125xi32, #tpu.memory_space<vmem>>) semaphore(%arg14 : memref<!tpu.dma_semaphore, #tpu.memory_space<semaphore_mem>>)
    }
    %scan3A_137 = arith.constant 39 : i32
    %dma_wait3A_138 = arith.constant 0 : i32
    %dma_wait3A_139 = arith.constant 0 : i32
    %dma_wait3A_140 = tpu.memref_slice %arg4[%dma_wait3A_138, %dma_wait3A_139] : memref<20000x64xf32, #tpu.memory_space<hbm>> -> memref<125x64xf32, #tpu.memory_space<hbm>>
    %dma_wait3A_141 = arith.constant 0 : i32
    %dma_wait3A_142 = arith.constant 0 : i32
    %dma_wait3A_143 = tpu.memref_slice %arg4[%dma_wait3A_141, %dma_wait3A_142] : memref<20000x64xf32, #tpu.memory_space<hbm>> -> memref<125x64xf32, #tpu.memory_space<hbm>>
    tpu.wait_dma2 semaphore(%arg13 : memref<!tpu.dma_semaphore, #tpu.memory_space<semaphore_mem>>) src(%dma_wait3A_143 : memref<125x64xf32, #tpu.memory_space<hbm>>) dst(%arg8 : memref<125x64xf32, #tpu.memory_space<vmem>>)
    %dma_wait3A_144 = arith.constant 0 : i32
    %dma_wait3A_145 = arith.constant 0 : i32
    %dma_wait3A_146 = tpu.memref_slice %arg4[%dma_wait3A_144, %dma_wait3A_145] : memref<20000x64xf32, #tpu.memory_space<hbm>> -> memref<125x64xf32, #tpu.memory_space<hbm>>
    %dma_wait3A_147 = arith.constant 0 : i32
    %dma_wait3A_148 = arith.constant 0 : i32
    %dma_wait3A_149 = tpu.memref_slice %arg4[%dma_wait3A_147, %dma_wait3A_148] : memref<20000x64xf32, #tpu.memory_space<hbm>> -> memref<125x64xf32, #tpu.memory_space<hbm>>
    tpu.wait_dma2 semaphore(%arg14 : memref<!tpu.dma_semaphore, #tpu.memory_space<semaphore_mem>>) src(%dma_wait3A_149 : memref<125x64xf32, #tpu.memory_space<hbm>>) dst(%arg9 : memref<125x64xf32, #tpu.memory_space<vmem>>)
    %dma_wait3A_150 = arith.constant 0 : i32
    %dma_wait3A_151 = arith.constant 0 : i32
    %dma_wait3A_152 = tpu.memref_slice %arg4[%dma_wait3A_150, %dma_wait3A_151] : memref<20000x64xf32, #tpu.memory_space<hbm>> -> memref<125x64xf32, #tpu.memory_space<hbm>>
    %dma_wait3A_153 = arith.constant 0 : i32
    %dma_wait3A_154 = arith.constant 0 : i32
    %dma_wait3A_155 = tpu.memref_slice %arg4[%dma_wait3A_153, %dma_wait3A_154] : memref<20000x64xf32, #tpu.memory_space<hbm>> -> memref<125x64xf32, #tpu.memory_space<hbm>>
    tpu.wait_dma2 semaphore(%arg19 : memref<!tpu.dma_semaphore, #tpu.memory_space<semaphore_mem>>) src(%dma_wait3A_155 : memref<125x64xf32, #tpu.memory_space<hbm>>) dst(%arg10 : memref<125x64xf32, #tpu.memory_space<vmem>>)
    %dma_wait3A_156 = arith.constant 0 : i32
    %dma_wait3A_157 = arith.constant 0 : i32
    %dma_wait3A_158 = tpu.memref_slice %arg4[%dma_wait3A_156, %dma_wait3A_157] : memref<20000x64xf32, #tpu.memory_space<hbm>> -> memref<125x64xf32, #tpu.memory_space<hbm>>
    %dma_wait3A_159 = arith.constant 0 : i32
    %dma_wait3A_160 = arith.constant 0 : i32
    %dma_wait3A_161 = tpu.memref_slice %arg4[%dma_wait3A_159, %dma_wait3A_160] : memref<20000x64xf32, #tpu.memory_space<hbm>> -> memref<125x64xf32, #tpu.memory_space<hbm>>
    tpu.wait_dma2 semaphore(%arg20 : memref<!tpu.dma_semaphore, #tpu.memory_space<semaphore_mem>>) src(%dma_wait3A_161 : memref<125x64xf32, #tpu.memory_space<hbm>>) dst(%arg11 : memref<125x64xf32, #tpu.memory_space<vmem>>)
    %barrier3A_162 = arith.constant 0 : index
    tpu.barrier barrier_id(%barrier3A_162)
    %mul3A_163 = arith.constant 625 : i32
    %mul3A_164 = arith.muli %arg1, %mul3A_163 : i32
    %add3A_165 = arith.constant 0 : i32
    %add3A_166 = arith.addi %mul3A_164, %add3A_165 : i32
    "tpu.region"() ({
      %run_scoped3A = tpu.sem_alloc : memref<!tpu.dma_semaphore, #tpu.memory_space<semaphore_mem>>
      %dma_start3A_223 = arith.constant 0 : i32
      %dma_start3A_224 = tpu.memref_slice %arg12[%add3A_166, %dma_start3A_223] : memref<10000x64xf32, #tpu.memory_space<vmem_shared>> -> memref<125x64xf32, #tpu.memory_space<vmem_shared>>
      %dma_start3A_225 = arith.constant 0 : i32
      %dma_start3A_226 = tpu.memref_slice %arg12[%add3A_166, %dma_start3A_225] : memref<10000x64xf32, #tpu.memory_space<vmem_shared>> -> memref<125x64xf32, #tpu.memory_space<vmem_shared>>
      tpu.enqueue_dma source(%dma_start3A_226 : memref<125x64xf32, #tpu.memory_space<vmem_shared>>) target(%arg8 : memref<125x64xf32, #tpu.memory_space<vmem>>) target_semaphore(%run_scoped3A : memref<!tpu.dma_semaphore, #tpu.memory_space<semaphore_mem>>)
      %dma_wait3A_227 = arith.constant 0 : i32
      %dma_wait3A_228 = tpu.memref_slice %arg12[%add3A_166, %dma_wait3A_227] : memref<10000x64xf32, #tpu.memory_space<vmem_shared>> -> memref<125x64xf32, #tpu.memory_space<vmem_shared>>
      %dma_wait3A_229 = arith.constant 0 : i32
      %dma_wait3A_230 = tpu.memref_slice %arg12[%add3A_166, %dma_wait3A_229] : memref<10000x64xf32, #tpu.memory_space<vmem_shared>> -> memref<125x64xf32, #tpu.memory_space<vmem_shared>>
      tpu.wait_dma2 semaphore(%run_scoped3A : memref<!tpu.dma_semaphore, #tpu.memory_space<semaphore_mem>>) src(%dma_wait3A_230 : memref<125x64xf32, #tpu.memory_space<vmem_shared>>) dst(%arg8 : memref<125x64xf32, #tpu.memory_space<vmem>>)
      tpu.yield
    }) : () -> ()
    %dma_start3A_167 = tpu.memref_slice %arg5[%add3A_166, %mul3A_0] : memref<10000x128xf32, #tpu.memory_space<hbm>> -> memref<125x64xf32, #tpu.memory_space<hbm>>
    %dma_start3A_168 = tpu.memref_slice %arg5[%add3A_166, %mul3A_0] : memref<10000x128xf32, #tpu.memory_space<hbm>> -> memref<125x64xf32, #tpu.memory_space<hbm>>
    tpu.enqueue_dma source(%arg8 : memref<125x64xf32, #tpu.memory_space<vmem>>) target(%dma_start3A_168 : memref<125x64xf32, #tpu.memory_space<hbm>>) target_semaphore(%arg13 : memref<!tpu.dma_semaphore, #tpu.memory_space<semaphore_mem>>)
    %mul3A_169 = arith.constant 625 : i32
    %mul3A_170 = arith.muli %arg1, %mul3A_169 : i32
    %add3A_171 = arith.constant 125 : i32
    %add3A_172 = arith.addi %mul3A_170, %add3A_171 : i32
    "tpu.region"() ({
      %run_scoped3A = tpu.sem_alloc : memref<!tpu.dma_semaphore, #tpu.memory_space<semaphore_mem>>
      %dma_start3A_223 = arith.constant 0 : i32
      %dma_start3A_224 = tpu.memref_slice %arg12[%add3A_172, %dma_start3A_223] : memref<10000x64xf32, #tpu.memory_space<vmem_shared>> -> memref<125x64xf32, #tpu.memory_space<vmem_shared>>
      %dma_start3A_225 = arith.constant 0 : i32
      %dma_start3A_226 = tpu.memref_slice %arg12[%add3A_172, %dma_start3A_225] : memref<10000x64xf32, #tpu.memory_space<vmem_shared>> -> memref<125x64xf32, #tpu.memory_space<vmem_shared>>
      tpu.enqueue_dma source(%dma_start3A_226 : memref<125x64xf32, #tpu.memory_space<vmem_shared>>) target(%arg9 : memref<125x64xf32, #tpu.memory_space<vmem>>) target_semaphore(%run_scoped3A : memref<!tpu.dma_semaphore, #tpu.memory_space<semaphore_mem>>)
      %dma_wait3A_227 = arith.constant 0 : i32
      %dma_wait3A_228 = tpu.memref_slice %arg12[%add3A_172, %dma_wait3A_227] : memref<10000x64xf32, #tpu.memory_space<vmem_shared>> -> memref<125x64xf32, #tpu.memory_space<vmem_shared>>
      %dma_wait3A_229 = arith.constant 0 : i32
      %dma_wait3A_230 = tpu.memref_slice %arg12[%add3A_172, %dma_wait3A_229] : memref<10000x64xf32, #tpu.memory_space<vmem_shared>> -> memref<125x64xf32, #tpu.memory_space<vmem_shared>>
      tpu.wait_dma2 semaphore(%run_scoped3A : memref<!tpu.dma_semaphore, #tpu.memory_space<semaphore_mem>>) src(%dma_wait3A_230 : memref<125x64xf32, #tpu.memory_space<vmem_shared>>) dst(%arg9 : memref<125x64xf32, #tpu.memory_space<vmem>>)
      tpu.yield
    }) : () -> ()
    %dma_start3A_173 = tpu.memref_slice %arg5[%add3A_172, %mul3A_0] : memref<10000x128xf32, #tpu.memory_space<hbm>> -> memref<125x64xf32, #tpu.memory_space<hbm>>
    %dma_start3A_174 = tpu.memref_slice %arg5[%add3A_172, %mul3A_0] : memref<10000x128xf32, #tpu.memory_space<hbm>> -> memref<125x64xf32, #tpu.memory_space<hbm>>
    tpu.enqueue_dma source(%arg9 : memref<125x64xf32, #tpu.memory_space<vmem>>) target(%dma_start3A_174 : memref<125x64xf32, #tpu.memory_space<hbm>>) target_semaphore(%arg14 : memref<!tpu.dma_semaphore, #tpu.memory_space<semaphore_mem>>)
    %mul3A_175 = arith.constant 625 : i32
    %mul3A_176 = arith.muli %arg1, %mul3A_175 : i32
    %add3A_177 = arith.constant 250 : i32
    %add3A_178 = arith.addi %mul3A_176, %add3A_177 : i32
    %dma_wait3A_179 = arith.constant 0 : i32
    %dma_wait3A_180 = arith.constant 0 : i32
    %dma_wait3A_181 = tpu.memref_slice %arg4[%dma_wait3A_179, %dma_wait3A_180] : memref<20000x64xf32, #tpu.memory_space<hbm>> -> memref<125x64xf32, #tpu.memory_space<hbm>>
    %dma_wait3A_182 = arith.constant 0 : i32
    %dma_wait3A_183 = arith.constant 0 : i32
    %dma_wait3A_184 = tpu.memref_slice %arg4[%dma_wait3A_182, %dma_wait3A_183] : memref<20000x64xf32, #tpu.memory_space<hbm>> -> memref<125x64xf32, #tpu.memory_space<hbm>>
    tpu.wait_dma2 semaphore(%arg13 : memref<!tpu.dma_semaphore, #tpu.memory_space<semaphore_mem>>) src(%dma_wait3A_184 : memref<125x64xf32, #tpu.memory_space<hbm>>) dst(%arg8 : memref<125x64xf32, #tpu.memory_space<vmem>>)
    "tpu.region"() ({
      %run_scoped3A = tpu.sem_alloc : memref<!tpu.dma_semaphore, #tpu.memory_space<semaphore_mem>>
      %dma_start3A_223 = arith.constant 0 : i32
      %dma_start3A_224 = tpu.memref_slice %arg12[%add3A_178, %dma_start3A_223] : memref<10000x64xf32, #tpu.memory_space<vmem_shared>> -> memref<125x64xf32, #tpu.memory_space<vmem_shared>>
      %dma_start3A_225 = arith.constant 0 : i32
      %dma_start3A_226 = tpu.memref_slice %arg12[%add3A_178, %dma_start3A_225] : memref<10000x64xf32, #tpu.memory_space<vmem_shared>> -> memref<125x64xf32, #tpu.memory_space<vmem_shared>>
      tpu.enqueue_dma source(%dma_start3A_226 : memref<125x64xf32, #tpu.memory_space<vmem_shared>>) target(%arg8 : memref<125x64xf32, #tpu.memory_space<vmem>>) target_semaphore(%run_scoped3A : memref<!tpu.dma_semaphore, #tpu.memory_space<semaphore_mem>>)
      %dma_wait3A_227 = arith.constant 0 : i32
      %dma_wait3A_228 = tpu.memref_slice %arg12[%add3A_178, %dma_wait3A_227] : memref<10000x64xf32, #tpu.memory_space<vmem_shared>> -> memref<125x64xf32, #tpu.memory_space<vmem_shared>>
      %dma_wait3A_229 = arith.constant 0 : i32
      %dma_wait3A_230 = tpu.memref_slice %arg12[%add3A_178, %dma_wait3A_229] : memref<10000x64xf32, #tpu.memory_space<vmem_shared>> -> memref<125x64xf32, #tpu.memory_space<vmem_shared>>
      tpu.wait_dma2 semaphore(%run_scoped3A : memref<!tpu.dma_semaphore, #tpu.memory_space<semaphore_mem>>) src(%dma_wait3A_230 : memref<125x64xf32, #tpu.memory_space<vmem_shared>>) dst(%arg8 : memref<125x64xf32, #tpu.memory_space<vmem>>)
      tpu.yield
    }) : () -> ()
    %dma_start3A_185 = tpu.memref_slice %arg5[%add3A_178, %mul3A_0] : memref<10000x128xf32, #tpu.memory_space<hbm>> -> memref<125x64xf32, #tpu.memory_space<hbm>>
    %dma_start3A_186 = tpu.memref_slice %arg5[%add3A_178, %mul3A_0] : memref<10000x128xf32, #tpu.memory_space<hbm>> -> memref<125x64xf32, #tpu.memory_space<hbm>>
    tpu.enqueue_dma source(%arg8 : memref<125x64xf32, #tpu.memory_space<vmem>>) target(%dma_start3A_186 : memref<125x64xf32, #tpu.memory_space<hbm>>) target_semaphore(%arg13 : memref<!tpu.dma_semaphore, #tpu.memory_space<semaphore_mem>>)
    %mul3A_187 = arith.constant 625 : i32
    %mul3A_188 = arith.muli %arg1, %mul3A_187 : i32
    %add3A_189 = arith.constant 375 : i32
    %add3A_190 = arith.addi %mul3A_188, %add3A_189 : i32
    %dma_wait3A_191 = arith.constant 0 : i32
    %dma_wait3A_192 = arith.constant 0 : i32
    %dma_wait3A_193 = tpu.memref_slice %arg4[%dma_wait3A_191, %dma_wait3A_192] : memref<20000x64xf32, #tpu.memory_space<hbm>> -> memref<125x64xf32, #tpu.memory_space<hbm>>
    %dma_wait3A_194 = arith.constant 0 : i32
    %dma_wait3A_195 = arith.constant 0 : i32
    %dma_wait3A_196 = tpu.memref_slice %arg4[%dma_wait3A_194, %dma_wait3A_195] : memref<20000x64xf32, #tpu.memory_space<hbm>> -> memref<125x64xf32, #tpu.memory_space<hbm>>
    tpu.wait_dma2 semaphore(%arg14 : memref<!tpu.dma_semaphore, #tpu.memory_space<semaphore_mem>>) src(%dma_wait3A_196 : memref<125x64xf32, #tpu.memory_space<hbm>>) dst(%arg9 : memref<125x64xf32, #tpu.memory_space<vmem>>)
    "tpu.region"() ({
      %run_scoped3A = tpu.sem_alloc : memref<!tpu.dma_semaphore, #tpu.memory_space<semaphore_mem>>
      %dma_start3A_223 = arith.constant 0 : i32
      %dma_start3A_224 = tpu.memref_slice %arg12[%add3A_190, %dma_start3A_223] : memref<10000x64xf32, #tpu.memory_space<vmem_shared>> -> memref<125x64xf32, #tpu.memory_space<vmem_shared>>
      %dma_start3A_225 = arith.constant 0 : i32
      %dma_start3A_226 = tpu.memref_slice %arg12[%add3A_190, %dma_start3A_225] : memref<10000x64xf32, #tpu.memory_space<vmem_shared>> -> memref<125x64xf32, #tpu.memory_space<vmem_shared>>
      tpu.enqueue_dma source(%dma_start3A_226 : memref<125x64xf32, #tpu.memory_space<vmem_shared>>) target(%arg9 : memref<125x64xf32, #tpu.memory_space<vmem>>) target_semaphore(%run_scoped3A : memref<!tpu.dma_semaphore, #tpu.memory_space<semaphore_mem>>)
      %dma_wait3A_227 = arith.constant 0 : i32
      %dma_wait3A_228 = tpu.memref_slice %arg12[%add3A_190, %dma_wait3A_227] : memref<10000x64xf32, #tpu.memory_space<vmem_shared>> -> memref<125x64xf32, #tpu.memory_space<vmem_shared>>
      %dma_wait3A_229 = arith.constant 0 : i32
      %dma_wait3A_230 = tpu.memref_slice %arg12[%add3A_190, %dma_wait3A_229] : memref<10000x64xf32, #tpu.memory_space<vmem_shared>> -> memref<125x64xf32, #tpu.memory_space<vmem_shared>>
      tpu.wait_dma2 semaphore(%run_scoped3A : memref<!tpu.dma_semaphore, #tpu.memory_space<semaphore_mem>>) src(%dma_wait3A_230 : memref<125x64xf32, #tpu.memory_space<vmem_shared>>) dst(%arg9 : memref<125x64xf32, #tpu.memory_space<vmem>>)
      tpu.yield
    }) : () -> ()
    %dma_start3A_197 = tpu.memref_slice %arg5[%add3A_190, %mul3A_0] : memref<10000x128xf32, #tpu.memory_space<hbm>> -> memref<125x64xf32, #tpu.memory_space<hbm>>
    %dma_start3A_198 = tpu.memref_slice %arg5[%add3A_190, %mul3A_0] : memref<10000x128xf32, #tpu.memory_space<hbm>> -> memref<125x64xf32, #tpu.memory_space<hbm>>
    tpu.enqueue_dma source(%arg9 : memref<125x64xf32, #tpu.memory_space<vmem>>) target(%dma_start3A_198 : memref<125x64xf32, #tpu.memory_space<hbm>>) target_semaphore(%arg14 : memref<!tpu.dma_semaphore, #tpu.memory_space<semaphore_mem>>)
    %mul3A_199 = arith.constant 625 : i32
    %mul3A_200 = arith.muli %arg1, %mul3A_199 : i32
    %add3A_201 = arith.constant 500 : i32
    %add3A_202 = arith.addi %mul3A_200, %add3A_201 : i32
    %dma_wait3A_203 = arith.constant 0 : i32
    %dma_wait3A_204 = arith.constant 0 : i32
    %dma_wait3A_205 = tpu.memref_slice %arg4[%dma_wait3A_203, %dma_wait3A_204] : memref<20000x64xf32, #tpu.memory_space<hbm>> -> memref<125x64xf32, #tpu.memory_space<hbm>>
    %dma_wait3A_206 = arith.constant 0 : i32
    %dma_wait3A_207 = arith.constant 0 : i32
    %dma_wait3A_208 = tpu.memref_slice %arg4[%dma_wait3A_206, %dma_wait3A_207] : memref<20000x64xf32, #tpu.memory_space<hbm>> -> memref<125x64xf32, #tpu.memory_space<hbm>>
    tpu.wait_dma2 semaphore(%arg13 : memref<!tpu.dma_semaphore, #tpu.memory_space<semaphore_mem>>) src(%dma_wait3A_208 : memref<125x64xf32, #tpu.memory_space<hbm>>) dst(%arg8 : memref<125x64xf32, #tpu.memory_space<vmem>>)
    "tpu.region"() ({
      %run_scoped3A = tpu.sem_alloc : memref<!tpu.dma_semaphore, #tpu.memory_space<semaphore_mem>>
      %dma_start3A_223 = arith.constant 0 : i32
      %dma_start3A_224 = tpu.memref_slice %arg12[%add3A_202, %dma_start3A_223] : memref<10000x64xf32, #tpu.memory_space<vmem_shared>> -> memref<125x64xf32, #tpu.memory_space<vmem_shared>>
      %dma_start3A_225 = arith.constant 0 : i32
      %dma_start3A_226 = tpu.memref_slice %arg12[%add3A_202, %dma_start3A_225] : memref<10000x64xf32, #tpu.memory_space<vmem_shared>> -> memref<125x64xf32, #tpu.memory_space<vmem_shared>>
      tpu.enqueue_dma source(%dma_start3A_226 : memref<125x64xf32, #tpu.memory_space<vmem_shared>>) target(%arg8 : memref<125x64xf32, #tpu.memory_space<vmem>>) target_semaphore(%run_scoped3A : memref<!tpu.dma_semaphore, #tpu.memory_space<semaphore_mem>>)
      %dma_wait3A_227 = arith.constant 0 : i32
      %dma_wait3A_228 = tpu.memref_slice %arg12[%add3A_202, %dma_wait3A_227] : memref<10000x64xf32, #tpu.memory_space<vmem_shared>> -> memref<125x64xf32, #tpu.memory_space<vmem_shared>>
      %dma_wait3A_229 = arith.constant 0 : i32
      %dma_wait3A_230 = tpu.memref_slice %arg12[%add3A_202, %dma_wait3A_229] : memref<10000x64xf32, #tpu.memory_space<vmem_shared>> -> memref<125x64xf32, #tpu.memory_space<vmem_shared>>
      tpu.wait_dma2 semaphore(%run_scoped3A : memref<!tpu.dma_semaphore, #tpu.memory_space<semaphore_mem>>) src(%dma_wait3A_230 : memref<125x64xf32, #tpu.memory_space<vmem_shared>>) dst(%arg8 : memref<125x64xf32, #tpu.memory_space<vmem>>)
      tpu.yield
    }) : () -> ()
    %dma_start3A_209 = tpu.memref_slice %arg5[%add3A_202, %mul3A_0] : memref<10000x128xf32, #tpu.memory_space<hbm>> -> memref<125x64xf32, #tpu.memory_space<hbm>>
    %dma_start3A_210 = tpu.memref_slice %arg5[%add3A_202, %mul3A_0] : memref<10000x128xf32, #tpu.memory_space<hbm>> -> memref<125x64xf32, #tpu.memory_space<hbm>>
    tpu.enqueue_dma source(%arg8 : memref<125x64xf32, #tpu.memory_space<vmem>>) target(%dma_start3A_210 : memref<125x64xf32, #tpu.memory_space<hbm>>) target_semaphore(%arg13 : memref<!tpu.dma_semaphore, #tpu.memory_space<semaphore_mem>>)
    %dma_wait3A_211 = arith.constant 0 : i32
    %dma_wait3A_212 = arith.constant 0 : i32
    %dma_wait3A_213 = tpu.memref_slice %arg4[%dma_wait3A_211, %dma_wait3A_212] : memref<20000x64xf32, #tpu.memory_space<hbm>> -> memref<125x64xf32, #tpu.memory_space<hbm>>
    %dma_wait3A_214 = arith.constant 0 : i32
    %dma_wait3A_215 = arith.constant 0 : i32
    %dma_wait3A_216 = tpu.memref_slice %arg4[%dma_wait3A_214, %dma_wait3A_215] : memref<20000x64xf32, #tpu.memory_space<hbm>> -> memref<125x64xf32, #tpu.memory_space<hbm>>
    tpu.wait_dma2 semaphore(%arg13 : memref<!tpu.dma_semaphore, #tpu.memory_space<semaphore_mem>>) src(%dma_wait3A_216 : memref<125x64xf32, #tpu.memory_space<hbm>>) dst(%arg8 : memref<125x64xf32, #tpu.memory_space<vmem>>)
    %dma_wait3A_217 = arith.constant 0 : i32
    %dma_wait3A_218 = arith.constant 0 : i32
    %dma_wait3A_219 = tpu.memref_slice %arg4[%dma_wait3A_217, %dma_wait3A_218] : memref<20000x64xf32, #tpu.memory_space<hbm>> -> memref<125x64xf32, #tpu.memory_space<hbm>>
    %dma_wait3A_220 = arith.constant 0 : i32
    %dma_wait3A_221 = arith.constant 0 : i32
    %dma_wait3A_222 = tpu.memref_slice %arg4[%dma_wait3A_220, %dma_wait3A_221] : memref<20000x64xf32, #tpu.memory_space<hbm>> -> memref<125x64xf32, #tpu.memory_space<hbm>>
    tpu.wait_dma2 semaphore(%arg14 : memref<!tpu.dma_semaphore, #tpu.memory_space<semaphore_mem>>) src(%dma_wait3A_222 : memref<125x64xf32, #tpu.memory_space<hbm>>) dst(%arg9 : memref<125x64xf32, #tpu.memory_space<vmem>>)
    return
  }
}

#map = affine_map<(d0, d1) -> (0, 0, 0)>
#map1 = affine_map<(d0, d1) -> (0, 0)>
module attributes {stable_mosaic.version = 14 : i64} {
  func.func @k(%arg0: i32, %arg1: i32, %arg2: memref<2x2560x125xi32, #tpu.memory_space<hbm>>, %arg3: memref<2560x125xi32, #tpu.memory_space<hbm>>, %arg4: memref<20000x64xf32, #tpu.memory_space<hbm>>, %arg5: memref<10000x128xf32, #tpu.memory_space<hbm>>, %arg6: memref<160x125xi32, #tpu.memory_space<vmem>>, %arg7: memref<160x125xi32, #tpu.memory_space<vmem>>, %arg8: memref<125x64xf32, #tpu.memory_space<vmem>>, %arg9: memref<125x64xf32, #tpu.memory_space<vmem>>, %arg10: memref<125x64xf32, #tpu.memory_space<vmem>>, %arg11: memref<125x64xf32, #tpu.memory_space<vmem>>, %arg12: memref<10000x64xf32, #tpu.memory_space<vmem_shared>>, %arg13: memref<!tpu.dma_semaphore, #tpu.memory_space<semaphore_mem>>, %arg14: memref<!tpu.dma_semaphore, #tpu.memory_space<semaphore_mem>>, %arg15: memref<!tpu.dma_semaphore, #tpu.memory_space<semaphore_mem>>, %arg16: memref<!tpu.dma_semaphore, #tpu.memory_space<semaphore_mem>>, %arg17: memref<!tpu.dma_semaphore, #tpu.memory_space<semaphore_mem>>, %arg18: memref<!tpu.dma_semaphore, #tpu.memory_space<semaphore_mem>>, %arg19: memref<!tpu.dma_semaphore, #tpu.memory_space<semaphore_mem>>, %arg20: memref<!tpu.dma_semaphore, #tpu.memory_space<semaphore_mem>>) attributes {dimension_semantics = [#tpu.dimension_semantics<core_parallel>, #tpu.dimension_semantics<subcore_parallel>], iteration_bounds = array<i64: 2, 16>, scalar_prefetch = 0 : i64, scratch_operands = 15 : i64, tpu.core_type = #tpu.core_type<sc_vector_subcore>, window_params = [{transform_indices = #map}, {transform_indices = #map1}, {transform_indices = #map1}, {transform_indices = #map1}]} {
    %mul3A = arith.constant 64 : i32
    %mul3A_0 = arith.muli %arg0, %mul3A : i32
    %broadcast_in_dim3A = arith.constant 0.000000e+00 : f32
    %broadcast_in_dim3A_1 = vector.broadcast %broadcast_in_dim3A : f32 to vector<16xf32>
    %scan3A = arith.constant 0 : i32
    %scan3A_2 = arith.constant 0 : i32
    %scan3A_3 = arith.constant 125 : i32
    %scan3A_4 = arith.addi %scan3A_2, %scan3A_3 : i32
    %scan3A_5 = arith.constant 1 : i32
    scf.for %scan3A_223 = %scan3A_2 to %scan3A_4 step %scan3A_5  : i32 {
      %swap3A = arith.index_cast %scan3A_223 : i32 to index
      %swap3A_224 = arith.constant 0 : index
      %swap3A_225 = tpu.vector_load %arg8[%swap3A, %swap3A_224] {strides = array<i32>} : memref<125x64xf32, #tpu.memory_space<vmem>>, vector<1x16xf32>,
      %swap3A_226 = vector.shape_cast %swap3A_225 : vector<1x16xf32> to vector<16xf32>
      %swap3A_227 = vector.shape_cast %broadcast_in_dim3A_1 : vector<16xf32> to vector<1x16xf32>
      tpu.vector_store %arg8[%swap3A, %swap3A_224], %swap3A_227 {strides = array<i32>} : memref<125x64xf32, #tpu.memory_space<vmem>>, vector<1x16xf32>,
      %swap3A_228 = arith.index_cast %scan3A_223 : i32 to index
      %swap3A_229 = arith.constant 16 : index
      %swap3A_230 = tpu.vector_load %arg8[%swap3A_228, %swap3A_229] {strides = array<i32>} : memref<125x64xf32, #tpu.memory_space<vmem>>, vector<1x16xf32>,
      %swap3A_231 = vector.shape_cast %swap3A_230 : vector<1x16xf32> to vector<16xf32>
      %swap3A_232 = vector.shape_cast %broadcast_in_dim3A_1 : vector<16xf32> to vector<1x16xf32>
      tpu.vector_store %arg8[%swap3A_228, %swap3A_229], %swap3A_232 {strides = array<i32>} : memref<125x64xf32, #tpu.memory_space<vmem>>, vector<1x16xf32>,
      %swap3A_233 = arith.index_cast %scan3A_223 : i32 to index
      %swap3A_234 = arith.constant 32 : index
      %swap3A_235 = tpu.vector_load %arg8[%swap3A_233, %swap3A_234] {strides = array<i32>} : memref<125x64xf32, #tpu.memory_space<vmem>>, vector<1x16xf32>,
      %swap3A_236 = vector.shape_cast %swap3A_235 : vector<1x16xf32> to vector<16xf32>
      %swap3A_237 = vector.shape_cast %broadcast_in_dim3A_1 : vector<16xf32> to vector<1x16xf32>
      tpu.vector_store %arg8[%swap3A_233, %swap3A_234], %swap3A_237 {strides = array<i32>} : memref<125x64xf32, #tpu.memory_space<vmem>>, vector<1x16xf32>,
      %swap3A_238 = arith.index_cast %scan3A_223 : i32 to index
      %swap3A_239 = arith.constant 48 : index
      %swap3A_240 = tpu.vector_load %arg8[%swap3A_238, %swap3A_239] {strides = array<i32>} : memref<125x64xf32, #tpu.memory_space<vmem>>, vector<1x16xf32>,
      %swap3A_241 = vector.shape_cast %swap3A_240 : vector<1x16xf32> to vector<16xf32>
      %swap3A_242 = vector.shape_cast %broadcast_in_dim3A_1 : vector<16xf32> to vector<1x16xf32>
      tpu.vector_store %arg8[%swap3A_238, %swap3A_239], %swap3A_242 {strides = array<i32>} : memref<125x64xf32, #tpu.memory_space<vmem>>, vector<1x16xf32>,
    }
    %scan3A_6 = arith.constant 125 : i32
    %mul3A_7 = arith.constant 625 : i32
    %mul3A_8 = arith.muli %arg1, %mul3A_7 : i32
    %add3A = arith.constant 0 : i32
    %add3A_9 = arith.addi %mul3A_8, %add3A : i32
    "tpu.region"() ({
      %run_scoped3A = tpu.sem_alloc : memref<!tpu.dma_semaphore, #tpu.memory_space<semaphore_mem>>
      %dma_start3A_223 = arith.constant 0 : i32
      %dma_start3A_224 = tpu.memref_slice %arg12[%add3A_9, %dma_start3A_223] : memref<10000x64xf32, #tpu.memory_space<vmem_shared>> -> memref<125x64xf32, #tpu.memory_space<vmem_shared>>
      %dma_start3A_225 = arith.constant 0 : i32
      %dma_start3A_226 = tpu.memref_slice %arg12[%add3A_9, %dma_start3A_225] : memref<10000x64xf32, #tpu.memory_space<vmem_shared>> -> memref<125x64xf32, #tpu.memory_space<vmem_shared>>
      tpu.enqueue_dma source(%arg8 : memref<125x64xf32, #tpu.memory_space<vmem>>) target(%dma_start3A_226 : memref<125x64xf32, #tpu.memory_space<vmem_shared>>) target_semaphore(%run_scoped3A : memref<!tpu.dma_semaphore, #tpu.memory_space<semaphore_mem>>)
      %dma_wait3A_227 = arith.constant 0 : i32
      %dma_wait3A_228 = tpu.memref_slice %arg12[%add3A_9, %dma_wait3A_227] : memref<10000x64xf32, #tpu.memory_space<vmem_shared>> -> memref<125x64xf32, #tpu.memory_space<vmem_shared>>
      %dma_wait3A_229 = arith.constant 0 : i32
      %dma_wait3A_230 = tpu.memref_slice %arg12[%add3A_9, %dma_wait3A_229] : memref<10000x64xf32, #tpu.memory_space<vmem_shared>> -> memref<125x64xf32, #tpu.memory_space<vmem_shared>>
      tpu.wait_dma2 semaphore(%run_scoped3A : memref<!tpu.dma_semaphore, #tpu.memory_space<semaphore_mem>>) src(%arg8 : memref<125x64xf32, #tpu.memory_space<vmem>>) dst(%dma_wait3A_230 : memref<125x64xf32, #tpu.memory_space<vmem_shared>>)
      tpu.yield
    }) : () -> ()
    %mul3A_10 = arith.constant 625 : i32
    %mul3A_11 = arith.muli %arg1, %mul3A_10 : i32
    %add3A_12 = arith.constant 125 : i32
    %add3A_13 = arith.addi %mul3A_11, %add3A_12 : i32
    "tpu.region"() ({
      %run_scoped3A = tpu.sem_alloc : memref<!tpu.dma_semaphore, #tpu.memory_space<semaphore_mem>>
      %dma_start3A_223 = arith.constant 0 : i32
      %dma_start3A_224 = tpu.memref_slice %arg12[%add3A_13, %dma_start3A_223] : memref<10000x64xf32, #tpu.memory_space<vmem_shared>> -> memref<125x64xf32, #tpu.memory_space<vmem_shared>>
      %dma_start3A_225 = arith.constant 0 : i32
      %dma_start3A_226 = tpu.memref_slice %arg12[%add3A_13, %dma_start3A_225] : memref<10000x64xf32, #tpu.memory_space<vmem_shared>> -> memref<125x64xf32, #tpu.memory_space<vmem_shared>>
      tpu.enqueue_dma source(%arg8 : memref<125x64xf32, #tpu.memory_space<vmem>>) target(%dma_start3A_226 : memref<125x64xf32, #tpu.memory_space<vmem_shared>>) target_semaphore(%run_scoped3A : memref<!tpu.dma_semaphore, #tpu.memory_space<semaphore_mem>>)
      %dma_wait3A_227 = arith.constant 0 : i32
      %dma_wait3A_228 = tpu.memref_slice %arg12[%add3A_13, %dma_wait3A_227] : memref<10000x64xf32, #tpu.memory_space<vmem_shared>> -> memref<125x64xf32, #tpu.memory_space<vmem_shared>>
      %dma_wait3A_229 = arith.constant 0 : i32
      %dma_wait3A_230 = tpu.memref_slice %arg12[%add3A_13, %dma_wait3A_229] : memref<10000x64xf32, #tpu.memory_space<vmem_shared>> -> memref<125x64xf32, #tpu.memory_space<vmem_shared>>
      tpu.wait_dma2 semaphore(%run_scoped3A : memref<!tpu.dma_semaphore, #tpu.memory_space<semaphore_mem>>) src(%arg8 : memref<125x64xf32, #tpu.memory_space<vmem>>) dst(%dma_wait3A_230 : memref<125x64xf32, #tpu.memory_space<vmem_shared>>)
      tpu.yield
    }) : () -> ()
    %mul3A_14 = arith.constant 625 : i32
    %mul3A_15 = arith.muli %arg1, %mul3A_14 : i32
    %add3A_16 = arith.constant 250 : i32
    %add3A_17 = arith.addi %mul3A_15, %add3A_16 : i32
    "tpu.region"() ({
      %run_scoped3A = tpu.sem_alloc : memref<!tpu.dma_semaphore, #tpu.memory_space<semaphore_mem>>
      %dma_start3A_223 = arith.constant 0 : i32
      %dma_start3A_224 = tpu.memref_slice %arg12[%add3A_17, %dma_start3A_223] : memref<10000x64xf32, #tpu.memory_space<vmem_shared>> -> memref<125x64xf32, #tpu.memory_space<vmem_shared>>
      %dma_start3A_225 = arith.constant 0 : i32
      %dma_start3A_226 = tpu.memref_slice %arg12[%add3A_17, %dma_start3A_225] : memref<10000x64xf32, #tpu.memory_space<vmem_shared>> -> memref<125x64xf32, #tpu.memory_space<vmem_shared>>
      tpu.enqueue_dma source(%arg8 : memref<125x64xf32, #tpu.memory_space<vmem>>) target(%dma_start3A_226 : memref<125x64xf32, #tpu.memory_space<vmem_shared>>) target_semaphore(%run_scoped3A : memref<!tpu.dma_semaphore, #tpu.memory_space<semaphore_mem>>)
      %dma_wait3A_227 = arith.constant 0 : i32
      %dma_wait3A_228 = tpu.memref_slice %arg12[%add3A_17, %dma_wait3A_227] : memref<10000x64xf32, #tpu.memory_space<vmem_shared>> -> memref<125x64xf32, #tpu.memory_space<vmem_shared>>
      %dma_wait3A_229 = arith.constant 0 : i32
      %dma_wait3A_230 = tpu.memref_slice %arg12[%add3A_17, %dma_wait3A_229] : memref<10000x64xf32, #tpu.memory_space<vmem_shared>> -> memref<125x64xf32, #tpu.memory_space<vmem_shared>>
      tpu.wait_dma2 semaphore(%run_scoped3A : memref<!tpu.dma_semaphore, #tpu.memory_space<semaphore_mem>>) src(%arg8 : memref<125x64xf32, #tpu.memory_space<vmem>>) dst(%dma_wait3A_230 : memref<125x64xf32, #tpu.memory_space<vmem_shared>>)
      tpu.yield
    }) : () -> ()
    %mul3A_18 = arith.constant 625 : i32
    %mul3A_19 = arith.muli %arg1, %mul3A_18 : i32
    %add3A_20 = arith.constant 375 : i32
    %add3A_21 = arith.addi %mul3A_19, %add3A_20 : i32
    "tpu.region"() ({
      %run_scoped3A = tpu.sem_alloc : memref<!tpu.dma_semaphore, #tpu.memory_space<semaphore_mem>>
      %dma_start3A_223 = arith.constant 0 : i32
      %dma_start3A_224 = tpu.memref_slice %arg12[%add3A_21, %dma_start3A_223] : memref<10000x64xf32, #tpu.memory_space<vmem_shared>> -> memref<125x64xf32, #tpu.memory_space<vmem_shared>>
      %dma_start3A_225 = arith.constant 0 : i32
      %dma_start3A_226 = tpu.memref_slice %arg12[%add3A_21, %dma_start3A_225] : memref<10000x64xf32, #tpu.memory_space<vmem_shared>> -> memref<125x64xf32, #tpu.memory_space<vmem_shared>>
      tpu.enqueue_dma source(%arg8 : memref<125x64xf32, #tpu.memory_space<vmem>>) target(%dma_start3A_226 : memref<125x64xf32, #tpu.memory_space<vmem_shared>>) target_semaphore(%run_scoped3A : memref<!tpu.dma_semaphore, #tpu.memory_space<semaphore_mem>>)
      %dma_wait3A_227 = arith.constant 0 : i32
      %dma_wait3A_228 = tpu.memref_slice %arg12[%add3A_21, %dma_wait3A_227] : memref<10000x64xf32, #tpu.memory_space<vmem_shared>> -> memref<125x64xf32, #tpu.memory_space<vmem_shared>>
      %dma_wait3A_229 = arith.constant 0 : i32
      %dma_wait3A_230 = tpu.memref_slice %arg12[%add3A_21, %dma_wait3A_229] : memref<10000x64xf32, #tpu.memory_space<vmem_shared>> -> memref<125x64xf32, #tpu.memory_space<vmem_shared>>
      tpu.wait_dma2 semaphore(%run_scoped3A : memref<!tpu.dma_semaphore, #tpu.memory_space<semaphore_mem>>) src(%arg8 : memref<125x64xf32, #tpu.memory_space<vmem>>) dst(%dma_wait3A_230 : memref<125x64xf32, #tpu.memory_space<vmem_shared>>)
      tpu.yield
    }) : () -> ()
    %mul3A_22 = arith.constant 625 : i32
    %mul3A_23 = arith.muli %arg1, %mul3A_22 : i32
    %add3A_24 = arith.constant 500 : i32
    %add3A_25 = arith.addi %mul3A_23, %add3A_24 : i32
    "tpu.region"() ({
      %run_scoped3A = tpu.sem_alloc : memref<!tpu.dma_semaphore, #tpu.memory_space<semaphore_mem>>
      %dma_start3A_223 = arith.constant 0 : i32
      %dma_start3A_224 = tpu.memref_slice %arg12[%add3A_25, %dma_start3A_223] : memref<10000x64xf32, #tpu.memory_space<vmem_shared>> -> memref<125x64xf32, #tpu.memory_space<vmem_shared>>
      %dma_start3A_225 = arith.constant 0 : i32
      %dma_start3A_226 = tpu.memref_slice %arg12[%add3A_25, %dma_start3A_225] : memref<10000x64xf32, #tpu.memory_space<vmem_shared>> -> memref<125x64xf32, #tpu.memory_space<vmem_shared>>
      tpu.enqueue_dma source(%arg8 : memref<125x64xf32, #tpu.memory_space<vmem>>) target(%dma_start3A_226 : memref<125x64xf32, #tpu.memory_space<vmem_shared>>) target_semaphore(%run_scoped3A : memref<!tpu.dma_semaphore, #tpu.memory_space<semaphore_mem>>)
      %dma_wait3A_227 = arith.constant 0 : i32
      %dma_wait3A_228 = tpu.memref_slice %arg12[%add3A_25, %dma_wait3A_227] : memref<10000x64xf32, #tpu.memory_space<vmem_shared>> -> memref<125x64xf32, #tpu.memory_space<vmem_shared>>
      %dma_wait3A_229 = arith.constant 0 : i32
      %dma_wait3A_230 = tpu.memref_slice %arg12[%add3A_25, %dma_wait3A_229] : memref<10000x64xf32, #tpu.memory_space<vmem_shared>> -> memref<125x64xf32, #tpu.memory_space<vmem_shared>>
      tpu.wait_dma2 semaphore(%run_scoped3A : memref<!tpu.dma_semaphore, #tpu.memory_space<semaphore_mem>>) src(%arg8 : memref<125x64xf32, #tpu.memory_space<vmem>>) dst(%dma_wait3A_230 : memref<125x64xf32, #tpu.memory_space<vmem_shared>>)
      tpu.yield
    }) : () -> ()
    %barrier3A = arith.constant 0 : index
    tpu.barrier barrier_id(%barrier3A)
    %mul3A_26 = arith.constant 160 : i32
    %mul3A_27 = arith.muli %arg1, %mul3A_26 : i32
    "tpu.region"() ({
      %run_scoped3A = tpu.sem_alloc : memref<!tpu.dma_semaphore, #tpu.memory_space<semaphore_mem>>
      %dma_start3A_223 = arith.constant 0 : i32
      %dma_start3A_224 = tpu.memref_slice %arg2[%arg0, %mul3A_27, %dma_start3A_223] : memref<2x2560x125xi32, #tpu.memory_space<hbm>> -> memref<1x160x125xi32, #tpu.memory_space<hbm>>
      %dma_start3A_225 = tpu.memref_squeeze %dma_start3A_224 : memref<1x160x125xi32, #tpu.memory_space<hbm>> -> memref<160x125xi32, #tpu.memory_space<hbm>>
      %dma_start3A_226 = arith.constant 0 : i32
      %dma_start3A_227 = tpu.memref_slice %arg2[%arg0, %mul3A_27, %dma_start3A_226] : memref<2x2560x125xi32, #tpu.memory_space<hbm>> -> memref<1x160x125xi32, #tpu.memory_space<hbm>>
      %dma_start3A_228 = tpu.memref_squeeze %dma_start3A_227 : memref<1x160x125xi32, #tpu.memory_space<hbm>> -> memref<160x125xi32, #tpu.memory_space<hbm>>
      tpu.enqueue_dma source(%dma_start3A_228 : memref<160x125xi32, #tpu.memory_space<hbm>>) target(%arg6 : memref<160x125xi32, #tpu.memory_space<vmem>>) target_semaphore(%run_scoped3A : memref<!tpu.dma_semaphore, #tpu.memory_space<semaphore_mem>>)
      %dma_wait3A_229 = arith.constant 0 : i32
      %dma_wait3A_230 = tpu.memref_slice %arg2[%arg0, %mul3A_27, %dma_wait3A_229] : memref<2x2560x125xi32, #tpu.memory_space<hbm>> -> memref<1x160x125xi32, #tpu.memory_space<hbm>>
      %dma_wait3A_231 = tpu.memref_squeeze %dma_wait3A_230 : memref<1x160x125xi32, #tpu.memory_space<hbm>> -> memref<160x125xi32, #tpu.memory_space<hbm>>
      %dma_wait3A_232 = arith.constant 0 : i32
      %dma_wait3A_233 = tpu.memref_slice %arg2[%arg0, %mul3A_27, %dma_wait3A_232] : memref<2x2560x125xi32, #tpu.memory_space<hbm>> -> memref<1x160x125xi32, #tpu.memory_space<hbm>>
      %dma_wait3A_234 = tpu.memref_squeeze %dma_wait3A_233 : memref<1x160x125xi32, #tpu.memory_space<hbm>> -> memref<160x125xi32, #tpu.memory_space<hbm>>
      tpu.wait_dma2 semaphore(%run_scoped3A : memref<!tpu.dma_semaphore, #tpu.memory_space<semaphore_mem>>) src(%dma_wait3A_234 : memref<160x125xi32, #tpu.memory_space<hbm>>) dst(%arg6 : memref<160x125xi32, #tpu.memory_space<vmem>>)
      tpu.yield
    }) : () -> ()
    "tpu.region"() ({
      %run_scoped3A = tpu.sem_alloc : memref<!tpu.dma_semaphore, #tpu.memory_space<semaphore_mem>>
      %dma_start3A_223 = arith.constant 0 : i32
      %dma_start3A_224 = tpu.memref_slice %arg3[%mul3A_27, %dma_start3A_223] : memref<2560x125xi32, #tpu.memory_space<hbm>> -> memref<160x125xi32, #tpu.memory_space<hbm>>
      %dma_start3A_225 = arith.constant 0 : i32
      %dma_start3A_226 = tpu.memref_slice %arg3[%mul3A_27, %dma_start3A_225] : memref<2560x125xi32, #tpu.memory_space<hbm>> -> memref<160x125xi32, #tpu.memory_space<hbm>>
      tpu.enqueue_dma source(%dma_start3A_226 : memref<160x125xi32, #tpu.memory_space<hbm>>) target(%arg7 : memref<160x125xi32, #tpu.memory_space<vmem>>) target_semaphore(%run_scoped3A : memref<!tpu.dma_semaphore, #tpu.memory_space<semaphore_mem>>)
      %dma_wait3A_227 = arith.constant 0 : i32
      %dma_wait3A_228 = tpu.memref_slice %arg3[%mul3A_27, %dma_wait3A_227] : memref<2560x125xi32, #tpu.memory_space<hbm>> -> memref<160x125xi32, #tpu.memory_space<hbm>>
      %dma_wait3A_229 = arith.constant 0 : i32
      %dma_wait3A_230 = tpu.memref_slice %arg3[%mul3A_27, %dma_wait3A_229] : memref<2560x125xi32, #tpu.memory_space<hbm>> -> memref<160x125xi32, #tpu.memory_space<hbm>>
      tpu.wait_dma2 semaphore(%run_scoped3A : memref<!tpu.dma_semaphore, #tpu.memory_space<semaphore_mem>>) src(%dma_wait3A_230 : memref<160x125xi32, #tpu.memory_space<hbm>>) dst(%arg7 : memref<160x125xi32, #tpu.memory_space<vmem>>)
      tpu.yield
    }) : () -> ()
    %dma_start3A = arith.constant 0 : i32
    %dma_start3A_28 = arith.constant 0 : i32
    %dma_start3A_29 = tpu.memref_slice %arg6[%dma_start3A, %dma_start3A_28] : memref<160x125xi32, #tpu.memory_space<vmem>> -> memref<1x125xi32, #tpu.memory_space<vmem>>
    %dma_start3A_30 = tpu.memref_squeeze %dma_start3A_29 : memref<1x125xi32, #tpu.memory_space<vmem>> -> memref<125xi32, #tpu.memory_space<vmem>>
    %dma_start3A_31 = arith.constant 0 : i32
    %dma_start3A_32 = arith.constant 0 : i32
    %dma_start3A_33 = tpu.memref_slice %arg4[%dma_start3A_31, %dma_start3A_32] : memref<20000x64xf32, #tpu.memory_space<hbm>> -> memref<20000x64xf32, #tpu.memory_space<hbm>>
    tpu.enqueue_indirect_dma source(%dma_start3A_33 : memref<20000x64xf32, #tpu.memory_space<hbm>>) target(%arg8 : memref<125x64xf32, #tpu.memory_space<vmem>>) offsets(%dma_start3A_30 : memref<125xi32, #tpu.memory_space<vmem>>) semaphore(%arg13 : memref<!tpu.dma_semaphore, #tpu.memory_space<semaphore_mem>>)
    %dma_start3A_34 = arith.constant 1 : i32
    %dma_start3A_35 = arith.constant 0 : i32
    %dma_start3A_36 = tpu.memref_slice %arg6[%dma_start3A_34, %dma_start3A_35] : memref<160x125xi32, #tpu.memory_space<vmem>> -> memref<1x125xi32, #tpu.memory_space<vmem>>
    %dma_start3A_37 = tpu.memref_squeeze %dma_start3A_36 : memref<1x125xi32, #tpu.memory_space<vmem>> -> memref<125xi32, #tpu.memory_space<vmem>>
    %dma_start3A_38 = arith.constant 0 : i32
    %dma_start3A_39 = arith.constant 0 : i32
    %dma_start3A_40 = tpu.memref_slice %arg4[%dma_start3A_38, %dma_start3A_39] : memref<20000x64xf32, #tpu.memory_space<hbm>> -> memref<20000x64xf32, #tpu.memory_space<hbm>>
    tpu.enqueue_indirect_dma source(%dma_start3A_40 : memref<20000x64xf32, #tpu.memory_space<hbm>>) target(%arg9 : memref<125x64xf32, #tpu.memory_space<vmem>>) offsets(%dma_start3A_37 : memref<125xi32, #tpu.memory_space<vmem>>) semaphore(%arg14 : memref<!tpu.dma_semaphore, #tpu.memory_space<semaphore_mem>>)
    %dma_wait3A = arith.constant 0 : i32
    %dma_wait3A_41 = arith.constant 0 : i32
    %dma_wait3A_42 = tpu.memref_slice %arg4[%dma_wait3A, %dma_wait3A_41] : memref<20000x64xf32, #tpu.memory_space<hbm>> -> memref<125x64xf32, #tpu.memory_space<hbm>>
    %dma_wait3A_43 = arith.constant 0 : i32
    %dma_wait3A_44 = arith.constant 0 : i32
    %dma_wait3A_45 = tpu.memref_slice %arg4[%dma_wait3A_43, %dma_wait3A_44] : memref<20000x64xf32, #tpu.memory_space<hbm>> -> memref<125x64xf32, #tpu.memory_space<hbm>>
    tpu.wait_dma2 semaphore(%arg13 : memref<!tpu.dma_semaphore, #tpu.memory_space<semaphore_mem>>) src(%dma_wait3A_45 : memref<125x64xf32, #tpu.memory_space<hbm>>) dst(%arg8 : memref<125x64xf32, #tpu.memory_space<vmem>>)
    %dma_start3A_46 = arith.constant 0 : i32
    %dma_start3A_47 = arith.constant 0 : i32
    %dma_start3A_48 = tpu.memref_slice %arg7[%dma_start3A_46, %dma_start3A_47] : memref<160x125xi32, #tpu.memory_space<vmem>> -> memref<1x125xi32, #tpu.memory_space<vmem>>
    %dma_start3A_49 = tpu.memref_squeeze %dma_start3A_48 : memref<1x125xi32, #tpu.memory_space<vmem>> -> memref<125xi32, #tpu.memory_space<vmem>>
    %dma_start3A_50 = arith.constant 0 : i32
    %dma_start3A_51 = arith.constant 0 : i32
    %dma_start3A_52 = tpu.memref_slice %arg12[%dma_start3A_50, %dma_start3A_51] : memref<10000x64xf32, #tpu.memory_space<vmem_shared>> -> memref<10000x64xf32, #tpu.memory_space<vmem_shared>>
    tpu.enqueue_indirect_dma source(%arg8 : memref<125x64xf32, #tpu.memory_space<vmem>>) target(%dma_start3A_52 : memref<10000x64xf32, #tpu.memory_space<vmem_shared>>) offsets(%dma_start3A_49 : memref<125xi32, #tpu.memory_space<vmem>>) semaphore(%arg17 : memref<!tpu.dma_semaphore, #tpu.memory_space<semaphore_mem>>) {add = true}
    %dma_start3A_53 = arith.constant 2 : i32
    %dma_start3A_54 = arith.constant 0 : i32
    %dma_start3A_55 = tpu.memref_slice %arg6[%dma_start3A_53, %dma_start3A_54] : memref<160x125xi32, #tpu.memory_space<vmem>> -> memref<1x125xi32, #tpu.memory_space<vmem>>
    %dma_start3A_56 = tpu.memref_squeeze %dma_start3A_55 : memref<1x125xi32, #tpu.memory_space<vmem>> -> memref<125xi32, #tpu.memory_space<vmem>>
    %dma_start3A_57 = arith.constant 0 : i32
    %dma_start3A_58 = arith.constant 0 : i32
    %dma_start3A_59 = tpu.memref_slice %arg4[%dma_start3A_57, %dma_start3A_58] : memref<20000x64xf32, #tpu.memory_space<hbm>> -> memref<20000x64xf32, #tpu.memory_space<hbm>>
    tpu.enqueue_indirect_dma source(%dma_start3A_59 : memref<20000x64xf32, #tpu.memory_space<hbm>>) target(%arg10 : memref<125x64xf32, #tpu.memory_space<vmem>>) offsets(%dma_start3A_56 : memref<125xi32, #tpu.memory_space<vmem>>) semaphore(%arg15 : memref<!tpu.dma_semaphore, #tpu.memory_space<semaphore_mem>>)
    %dma_wait3A_60 = arith.constant 0 : i32
    %dma_wait3A_61 = arith.constant 0 : i32
    %dma_wait3A_62 = tpu.memref_slice %arg4[%dma_wait3A_60, %dma_wait3A_61] : memref<20000x64xf32, #tpu.memory_space<hbm>> -> memref<125x64xf32, #tpu.memory_space<hbm>>
    %dma_wait3A_63 = arith.constant 0 : i32
    %dma_wait3A_64 = arith.constant 0 : i32
    %dma_wait3A_65 = tpu.memref_slice %arg4[%dma_wait3A_63, %dma_wait3A_64] : memref<20000x64xf32, #tpu.memory_space<hbm>> -> memref<125x64xf32, #tpu.memory_space<hbm>>
    tpu.wait_dma2 semaphore(%arg14 : memref<!tpu.dma_semaphore, #tpu.memory_space<semaphore_mem>>) src(%dma_wait3A_65 : memref<125x64xf32, #tpu.memory_space<hbm>>) dst(%arg9 : memref<125x64xf32, #tpu.memory_space<vmem>>)
    %dma_start3A_66 = arith.constant 1 : i32
    %dma_start3A_67 = arith.constant 0 : i32
    %dma_start3A_68 = tpu.memref_slice %arg7[%dma_start3A_66, %dma_start3A_67] : memref<160x125xi32, #tpu.memory_space<vmem>> -> memref<1x125xi32, #tpu.memory_space<vmem>>
    %dma_start3A_69 = tpu.memref_squeeze %dma_start3A_68 : memref<1x125xi32, #tpu.memory_space<vmem>> -> memref<125xi32, #tpu.memory_space<vmem>>
    %dma_start3A_70 = arith.constant 0 : i32
    %dma_start3A_71 = arith.constant 0 : i32
    %dma_start3A_72 = tpu.memref_slice %arg12[%dma_start3A_70, %dma_start3A_71] : memref<10000x64xf32, #tpu.memory_space<vmem_shared>> -> memref<10000x64xf32, #tpu.memory_space<vmem_shared>>
    tpu.enqueue_indirect_dma source(%arg9 : memref<125x64xf32, #tpu.memory_space<vmem>>) target(%dma_start3A_72 : memref<10000x64xf32, #tpu.memory_space<vmem_shared>>) offsets(%dma_start3A_69 : memref<125xi32, #tpu.memory_space<vmem>>) semaphore(%arg18 : memref<!tpu.dma_semaphore, #tpu.memory_space<semaphore_mem>>) {add = true}
    %dma_start3A_73 = arith.constant 3 : i32
    %dma_start3A_74 = arith.constant 0 : i32
    %dma_start3A_75 = tpu.memref_slice %arg6[%dma_start3A_73, %dma_start3A_74] : memref<160x125xi32, #tpu.memory_space<vmem>> -> memref<1x125xi32, #tpu.memory_space<vmem>>
    %dma_start3A_76 = tpu.memref_squeeze %dma_start3A_75 : memref<1x125xi32, #tpu.memory_space<vmem>> -> memref<125xi32, #tpu.memory_space<vmem>>
    %dma_start3A_77 = arith.constant 0 : i32
    %dma_start3A_78 = arith.constant 0 : i32
    %dma_start3A_79 = tpu.memref_slice %arg4[%dma_start3A_77, %dma_start3A_78] : memref<20000x64xf32, #tpu.memory_space<hbm>> -> memref<20000x64xf32, #tpu.memory_space<hbm>>
    tpu.enqueue_indirect_dma source(%dma_start3A_79 : memref<20000x64xf32, #tpu.memory_space<hbm>>) target(%arg11 : memref<125x64xf32, #tpu.memory_space<vmem>>) offsets(%dma_start3A_76 : memref<125xi32, #tpu.memory_space<vmem>>) semaphore(%arg16 : memref<!tpu.dma_semaphore, #tpu.memory_space<semaphore_mem>>)
    %dma_wait3A_80 = arith.constant 0 : i32
    %dma_wait3A_81 = arith.constant 0 : i32
    %dma_wait3A_82 = tpu.memref_slice %arg4[%dma_wait3A_80, %dma_wait3A_81] : memref<20000x64xf32, #tpu.memory_space<hbm>> -> memref<125x64xf32, #tpu.memory_space<hbm>>
    %dma_wait3A_83 = arith.constant 0 : i32
    %dma_wait3A_84 = arith.constant 0 : i32
    %dma_wait3A_85 = tpu.memref_slice %arg4[%dma_wait3A_83, %dma_wait3A_84] : memref<20000x64xf32, #tpu.memory_space<hbm>> -> memref<125x64xf32, #tpu.memory_space<hbm>>
    tpu.wait_dma2 semaphore(%arg15 : memref<!tpu.dma_semaphore, #tpu.memory_space<semaphore_mem>>) src(%dma_wait3A_85 : memref<125x64xf32, #tpu.memory_space<hbm>>) dst(%arg10 : memref<125x64xf32, #tpu.memory_space<vmem>>)
    %dma_start3A_86 = arith.constant 2 : i32
    %dma_start3A_87 = arith.constant 0 : i32
    %dma_start3A_88 = tpu.memref_slice %arg7[%dma_start3A_86, %dma_start3A_87] : memref<160x125xi32, #tpu.memory_space<vmem>> -> memref<1x125xi32, #tpu.memory_space<vmem>>
    %dma_start3A_89 = tpu.memref_squeeze %dma_start3A_88 : memref<1x125xi32, #tpu.memory_space<vmem>> -> memref<125xi32, #tpu.memory_space<vmem>>
    %dma_start3A_90 = arith.constant 0 : i32
    %dma_start3A_91 = arith.constant 0 : i32
    %dma_start3A_92 = tpu.memref_slice %arg12[%dma_start3A_90, %dma_start3A_91] : memref<10000x64xf32, #tpu.memory_space<vmem_shared>> -> memref<10000x64xf32, #tpu.memory_space<vmem_shared>>
    tpu.enqueue_indirect_dma source(%arg10 : memref<125x64xf32, #tpu.memory_space<vmem>>) target(%dma_start3A_92 : memref<10000x64xf32, #tpu.memory_space<vmem_shared>>) offsets(%dma_start3A_89 : memref<125xi32, #tpu.memory_space<vmem>>) semaphore(%arg19 : memref<!tpu.dma_semaphore, #tpu.memory_space<semaphore_mem>>) {add = true}
    %dma_wait3A_93 = arith.constant 0 : i32
    %dma_wait3A_94 = arith.constant 0 : i32
    %dma_wait3A_95 = tpu.memref_slice %arg4[%dma_wait3A_93, %dma_wait3A_94] : memref<20000x64xf32, #tpu.memory_space<hbm>> -> memref<125x64xf32, #tpu.memory_space<hbm>>
    %dma_wait3A_96 = arith.constant 0 : i32
    %dma_wait3A_97 = arith.constant 0 : i32
    %dma_wait3A_98 = tpu.memref_slice %arg4[%dma_wait3A_96, %dma_wait3A_97] : memref<20000x64xf32, #tpu.memory_space<hbm>> -> memref<125x64xf32, #tpu.memory_space<hbm>>
    tpu.wait_dma2 semaphore(%arg17 : memref<!tpu.dma_semaphore, #tpu.memory_space<semaphore_mem>>) src(%dma_wait3A_98 : memref<125x64xf32, #tpu.memory_space<hbm>>) dst(%arg8 : memref<125x64xf32, #tpu.memory_space<vmem>>)
    %dma_start3A_99 = arith.constant 4 : i32
    %dma_start3A_100 = arith.constant 0 : i32
    %dma_start3A_101 = tpu.memref_slice %arg6[%dma_start3A_99, %dma_start3A_100] : memref<160x125xi32, #tpu.memory_space<vmem>> -> memref<1x125xi32, #tpu.memory_space<vmem>>
    %dma_start3A_102 = tpu.memref_squeeze %dma_start3A_101 : memref<1x125xi32, #tpu.memory_space<vmem>> -> memref<125xi32, #tpu.memory_space<vmem>>
    %dma_start3A_103 = arith.constant 0 : i32
    %dma_start3A_104 = arith.constant 0 : i32
    %dma_start3A_105 = tpu.memref_slice %arg4[%dma_start3A_103, %dma_start3A_104] : memref<20000x64xf32, #tpu.memory_space<hbm>> -> memref<20000x64xf32, #tpu.memory_space<hbm>>
    tpu.enqueue_indirect_dma source(%dma_start3A_105 : memref<20000x64xf32, #tpu.memory_space<hbm>>) target(%arg8 : memref<125x64xf32, #tpu.memory_space<vmem>>) offsets(%dma_start3A_102 : memref<125xi32, #tpu.memory_space<vmem>>) semaphore(%arg13 : memref<!tpu.dma_semaphore, #tpu.memory_space<semaphore_mem>>)
    %dma_wait3A_106 = arith.constant 0 : i32
    %dma_wait3A_107 = arith.constant 0 : i32
    %dma_wait3A_108 = tpu.memref_slice %arg4[%dma_wait3A_106, %dma_wait3A_107] : memref<20000x64xf32, #tpu.memory_space<hbm>> -> memref<125x64xf32, #tpu.memory_space<hbm>>
    %dma_wait3A_109 = arith.constant 0 : i32
    %dma_wait3A_110 = arith.constant 0 : i32
    %dma_wait3A_111 = tpu.memref_slice %arg4[%dma_wait3A_109, %dma_wait3A_110] : memref<20000x64xf32, #tpu.memory_space<hbm>> -> memref<125x64xf32, #tpu.memory_space<hbm>>
    tpu.wait_dma2 semaphore(%arg16 : memref<!tpu.dma_semaphore, #tpu.memory_space<semaphore_mem>>) src(%dma_wait3A_111 : memref<125x64xf32, #tpu.memory_space<hbm>>) dst(%arg11 : memref<125x64xf32, #tpu.memory_space<vmem>>)
    %dma_start3A_112 = arith.constant 3 : i32
    %dma_start3A_113 = arith.constant 0 : i32
    %dma_start3A_114 = tpu.memref_slice %arg7[%dma_start3A_112, %dma_start3A_113] : memref<160x125xi32, #tpu.memory_space<vmem>> -> memref<1x125xi32, #tpu.memory_space<vmem>>
    %dma_start3A_115 = tpu.memref_squeeze %dma_start3A_114 : memref<1x125xi32, #tpu.memory_space<vmem>> -> memref<125xi32, #tpu.memory_space<vmem>>
    %dma_start3A_116 = arith.constant 0 : i32
    %dma_start3A_117 = arith.constant 0 : i32
    %dma_start3A_118 = tpu.memref_slice %arg12[%dma_start3A_116, %dma_start3A_117] : memref<10000x64xf32, #tpu.memory_space<vmem_shared>> -> memref<10000x64xf32, #tpu.memory_space<vmem_shared>>
    tpu.enqueue_indirect_dma source(%arg11 : memref<125x64xf32, #tpu.memory_space<vmem>>) target(%dma_start3A_118 : memref<10000x64xf32, #tpu.memory_space<vmem_shared>>) offsets(%dma_start3A_115 : memref<125xi32, #tpu.memory_space<vmem>>) semaphore(%arg20 : memref<!tpu.dma_semaphore, #tpu.memory_space<semaphore_mem>>) {add = true}
    %dma_wait3A_119 = arith.constant 0 : i32
    %dma_wait3A_120 = arith.constant 0 : i32
    %dma_wait3A_121 = tpu.memref_slice %arg4[%dma_wait3A_119, %dma_wait3A_120] : memref<20000x64xf32, #tpu.memory_space<hbm>> -> memref<125x64xf32, #tpu.memory_space<hbm>>
    %dma_wait3A_122 = arith.constant 0 : i32
    %dma_wait3A_123 = arith.constant 0 : i32
    %dma_wait3A_124 = tpu.memref_slice %arg4[%dma_wait3A_122, %dma_wait3A_123] : memref<20000x64xf32, #tpu.memory_space<hbm>> -> memref<125x64xf32, #tpu.memory_space<hbm>>
    tpu.wait_dma2 semaphore(%arg18 : memref<!tpu.dma_semaphore, #tpu.memory_space<semaphore_mem>>) src(%dma_wait3A_124 : memref<125x64xf32, #tpu.memory_space<hbm>>) dst(%arg9 : memref<125x64xf32, #tpu.memory_space<vmem>>)
    %dma_start3A_125 = arith.constant 5 : i32
    %dma_start3A_126 = arith.constant 0 : i32
    %dma_start3A_127 = tpu.memref_slice %arg6[%dma_start3A_125, %dma_start3A_126] : memref<160x125xi32, #tpu.memory_space<vmem>> -> memref<1x125xi32, #tpu.memory_space<vmem>>
    %dma_start3A_128 = tpu.memref_squeeze %dma_start3A_127 : memref<1x125xi32, #tpu.memory_space<vmem>> -> memref<125xi32, #tpu.memory_space<vmem>>
    %dma_start3A_129 = arith.constant 0 : i32
    %dma_start3A_130 = arith.constant 0 : i32
    %dma_start3A_131 = tpu.memref_slice %arg4[%dma_start3A_129, %dma_start3A_130] : memref<20000x64xf32, #tpu.memory_space<hbm>> -> memref<20000x64xf32, #tpu.memory_space<hbm>>
    tpu.enqueue_indirect_dma source(%dma_start3A_131 : memref<20000x64xf32, #tpu.memory_space<hbm>>) target(%arg9 : memref<125x64xf32, #tpu.memory_space<vmem>>) offsets(%dma_start3A_128 : memref<125xi32, #tpu.memory_space<vmem>>) semaphore(%arg14 : memref<!tpu.dma_semaphore, #tpu.memory_space<semaphore_mem>>)
    %scan3A_132 = arith.constant 0 : i32
    %scan3A_133 = arith.constant 1 : i32
    %scan3A_134 = arith.constant 39 : i32
    %scan3A_135 = arith.addi %scan3A_133, %scan3A_134 : i32
    %scan3A_136 = arith.constant 1 : i32
    scf.for %scan3A_223 = %scan3A_133 to %scan3A_135 step %scan3A_136  : i32 {
      %mul3A_224 = arith.constant 4 : i32
      %mul3A_225 = arith.muli %scan3A_223, %mul3A_224 : i32
      %add3A_226 = arith.constant 0 : i32
      %add3A_227 = arith.addi %mul3A_225, %add3A_226 : i32
      %dma_wait3A_228 = arith.constant 0 : i32
      %dma_wait3A_229 = arith.constant 0 : i32
      %dma_wait3A_230 = tpu.memref_slice %arg4[%dma_wait3A_228, %dma_wait3A_229] : memref<20000x64xf32, #tpu.memory_space<hbm>> -> memref<125x64xf32, #tpu.memory_space<hbm>>
      %dma_wait3A_231 = arith.constant 0 : i32
      %dma_wait3A_232 = arith.constant 0 : i32
      %dma_wait3A_233 = tpu.memref_slice %arg4[%dma_wait3A_231, %dma_wait3A_232] : memref<20000x64xf32, #tpu.memory_space<hbm>> -> memref<125x64xf32, #tpu.memory_space<hbm>>
      tpu.wait_dma2 semaphore(%arg13 : memref<!tpu.dma_semaphore, #tpu.memory_space<semaphore_mem>>) src(%dma_wait3A_233 : memref<125x64xf32, #tpu.memory_space<hbm>>) dst(%arg8 : memref<125x64xf32, #tpu.memory_space<vmem>>)
      %dma_start3A_234 = arith.constant 0 : i32
      %dma_start3A_235 = tpu.memref_slice %arg7[%add3A_227, %dma_start3A_234] : memref<160x125xi32, #tpu.memory_space<vmem>> -> memref<1x125xi32, #tpu.memory_space<vmem>>
      %dma_start3A_236 = tpu.memref_squeeze %dma_start3A_235 : memref<1x125xi32, #tpu.memory_space<vmem>> -> memref<125xi32, #tpu.memory_space<vmem>>
      %dma_start3A_237 = arith.constant 0 : i32
      %dma_start3A_238 = arith.constant 0 : i32
      %dma_start3A_239 = tpu.memref_slice %arg12[%dma_start3A_237, %dma_start3A_238] : memref<10000x64xf32, #tpu.memory_space<vmem_shared>> -> memref<10000x64xf32, #tpu.memory_space<vmem_shared>>
      tpu.enqueue_indirect_dma source(%arg8 : memref<125x64xf32, #tpu.memory_space<vmem>>) target(%dma_start3A_239 : memref<10000x64xf32, #tpu.memory_space<vmem_shared>>) offsets(%dma_start3A_236 : memref<125xi32, #tpu.memory_space<vmem>>) semaphore(%arg17 : memref<!tpu.dma_semaphore, #tpu.memory_space<semaphore_mem>>) {add = true}
      %dma_wait3A_240 = arith.constant 0 : i32
      %dma_wait3A_241 = arith.constant 0 : i32
      %dma_wait3A_242 = tpu.memref_slice %arg4[%dma_wait3A_240, %dma_wait3A_241] : memref<20000x64xf32, #tpu.memory_space<hbm>> -> memref<125x64xf32, #tpu.memory_space<hbm>>
      %dma_wait3A_243 = arith.constant 0 : i32
      %dma_wait3A_244 = arith.constant 0 : i32
      %dma_wait3A_245 = tpu.memref_slice %arg4[%dma_wait3A_243, %dma_wait3A_244] : memref<20000x64xf32, #tpu.memory_space<hbm>> -> memref<125x64xf32, #tpu.memory_space<hbm>>
      tpu.wait_dma2 semaphore(%arg19 : memref<!tpu.dma_semaphore, #tpu.memory_space<semaphore_mem>>) src(%dma_wait3A_245 : memref<125x64xf32, #tpu.memory_space<hbm>>) dst(%arg10 : memref<125x64xf32, #tpu.memory_space<vmem>>)
      %add3A_246 = arith.constant 2 : i32
      %add3A_247 = arith.addi %add3A_227, %add3A_246 : i32
      %min3A = arith.constant 159 : i32
      %min3A_248 = arith.minsi %add3A_247, %min3A : i32
      %dma_start3A_249 = arith.constant 0 : i32
      %dma_start3A_250 = tpu.memref_slice %arg6[%min3A_248, %dma_start3A_249] : memref<160x125xi32, #tpu.memory_space<vmem>> -> memref<1x125xi32, #tpu.memory_space<vmem>>
      %dma_start3A_251 = tpu.memref_squeeze %dma_start3A_250 : memref<1x125xi32, #tpu.memory_space<vmem>> -> memref<125xi32, #tpu.memory_space<vmem>>
      %dma_start3A_252 = arith.constant 0 : i32
      %dma_start3A_253 = arith.constant 0 : i32
      %dma_start3A_254 = tpu.memref_slice %arg4[%dma_start3A_252, %dma_start3A_253] : memref<20000x64xf32, #tpu.memory_space<hbm>> -> memref<20000x64xf32, #tpu.memory_space<hbm>>
      tpu.enqueue_indirect_dma source(%dma_start3A_254 : memref<20000x64xf32, #tpu.memory_space<hbm>>) target(%arg10 : memref<125x64xf32, #tpu.memory_space<vmem>>) offsets(%dma_start3A_251 : memref<125xi32, #tpu.memory_space<vmem>>) semaphore(%arg15 : memref<!tpu.dma_semaphore, #tpu.memory_space<semaphore_mem>>)
      %mul3A_255 = arith.constant 4 : i32
      %mul3A_256 = arith.muli %scan3A_223, %mul3A_255 : i32
      %add3A_257 = arith.constant 1 : i32
      %add3A_258 = arith.addi %mul3A_256, %add3A_257 : i32
      %dma_wait3A_259 = arith.constant 0 : i32
      %dma_wait3A_260 = arith.constant 0 : i32
      %dma_wait3A_261 = tpu.memref_slice %arg4[%dma_wait3A_259, %dma_wait3A_260] : memref<20000x64xf32, #tpu.memory_space<hbm>> -> memref<125x64xf32, #tpu.memory_space<hbm>>
      %dma_wait3A_262 = arith.constant 0 : i32
      %dma_wait3A_263 = arith.constant 0 : i32
      %dma_wait3A_264 = tpu.memref_slice %arg4[%dma_wait3A_262, %dma_wait3A_263] : memref<20000x64xf32, #tpu.memory_space<hbm>> -> memref<125x64xf32, #tpu.memory_space<hbm>>
      tpu.wait_dma2 semaphore(%arg14 : memref<!tpu.dma_semaphore, #tpu.memory_space<semaphore_mem>>) src(%dma_wait3A_264 : memref<125x64xf32, #tpu.memory_space<hbm>>) dst(%arg9 : memref<125x64xf32, #tpu.memory_space<vmem>>)
      %dma_start3A_265 = arith.constant 0 : i32
      %dma_start3A_266 = tpu.memref_slice %arg7[%add3A_258, %dma_start3A_265] : memref<160x125xi32, #tpu.memory_space<vmem>> -> memref<1x125xi32, #tpu.memory_space<vmem>>
      %dma_start3A_267 = tpu.memref_squeeze %dma_start3A_266 : memref<1x125xi32, #tpu.memory_space<vmem>> -> memref<125xi32, #tpu.memory_space<vmem>>
      %dma_start3A_268 = arith.constant 0 : i32
      %dma_start3A_269 = arith.constant 0 : i32
      %dma_start3A_270 = tpu.memref_slice %arg12[%dma_start3A_268, %dma_start3A_269] : memref<10000x64xf32, #tpu.memory_space<vmem_shared>> -> memref<10000x64xf32, #tpu.memory_space<vmem_shared>>
      tpu.enqueue_indirect_dma source(%arg9 : memref<125x64xf32, #tpu.memory_space<vmem>>) target(%dma_start3A_270 : memref<10000x64xf32, #tpu.memory_space<vmem_shared>>) offsets(%dma_start3A_267 : memref<125xi32, #tpu.memory_space<vmem>>) semaphore(%arg18 : memref<!tpu.dma_semaphore, #tpu.memory_space<semaphore_mem>>) {add = true}
      %dma_wait3A_271 = arith.constant 0 : i32
      %dma_wait3A_272 = arith.constant 0 : i32
      %dma_wait3A_273 = tpu.memref_slice %arg4[%dma_wait3A_271, %dma_wait3A_272] : memref<20000x64xf32, #tpu.memory_space<hbm>> -> memref<125x64xf32, #tpu.memory_space<hbm>>
      %dma_wait3A_274 = arith.constant 0 : i32
      %dma_wait3A_275 = arith.constant 0 : i32
      %dma_wait3A_276 = tpu.memref_slice %arg4[%dma_wait3A_274, %dma_wait3A_275] : memref<20000x64xf32, #tpu.memory_space<hbm>> -> memref<125x64xf32, #tpu.memory_space<hbm>>
      tpu.wait_dma2 semaphore(%arg20 : memref<!tpu.dma_semaphore, #tpu.memory_space<semaphore_mem>>) src(%dma_wait3A_276 : memref<125x64xf32, #tpu.memory_space<hbm>>) dst(%arg11 : memref<125x64xf32, #tpu.memory_space<vmem>>)
      %add3A_277 = arith.constant 2 : i32
      %add3A_278 = arith.addi %add3A_258, %add3A_277 : i32
      %min3A_279 = arith.constant 159 : i32
      %min3A_280 = arith.minsi %add3A_278, %min3A_279 : i32
      %dma_start3A_281 = arith.constant 0 : i32
      %dma_start3A_282 = tpu.memref_slice %arg6[%min3A_280, %dma_start3A_281] : memref<160x125xi32, #tpu.memory_space<vmem>> -> memref<1x125xi32, #tpu.memory_space<vmem>>
      %dma_start3A_283 = tpu.memref_squeeze %dma_start3A_282 : memref<1x125xi32, #tpu.memory_space<vmem>> -> memref<125xi32, #tpu.memory_space<vmem>>
      %dma_start3A_284 = arith.constant 0 : i32
      %dma_start3A_285 = arith.constant 0 : i32
      %dma_start3A_286 = tpu.memref_slice %arg4[%dma_start3A_284, %dma_start3A_285] : memref<20000x64xf32, #tpu.memory_space<hbm>> -> memref<20000x64xf32, #tpu.memory_space<hbm>>
      tpu.enqueue_indirect_dma source(%dma_start3A_286 : memref<20000x64xf32, #tpu.memory_space<hbm>>) target(%arg11 : memref<125x64xf32, #tpu.memory_space<vmem>>) offsets(%dma_start3A_283 : memref<125xi32, #tpu.memory_space<vmem>>) semaphore(%arg16 : memref<!tpu.dma_semaphore, #tpu.memory_space<semaphore_mem>>)
      %mul3A_287 = arith.constant 4 : i32
      %mul3A_288 = arith.muli %scan3A_223, %mul3A_287 : i32
      %add3A_289 = arith.constant 2 : i32
      %add3A_290 = arith.addi %mul3A_288, %add3A_289 : i32
      %dma_wait3A_291 = arith.constant 0 : i32
      %dma_wait3A_292 = arith.constant 0 : i32
      %dma_wait3A_293 = tpu.memref_slice %arg4[%dma_wait3A_291, %dma_wait3A_292] : memref<20000x64xf32, #tpu.memory_space<hbm>> -> memref<125x64xf32, #tpu.memory_space<hbm>>
      %dma_wait3A_294 = arith.constant 0 : i32
      %dma_wait3A_295 = arith.constant 0 : i32
      %dma_wait3A_296 = tpu.memref_slice %arg4[%dma_wait3A_294, %dma_wait3A_295] : memref<20000x64xf32, #tpu.memory_space<hbm>> -> memref<125x64xf32, #tpu.memory_space<hbm>>
      tpu.wait_dma2 semaphore(%arg15 : memref<!tpu.dma_semaphore, #tpu.memory_space<semaphore_mem>>) src(%dma_wait3A_296 : memref<125x64xf32, #tpu.memory_space<hbm>>) dst(%arg10 : memref<125x64xf32, #tpu.memory_space<vmem>>)
      %dma_start3A_297 = arith.constant 0 : i32
      %dma_start3A_298 = tpu.memref_slice %arg7[%add3A_290, %dma_start3A_297] : memref<160x125xi32, #tpu.memory_space<vmem>> -> memref<1x125xi32, #tpu.memory_space<vmem>>
      %dma_start3A_299 = tpu.memref_squeeze %dma_start3A_298 : memref<1x125xi32, #tpu.memory_space<vmem>> -> memref<125xi32, #tpu.memory_space<vmem>>
      %dma_start3A_300 = arith.constant 0 : i32
      %dma_start3A_301 = arith.constant 0 : i32
      %dma_start3A_302 = tpu.memref_slice %arg12[%dma_start3A_300, %dma_start3A_301] : memref<10000x64xf32, #tpu.memory_space<vmem_shared>> -> memref<10000x64xf32, #tpu.memory_space<vmem_shared>>
      tpu.enqueue_indirect_dma source(%arg10 : memref<125x64xf32, #tpu.memory_space<vmem>>) target(%dma_start3A_302 : memref<10000x64xf32, #tpu.memory_space<vmem_shared>>) offsets(%dma_start3A_299 : memref<125xi32, #tpu.memory_space<vmem>>) semaphore(%arg19 : memref<!tpu.dma_semaphore, #tpu.memory_space<semaphore_mem>>) {add = true}
      %dma_wait3A_303 = arith.constant 0 : i32
      %dma_wait3A_304 = arith.constant 0 : i32
      %dma_wait3A_305 = tpu.memref_slice %arg4[%dma_wait3A_303, %dma_wait3A_304] : memref<20000x64xf32, #tpu.memory_space<hbm>> -> memref<125x64xf32, #tpu.memory_space<hbm>>
      %dma_wait3A_306 = arith.constant 0 : i32
      %dma_wait3A_307 = arith.constant 0 : i32
      %dma_wait3A_308 = tpu.memref_slice %arg4[%dma_wait3A_306, %dma_wait3A_307] : memref<20000x64xf32, #tpu.memory_space<hbm>> -> memref<125x64xf32, #tpu.memory_space<hbm>>
      tpu.wait_dma2 semaphore(%arg17 : memref<!tpu.dma_semaphore, #tpu.memory_space<semaphore_mem>>) src(%dma_wait3A_308 : memref<125x64xf32, #tpu.memory_space<hbm>>) dst(%arg8 : memref<125x64xf32, #tpu.memory_space<vmem>>)
      %add3A_309 = arith.constant 2 : i32
      %add3A_310 = arith.addi %add3A_290, %add3A_309 : i32
      %min3A_311 = arith.constant 159 : i32
      %min3A_312 = arith.minsi %add3A_310, %min3A_311 : i32
      %dma_start3A_313 = arith.constant 0 : i32
      %dma_start3A_314 = tpu.memref_slice %arg6[%min3A_312, %dma_start3A_313] : memref<160x125xi32, #tpu.memory_space<vmem>> -> memref<1x125xi32, #tpu.memory_space<vmem>>
      %dma_start3A_315 = tpu.memref_squeeze %dma_start3A_314 : memref<1x125xi32, #tpu.memory_space<vmem>> -> memref<125xi32, #tpu.memory_space<vmem>>
      %dma_start3A_316 = arith.constant 0 : i32
      %dma_start3A_317 = arith.constant 0 : i32
      %dma_start3A_318 = tpu.memref_slice %arg4[%dma_start3A_316, %dma_start3A_317] : memref<20000x64xf32, #tpu.memory_space<hbm>> -> memref<20000x64xf32, #tpu.memory_space<hbm>>
      tpu.enqueue_indirect_dma source(%dma_start3A_318 : memref<20000x64xf32, #tpu.memory_space<hbm>>) target(%arg8 : memref<125x64xf32, #tpu.memory_space<vmem>>) offsets(%dma_start3A_315 : memref<125xi32, #tpu.memory_space<vmem>>) semaphore(%arg13 : memref<!tpu.dma_semaphore, #tpu.memory_space<semaphore_mem>>)
      %mul3A_319 = arith.constant 4 : i32
      %mul3A_320 = arith.muli %scan3A_223, %mul3A_319 : i32
      %add3A_321 = arith.constant 3 : i32
      %add3A_322 = arith.addi %mul3A_320, %add3A_321 : i32
      %dma_wait3A_323 = arith.constant 0 : i32
      %dma_wait3A_324 = arith.constant 0 : i32
      %dma_wait3A_325 = tpu.memref_slice %arg4[%dma_wait3A_323, %dma_wait3A_324] : memref<20000x64xf32, #tpu.memory_space<hbm>> -> memref<125x64xf32, #tpu.memory_space<hbm>>
      %dma_wait3A_326 = arith.constant 0 : i32
      %dma_wait3A_327 = arith.constant 0 : i32
      %dma_wait3A_328 = tpu.memref_slice %arg4[%dma_wait3A_326, %dma_wait3A_327] : memref<20000x64xf32, #tpu.memory_space<hbm>> -> memref<125x64xf32, #tpu.memory_space<hbm>>
      tpu.wait_dma2 semaphore(%arg16 : memref<!tpu.dma_semaphore, #tpu.memory_space<semaphore_mem>>) src(%dma_wait3A_328 : memref<125x64xf32, #tpu.memory_space<hbm>>) dst(%arg11 : memref<125x64xf32, #tpu.memory_space<vmem>>)
      %dma_start3A_329 = arith.constant 0 : i32
      %dma_start3A_330 = tpu.memref_slice %arg7[%add3A_322, %dma_start3A_329] : memref<160x125xi32, #tpu.memory_space<vmem>> -> memref<1x125xi32, #tpu.memory_space<vmem>>
      %dma_start3A_331 = tpu.memref_squeeze %dma_start3A_330 : memref<1x125xi32, #tpu.memory_space<vmem>> -> memref<125xi32, #tpu.memory_space<vmem>>
      %dma_start3A_332 = arith.constant 0 : i32
      %dma_start3A_333 = arith.constant 0 : i32
      %dma_start3A_334 = tpu.memref_slice %arg12[%dma_start3A_332, %dma_start3A_333] : memref<10000x64xf32, #tpu.memory_space<vmem_shared>> -> memref<10000x64xf32, #tpu.memory_space<vmem_shared>>
      tpu.enqueue_indirect_dma source(%arg11 : memref<125x64xf32, #tpu.memory_space<vmem>>) target(%dma_start3A_334 : memref<10000x64xf32, #tpu.memory_space<vmem_shared>>) offsets(%dma_start3A_331 : memref<125xi32, #tpu.memory_space<vmem>>) semaphore(%arg20 : memref<!tpu.dma_semaphore, #tpu.memory_space<semaphore_mem>>) {add = true}
      %dma_wait3A_335 = arith.constant 0 : i32
      %dma_wait3A_336 = arith.constant 0 : i32
      %dma_wait3A_337 = tpu.memref_slice %arg4[%dma_wait3A_335, %dma_wait3A_336] : memref<20000x64xf32, #tpu.memory_space<hbm>> -> memref<125x64xf32, #tpu.memory_space<hbm>>
      %dma_wait3A_338 = arith.constant 0 : i32
      %dma_wait3A_339 = arith.constant 0 : i32
      %dma_wait3A_340 = tpu.memref_slice %arg4[%dma_wait3A_338, %dma_wait3A_339] : memref<20000x64xf32, #tpu.memory_space<hbm>> -> memref<125x64xf32, #tpu.memory_space<hbm>>
      tpu.wait_dma2 semaphore(%arg18 : memref<!tpu.dma_semaphore, #tpu.memory_space<semaphore_mem>>) src(%dma_wait3A_340 : memref<125x64xf32, #tpu.memory_space<hbm>>) dst(%arg9 : memref<125x64xf32, #tpu.memory_space<vmem>>)
      %add3A_341 = arith.constant 2 : i32
      %add3A_342 = arith.addi %add3A_322, %add3A_341 : i32
      %min3A_343 = arith.constant 159 : i32
      %min3A_344 = arith.minsi %add3A_342, %min3A_343 : i32
      %dma_start3A_345 = arith.constant 0 : i32
      %dma_start3A_346 = tpu.memref_slice %arg6[%min3A_344, %dma_start3A_345] : memref<160x125xi32, #tpu.memory_space<vmem>> -> memref<1x125xi32, #tpu.memory_space<vmem>>
      %dma_start3A_347 = tpu.memref_squeeze %dma_start3A_346 : memref<1x125xi32, #tpu.memory_space<vmem>> -> memref<125xi32, #tpu.memory_space<vmem>>
      %dma_start3A_348 = arith.constant 0 : i32
      %dma_start3A_349 = arith.constant 0 : i32
      %dma_start3A_350 = tpu.memref_slice %arg4[%dma_start3A_348, %dma_start3A_349] : memref<20000x64xf32, #tpu.memory_space<hbm>> -> memref<20000x64xf32, #tpu.memory_space<hbm>>
      tpu.enqueue_indirect_dma source(%dma_start3A_350 : memref<20000x64xf32, #tpu.memory_space<hbm>>) target(%arg9 : memref<125x64xf32, #tpu.memory_space<vmem>>) offsets(%dma_start3A_347 : memref<125xi32, #tpu.memory_space<vmem>>) semaphore(%arg14 : memref<!tpu.dma_semaphore, #tpu.memory_space<semaphore_mem>>)
    }
    %scan3A_137 = arith.constant 39 : i32
    %dma_wait3A_138 = arith.constant 0 : i32
    %dma_wait3A_139 = arith.constant 0 : i32
    %dma_wait3A_140 = tpu.memref_slice %arg4[%dma_wait3A_138, %dma_wait3A_139] : memref<20000x64xf32, #tpu.memory_space<hbm>> -> memref<125x64xf32, #tpu.memory_space<hbm>>
    %dma_wait3A_141 = arith.constant 0 : i32
    %dma_wait3A_142 = arith.constant 0 : i32
    %dma_wait3A_143 = tpu.memref_slice %arg4[%dma_wait3A_141, %dma_wait3A_142] : memref<20000x64xf32, #tpu.memory_space<hbm>> -> memref<125x64xf32, #tpu.memory_space<hbm>>
    tpu.wait_dma2 semaphore(%arg13 : memref<!tpu.dma_semaphore, #tpu.memory_space<semaphore_mem>>) src(%dma_wait3A_143 : memref<125x64xf32, #tpu.memory_space<hbm>>) dst(%arg8 : memref<125x64xf32, #tpu.memory_space<vmem>>)
    %dma_wait3A_144 = arith.constant 0 : i32
    %dma_wait3A_145 = arith.constant 0 : i32
    %dma_wait3A_146 = tpu.memref_slice %arg4[%dma_wait3A_144, %dma_wait3A_145] : memref<20000x64xf32, #tpu.memory_space<hbm>> -> memref<125x64xf32, #tpu.memory_space<hbm>>
    %dma_wait3A_147 = arith.constant 0 : i32
    %dma_wait3A_148 = arith.constant 0 : i32
    %dma_wait3A_149 = tpu.memref_slice %arg4[%dma_wait3A_147, %dma_wait3A_148] : memref<20000x64xf32, #tpu.memory_space<hbm>> -> memref<125x64xf32, #tpu.memory_space<hbm>>
    tpu.wait_dma2 semaphore(%arg14 : memref<!tpu.dma_semaphore, #tpu.memory_space<semaphore_mem>>) src(%dma_wait3A_149 : memref<125x64xf32, #tpu.memory_space<hbm>>) dst(%arg9 : memref<125x64xf32, #tpu.memory_space<vmem>>)
    %dma_wait3A_150 = arith.constant 0 : i32
    %dma_wait3A_151 = arith.constant 0 : i32
    %dma_wait3A_152 = tpu.memref_slice %arg4[%dma_wait3A_150, %dma_wait3A_151] : memref<20000x64xf32, #tpu.memory_space<hbm>> -> memref<125x64xf32, #tpu.memory_space<hbm>>
    %dma_wait3A_153 = arith.constant 0 : i32
    %dma_wait3A_154 = arith.constant 0 : i32
    %dma_wait3A_155 = tpu.memref_slice %arg4[%dma_wait3A_153, %dma_wait3A_154] : memref<20000x64xf32, #tpu.memory_space<hbm>> -> memref<125x64xf32, #tpu.memory_space<hbm>>
    tpu.wait_dma2 semaphore(%arg19 : memref<!tpu.dma_semaphore, #tpu.memory_space<semaphore_mem>>) src(%dma_wait3A_155 : memref<125x64xf32, #tpu.memory_space<hbm>>) dst(%arg10 : memref<125x64xf32, #tpu.memory_space<vmem>>)
    %dma_wait3A_156 = arith.constant 0 : i32
    %dma_wait3A_157 = arith.constant 0 : i32
    %dma_wait3A_158 = tpu.memref_slice %arg4[%dma_wait3A_156, %dma_wait3A_157] : memref<20000x64xf32, #tpu.memory_space<hbm>> -> memref<125x64xf32, #tpu.memory_space<hbm>>
    %dma_wait3A_159 = arith.constant 0 : i32
    %dma_wait3A_160 = arith.constant 0 : i32
    %dma_wait3A_161 = tpu.memref_slice %arg4[%dma_wait3A_159, %dma_wait3A_160] : memref<20000x64xf32, #tpu.memory_space<hbm>> -> memref<125x64xf32, #tpu.memory_space<hbm>>
    tpu.wait_dma2 semaphore(%arg20 : memref<!tpu.dma_semaphore, #tpu.memory_space<semaphore_mem>>) src(%dma_wait3A_161 : memref<125x64xf32, #tpu.memory_space<hbm>>) dst(%arg11 : memref<125x64xf32, #tpu.memory_space<vmem>>)
    %barrier3A_162 = arith.constant 0 : index
    tpu.barrier barrier_id(%barrier3A_162)
    %mul3A_163 = arith.constant 625 : i32
    %mul3A_164 = arith.muli %arg1, %mul3A_163 : i32
    %add3A_165 = arith.constant 0 : i32
    %add3A_166 = arith.addi %mul3A_164, %add3A_165 : i32
    "tpu.region"() ({
      %run_scoped3A = tpu.sem_alloc : memref<!tpu.dma_semaphore, #tpu.memory_space<semaphore_mem>>
      %dma_start3A_223 = arith.constant 0 : i32
      %dma_start3A_224 = tpu.memref_slice %arg12[%add3A_166, %dma_start3A_223] : memref<10000x64xf32, #tpu.memory_space<vmem_shared>> -> memref<125x64xf32, #tpu.memory_space<vmem_shared>>
      %dma_start3A_225 = arith.constant 0 : i32
      %dma_start3A_226 = tpu.memref_slice %arg12[%add3A_166, %dma_start3A_225] : memref<10000x64xf32, #tpu.memory_space<vmem_shared>> -> memref<125x64xf32, #tpu.memory_space<vmem_shared>>
      tpu.enqueue_dma source(%dma_start3A_226 : memref<125x64xf32, #tpu.memory_space<vmem_shared>>) target(%arg8 : memref<125x64xf32, #tpu.memory_space<vmem>>) target_semaphore(%run_scoped3A : memref<!tpu.dma_semaphore, #tpu.memory_space<semaphore_mem>>)
      %dma_wait3A_227 = arith.constant 0 : i32
      %dma_wait3A_228 = tpu.memref_slice %arg12[%add3A_166, %dma_wait3A_227] : memref<10000x64xf32, #tpu.memory_space<vmem_shared>> -> memref<125x64xf32, #tpu.memory_space<vmem_shared>>
      %dma_wait3A_229 = arith.constant 0 : i32
      %dma_wait3A_230 = tpu.memref_slice %arg12[%add3A_166, %dma_wait3A_229] : memref<10000x64xf32, #tpu.memory_space<vmem_shared>> -> memref<125x64xf32, #tpu.memory_space<vmem_shared>>
      tpu.wait_dma2 semaphore(%run_scoped3A : memref<!tpu.dma_semaphore, #tpu.memory_space<semaphore_mem>>) src(%dma_wait3A_230 : memref<125x64xf32, #tpu.memory_space<vmem_shared>>) dst(%arg8 : memref<125x64xf32, #tpu.memory_space<vmem>>)
      tpu.yield
    }) : () -> ()
    %dma_start3A_167 = tpu.memref_slice %arg5[%add3A_166, %mul3A_0] : memref<10000x128xf32, #tpu.memory_space<hbm>> -> memref<125x64xf32, #tpu.memory_space<hbm>>
    %dma_start3A_168 = tpu.memref_slice %arg5[%add3A_166, %mul3A_0] : memref<10000x128xf32, #tpu.memory_space<hbm>> -> memref<125x64xf32, #tpu.memory_space<hbm>>
    tpu.enqueue_dma source(%arg8 : memref<125x64xf32, #tpu.memory_space<vmem>>) target(%dma_start3A_168 : memref<125x64xf32, #tpu.memory_space<hbm>>) target_semaphore(%arg13 : memref<!tpu.dma_semaphore, #tpu.memory_space<semaphore_mem>>)
    %mul3A_169 = arith.constant 625 : i32
    %mul3A_170 = arith.muli %arg1, %mul3A_169 : i32
    %add3A_171 = arith.constant 125 : i32
    %add3A_172 = arith.addi %mul3A_170, %add3A_171 : i32
    "tpu.region"() ({
      %run_scoped3A = tpu.sem_alloc : memref<!tpu.dma_semaphore, #tpu.memory_space<semaphore_mem>>
      %dma_start3A_223 = arith.constant 0 : i32
      %dma_start3A_224 = tpu.memref_slice %arg12[%add3A_172, %dma_start3A_223] : memref<10000x64xf32, #tpu.memory_space<vmem_shared>> -> memref<125x64xf32, #tpu.memory_space<vmem_shared>>
      %dma_start3A_225 = arith.constant 0 : i32
      %dma_start3A_226 = tpu.memref_slice %arg12[%add3A_172, %dma_start3A_225] : memref<10000x64xf32, #tpu.memory_space<vmem_shared>> -> memref<125x64xf32, #tpu.memory_space<vmem_shared>>
      tpu.enqueue_dma source(%dma_start3A_226 : memref<125x64xf32, #tpu.memory_space<vmem_shared>>) target(%arg9 : memref<125x64xf32, #tpu.memory_space<vmem>>) target_semaphore(%run_scoped3A : memref<!tpu.dma_semaphore, #tpu.memory_space<semaphore_mem>>)
      %dma_wait3A_227 = arith.constant 0 : i32
      %dma_wait3A_228 = tpu.memref_slice %arg12[%add3A_172, %dma_wait3A_227] : memref<10000x64xf32, #tpu.memory_space<vmem_shared>> -> memref<125x64xf32, #tpu.memory_space<vmem_shared>>
      %dma_wait3A_229 = arith.constant 0 : i32
      %dma_wait3A_230 = tpu.memref_slice %arg12[%add3A_172, %dma_wait3A_229] : memref<10000x64xf32, #tpu.memory_space<vmem_shared>> -> memref<125x64xf32, #tpu.memory_space<vmem_shared>>
      tpu.wait_dma2 semaphore(%run_scoped3A : memref<!tpu.dma_semaphore, #tpu.memory_space<semaphore_mem>>) src(%dma_wait3A_230 : memref<125x64xf32, #tpu.memory_space<vmem_shared>>) dst(%arg9 : memref<125x64xf32, #tpu.memory_space<vmem>>)
      tpu.yield
    }) : () -> ()
    %dma_start3A_173 = tpu.memref_slice %arg5[%add3A_172, %mul3A_0] : memref<10000x128xf32, #tpu.memory_space<hbm>> -> memref<125x64xf32, #tpu.memory_space<hbm>>
    %dma_start3A_174 = tpu.memref_slice %arg5[%add3A_172, %mul3A_0] : memref<10000x128xf32, #tpu.memory_space<hbm>> -> memref<125x64xf32, #tpu.memory_space<hbm>>
    tpu.enqueue_dma source(%arg9 : memref<125x64xf32, #tpu.memory_space<vmem>>) target(%dma_start3A_174 : memref<125x64xf32, #tpu.memory_space<hbm>>) target_semaphore(%arg14 : memref<!tpu.dma_semaphore, #tpu.memory_space<semaphore_mem>>)
    %mul3A_175 = arith.constant 625 : i32
    %mul3A_176 = arith.muli %arg1, %mul3A_175 : i32
    %add3A_177 = arith.constant 250 : i32
    %add3A_178 = arith.addi %mul3A_176, %add3A_177 : i32
    %dma_wait3A_179 = arith.constant 0 : i32
    %dma_wait3A_180 = arith.constant 0 : i32
    %dma_wait3A_181 = tpu.memref_slice %arg4[%dma_wait3A_179, %dma_wait3A_180] : memref<20000x64xf32, #tpu.memory_space<hbm>> -> memref<125x64xf32, #tpu.memory_space<hbm>>
    %dma_wait3A_182 = arith.constant 0 : i32
    %dma_wait3A_183 = arith.constant 0 : i32
    %dma_wait3A_184 = tpu.memref_slice %arg4[%dma_wait3A_182, %dma_wait3A_183] : memref<20000x64xf32, #tpu.memory_space<hbm>> -> memref<125x64xf32, #tpu.memory_space<hbm>>
    tpu.wait_dma2 semaphore(%arg13 : memref<!tpu.dma_semaphore, #tpu.memory_space<semaphore_mem>>) src(%dma_wait3A_184 : memref<125x64xf32, #tpu.memory_space<hbm>>) dst(%arg8 : memref<125x64xf32, #tpu.memory_space<vmem>>)
    "tpu.region"() ({
      %run_scoped3A = tpu.sem_alloc : memref<!tpu.dma_semaphore, #tpu.memory_space<semaphore_mem>>
      %dma_start3A_223 = arith.constant 0 : i32
      %dma_start3A_224 = tpu.memref_slice %arg12[%add3A_178, %dma_start3A_223] : memref<10000x64xf32, #tpu.memory_space<vmem_shared>> -> memref<125x64xf32, #tpu.memory_space<vmem_shared>>
      %dma_start3A_225 = arith.constant 0 : i32
      %dma_start3A_226 = tpu.memref_slice %arg12[%add3A_178, %dma_start3A_225] : memref<10000x64xf32, #tpu.memory_space<vmem_shared>> -> memref<125x64xf32, #tpu.memory_space<vmem_shared>>
      tpu.enqueue_dma source(%dma_start3A_226 : memref<125x64xf32, #tpu.memory_space<vmem_shared>>) target(%arg8 : memref<125x64xf32, #tpu.memory_space<vmem>>) target_semaphore(%run_scoped3A : memref<!tpu.dma_semaphore, #tpu.memory_space<semaphore_mem>>)
      %dma_wait3A_227 = arith.constant 0 : i32
      %dma_wait3A_228 = tpu.memref_slice %arg12[%add3A_178, %dma_wait3A_227] : memref<10000x64xf32, #tpu.memory_space<vmem_shared>> -> memref<125x64xf32, #tpu.memory_space<vmem_shared>>
      %dma_wait3A_229 = arith.constant 0 : i32
      %dma_wait3A_230 = tpu.memref_slice %arg12[%add3A_178, %dma_wait3A_229] : memref<10000x64xf32, #tpu.memory_space<vmem_shared>> -> memref<125x64xf32, #tpu.memory_space<vmem_shared>>
      tpu.wait_dma2 semaphore(%run_scoped3A : memref<!tpu.dma_semaphore, #tpu.memory_space<semaphore_mem>>) src(%dma_wait3A_230 : memref<125x64xf32, #tpu.memory_space<vmem_shared>>) dst(%arg8 : memref<125x64xf32, #tpu.memory_space<vmem>>)
      tpu.yield
    }) : () -> ()
    %dma_start3A_185 = tpu.memref_slice %arg5[%add3A_178, %mul3A_0] : memref<10000x128xf32, #tpu.memory_space<hbm>> -> memref<125x64xf32, #tpu.memory_space<hbm>>
    %dma_start3A_186 = tpu.memref_slice %arg5[%add3A_178, %mul3A_0] : memref<10000x128xf32, #tpu.memory_space<hbm>> -> memref<125x64xf32, #tpu.memory_space<hbm>>
    tpu.enqueue_dma source(%arg8 : memref<125x64xf32, #tpu.memory_space<vmem>>) target(%dma_start3A_186 : memref<125x64xf32, #tpu.memory_space<hbm>>) target_semaphore(%arg13 : memref<!tpu.dma_semaphore, #tpu.memory_space<semaphore_mem>>)
    %mul3A_187 = arith.constant 625 : i32
    %mul3A_188 = arith.muli %arg1, %mul3A_187 : i32
    %add3A_189 = arith.constant 375 : i32
    %add3A_190 = arith.addi %mul3A_188, %add3A_189 : i32
    %dma_wait3A_191 = arith.constant 0 : i32
    %dma_wait3A_192 = arith.constant 0 : i32
    %dma_wait3A_193 = tpu.memref_slice %arg4[%dma_wait3A_191, %dma_wait3A_192] : memref<20000x64xf32, #tpu.memory_space<hbm>> -> memref<125x64xf32, #tpu.memory_space<hbm>>
    %dma_wait3A_194 = arith.constant 0 : i32
    %dma_wait3A_195 = arith.constant 0 : i32
    %dma_wait3A_196 = tpu.memref_slice %arg4[%dma_wait3A_194, %dma_wait3A_195] : memref<20000x64xf32, #tpu.memory_space<hbm>> -> memref<125x64xf32, #tpu.memory_space<hbm>>
    tpu.wait_dma2 semaphore(%arg14 : memref<!tpu.dma_semaphore, #tpu.memory_space<semaphore_mem>>) src(%dma_wait3A_196 : memref<125x64xf32, #tpu.memory_space<hbm>>) dst(%arg9 : memref<125x64xf32, #tpu.memory_space<vmem>>)
    "tpu.region"() ({
      %run_scoped3A = tpu.sem_alloc : memref<!tpu.dma_semaphore, #tpu.memory_space<semaphore_mem>>
      %dma_start3A_223 = arith.constant 0 : i32
      %dma_start3A_224 = tpu.memref_slice %arg12[%add3A_190, %dma_start3A_223] : memref<10000x64xf32, #tpu.memory_space<vmem_shared>> -> memref<125x64xf32, #tpu.memory_space<vmem_shared>>
      %dma_start3A_225 = arith.constant 0 : i32
      %dma_start3A_226 = tpu.memref_slice %arg12[%add3A_190, %dma_start3A_225] : memref<10000x64xf32, #tpu.memory_space<vmem_shared>> -> memref<125x64xf32, #tpu.memory_space<vmem_shared>>
      tpu.enqueue_dma source(%dma_start3A_226 : memref<125x64xf32, #tpu.memory_space<vmem_shared>>) target(%arg9 : memref<125x64xf32, #tpu.memory_space<vmem>>) target_semaphore(%run_scoped3A : memref<!tpu.dma_semaphore, #tpu.memory_space<semaphore_mem>>)
      %dma_wait3A_227 = arith.constant 0 : i32
      %dma_wait3A_228 = tpu.memref_slice %arg12[%add3A_190, %dma_wait3A_227] : memref<10000x64xf32, #tpu.memory_space<vmem_shared>> -> memref<125x64xf32, #tpu.memory_space<vmem_shared>>
      %dma_wait3A_229 = arith.constant 0 : i32
      %dma_wait3A_230 = tpu.memref_slice %arg12[%add3A_190, %dma_wait3A_229] : memref<10000x64xf32, #tpu.memory_space<vmem_shared>> -> memref<125x64xf32, #tpu.memory_space<vmem_shared>>
      tpu.wait_dma2 semaphore(%run_scoped3A : memref<!tpu.dma_semaphore, #tpu.memory_space<semaphore_mem>>) src(%dma_wait3A_230 : memref<125x64xf32, #tpu.memory_space<vmem_shared>>) dst(%arg9 : memref<125x64xf32, #tpu.memory_space<vmem>>)
      tpu.yield
    }) : () -> ()
    %dma_start3A_197 = tpu.memref_slice %arg5[%add3A_190, %mul3A_0] : memref<10000x128xf32, #tpu.memory_space<hbm>> -> memref<125x64xf32, #tpu.memory_space<hbm>>
    %dma_start3A_198 = tpu.memref_slice %arg5[%add3A_190, %mul3A_0] : memref<10000x128xf32, #tpu.memory_space<hbm>> -> memref<125x64xf32, #tpu.memory_space<hbm>>
    tpu.enqueue_dma source(%arg9 : memref<125x64xf32, #tpu.memory_space<vmem>>) target(%dma_start3A_198 : memref<125x64xf32, #tpu.memory_space<hbm>>) target_semaphore(%arg14 : memref<!tpu.dma_semaphore, #tpu.memory_space<semaphore_mem>>)
    %mul3A_199 = arith.constant 625 : i32
    %mul3A_200 = arith.muli %arg1, %mul3A_199 : i32
    %add3A_201 = arith.constant 500 : i32
    %add3A_202 = arith.addi %mul3A_200, %add3A_201 : i32
    %dma_wait3A_203 = arith.constant 0 : i32
    %dma_wait3A_204 = arith.constant 0 : i32
    %dma_wait3A_205 = tpu.memref_slice %arg4[%dma_wait3A_203, %dma_wait3A_204] : memref<20000x64xf32, #tpu.memory_space<hbm>> -> memref<125x64xf32, #tpu.memory_space<hbm>>
    %dma_wait3A_206 = arith.constant 0 : i32
    %dma_wait3A_207 = arith.constant 0 : i32
    %dma_wait3A_208 = tpu.memref_slice %arg4[%dma_wait3A_206, %dma_wait3A_207] : memref<20000x64xf32, #tpu.memory_space<hbm>> -> memref<125x64xf32, #tpu.memory_space<hbm>>
    tpu.wait_dma2 semaphore(%arg13 : memref<!tpu.dma_semaphore, #tpu.memory_space<semaphore_mem>>) src(%dma_wait3A_208 : memref<125x64xf32, #tpu.memory_space<hbm>>) dst(%arg8 : memref<125x64xf32, #tpu.memory_space<vmem>>)
    "tpu.region"() ({
      %run_scoped3A = tpu.sem_alloc : memref<!tpu.dma_semaphore, #tpu.memory_space<semaphore_mem>>
      %dma_start3A_223 = arith.constant 0 : i32
      %dma_start3A_224 = tpu.memref_slice %arg12[%add3A_202, %dma_start3A_223] : memref<10000x64xf32, #tpu.memory_space<vmem_shared>> -> memref<125x64xf32, #tpu.memory_space<vmem_shared>>
      %dma_start3A_225 = arith.constant 0 : i32
      %dma_start3A_226 = tpu.memref_slice %arg12[%add3A_202, %dma_start3A_225] : memref<10000x64xf32, #tpu.memory_space<vmem_shared>> -> memref<125x64xf32, #tpu.memory_space<vmem_shared>>
      tpu.enqueue_dma source(%dma_start3A_226 : memref<125x64xf32, #tpu.memory_space<vmem_shared>>) target(%arg8 : memref<125x64xf32, #tpu.memory_space<vmem>>) target_semaphore(%run_scoped3A : memref<!tpu.dma_semaphore, #tpu.memory_space<semaphore_mem>>)
      %dma_wait3A_227 = arith.constant 0 : i32
      %dma_wait3A_228 = tpu.memref_slice %arg12[%add3A_202, %dma_wait3A_227] : memref<10000x64xf32, #tpu.memory_space<vmem_shared>> -> memref<125x64xf32, #tpu.memory_space<vmem_shared>>
      %dma_wait3A_229 = arith.constant 0 : i32
      %dma_wait3A_230 = tpu.memref_slice %arg12[%add3A_202, %dma_wait3A_229] : memref<10000x64xf32, #tpu.memory_space<vmem_shared>> -> memref<125x64xf32, #tpu.memory_space<vmem_shared>>
      tpu.wait_dma2 semaphore(%run_scoped3A : memref<!tpu.dma_semaphore, #tpu.memory_space<semaphore_mem>>) src(%dma_wait3A_230 : memref<125x64xf32, #tpu.memory_space<vmem_shared>>) dst(%arg8 : memref<125x64xf32, #tpu.memory_space<vmem>>)
      tpu.yield
    }) : () -> ()
    %dma_start3A_209 = tpu.memref_slice %arg5[%add3A_202, %mul3A_0] : memref<10000x128xf32, #tpu.memory_space<hbm>> -> memref<125x64xf32, #tpu.memory_space<hbm>>
    %dma_start3A_210 = tpu.memref_slice %arg5[%add3A_202, %mul3A_0] : memref<10000x128xf32, #tpu.memory_space<hbm>> -> memref<125x64xf32, #tpu.memory_space<hbm>>
    tpu.enqueue_dma source(%arg8 : memref<125x64xf32, #tpu.memory_space<vmem>>) target(%dma_start3A_210 : memref<125x64xf32, #tpu.memory_space<hbm>>) target_semaphore(%arg13 : memref<!tpu.dma_semaphore, #tpu.memory_space<semaphore_mem>>)
    %dma_wait3A_211 = arith.constant 0 : i32
    %dma_wait3A_212 = arith.constant 0 : i32
    %dma_wait3A_213 = tpu.memref_slice %arg4[%dma_wait3A_211, %dma_wait3A_212] : memref<20000x64xf32, #tpu.memory_space<hbm>> -> memref<125x64xf32, #tpu.memory_space<hbm>>
    %dma_wait3A_214 = arith.constant 0 : i32
    %dma_wait3A_215 = arith.constant 0 : i32
    %dma_wait3A_216 = tpu.memref_slice %arg4[%dma_wait3A_214, %dma_wait3A_215] : memref<20000x64xf32, #tpu.memory_space<hbm>> -> memref<125x64xf32, #tpu.memory_space<hbm>>
    tpu.wait_dma2 semaphore(%arg13 : memref<!tpu.dma_semaphore, #tpu.memory_space<semaphore_mem>>) src(%dma_wait3A_216 : memref<125x64xf32, #tpu.memory_space<hbm>>) dst(%arg8 : memref<125x64xf32, #tpu.memory_space<vmem>>)
    %dma_wait3A_217 = arith.constant 0 : i32
    %dma_wait3A_218 = arith.constant 0 : i32
    %dma_wait3A_219 = tpu.memref_slice %arg4[%dma_wait3A_217, %dma_wait3A_218] : memref<20000x64xf32, #tpu.memory_space<hbm>> -> memref<125x64xf32, #tpu.memory_space<hbm>>
    %dma_wait3A_220 = arith.constant 0 : i32
    %dma_wait3A_221 = arith.constant 0 : i32
    %dma_wait3A_222 = tpu.memref_slice %arg4[%dma_wait3A_220, %dma_wait3A_221] : memref<20000x64xf32, #tpu.memory_space<hbm>> -> memref<125x64xf32, #tpu.memory_space<hbm>>
    tpu.wait_dma2 semaphore(%arg14 : memref<!tpu.dma_semaphore, #tpu.memory_space<semaphore_mem>>) src(%dma_wait3A_222 : memref<125x64xf32, #tpu.memory_space<hbm>>) dst(%arg9 : memref<125x64xf32, #tpu.memory_space<vmem>>)
    return
  }
}

module attributes {stable_mosaic.version = 14 : i64} {
  func.func @body(%arg0: i32, %arg1: memref<2000x128xf32, #tpu.memory_space<vmem>>, %arg2: memref<128x128xf32, #tpu.memory_space<vmem>>, %arg3: memref<1x128xf32, #tpu.memory_space<vmem>>, %arg4: memref<2000x128xf32, #tpu.memory_space<vmem>>) attributes {dimension_semantics = [#tpu.dimension_semantics<arbitrary>], iteration_bounds = array<i64: 5>, scalar_prefetch = 0 : i64, scratch_operands = 0 : i64, tpu.core_type = #tpu.core_type<tc>, window_params = [{transform_indices = @transform_0, window_bounds = array<i64: 2000, 128>}, {pipeline_mode = #tpu.pipeline_mode<synchronous>, transform_indices = @transform_1, window_bounds = array<i64: 128, 128>}, {pipeline_mode = #tpu.pipeline_mode<synchronous>, transform_indices = @transform_2, window_bounds = array<i64: 1, 128>}, {transform_indices = @transform_3, window_bounds = array<i64: 2000, 128>}]} {
    %get3A = arith.constant 0 : index
    %get3A_0 = arith.constant 0 : index
    %get3A_1 = vector.load %arg1[%get3A, %get3A_0] : memref<2000x128xf32, #tpu.memory_space<vmem>>, vector<2000x128xf32>
    %get3A_2 = arith.constant 0 : index
    %get3A_3 = arith.constant 0 : index
    %get3A_4 = vector.load %arg2[%get3A_2, %get3A_3] : memref<128x128xf32, #tpu.memory_space<vmem>>, vector<128x128xf32>
    %dot_general3A = arith.constant dense<0.000000e+00> : vector<2000x128xf32>
    %dot_general3A_5 = tpu.matmul %get3A_1, %get3A_4, %dot_general3A {dimension_numbers = #tpu.dot_dimension_numbers<[1], [0], [0], [1], [0, 0, 1, 1], [], []>, transpose_lhs_hint = false} : vector<2000x128xf32>, vector<128x128xf32>, vector<2000x128xf32> -> vector<2000x128xf32>
    %get3A_6 = arith.constant 0 : index
    %get3A_7 = arith.constant 0 : index
    %get3A_8 = vector.load %arg3[%get3A_6, %get3A_7] : memref<1x128xf32, #tpu.memory_space<vmem>>, vector<1x128xf32>
    %add3A = vector.broadcast %get3A_8 : vector<1x128xf32> to vector<2000x128xf32>
    %add3A_9 = arith.addf %dot_general3A_5, %add3A : vector<2000x128xf32>
    %swap3A = arith.constant 0 : index
    %swap3A_10 = arith.constant 0 : index
    %swap3A_11 = vector.load %arg4[%swap3A, %swap3A_10] : memref<2000x128xf32, #tpu.memory_space<vmem>>, vector<2000x128xf32>
    tpu.vector_store %arg4[%swap3A, %swap3A_10], %add3A_9 {strides = array<i32>} : memref<2000x128xf32, #tpu.memory_space<vmem>>, vector<2000x128xf32>,
    return
  }
  func.func @transform_0(%arg0: i32) -> (i32, i32) {
    %c0_i32 = arith.constant 0 : i32
    %c0_i32_0 = arith.constant 0 : i32
    return %arg0, %c0_i32 : i32, i32
  }
  func.func @transform_1(%arg0: i32) -> (i32, i32) {
    %c0_i32 = arith.constant 0 : i32
    %c0_i32_0 = arith.constant 0 : i32
    %c0_i32_1 = arith.constant 0 : i32
    return %c0_i32, %c0_i32_0 : i32, i32
  }
  func.func @transform_2(%arg0: i32) -> (i32, i32) {
    %c0_i32 = arith.constant 0 : i32
    %c0_i32_0 = arith.constant 0 : i32
    %c0_i32_1 = arith.constant 0 : i32
    return %c0_i32, %c0_i32_0 : i32, i32
  }
  func.func @transform_3(%arg0: i32) -> (i32, i32) {
    %c0_i32 = arith.constant 0 : i32
    %c0_i32_0 = arith.constant 0 : i32
    return %arg0, %c0_i32 : i32, i32
  }
}

module attributes {stable_mosaic.version = 14 : i64} {
  func.func @body(%arg0: i32, %arg1: memref<2000x128xf32, #tpu.memory_space<vmem>>, %arg2: memref<2000x128xf32, #tpu.memory_space<vmem>>, %arg3: memref<2000x128xf32, #tpu.memory_space<vmem>>, %arg4: memref<128x128xf32, #tpu.memory_space<vmem>>, %arg5: memref<2000x128xf32, #tpu.memory_space<vmem>>) attributes {dimension_semantics = [#tpu.dimension_semantics<arbitrary>], iteration_bounds = array<i64: 5>, scalar_prefetch = 0 : i64, scratch_operands = 0 : i64, tpu.core_type = #tpu.core_type<tc>, window_params = [{transform_indices = @transform_0, window_bounds = array<i64: 2000, 128>}, {transform_indices = @transform_1, window_bounds = array<i64: 2000, 128>}, {transform_indices = @transform_2, window_bounds = array<i64: 2000, 128>}, {pipeline_mode = #tpu.pipeline_mode<synchronous>, transform_indices = @transform_3, window_bounds = array<i64: 128, 128>}, {transform_indices = @transform_4, window_bounds = array<i64: 2000, 128>}]} {
    %get3A = arith.constant 0 : index
    %get3A_0 = arith.constant 0 : index
    %get3A_1 = vector.load %arg1[%get3A, %get3A_0] : memref<2000x128xf32, #tpu.memory_space<vmem>>, vector<2000x128xf32>
    %get3A_2 = arith.constant 0 : index
    %get3A_3 = arith.constant 0 : index
    %get3A_4 = vector.load %arg4[%get3A_2, %get3A_3] : memref<128x128xf32, #tpu.memory_space<vmem>>, vector<128x128xf32>
    %dot_general3A = arith.constant dense<0.000000e+00> : vector<2000x128xf32>
    %dot_general3A_5 = tpu.matmul %get3A_1, %get3A_4, %dot_general3A {dimension_numbers = #tpu.dot_dimension_numbers<[1], [0], [0], [1], [0, 0, 1, 1], [], []>, transpose_lhs_hint = false} : vector<2000x128xf32>, vector<128x128xf32>, vector<2000x128xf32> -> vector<2000x128xf32>
    %get3A_6 = arith.constant 0 : index
    %get3A_7 = arith.constant 0 : index
    %get3A_8 = vector.load %arg2[%get3A_6, %get3A_7] : memref<2000x128xf32, #tpu.memory_space<vmem>>, vector<2000x128xf32>
    %add3A = arith.addf %dot_general3A_5, %get3A_8 : vector<2000x128xf32>
    %max3A = arith.constant 0.000000e+00 : f32
    %max3A_9 = vector.broadcast %max3A : f32 to vector<2000x128xf32>
    %max3A_10 = arith.maximumf %add3A, %max3A_9 : vector<2000x128xf32>
    %swap3A = arith.constant 0 : index
    %swap3A_11 = arith.constant 0 : index
    %swap3A_12 = vector.load %arg5[%swap3A, %swap3A_11] : memref<2000x128xf32, #tpu.memory_space<vmem>>, vector<2000x128xf32>
    tpu.vector_store %arg5[%swap3A, %swap3A_11], %max3A_10 {strides = array<i32>} : memref<2000x128xf32, #tpu.memory_space<vmem>>, vector<2000x128xf32>,
    return
  }
  func.func @transform_0(%arg0: i32) -> (i32, i32) {
    %c0_i32 = arith.constant 0 : i32
    %c0_i32_0 = arith.constant 0 : i32
    return %arg0, %c0_i32 : i32, i32
  }
  func.func @transform_1(%arg0: i32) -> (i32, i32) {
    %c0_i32 = arith.constant 0 : i32
    %c0_i32_0 = arith.constant 0 : i32
    return %arg0, %c0_i32 : i32, i32
  }
  func.func @transform_2(%arg0: i32) -> (i32, i32) {
    %c0_i32 = arith.constant 0 : i32
    %c0_i32_0 = arith.constant 0 : i32
    return %arg0, %c0_i32 : i32, i32
  }
  func.func @transform_3(%arg0: i32) -> (i32, i32) {
    %c0_i32 = arith.constant 0 : i32
    %c0_i32_0 = arith.constant 0 : i32
    %c0_i32_1 = arith.constant 0 : i32
    return %c0_i32, %c0_i32_0 : i32, i32
  }
  func.func @transform_4(%arg0: i32) -> (i32, i32) {
    %c0_i32 = arith.constant 0 : i32
    %c0_i32_0 = arith.constant 0 : i32
    return %arg0, %c0_i32 : i32, i32
  }
}

module attributes {stable_mosaic.version = 14 : i64} {
  func.func @body(%arg0: i32, %arg1: memref<2000x128xf32, #tpu.memory_space<vmem>>, %arg2: memref<2000x128xf32, #tpu.memory_space<vmem>>, %arg3: memref<2000x128xf32, #tpu.memory_space<vmem>>, %arg4: memref<128x128xf32, #tpu.memory_space<vmem>>, %arg5: memref<2000x128xf32, #tpu.memory_space<vmem>>) attributes {dimension_semantics = [#tpu.dimension_semantics<arbitrary>], iteration_bounds = array<i64: 5>, scalar_prefetch = 0 : i64, scratch_operands = 0 : i64, tpu.core_type = #tpu.core_type<tc>, window_params = [{transform_indices = @transform_0, window_bounds = array<i64: 2000, 128>}, {transform_indices = @transform_1, window_bounds = array<i64: 2000, 128>}, {transform_indices = @transform_2, window_bounds = array<i64: 2000, 128>}, {pipeline_mode = #tpu.pipeline_mode<synchronous>, transform_indices = @transform_3, window_bounds = array<i64: 128, 128>}, {transform_indices = @transform_4, window_bounds = array<i64: 2000, 128>}]} {
    %get3A = arith.constant 0 : index
    %get3A_0 = arith.constant 0 : index
    %get3A_1 = vector.load %arg1[%get3A, %get3A_0] : memref<2000x128xf32, #tpu.memory_space<vmem>>, vector<2000x128xf32>
    %get3A_2 = arith.constant 0 : index
    %get3A_3 = arith.constant 0 : index
    %get3A_4 = vector.load %arg4[%get3A_2, %get3A_3] : memref<128x128xf32, #tpu.memory_space<vmem>>, vector<128x128xf32>
    %dot_general3A = arith.constant dense<0.000000e+00> : vector<2000x128xf32>
    %dot_general3A_5 = tpu.matmul %get3A_1, %get3A_4, %dot_general3A {dimension_numbers = #tpu.dot_dimension_numbers<[1], [0], [0], [1], [0, 0, 1, 1], [], []>, transpose_lhs_hint = false} : vector<2000x128xf32>, vector<128x128xf32>, vector<2000x128xf32> -> vector<2000x128xf32>
    %get3A_6 = arith.constant 0 : index
    %get3A_7 = arith.constant 0 : index
    %get3A_8 = vector.load %arg2[%get3A_6, %get3A_7] : memref<2000x128xf32, #tpu.memory_space<vmem>>, vector<2000x128xf32>
    %add3A = arith.addf %dot_general3A_5, %get3A_8 : vector<2000x128xf32>
    %max3A = arith.constant 0.000000e+00 : f32
    %max3A_9 = vector.broadcast %max3A : f32 to vector<2000x128xf32>
    %max3A_10 = arith.maximumf %add3A, %max3A_9 : vector<2000x128xf32>
    %get3A_11 = arith.constant 0 : index
    %get3A_12 = arith.constant 0 : index
    %get3A_13 = vector.load %arg3[%get3A_11, %get3A_12] : memref<2000x128xf32, #tpu.memory_space<vmem>>, vector<2000x128xf32>
    %add3A_14 = arith.addf %max3A_10, %get3A_13 : vector<2000x128xf32>
    %swap3A = arith.constant 0 : index
    %swap3A_15 = arith.constant 0 : index
    %swap3A_16 = vector.load %arg5[%swap3A, %swap3A_15] : memref<2000x128xf32, #tpu.memory_space<vmem>>, vector<2000x128xf32>
    tpu.vector_store %arg5[%swap3A, %swap3A_15], %add3A_14 {strides = array<i32>} : memref<2000x128xf32, #tpu.memory_space<vmem>>, vector<2000x128xf32>,
    return
  }
  func.func @transform_0(%arg0: i32) -> (i32, i32) {
    %c0_i32 = arith.constant 0 : i32
    %c0_i32_0 = arith.constant 0 : i32
    return %arg0, %c0_i32 : i32, i32
  }
  func.func @transform_1(%arg0: i32) -> (i32, i32) {
    %c0_i32 = arith.constant 0 : i32
    %c0_i32_0 = arith.constant 0 : i32
    return %arg0, %c0_i32 : i32, i32
  }
  func.func @transform_2(%arg0: i32) -> (i32, i32) {
    %c0_i32 = arith.constant 0 : i32
    %c0_i32_0 = arith.constant 0 : i32
    return %arg0, %c0_i32 : i32, i32
  }
  func.func @transform_3(%arg0: i32) -> (i32, i32) {
    %c0_i32 = arith.constant 0 : i32
    %c0_i32_0 = arith.constant 0 : i32
    %c0_i32_1 = arith.constant 0 : i32
    return %c0_i32, %c0_i32_0 : i32, i32
  }
  func.func @transform_4(%arg0: i32) -> (i32, i32) {
    %c0_i32 = arith.constant 0 : i32
    %c0_i32_0 = arith.constant 0 : i32
    return %arg0, %c0_i32 : i32, i32
  }
}

module attributes {stable_mosaic.version = 14 : i64} {
  func.func @body(%arg0: i32, %arg1: memref<2000x128xf32, #tpu.memory_space<vmem>>, %arg2: memref<2000x128xf32, #tpu.memory_space<vmem>>, %arg3: memref<2000x128xf32, #tpu.memory_space<vmem>>, %arg4: memref<128x128xf32, #tpu.memory_space<vmem>>, %arg5: memref<2000x128xf32, #tpu.memory_space<vmem>>) attributes {dimension_semantics = [#tpu.dimension_semantics<arbitrary>], iteration_bounds = array<i64: 5>, scalar_prefetch = 0 : i64, scratch_operands = 0 : i64, tpu.core_type = #tpu.core_type<tc>, window_params = [{transform_indices = @transform_0, window_bounds = array<i64: 2000, 128>}, {transform_indices = @transform_1, window_bounds = array<i64: 2000, 128>}, {transform_indices = @transform_2, window_bounds = array<i64: 2000, 128>}, {pipeline_mode = #tpu.pipeline_mode<synchronous>, transform_indices = @transform_3, window_bounds = array<i64: 128, 128>}, {transform_indices = @transform_4, window_bounds = array<i64: 2000, 128>}]} {
    %get3A = arith.constant 0 : index
    %get3A_0 = arith.constant 0 : index
    %get3A_1 = vector.load %arg1[%get3A, %get3A_0] : memref<2000x128xf32, #tpu.memory_space<vmem>>, vector<2000x128xf32>
    %get3A_2 = arith.constant 0 : index
    %get3A_3 = arith.constant 0 : index
    %get3A_4 = vector.load %arg4[%get3A_2, %get3A_3] : memref<128x128xf32, #tpu.memory_space<vmem>>, vector<128x128xf32>
    %dot_general3A = arith.constant dense<0.000000e+00> : vector<2000x128xf32>
    %dot_general3A_5 = tpu.matmul %get3A_1, %get3A_4, %dot_general3A {dimension_numbers = #tpu.dot_dimension_numbers<[1], [0], [0], [1], [0, 0, 1, 1], [], []>, transpose_lhs_hint = false} : vector<2000x128xf32>, vector<128x128xf32>, vector<2000x128xf32> -> vector<2000x128xf32>
    %get3A_6 = arith.constant 0 : index
    %get3A_7 = arith.constant 0 : index
    %get3A_8 = vector.load %arg2[%get3A_6, %get3A_7] : memref<2000x128xf32, #tpu.memory_space<vmem>>, vector<2000x128xf32>
    %add3A = arith.addf %dot_general3A_5, %get3A_8 : vector<2000x128xf32>
    %get3A_9 = arith.constant 0 : index
    %get3A_10 = arith.constant 0 : index
    %get3A_11 = vector.load %arg3[%get3A_9, %get3A_10] : memref<2000x128xf32, #tpu.memory_space<vmem>>, vector<2000x128xf32>
    %add3A_12 = arith.addf %add3A, %get3A_11 : vector<2000x128xf32>
    %swap3A = arith.constant 0 : index
    %swap3A_13 = arith.constant 0 : index
    %swap3A_14 = vector.load %arg5[%swap3A, %swap3A_13] : memref<2000x128xf32, #tpu.memory_space<vmem>>, vector<2000x128xf32>
    tpu.vector_store %arg5[%swap3A, %swap3A_13], %add3A_12 {strides = array<i32>} : memref<2000x128xf32, #tpu.memory_space<vmem>>, vector<2000x128xf32>,
    return
  }
  func.func @transform_0(%arg0: i32) -> (i32, i32) {
    %c0_i32 = arith.constant 0 : i32
    %c0_i32_0 = arith.constant 0 : i32
    return %arg0, %c0_i32 : i32, i32
  }
  func.func @transform_1(%arg0: i32) -> (i32, i32) {
    %c0_i32 = arith.constant 0 : i32
    %c0_i32_0 = arith.constant 0 : i32
    return %arg0, %c0_i32 : i32, i32
  }
  func.func @transform_2(%arg0: i32) -> (i32, i32) {
    %c0_i32 = arith.constant 0 : i32
    %c0_i32_0 = arith.constant 0 : i32
    return %arg0, %c0_i32 : i32, i32
  }
  func.func @transform_3(%arg0: i32) -> (i32, i32) {
    %c0_i32 = arith.constant 0 : i32
    %c0_i32_0 = arith.constant 0 : i32
    %c0_i32_1 = arith.constant 0 : i32
    return %c0_i32, %c0_i32_0 : i32, i32
  }
  func.func @transform_4(%arg0: i32) -> (i32, i32) {
    %c0_i32 = arith.constant 0 : i32
    %c0_i32_0 = arith.constant 0 : i32
    return %arg0, %c0_i32 : i32, i32
  }
}

module attributes {stable_mosaic.version = 14 : i64} {
  func.func @body(%arg0: i32, %arg1: memref<2000x128xf32, #tpu.memory_space<vmem>>, %arg2: memref<2000x128xf32, #tpu.memory_space<vmem>>, %arg3: memref<2000x128xf32, #tpu.memory_space<vmem>>, %arg4: memref<128x128xf32, #tpu.memory_space<vmem>>, %arg5: memref<2000x128xf32, #tpu.memory_space<vmem>>) attributes {dimension_semantics = [#tpu.dimension_semantics<arbitrary>], iteration_bounds = array<i64: 5>, scalar_prefetch = 0 : i64, scratch_operands = 0 : i64, tpu.core_type = #tpu.core_type<tc>, window_params = [{transform_indices = @transform_0, window_bounds = array<i64: 2000, 128>}, {transform_indices = @transform_1, window_bounds = array<i64: 2000, 128>}, {transform_indices = @transform_2, window_bounds = array<i64: 2000, 128>}, {pipeline_mode = #tpu.pipeline_mode<synchronous>, transform_indices = @transform_3, window_bounds = array<i64: 128, 128>}, {transform_indices = @transform_4, window_bounds = array<i64: 2000, 128>}]} {
    %get3A = arith.constant 0 : index
    %get3A_0 = arith.constant 0 : index
    %get3A_1 = vector.load %arg1[%get3A, %get3A_0] : memref<2000x128xf32, #tpu.memory_space<vmem>>, vector<2000x128xf32>
    %get3A_2 = arith.constant 0 : index
    %get3A_3 = arith.constant 0 : index
    %get3A_4 = vector.load %arg4[%get3A_2, %get3A_3] : memref<128x128xf32, #tpu.memory_space<vmem>>, vector<128x128xf32>
    %dot_general3A = arith.constant dense<0.000000e+00> : vector<2000x128xf32>
    %dot_general3A_5 = tpu.matmul %get3A_1, %get3A_4, %dot_general3A {dimension_numbers = #tpu.dot_dimension_numbers<[1], [0], [0], [1], [0, 0, 1, 1], [], []>, transpose_lhs_hint = false} : vector<2000x128xf32>, vector<128x128xf32>, vector<2000x128xf32> -> vector<2000x128xf32>
    %get3A_6 = arith.constant 0 : index
    %get3A_7 = arith.constant 0 : index
    %get3A_8 = vector.load %arg2[%get3A_6, %get3A_7] : memref<2000x128xf32, #tpu.memory_space<vmem>>, vector<2000x128xf32>
    %add3A = arith.addf %dot_general3A_5, %get3A_8 : vector<2000x128xf32>
    %get3A_9 = arith.constant 0 : index
    %get3A_10 = arith.constant 0 : index
    %get3A_11 = vector.load %arg3[%get3A_9, %get3A_10] : memref<2000x128xf32, #tpu.memory_space<vmem>>, vector<2000x128xf32>
    %add3A_12 = arith.addf %add3A, %get3A_11 : vector<2000x128xf32>
    %swap3A = arith.constant 0 : index
    %swap3A_13 = arith.constant 0 : index
    %swap3A_14 = vector.load %arg5[%swap3A, %swap3A_13] : memref<2000x128xf32, #tpu.memory_space<vmem>>, vector<2000x128xf32>
    tpu.vector_store %arg5[%swap3A, %swap3A_13], %add3A_12 {strides = array<i32>} : memref<2000x128xf32, #tpu.memory_space<vmem>>, vector<2000x128xf32>,
    return
  }
  func.func @transform_0(%arg0: i32) -> (i32, i32) {
    %c0_i32 = arith.constant 0 : i32
    %c0_i32_0 = arith.constant 0 : i32
    return %arg0, %c0_i32 : i32, i32
  }
  func.func @transform_1(%arg0: i32) -> (i32, i32) {
    %c0_i32 = arith.constant 0 : i32
    %c0_i32_0 = arith.constant 0 : i32
    return %arg0, %c0_i32 : i32, i32
  }
  func.func @transform_2(%arg0: i32) -> (i32, i32) {
    %c0_i32 = arith.constant 0 : i32
    %c0_i32_0 = arith.constant 0 : i32
    return %arg0, %c0_i32 : i32, i32
  }
  func.func @transform_3(%arg0: i32) -> (i32, i32) {
    %c0_i32 = arith.constant 0 : i32
    %c0_i32_0 = arith.constant 0 : i32
    %c0_i32_1 = arith.constant 0 : i32
    return %c0_i32, %c0_i32_0 : i32, i32
  }
  func.func @transform_4(%arg0: i32) -> (i32, i32) {
    %c0_i32 = arith.constant 0 : i32
    %c0_i32_0 = arith.constant 0 : i32
    return %arg0, %c0_i32 : i32, i32
  }
}

</mosaic_0001>

<sc_bundles>
// kernel: kernel.14.cloned.1.call-start
scs
__scs_entry_jumppad:
0x0: {  	(pc) =	sbr.rel $0x88, $3  }
0x1: {  	(tag) =	ssettag $0x0;
	lr =	simm.s32 $0x1  }
0x2: {  	[smem:$0x3F93] =	sst lr;
	_ =	strace $0xD0000000  }
0x3: {  	_ = 	snop  }
0x4: {  	_ = 	snop  }
0x5: {  	_ = 	snop  }
0x6: {  	_ = 	snop  }
0x7: {  	_ = 	snop  }
__scs_overlays_trampoline_lowered:
0x8: {  	[smem:$0x3FA2] =	sst s0  }
0x9: {  	[smem:$0x3FA3] =	sst s1  }
0xa: {  	[smem:$0x3FA4] =	sst s2  }
0xb: {  	[smem:$0x3FA5] =	sst s3  }
0xc: {  	[smem:$0x3FA6] =	sst s4  }
0xd: {  	[smem:$0x3FA7] =	sst s5  }
0xe: {  	[smem:$0x3FA8] =	sst s6  }
0xf: {  	[smem:$0x3FA9] =	sst s7  }
0x10: {  	[smem:$0x3FAA] =	sst s8  }
0x11: {  	[smem:$0x3FAB] =	sst s9;
	s0 =	simm.s32 @!p0 $0x0  }
0x12: {  	s1 =	sld [smem:$0x3F91];
	s0 =	simm.s32 @p0 $0x1  }
0x13: {  	[smem:$0x3FAC] =	sst s0;
	s0 =	simm.s32 @!p1 $0x0  }
0x14: {  	s2 =	sld [smem:$0x3F90];
	s0 =	simm.s32 @p1 $0x1  }
0x15: {  	[smem:$0x3FAD] =	sst s0;
	s0 =	simm.s32 @!p2 $0x0  }
0x16: {  	s3 =	sld [smem:$0x3FDB];
	s0 =	simm.s32 @p2 $0x1  }
0x17: {  	s4 =	simm.s32 $0x1BF5;
	[smem:$0x3FAF] =	sst s0  }
0x18: {  	s0 =	sld [smem:$0x3F92];
	_ =	swait.ge [sflag:s4], $0x0  }
0x19: {  	s7 =	sld [smem:$0x3F93]  }
0x1a: {  	s8 =	sadd.s32 $0xFFFFE003, lr  }
0x1b: {  	s9 =	sadd.s32 $0xFFFFFEF7, lr;
	s5 =	simm.s32 $0xFFFFFFFF;
	p2 =	slt.u32 s8, $0xFFFFF086  }
0x1c: {  	p1 =	slt.u32 s9, $0xF7A;
	s5 =	simm.s32 @!p2 $0x0  }
0x1d: {  	s5 =	simm.s32 @p1 $0x1;
	p0 =	seq.s32 s7, s2  }
0x1e: {  	s7 =	smul.u32 @!p0 $0xF7A, s2;
	p2 =	seq.s32 @!p0 s5, $0x0  }
0x1f: {  	s9 =	smul.u32 $0xF7A, s1;
	s8 =	simm.s32 @!p0 $0x1BF5;
	p2 =	por !p2, p0  }
0x20: {  	[sflag:s8] =	ssyncset.s32 @!p0 $0xFFFFF086;
	s6 =	sadd.s32 @!p0 s3, s7;
	s7 =	simm.s32 @!p0 $0x108  }
0x21: {  	s3 =	sadd.s32 s3, s9;
	s6 =	sadd.s32 @!p0 $0x88, s6;
	s7 =	simm.s32 @p2 $0x1082  }
0x22: {  	[simem:s7], [sflag:s8] =	dma.local @!p0 [hbm:s6], $0xF7A  }
0x23: {  	s9 =	sor.u32 $0xD0000000, s2;
	s6 =	simm.s32 $0x108;
	_ =	swait.ge @!p0 [sflag:s8], $0x0  }
0x24: {  	s3 =	sadd.s32 $0x88, s3;
	s6 =	simm.s32 @!p1 $0x1082;
	[sflag:s4] =	ssyncset.s32 $0xFFFFF086  }
0x25: {  	[simem:s6], [sflag:s4] =	dma.local [hbm:s3], $0xF7A  }
0x26: {  	[smem:$0x3F93] =	sst s1;
	(tag) =	ssettag s2;
	_ =	strace s9  }
0x27: {  	s1 =	sld [smem:$0x3FA3]  }
0x28: {  	s2 =	sld [smem:$0x3FA4]  }
0x29: {  	s4 =	sld [smem:$0x3FA6]  }
0x2a: {  	p0 =	seq.s32 s5, $0x0;
	s5 =	sld [smem:$0x3FA7]  }
0x2b: {  	s6 =	sld [smem:$0x3FA8]  }
0x2c: {  	s7 =	sld [smem:$0x3FA9]  }
0x2d: {  	s3 =	simm.s32 $0x108;
	s8 =	sld [smem:$0x3FAA]  }
0x2e: {  	s3 =	simm.s32 @!p0 $0x1082;
	s9 =	sld [smem:$0x3FAB]  }
0x2f: {  	lr =	sadd.s32 s0, s3;
	s0 =	sld [smem:$0x3FA2]  }
0x30: {  	s3 =	sld [smem:$0x3FA5]  }
0x31: {  	[smem:$0x3FAE] =	sst s10  }
0x32: {  	s10 =	sld [smem:$0x3FAC];
	_ =	sdelay $0x3  }
0x33: {  	p0 =	seq.s32 s10, $0x1;
	s10 =	sld [smem:$0x3FAE];
	_ =	sdelay $0x3  }
0x34: {  	[smem:$0x3FAE] =	sst s10  }
0x35: {  	s10 =	sld [smem:$0x3FAD];
	_ =	sdelay $0x3  }
0x36: {  	p1 =	seq.s32 s10, $0x1;
	s10 =	sld [smem:$0x3FAE];
	_ =	sdelay $0x3  }
0x37: {  	[smem:$0x3FAE] =	sst s10  }
0x38: {  	s10 =	sld [smem:$0x3FAF]  }
0x39: {  	_ = 	snop;
	(pc) =	sbr.ind lr, $3  }
0x3a: {  	_ = 	snop  }
0x3b: {  	_ = 	snop  }
0x3c: {  	p2 =	seq.s32 s10, $0x1;
	s10 =	sld [smem:$0x3FAE]  }
0x3d: {  	_ =	shalt  }
0x3e: {  	_ =	shalt  }
0x3f: {  	_ =	shalt  }
0x40: {  	_ =	shalt  }
0x41: {  	_ =	shalt  }
0x42: {  	_ =	shalt  }
0x43: {  	_ =	shalt  }
0x44: {  	_ =	shalt  }
0x45: {  	_ =	shalt  }
0x46: {  	_ =	shalt  }
0x47: {  	_ =	shalt  }
0x48: {  	_ =	shalt  }
0x49: {  	_ =	shalt  }
0x4a: {  	_ =	shalt  }
0x4b: {  	_ =	shalt  }
0x4c: {  	_ =	shalt  }
0x4d: {  	_ =	shalt  }
0x4e: {  	_ =	shalt  }
0x4f: {  	_ =	shalt  }
0x50: {  	_ =	shalt  }
0x51: {  	_ =	shalt  }
0x52: {  	_ =	shalt  }
0x53: {  	_ =	shalt  }
0x54: {  	_ =	shalt  }
0x55: {  	_ =	shalt  }
0x56: {  	_ =	shalt  }
0x57: {  	_ =	shalt  }
0x58: {  	_ =	shalt  }
0x59: {  	_ =	shalt  }
0x5a: {  	_ =	shalt  }
0x5b: {  	_ =	shalt  }
0x5c: {  	_ =	shalt  }
0x5d: {  	_ =	shalt  }
0x5e: {  	_ =	shalt  }
0x5f: {  	_ =	shalt  }
0x60: {  	_ =	shalt  }
0x61: {  	_ =	shalt  }
0x62: {  	_ =	shalt  }
0x63: {  	_ =	shalt  }
0x64: {  	_ =	shalt  }
0x65: {  	_ =	shalt  }
0x66: {  	_ =	shalt  }
0x67: {  	_ =	shalt  }
0x68: {  	_ =	shalt  }
0x69: {  	_ =	shalt  }
0x6a: {  	_ =	shalt  }
0x6b: {  	_ =	shalt  }
0x6c: {  	_ =	shalt  }
0x6d: {  	_ =	shalt  }
0x6e: {  	_ =	shalt  }
0x6f: {  	_ =	shalt  }
0x70: {  	_ =	shalt  }
0x71: {  	_ =	shalt  }
0x72: {  	_ =	shalt  }
0x73: {  	_ =	shalt  }
0x74: {  	_ =	shalt  }
0x75: {  	_ =	shalt  }
0x76: {  	_ =	shalt  }
0x77: {  	_ =	shalt  }
0x78: {  	_ =	shalt  }
0x79: {  	_ =	shalt  }
0x7a: {  	_ =	shalt  }
0x7b: {  	_ =	shalt  }
0x7c: {  	_ =	shalt  }
0x7d: {  	_ =	shalt  }
0x7e: {  	_ =	shalt  }
0x7f: {  	_ =	shalt  }
0x80: {  	_ =	shalt  }
0x81: {  	_ =	shalt  }
0x82: {  	_ =	shalt  }
0x83: {  	_ =	shalt  }
0x84: {  	_ =	shalt  }
0x85: {  	_ =	shalt  }
0x86: {  	_ =	shalt  }
0x87: {  	_ =	shalt  }
.Lfunc_end0:
.L_simem_size_0:
called_computation_lowered:
.L_overlay_start_0:
0x88: {  	s2 =	sld [smem:$0x3FD9]  }
0x89: {  	s3 =	sld [smem:$0x3FFE];
	_ =	sdelay $0x1  }
0x8a: {  	s1 =	srdreg.scid  }
0x8b: {  	s0 =	sand.u32 $0x1, s1  }
0x8c: {  	s17 =	sshll.u32 s0, $0xA;
	s2 =	sadd.s32 s3, s2  }
0x8d: {  	s2 =	sadd.s32 s2, s17  }
0x8e: {  	[smem:$0x3FBA] =	sst s2  }
0x8f: {  	_ = 	snop  }
0x90: {  	s2 =	sld [smem:$0x3FC9]  }
0x91: {  	s18 =	sld [smem:$0x3FD0];
	(tm) =	ssettm $0x1  }
0x92: {  	s4 =	sld [smem:$0x3FFB];
	_ =	sdelay $0x3  }
0x93: {  	_ =	strace s4  }
0x94: {  	s4 =	sld [smem:$0x3FFC];
	_ =	sdelay $0x3  }
0x95: {  	_ =	strace s4  }
0x96: {  	s4 =	sld [smem:$0x3FFD];
	_ =	sdelay $0x3  }
0x97: {  	_ =	strace s4  }
0x98: {  	_ =	strace $0x8FFFFFFF  }
0x99: {  	s19 =	sld [smem:$0x3FDB];
	_ =	sdelay $0x1  }
0x9a: {  	s5 =	simm.s32 $_scs_section_size  }
0x9b: {  	s6 =	simm.s32 $_size__tile_overlayer_lowered;
	s7 =	simm.s32 $_tile_overlayer_lowered  }
0x9c: {  	s22 =	simm.s32 $0x1BFF;
	s21 =	sshll.u32 s7, $0x1;
	s4 =	sadd.s32 s5, s19  }
0x9d: {  	s8 =	simm.s32 $0x0;
	s20 =	sshll.u32 s6, $0x1;
	s6 =	sadd.s32 s21, s4  }
0x9e: {  	[timem:s8], [sflag:s22] =	dma.local [hbm:s6], s20  }
0x9f: {  	_ =	swait.ge [sflag:s22], s20  }
0xa0: {  	s5 =	ssub.s32 $0x0, s20;
	[sflag:s22] =	ssyncset.done $0x0  }
0xa1: {  	[sflag:s22] =	ssyncadd.s32 s5;
	_ =	sdelay $0x1  }
0xa2: {  	s23 =	simm.s32 $0x1B8B  }
0xa3: {  	_ =	swait.ge [sflag:s23], $0x1  }
0xa4: {  	[sflag:s23] =	ssyncset.done $0x0  }
0xa5: {  	s25 =	simm.s32 $0x1B8E;
	s24 =	sld [smem:$0x3FFE];
	[sflag:s23] =	ssyncadd.s32 $0xFFFFFFFF  }
0xa6: {  	s26 =	simm.s32 $execute0_lowered;
	[smem:$0x3FD2] =	sst s25  }
0xa7: {  	s6 =	sshll.u32 s26, $0x1;
	_ =	strace $0x80000046;
	[dreg:$0x1] =	wrdreg $0xFFFFFFFF  }
0xa8: {  	s28 =	simm.s32 $_size_execute0_lowered;
	s4 =	sadd.s32 s4, s6;
	[dreg:$0x0] =	wrdreg $0x0  }
0xa9: {  	s6 =	sshll.u32 s28, $0x1;
	[dreg:$0x2] =	wrdreg s4  }
0xaa: {  	[dreg:$0x3] =	wrdreg s6  }
0xab: {  	[dreg:$0x4] =	wrdreg $0xC0  }
0xac: {  	_ =	task [dreg:s8], $0x5FFFF  }
0xad: {  	[dreg:$0x1] =	wrdreg $0xFFFFFFFF  }
0xae: {  	[dreg:$0x0] =	wrdreg $0x60  }
0xaf: {  	[dreg:$0x2] =	wrdreg s24  }
0xb0: {  	[dreg:$0x3] =	wrdreg s2  }
0xb1: {  	[dreg:$0x4] =	wrdreg s18  }
0xb2: {  	[dreg:$0x5] =	wrdreg $0x11D000  }
0xb3: {  	[dreg:$0x6] =	wrdreg $0x9  }
0xb4: {  	_ =	task.clear_ibuf [dreg:s8], $0x7FFFF;
	_ =	strace $0x90000046  }
0xb5: {  	s29 =	simm.s32 $0x9;
	_ =	strace $0x80000048  }
0xb6: {  	_ =	swait.ge [sflag:s29], $0x1  }
0xb7: {  	[sflag:s29] =	ssyncadd.s32 $0xFFFFFFFF  }
0xb8: {  	_ =	strace $0x90000048  }
0xb9: {  	_ =	sfence  }
0xba: {  	s30 =	sld [smem:$0x0];
	_ =	sdelay $0x2  }
0xbb: {  	s31 =	sshll.u32 s1, $0xD;
	s1 =	sshrl.u32 s1, $0x2  }
0xbc: {  	s3 =	sand.u32 $0x4000, s31;
	s1 =	sadd.s32 s1, s30  }
0xbd: {  	s0 =	sor.u32 s3, s0;
	s1 =	sshll.u32 s1, $0x11  }
0xbe: {  	s0 =	sor.u32 s1, s0  }
0xbf: {  	s0 =	sadd.s32 $0x8F2B, s0  }
0xc0: {  	[sflag:s0] =	ssyncadd.remote.s32 $0x1  }
0xc1: {  	_ =	sfence.sel $0xFFFF  }
0xc2: {  	[dreg:$0x0] =	wrdreg $0xFFFFFFFF;
	(pc) =	sbr.abs _section_cstart, $3  }
0xc3: {  	[dreg:$0x1] =	wrdreg $0xFFFFFFFF  }
0xc4: {  	_ =	task.clear_ibuf [dreg:s8], $0x2FFFF;
	_ =	strace $0x9FFFFFFF  }
0xc5: {  	(tm) =	ssettm $0x7FFFFFFF  }
tec
execute0_lowered:
.L_overlay_start_1:
0x0: {  	(tag) =	ssettag $0x1  }
0x1: {  	s0 =	rddreg [dreg:$0x0]  }
0x2: {  	s1 =	rddreg [dreg:$0x1];
	s2 =	srdreg.scid  }
0x3: {  	s17 =	stileid.u32;
	s10 =	rddreg [dreg:$0x2]  }
0x4: {  	s3 =	rddreg [dreg:$0x3];
	s5 =	smul.u32 $0x5000, s17  }
0x5: {  	s4 =	simm.s32 $0x0;
	s28 =	simm.s32 $0x2;
	s8 =	smul.u32 $0x271, s17  }
0x6: {  	s31 =	simm.s32 $0xFDC0;
	s30 =	simm.s32 $0x4;
	s9 =	smul.u32 $0x27100, s17  }
0x7: {  	s29 =	simm.s32 $0x6;
	s2 =	sand.u32 $0x1, s2;
	s17 =	smul.u32 $0x13880, s17  }
0x8: {  	[smem:$0x7FF] =	sst s4;
	s6 =	smul.u32 $0x50000, s2;
	s7 =	ssub.s32 $0x2, s2  }
0x9: {  	_ =	strace $0x80000047;
	s2 =	sshll.u32 s2, $0x6;
	s22 =	sshrl.u32 s7, $0x1  }
0xa: {  	s23 =	sshrl.u32 s9, $0x2;
	s13 =	sadd.s32 $0x7D, s8;
	s14 =	sadd.s32 $0xFA, s8  }
0xb: {  	s15 =	sadd.s32 $0x177, s8;
	s16 =	sadd.s32 $0x1F4, s8;
	s19 =	sor.u32 s2, s17  }
0xc: {  	s6 =	sadd.s32 s5, s6;
	s5 =	sshrl.u32 s5, $0x3;
	s12 =	ssub.s32 s7, s22  }
0xd: {  	s24 =	sshll.u32 s13, $0x6;
	s25 =	sshll.u32 s14, $0x6;
	s26 =	sshll.u32 s15, $0x6  }
0xe: {  	s18 =	sshll.u32 s16, $0x6;
	s13 =	sshll.u32 s13, $0x7;
	s20 =	sshrl.u32 s19, $0x3  }
0xf: {  	s19 =	simm.s32 $0x9;
	s6 =	sshrl.u32 s6, $0x3;
	s7 =	sadd.s32 s25, s3  }
0x10: {  	s8 =	sadd.s32 s26, s3;
	s9 =	sadd.s32 s18, s3;
	s13 =	sor.u32 s2, s13  }
0x11: {  	s25 =	sshll.u32 s16, $0x7;
	s17 =	smax.u32 s12, $0x1;
	s18 =	simm.s32 $0xA000  }
0x12: {  	s12 =	simm.s32 $0x40;
	s11 =	sadd.s32 s6, s0;
	s0 =	sadd.s32 s5, s0  }
0x13: {  	s5 =	sadd.s32 s23, s3;
	s6 =	sadd.s32 s24, s3;
	s21 =	sshrl.u32 s13, $0x3  }
0x14: {  	s23 =	sshll.u32 s14, $0x7;
	s24 =	sshll.u32 s15, $0x7;
	s11 =	sadd.s32 $0xE800, s11  }
0x15: {  	s0 =	sadd.s32 $0x4800, s0;
	s22 =	sadd.s32 s10, s21;
	[dreg:$0x5] =	wrdreg s11  }
0x16: {  	s21 =	simm.s32 $0x7D;
	[dreg:$0x6] =	wrdreg s0;
	s0 =	sadd.s32 s10, s20  }
0x17: {  	[dreg:$0x8] =	wrdreg s22;
	s11 =	sor.u32 s2, s24;
	s22 =	simm.s32 $0x80  }
0x18: {  	s24 =	simm.s32 $0x1;
	[dreg:$0x7] =	wrdreg s0;
	s0 =	sor.u32 s2, s23  }
0x19: {  	s2 =	sor.u32 s2, s25;
	s26 =	sshrl.u32 s11, $0x3;
	s23 =	simm.s32 $0xBF40  }
0x1a: {  	s25 =	simm.s32 $0x5;
	s11 =	simm.s32 $0x4F80;
	s0 =	sshrl.u32 s0, $0x3  }
0x1b: {  	s2 =	sshrl.u32 s2, $0x3;
	s15 =	sadd.s32 s10, s26;
	s26 =	simm.s32 $0xDE80  }
0x1c: {  	s0 =	sadd.s32 s10, s0;
	s16 =	sadd.s32 s10, s2;
	s2 =	simm.s32 $0x3  }
0x1d: {  	v0 =	vimm.f32 $0.0e+00;
	s10 =	simm.s32 $0x8;
	[dreg:$0x9] =	wrdreg s0;
	s0 =	simm.s32 $0x7  }
.LBB2_1:
0x1e: {  	s14 =	simm.s32 $0x100;
	s13 =	simm.s32 $0x0  }
.LBB2_2:
0x1f: {  	p0 =	sne.s32 s14, $0x7C00;
	[tilespmem:s13+$0xA030] =	vst v0;
	s20 =	smov.u32 s14;
	s14 =	sadd.s32 $0x100, s14  }
.Ltmp0:
0x20: {  	[tilespmem:s13+$0xA020] =	vst v0;
	(pc) =	sbr.rel @p0 .LBB2_2-.Ltmp0, $3  }
0x21: {  	[tilespmem:s13+$0xA000] =	vst v0  }
0x22: {  	[tilespmem:s13+$0xA010] =	vst v0;
	_ =	sdelay $0x1  }
0x23: {  	s13 =	sshra.s32 s20, $0x2  }
0x24: {  	[tilespmem:s13+$0xA030] =	vst v0  }
0x25: {  	[tilespmem:s13+$0xA020] =	vst v0  }
0x26: {  	[tilespmem:s13+$0xA000] =	vst v0  }
0x27: {  	[tilespmem:s13+$0xA010] =	vst v0  }
0x28: {  	[spmem:s5] =	stream.linear.scatter [tilespmem:s18], [sflag:$0x9], $0x1F40, $0x38;
	[tilespmem:$0x1B940] =	vst v63  }
0x29: {  	_ =	swait.ge [sflag:s19], $0x1F40  }
0x2a: {  	[sflag:s19] =	ssyncset.done $0x0  }
0x2b: {  	[sflag:s19] =	ssyncadd.s32 $0xFFFFE0C0  }
0x2c: {  	[spmem:s6] =	stream.linear.scatter [tilespmem:s18], [sflag:$0x9], $0x1F40, $0x38;
	[tilespmem:$0x1B940] =	vst v63  }
0x2d: {  	_ =	swait.ge [sflag:s19], $0x1F40  }
0x2e: {  	[sflag:s19] =	ssyncset.done $0x0  }
0x2f: {  	[sflag:s19] =	ssyncadd.s32 $0xFFFFE0C0  }
0x30: {  	[spmem:s7] =	stream.linear.scatter [tilespmem:s18], [sflag:$0x9], $0x1F40, $0x38;
	[tilespmem:$0x1B940] =	vst v63  }
0x31: {  	_ =	swait.ge [sflag:s19], $0x1F40  }
0x32: {  	[sflag:s19] =	ssyncset.done $0x0  }
0x33: {  	[sflag:s19] =	ssyncadd.s32 $0xFFFFE0C0  }
0x34: {  	[spmem:s8] =	stream.linear.scatter [tilespmem:s18], [sflag:$0x9], $0x1F40, $0x38;
	[tilespmem:$0x1B940] =	vst v63  }
0x35: {  	_ =	swait.ge [sflag:s19], $0x1F40  }
0x36: {  	[sflag:s19] =	ssyncset.done $0x0  }
0x37: {  	[sflag:s19] =	ssyncadd.s32 $0xFFFFE0C0  }
0x38: {  	[spmem:s9] =	stream.linear.scatter [tilespmem:s18], [sflag:$0x9], $0x1F40, $0x38;
	[tilespmem:$0x1B940] =	vst v63  }
0x39: {  	_ =	swait.ge [sflag:s19], $0x1F40  }
0x3a: {  	[sflag:s19] =	ssyncset.done $0x0  }
0x3b: {  	[sflag:s19] =	ssyncadd.s32 $0xFFFFE0C0  }
0x3c: {  	[bflag:$0x0] =	sbarrier.arrive $0xFFFF  }
0x3d: {  	s13 =	simm.s32 $0x0;
	s14 =	rddreg [dreg:$0x5]  }
0x3e: {  	[tilespmem:s13], [sflag:$0x9] =	stream.linear.gather [hbm4b:s14+s13], $0x5000, $0x38;
	[tilespmem:$0x1B940] =	vst v63  }
0x3f: {  	_ =	swait.ge [sflag:s19], $0x5000  }
0x40: {  	[sflag:s19] =	ssyncset.done $0x0  }
0x41: {  	s20 =	simm.s32 $0x5000;
	s14 =	rddreg [dreg:$0x6];
	[sflag:s19] =	ssyncadd.s32 $0xFFFFB000  }
0x42: {  	[tilespmem:s20], [sflag:$0x9] =	stream.linear.gather [hbm4b:s14+s13], $0x5000, $0x38;
	[tilespmem:$0x1B940] =	vst v63  }
0x43: {  	_ =	swait.ge [sflag:s19], $0x5000  }
0x44: {  	[sflag:s19] =	ssyncset.done $0x0  }
0x45: {  	[sflag:s19] =	ssyncadd.s32 $0xFFFFB000  }
0x46: {  	[tilespmem:s18], [sflag:$0x1] =	stream.indirect.gather [hbm4b:s1+s21], $0x40, s13, s21, $0xb8;
	[tilespmem:$0x1B940] =	vst v63  }
0x47: {  	_ = 	snop  }
0x48: {  	[tilespmem:s23], [sflag:$0x2] =	stream.indirect.gather [hbm4b:s1+s21], $0x40, s22, s21, $0xb8;
	[tilespmem:$0x1B940] =	vst v63  }
0x49: {  	_ =	swait.ge [sflag:s24], $0x1F40  }
0x4a: {  	[sflag:s24] =	ssyncset.done $0x0  }
0x4b: {  	[sflag:s24] =	ssyncadd.s32 $0xFFFFE0C0  }
0x4c: {  	[spmem:s3] =	stream.indirect.scatter.add.f32 [tilespmem:s18], [sflag:$0x5], $0x40, s20, s21, $0xb8;
	[tilespmem:$0x1B940] =	vst v63  }
0x4d: {  	s14 =	simm.s32 $0x100  }
0x4e: {  	[tilespmem:s26], [sflag:$0x3] =	stream.indirect.gather [hbm4b:s1+s21], $0x40, s14, s21, $0xb8;
	[tilespmem:$0x1B940] =	vst v63  }
0x4f: {  	_ =	swait.ge [sflag:s28], $0x1F40  }
0x50: {  	[sflag:s28] =	ssyncset.done $0x0  }
0x51: {  	s20 =	simm.s32 $0x5080;
	[sflag:s28] =	ssyncadd.s32 $0xFFFFE0C0  }
0x52: {  	[spmem:s3] =	stream.indirect.scatter.add.f32 [tilespmem:s23], [sflag:$0x6], $0x40, s20, s21, $0xb8;
	[tilespmem:$0x1B940] =	vst v63  }
0x53: {  	s14 =	simm.s32 $0x180  }
0x54: {  	[tilespmem:s31], [sflag:$0x4] =	stream.indirect.gather [hbm4b:s1+s21], $0x40, s14, s21, $0xb8;
	[tilespmem:$0x1B940] =	vst v63  }
0x55: {  	_ =	swait.ge [sflag:s2], $0x1F40  }
0x56: {  	[sflag:s2] =	ssyncset.done $0x0  }
0x57: {  	s20 =	simm.s32 $0x5100;
	[sflag:s2] =	ssyncadd.s32 $0xFFFFE0C0  }
0x58: {  	[spmem:s3] =	stream.indirect.scatter.add.f32 [tilespmem:s26], [sflag:$0x7], $0x40, s20, s21, $0xb8;
	[tilespmem:$0x1B940] =	vst v63  }
0x59: {  	_ =	swait.ge [sflag:s25], $0x1F40  }
0x5a: {  	[sflag:s25] =	ssyncset.done $0x0  }
0x5b: {  	s14 =	simm.s32 $0x200;
	[sflag:s25] =	ssyncadd.s32 $0xFFFFE0C0  }
0x5c: {  	[tilespmem:s18], [sflag:$0x1] =	stream.indirect.gather [hbm4b:s1+s21], $0x40, s14, s21, $0xb8;
	[tilespmem:$0x1B940] =	vst v63  }
0x5d: {  	_ =	swait.ge [sflag:s30], $0x1F40  }
0x5e: {  	[sflag:s30] =	ssyncset.done $0x0  }
0x5f: {  	s20 =	simm.s32 $0x5180;
	[sflag:s30] =	ssyncadd.s32 $0xFFFFE0C0  }
0x60: {  	[spmem:s3] =	stream.indirect.scatter.add.f32 [tilespmem:s31], [sflag:$0x8], $0x40, s20, s21, $0xb8;
	[tilespmem:$0x1B940] =	vst v63  }
0x61: {  	_ =	swait.ge [sflag:s29], $0x1F40  }
0x62: {  	[sflag:s29] =	ssyncset.done $0x0  }
0x63: {  	s14 =	simm.s32 $0x280;
	[sflag:s29] =	ssyncadd.s32 $0xFFFFE0C0  }
0x64: {  	[tilespmem:s23], [sflag:$0x2] =	stream.indirect.gather [hbm4b:s1+s21], $0x40, s14, s21, $0xb8;
	[tilespmem:$0x1B940] =	vst v63  }
0x65: {  	_ =	swait.ge [sflag:s24], $0x1F40  }
0x66: {  	[sflag:s24] =	ssyncset.done $0x0  }
0x67: {  	s20 =	simm.s32 $0x5200;
	[sflag:s24] =	ssyncadd.s32 $0xFFFFE0C0  }
0x68: {  	[spmem:s3] =	stream.indirect.scatter.add.f32 [tilespmem:s18], [sflag:$0x5], $0x40, s20, s21, $0xb8;
	[tilespmem:$0x1B940] =	vst v63  }
0x69: {  	_ =	swait.ge [sflag:s0], $0x1F40  }
0x6a: {  	[sflag:s0] =	ssyncset.done $0x0  }
0x6b: {  	s14 =	simm.s32 $0x300;
	[sflag:s0] =	ssyncadd.s32 $0xFFFFE0C0  }
0x6c: {  	[tilespmem:s26], [sflag:$0x3] =	stream.indirect.gather [hbm4b:s1+s21], $0x40, s14, s21, $0xb8;
	[tilespmem:$0x1B940] =	vst v63  }
0x6d: {  	_ =	swait.ge [sflag:s28], $0x1F40  }
0x6e: {  	[sflag:s28] =	ssyncset.done $0x0  }
0x6f: {  	s20 =	simm.s32 $0x5280;
	[sflag:s28] =	ssyncadd.s32 $0xFFFFE0C0  }
0x70: {  	[spmem:s3] =	stream.indirect.scatter.add.f32 [tilespmem:s23], [sflag:$0x6], $0x40, s20, s21, $0xb8;
	[tilespmem:$0x1B940] =	vst v63  }
0x71: {  	_ =	swait.ge [sflag:s10], $0x1F40  }
0x72: {  	[sflag:s10] =	ssyncset.done $0x0  }
0x73: {  	s14 =	simm.s32 $0x380;
	[sflag:s10] =	ssyncadd.s32 $0xFFFFE0C0  }
0x74: {  	[tilespmem:s31], [sflag:$0x4] =	stream.indirect.gather [hbm4b:s1+s21], $0x40, s14, s21, $0xb8;
	[tilespmem:$0x1B940] =	vst v63  }
0x75: {  	_ =	swait.ge [sflag:s2], $0x1F40  }
0x76: {  	[sflag:s2] =	ssyncset.done $0x0  }
0x77: {  	s20 =	simm.s32 $0x5300;
	[sflag:s2] =	ssyncadd.s32 $0xFFFFE0C0  }
0x78: {  	[spmem:s3] =	stream.indirect.scatter.add.f32 [tilespmem:s26], [sflag:$0x7], $0x40, s20, s21, $0xb8;
	[tilespmem:$0x1B940] =	vst v63  }
0x79: {  	_ =	swait.ge [sflag:s25], $0x1F40  }
0x7a: {  	[sflag:s25] =	ssyncset.done $0x0  }
0x7b: {  	s14 =	simm.s32 $0x400;
	[sflag:s25] =	ssyncadd.s32 $0xFFFFE0C0  }
0x7c: {  	[tilespmem:s18], [sflag:$0x1] =	stream.indirect.gather [hbm4b:s1+s21], $0x40, s14, s21, $0xb8;
	[tilespmem:$0x1B940] =	vst v63  }
0x7d: {  	_ =	swait.ge [sflag:s30], $0x1F40  }
0x7e: {  	[sflag:s30] =	ssyncset.done $0x0  }
0x7f: {  	s20 =	simm.s32 $0x5380;
	[sflag:s30] =	ssyncadd.s32 $0xFFFFE0C0  }
0x80: {  	[spmem:s3] =	stream.indirect.scatter.add.f32 [tilespmem:s31], [sflag:$0x8], $0x40, s20, s21, $0xb8;
	[tilespmem:$0x1B940] =	vst v63  }
0x81: {  	_ =	swait.ge [sflag:s29], $0x1F40  }
0x82: {  	[sflag:s29] =	ssyncset.done $0x0  }
0x83: {  	s13 =	simm.s32 $0x800;
	s14 =	simm.s32 $0x480;
	[sflag:s29] =	ssyncadd.s32 $0xFFFFE0C0  }
.LBB2_4:
0x84: {  	[tilespmem:s23], [sflag:$0x2] =	stream.indirect.gather [hbm4b:s1+s21], $0x40, s14, s21, $0xb8;
	[tilespmem:$0x1B940] =	vst v63  }
0x85: {  	s14 =	smov.u32 s13  }
0x86: {  	p0 =	sne.s32 s13, $0x12800;
	s13 =	sadd.s32 $0x800, s13;
	_ =	swait.ge [sflag:s24], $0x1F40  }
0x87: {  	s14 =	sshra.s32 s14, $0x2;
	[sflag:s24] =	ssyncset.done $0x0  }
0x88: {  	s20 =	sadd.s32 $0x5200, s14;
	[sflag:s24] =	ssyncadd.s32 $0xFFFFE0C0  }
0x89: {  	[spmem:s3] =	stream.indirect.scatter.add.f32 [tilespmem:s18], [sflag:$0x5], $0x40, s20, s21, $0xb8;
	[tilespmem:$0x1B940] =	vst v63  }
0x8a: {  	_ =	swait.ge [sflag:s0], $0x1F40  }
0x8b: {  	[sflag:s0] =	ssyncset.done $0x0  }
0x8c: {  	s20 =	sadd.s32 $0x300, s14;
	[sflag:s0] =	ssyncadd.s32 $0xFFFFE0C0  }
0x8d: {  	[tilespmem:s26], [sflag:$0x3] =	stream.indirect.gather [hbm4b:s1+s21], $0x40, s20, s21, $0xb8;
	[tilespmem:$0x1B940] =	vst v63  }
0x8e: {  	_ =	swait.ge [sflag:s28], $0x1F40  }
0x8f: {  	[sflag:s28] =	ssyncset.done $0x0  }
0x90: {  	s20 =	sadd.s32 $0x5280, s14;
	[sflag:s28] =	ssyncadd.s32 $0xFFFFE0C0  }
0x91: {  	[spmem:s3] =	stream.indirect.scatter.add.f32 [tilespmem:s23], [sflag:$0x6], $0x40, s20, s21, $0xb8;
	[tilespmem:$0x1B940] =	vst v63  }
0x92: {  	_ =	swait.ge [sflag:s10], $0x1F40  }
0x93: {  	[sflag:s10] =	ssyncset.done $0x0  }
0x94: {  	s20 =	sadd.s32 $0x380, s14;
	[sflag:s10] =	ssyncadd.s32 $0xFFFFE0C0  }
0x95: {  	[tilespmem:s31], [sflag:$0x4] =	stream.indirect.gather [hbm4b:s1+s21], $0x40, s20, s21, $0xb8;
	[tilespmem:$0x1B940] =	vst v63  }
0x96: {  	_ =	swait.ge [sflag:s2], $0x1F40  }
0x97: {  	[sflag:s2] =	ssyncset.done $0x0  }
0x98: {  	s20 =	sadd.s32 $0x5300, s14;
	[sflag:s2] =	ssyncadd.s32 $0xFFFFE0C0  }
0x99: {  	[spmem:s3] =	stream.indirect.scatter.add.f32 [tilespmem:s26], [sflag:$0x7], $0x40, s20, s21, $0xb8;
	[tilespmem:$0x1B940] =	vst v63  }
0x9a: {  	_ =	swait.ge [sflag:s25], $0x1F40  }
0x9b: {  	[sflag:s25] =	ssyncset.done $0x0  }
0x9c: {  	s20 =	sadd.s32 $0x400, s14;
	[sflag:s25] =	ssyncadd.s32 $0xFFFFE0C0  }
0x9d: {  	[tilespmem:s18], [sflag:$0x1] =	stream.indirect.gather [hbm4b:s1+s21], $0x40, s20, s21, $0xb8;
	[tilespmem:$0x1B940] =	vst v63  }
0x9e: {  	_ =	swait.ge [sflag:s30], $0x1F40  }
0x9f: {  	[sflag:s30] =	ssyncset.done $0x0  }
.Ltmp1:
0xa0: {  	s20 =	sadd.s32 $0x5380, s14;
	[sflag:s30] =	ssyncadd.s32 $0xFFFFE0C0;
	(pc) =	sbr.rel @p0 .LBB2_4-.Ltmp1, $4  }
0xa1: {  	[spmem:s3] =	stream.indirect.scatter.add.f32 [tilespmem:s31], [sflag:$0x8], $0x40, s20, s21, $0xb8;
	[tilespmem:$0x1B940] =	vst v63  }
0xa2: {  	_ =	swait.ge [sflag:s29], $0x1F40  }
0xa3: {  	[sflag:s29] =	ssyncset.done $0x0  }
0xa4: {  	s14 =	sadd.s32 $0x480, s14;
	[sflag:s29] =	ssyncadd.s32 $0xFFFFE0C0  }
0xa5: {  	[tilespmem:s23], [sflag:$0x2] =	stream.indirect.gather [hbm4b:s1+s21], $0x40, s14, s21, $0xb8;
	[tilespmem:$0x1B940] =	vst v63  }
0xa6: {  	_ =	swait.ge [sflag:s24], $0x1F40  }
0xa7: {  	[sflag:s24] =	ssyncset.done $0x0  }
0xa8: {  	s13 =	simm.s32 $0x9E00;
	[sflag:s24] =	ssyncadd.s32 $0xFFFFE0C0  }
0xa9: {  	[spmem:s3] =	stream.indirect.scatter.add.f32 [tilespmem:s18], [sflag:$0x5], $0x40, s13, s21, $0xb8;
	[tilespmem:$0x1B940] =	vst v63  }
0xaa: {  	_ =	swait.ge [sflag:s0], $0x1F40  }
0xab: {  	[sflag:s0] =	ssyncset.done $0x0  }
0xac: {  	s20 =	simm.s32 $0x4F00;
	[sflag:s0] =	ssyncadd.s32 $0xFFFFE0C0  }
0xad: {  	[tilespmem:s26], [sflag:$0x3] =	stream.indirect.gather [hbm4b:s1+s21], $0x40, s20, s21, $0xb8;
	[tilespmem:$0x1B940] =	vst v63  }
0xae: {  	_ =	swait.ge [sflag:s28], $0x1F40  }
0xaf: {  	[sflag:s28] =	ssyncset.done $0x0  }
0xb0: {  	s14 =	simm.s32 $0x9E80;
	[sflag:s28] =	ssyncadd.s32 $0xFFFFE0C0  }
0xb1: {  	[spmem:s3] =	stream.indirect.scatter.add.f32 [tilespmem:s23], [sflag:$0x6], $0x40, s14, s21, $0xb8;
	[tilespmem:$0x1B940] =	vst v63  }
0xb2: {  	_ =	swait.ge [sflag:s10], $0x1F40  }
0xb3: {  	[sflag:s10] =	ssyncset.done $0x0  }
0xb4: {  	[sflag:s10] =	ssyncadd.s32 $0xFFFFE0C0  }
0xb5: {  	[tilespmem:s31], [sflag:$0x4] =	stream.indirect.gather [hbm4b:s1+s21], $0x40, s11, s21, $0xb8;
	[tilespmem:$0x1B940] =	vst v63  }
0xb6: {  	_ =	swait.ge [sflag:s2], $0x1F40  }
0xb7: {  	[sflag:s2] =	ssyncset.done $0x0  }
0xb8: {  	s20 =	simm.s32 $0x9F00;
	[sflag:s2] =	ssyncadd.s32 $0xFFFFE0C0  }
0xb9: {  	[spmem:s3] =	stream.indirect.scatter.add.f32 [tilespmem:s26], [sflag:$0x7], $0x40, s20, s21, $0xb8;
	[tilespmem:$0x1B940] =	vst v63  }
0xba: {  	_ =	swait.ge [sflag:s25], $0x1F40  }
0xbb: {  	[sflag:s25] =	ssyncset.done $0x0  }
0xbc: {  	[sflag:s25] =	ssyncadd.s32 $0xFFFFE0C0  }
0xbd: {  	[tilespmem:s18], [sflag:$0x1] =	stream.indirect.gather [hbm4b:s1+s21], $0x40, s11, s21, $0xb8;
	[tilespmem:$0x1B940] =	vst v63  }
0xbe: {  	_ =	swait.ge [sflag:s30], $0x1F40  }
0xbf: {  	[sflag:s30] =	ssyncset.done $0x0  }
0xc0: {  	s14 =	simm.s32 $0x9F80;
	[sflag:s30] =	ssyncadd.s32 $0xFFFFE0C0  }
0xc1: {  	[spmem:s3] =	stream.indirect.scatter.add.f32 [tilespmem:s31], [sflag:$0x8], $0x40, s14, s21, $0xb8;
	[tilespmem:$0x1B940] =	vst v63  }
0xc2: {  	_ =	swait.ge [sflag:s29], $0x1F40  }
0xc3: {  	[sflag:s29] =	ssyncset.done $0x0  }
0xc4: {  	[sflag:s29] =	ssyncadd.s32 $0xFFFFE0C0  }
0xc5: {  	[tilespmem:s23], [sflag:$0x2] =	stream.indirect.gather [hbm4b:s1+s21], $0x40, s11, s21, $0xb8;
	[tilespmem:$0x1B940] =	vst v63  }
0xc6: {  	_ =	swait.ge [sflag:s24], $0x1F40  }
0xc7: {  	[sflag:s24] =	ssyncset.done $0x0  }
0xc8: {  	[sflag:s24] =	ssyncadd.s32 $0xFFFFE0C0  }
0xc9: {  	_ =	swait.ge [sflag:s28], $0x1F40  }
0xca: {  	[sflag:s28] =	ssyncset.done $0x0  }
0xcb: {  	[sflag:s28] =	ssyncadd.s32 $0xFFFFE0C0  }
0xcc: {  	_ =	swait.ge [sflag:s0], $0x1F40  }
0xcd: {  	[sflag:s0] =	ssyncset.done $0x0  }
0xce: {  	[sflag:s0] =	ssyncadd.s32 $0xFFFFE0C0  }
0xcf: {  	_ =	swait.ge [sflag:s10], $0x1F40  }
0xd0: {  	[sflag:s10] =	ssyncset.done $0x0  }
0xd1: {  	[sflag:s10] =	ssyncadd.s32 $0xFFFFE0C0  }
0xd2: {  	[bflag:$0x0] =	sbarrier.arrive $0xFFFF  }
0xd3: {  	[tilespmem:s18], [sflag:$0x9] =	stream.linear.gather [spmem:s5], $0x1F40, $0x38;
	[tilespmem:$0x1B940] =	vst v63  }
0xd4: {  	_ =	swait.ge [sflag:s19], $0x1F40  }
0xd5: {  	[sflag:s19] =	ssyncset.done $0x0  }
0xd6: {  	s20 =	rddreg [dreg:$0x7];
	[sflag:s19] =	ssyncadd.s32 $0xFFFFE0C0  }
0xd7: {  	[hbm4b:s20+s12] =	stream.strided.scatter [tilespmem:s18], [sflag:$0x1], $0x1F40, s22, s12, $0x38;
	[tilespmem:$0x1B940] =	vst v63  }
0xd8: {  	_ = 	snop  }
0xd9: {  	[tilespmem:s23], [sflag:$0x9] =	stream.linear.gather [spmem:s6], $0x1F40, $0x38;
	[tilespmem:$0x1B940] =	vst v63  }
0xda: {  	_ =	swait.ge [sflag:s19], $0x1F40  }
0xdb: {  	[sflag:s19] =	ssyncset.done $0x0  }
0xdc: {  	s14 =	rddreg [dreg:$0x8];
	[sflag:s19] =	ssyncadd.s32 $0xFFFFE0C0  }
0xdd: {  	[hbm4b:s14+s12] =	stream.strided.scatter [tilespmem:s23], [sflag:$0x2], $0x1F40, s22, s12, $0x38;
	[tilespmem:$0x1B940] =	vst v63  }
0xde: {  	_ =	swait.ge [sflag:s24], $0x1F40  }
0xdf: {  	[sflag:s24] =	ssyncset.done $0x0  }
0xe0: {  	[sflag:s24] =	ssyncadd.s32 $0xFFFFE0C0  }
0xe1: {  	[tilespmem:s18], [sflag:$0x9] =	stream.linear.gather [spmem:s7], $0x1F40, $0x38;
	[tilespmem:$0x1B940] =	vst v63  }
0xe2: {  	_ =	swait.ge [sflag:s19], $0x1F40  }
0xe3: {  	[sflag:s19] =	ssyncset.done $0x0  }
0xe4: {  	s20 =	rddreg [dreg:$0x9];
	[sflag:s19] =	ssyncadd.s32 $0xFFFFE0C0  }
0xe5: {  	[hbm4b:s20+s12] =	stream.strided.scatter [tilespmem:s18], [sflag:$0x1], $0x1F40, s22, s12, $0x38;
	[tilespmem:$0x1B940] =	vst v63  }
0xe6: {  	_ =	swait.ge [sflag:s28], $0x1F40  }
0xe7: {  	[sflag:s28] =	ssyncset.done $0x0  }
0xe8: {  	[sflag:s28] =	ssyncadd.s32 $0xFFFFE0C0  }
0xe9: {  	[tilespmem:s23], [sflag:$0x9] =	stream.linear.gather [spmem:s8], $0x1F40, $0x38;
	[tilespmem:$0x1B940] =	vst v63  }
0xea: {  	_ =	swait.ge [sflag:s19], $0x1F40  }
0xeb: {  	[sflag:s19] =	ssyncset.done $0x0  }
0xec: {  	[sflag:s19] =	ssyncadd.s32 $0xFFFFE0C0  }
0xed: {  	[hbm4b:s15+s12] =	stream.strided.scatter [tilespmem:s23], [sflag:$0x2], $0x1F40, s22, s12, $0x38;
	[tilespmem:$0x1B940] =	vst v63  }
0xee: {  	_ =	swait.ge [sflag:s24], $0x1F40  }
0xef: {  	[sflag:s24] =	ssyncset.done $0x0  }
0xf0: {  	[sflag:s24] =	ssyncadd.s32 $0xFFFFE0C0  }
0xf1: {  	[tilespmem:s18], [sflag:$0x9] =	stream.linear.gather [spmem:s9], $0x1F40, $0x38;
	[tilespmem:$0x1B940] =	vst v63  }
0xf2: {  	_ =	swait.ge [sflag:s19], $0x1F40  }
0xf3: {  	[sflag:s19] =	ssyncset.done $0x0  }
0xf4: {  	s4 =	sadd.s32 $0x1, s4;
	[sflag:s19] =	ssyncadd.s32 $0xFFFFE0C0  }
0xf5: {  	[hbm4b:s16+s12] =	stream.strided.scatter [tilespmem:s18], [sflag:$0x1], $0x1F40, s22, s12, $0x38;
	[tilespmem:$0x1B940] =	vst v63  }
0xf6: {  	p0 =	sne.s32 s4, s17;
	_ =	swait.ge [sflag:s24], $0x1F40  }
.Ltmp2:
0xf7: {  	[sflag:s24] =	ssyncset.done $0x0;
	(pc) =	sbr.rel @p0 .LBB2_1-.Ltmp2, $4  }
0xf8: {  	[sflag:s24] =	ssyncadd.s32 $0xFFFFE0C0  }
0xf9: {  	_ =	swait.ge [sflag:s28], $0x1F40  }
0xfa: {  	[sflag:s28] =	ssyncset.done $0x0  }
0xfb: {  	[sflag:s28] =	ssyncadd.s32 $0xFFFFE0C0  }
0xfc: {  	_ =	sfence.sel $0x180000  }
0xfd: {  	[bflag:$0x0] =	sbarrier.arrive $0xFFFF  }
0xfe: {  	_ =	strace $0x90000047  }
0xff: {  	s0 =	stileid.u32;
	[bflag:$0x2] =	sbarrier.arrive $0xFFFF  }
0x100: {  	p0 =	sne.s32 s0, $0x0;
	s0 =	rddreg [dreg:$0x4]  }
0x101: {  	s0 =	sadd.s32 @!p0 $0x100000, s0  }
0x102: {  	[sflag:s0] =	ssyncadd.tile.s32 @!p0 $0x1;
	_ =	shalt  }
.Lfunc_end2:
_tile_overlayer_lowered:
.L_overlay_start_2:
0x103: {  	(tag) =	ssettag $0x2  }
0x104: {  	s0 =	rddreg [dreg:$0x0];
	s2 =	stileid.u32  }
0x105: {  	s1 =	rddreg [dreg:$0x1];
	p0 =	sne.s32 s2, $0x0  }
0x106: {  	s3 =	rddreg [dreg:$0x2];
	[bflag:$0x3] =	sbarrier.arrive $0xFFFF;
	s2 =	simm.s32 @!p0 $0x1C09  }
0x107: {  	[timem:s3], [sflag:s2] =	dma.local @!p0 [hbm:s0], s1  }
0x108: {  	s0 =	simm.s32 @!p0 $0x9  }
0x109: {  	_ =	swait.ge @!p0 [sflag:s0], s1  }
0x10a: {  	s1 =	ssub.s32 @!p0 $0x0, s1;
	[sflag:s0] =	ssyncset.done @!p0 $0x0  }
0x10b: {  	[sflag:s0] =	ssyncadd.s32 @!p0 s1  }
0x10c: {  	[bflag:$0x3] =	sbarrier.arrive $0xFFFF  }
0x10d: {  	_ =	shalt  }

// kernel: kernel.17.cloned.1.call-start
scs
__scs_entry_jumppad:
0x0: {  	(pc) =	sbr.rel $0x88, $3  }
0x1: {  	(tag) =	ssettag $0x0;
	lr =	simm.s32 $0x1  }
0x2: {  	[smem:$0x3F93] =	sst lr;
	_ =	strace $0xD0000000  }
0x3: {  	_ = 	snop  }
0x4: {  	_ = 	snop  }
0x5: {  	_ = 	snop  }
0x6: {  	_ = 	snop  }
0x7: {  	_ = 	snop  }
__scs_overlays_trampoline_lowered:
0x8: {  	[smem:$0x3FA2] =	sst s0  }
0x9: {  	[smem:$0x3FA3] =	sst s1  }
0xa: {  	[smem:$0x3FA4] =	sst s2  }
0xb: {  	[smem:$0x3FA5] =	sst s3  }
0xc: {  	[smem:$0x3FA6] =	sst s4  }
0xd: {  	[smem:$0x3FA7] =	sst s5  }
0xe: {  	[smem:$0x3FA8] =	sst s6  }
0xf: {  	[smem:$0x3FA9] =	sst s7  }
0x10: {  	[smem:$0x3FAA] =	sst s8  }
0x11: {  	[smem:$0x3FAB] =	sst s9;
	s0 =	simm.s32 @!p0 $0x0  }
0x12: {  	s1 =	sld [smem:$0x3F91];
	s0 =	simm.s32 @p0 $0x1  }
0x13: {  	[smem:$0x3FAC] =	sst s0;
	s0 =	simm.s32 @!p1 $0x0  }
0x14: {  	s2 =	sld [smem:$0x3F90];
	s0 =	simm.s32 @p1 $0x1  }
0x15: {  	[smem:$0x3FAD] =	sst s0;
	s0 =	simm.s32 @!p2 $0x0  }
0x16: {  	s3 =	sld [smem:$0x3FDB];
	s0 =	simm.s32 @p2 $0x1  }
0x17: {  	s4 =	simm.s32 $0x1BF5;
	[smem:$0x3FAF] =	sst s0  }
0x18: {  	s0 =	sld [smem:$0x3F92];
	_ =	swait.ge [sflag:s4], $0x0  }
0x19: {  	s7 =	sld [smem:$0x3F93]  }
0x1a: {  	s8 =	sadd.s32 $0xFFFFE003, lr  }
0x1b: {  	s9 =	sadd.s32 $0xFFFFFEF7, lr;
	s5 =	simm.s32 $0xFFFFFFFF;
	p2 =	slt.u32 s8, $0xFFFFF086  }
0x1c: {  	p1 =	slt.u32 s9, $0xF7A;
	s5 =	simm.s32 @!p2 $0x0  }
0x1d: {  	s5 =	simm.s32 @p1 $0x1;
	p0 =	seq.s32 s7, s2  }
0x1e: {  	s7 =	smul.u32 @!p0 $0xF7A, s2;
	p2 =	seq.s32 @!p0 s5, $0x0  }
0x1f: {  	s9 =	smul.u32 $0xF7A, s1;
	s8 =	simm.s32 @!p0 $0x1BF5;
	p2 =	por !p2, p0  }
0x20: {  	[sflag:s8] =	ssyncset.s32 @!p0 $0xFFFFF086;
	s6 =	sadd.s32 @!p0 s3, s7;
	s7 =	simm.s32 @!p0 $0x108  }
0x21: {  	s3 =	sadd.s32 s3, s9;
	s6 =	sadd.s32 @!p0 $0x88, s6;
	s7 =	simm.s32 @p2 $0x1082  }
0x22: {  	[simem:s7], [sflag:s8] =	dma.local @!p0 [hbm:s6], $0xF7A  }
0x23: {  	s9 =	sor.u32 $0xD0000000, s2;
	s6 =	simm.s32 $0x108;
	_ =	swait.ge @!p0 [sflag:s8], $0x0  }
0x24: {  	s3 =	sadd.s32 $0x88, s3;
	s6 =	simm.s32 @!p1 $0x1082;
	[sflag:s4] =	ssyncset.s32 $0xFFFFF086  }
0x25: {  	[simem:s6], [sflag:s4] =	dma.local [hbm:s3], $0xF7A  }
0x26: {  	[smem:$0x3F93] =	sst s1;
	(tag) =	ssettag s2;
	_ =	strace s9  }
0x27: {  	s1 =	sld [smem:$0x3FA3]  }
0x28: {  	s2 =	sld [smem:$0x3FA4]  }
0x29: {  	s4 =	sld [smem:$0x3FA6]  }
0x2a: {  	p0 =	seq.s32 s5, $0x0;
	s5 =	sld [smem:$0x3FA7]  }
0x2b: {  	s6 =	sld [smem:$0x3FA8]  }
0x2c: {  	s7 =	sld [smem:$0x3FA9]  }
0x2d: {  	s3 =	simm.s32 $0x108;
	s8 =	sld [smem:$0x3FAA]  }
0x2e: {  	s3 =	simm.s32 @!p0 $0x1082;
	s9 =	sld [smem:$0x3FAB]  }
0x2f: {  	lr =	sadd.s32 s0, s3;
	s0 =	sld [smem:$0x3FA2]  }
0x30: {  	s3 =	sld [smem:$0x3FA5]  }
0x31: {  	[smem:$0x3FAE] =	sst s10  }
0x32: {  	s10 =	sld [smem:$0x3FAC];
	_ =	sdelay $0x3  }
0x33: {  	p0 =	seq.s32 s10, $0x1;
	s10 =	sld [smem:$0x3FAE];
	_ =	sdelay $0x3  }
0x34: {  	[smem:$0x3FAE] =	sst s10  }
0x35: {  	s10 =	sld [smem:$0x3FAD];
	_ =	sdelay $0x3  }
0x36: {  	p1 =	seq.s32 s10, $0x1;
	s10 =	sld [smem:$0x3FAE];
	_ =	sdelay $0x3  }
0x37: {  	[smem:$0x3FAE] =	sst s10  }
0x38: {  	s10 =	sld [smem:$0x3FAF]  }
0x39: {  	_ = 	snop;
	(pc) =	sbr.ind lr, $3  }
0x3a: {  	_ = 	snop  }
0x3b: {  	_ = 	snop  }
0x3c: {  	p2 =	seq.s32 s10, $0x1;
	s10 =	sld [smem:$0x3FAE]  }
0x3d: {  	_ =	shalt  }
0x3e: {  	_ =	shalt  }
0x3f: {  	_ =	shalt  }
0x40: {  	_ =	shalt  }
0x41: {  	_ =	shalt  }
0x42: {  	_ =	shalt  }
0x43: {  	_ =	shalt  }
0x44: {  	_ =	shalt  }
0x45: {  	_ =	shalt  }
0x46: {  	_ =	shalt  }
0x47: {  	_ =	shalt  }
0x48: {  	_ =	shalt  }
0x49: {  	_ =	shalt  }
0x4a: {  	_ =	shalt  }
0x4b: {  	_ =	shalt  }
0x4c: {  	_ =	shalt  }
0x4d: {  	_ =	shalt  }
0x4e: {  	_ =	shalt  }
0x4f: {  	_ =	shalt  }
0x50: {  	_ =	shalt  }
0x51: {  	_ =	shalt  }
0x52: {  	_ =	shalt  }
0x53: {  	_ =	shalt  }
0x54: {  	_ =	shalt  }
0x55: {  	_ =	shalt  }
0x56: {  	_ =	shalt  }
0x57: {  	_ =	shalt  }
0x58: {  	_ =	shalt  }
0x59: {  	_ =	shalt  }
0x5a: {  	_ =	shalt  }
0x5b: {  	_ =	shalt  }
0x5c: {  	_ =	shalt  }
0x5d: {  	_ =	shalt  }
0x5e: {  	_ =	shalt  }
0x5f: {  	_ =	shalt  }
0x60: {  	_ =	shalt  }
0x61: {  	_ =	shalt  }
0x62: {  	_ =	shalt  }
0x63: {  	_ =	shalt  }
0x64: {  	_ =	shalt  }
0x65: {  	_ =	shalt  }
0x66: {  	_ =	shalt  }
0x67: {  	_ =	shalt  }
0x68: {  	_ =	shalt  }
0x69: {  	_ =	shalt  }
0x6a: {  	_ =	shalt  }
0x6b: {  	_ =	shalt  }
0x6c: {  	_ =	shalt  }
0x6d: {  	_ =	shalt  }
0x6e: {  	_ =	shalt  }
0x6f: {  	_ =	shalt  }
0x70: {  	_ =	shalt  }
0x71: {  	_ =	shalt  }
0x72: {  	_ =	shalt  }
0x73: {  	_ =	shalt  }
0x74: {  	_ =	shalt  }
0x75: {  	_ =	shalt  }
0x76: {  	_ =	shalt  }
0x77: {  	_ =	shalt  }
0x78: {  	_ =	shalt  }
0x79: {  	_ =	shalt  }
0x7a: {  	_ =	shalt  }
0x7b: {  	_ =	shalt  }
0x7c: {  	_ =	shalt  }
0x7d: {  	_ =	shalt  }
0x7e: {  	_ =	shalt  }
0x7f: {  	_ =	shalt  }
0x80: {  	_ =	shalt  }
0x81: {  	_ =	shalt  }
0x82: {  	_ =	shalt  }
0x83: {  	_ =	shalt  }
0x84: {  	_ =	shalt  }
0x85: {  	_ =	shalt  }
0x86: {  	_ =	shalt  }
0x87: {  	_ =	shalt  }
.Lfunc_end0:
.L_simem_size_0:
called_computation.1_lowered:
.L_overlay_start_0:
0x88: {  	s2 =	sld [smem:$0x3FD9]  }
0x89: {  	s3 =	sld [smem:$0x3FFE];
	_ =	sdelay $0x1  }
0x8a: {  	s1 =	srdreg.scid  }
0x8b: {  	s0 =	sand.u32 $0x1, s1  }
0x8c: {  	s17 =	sshll.u32 s0, $0xA;
	s2 =	sadd.s32 s3, s2  }
0x8d: {  	s2 =	sadd.s32 s2, s17  }
0x8e: {  	[smem:$0x3FBA] =	sst s2  }
0x8f: {  	_ = 	snop  }
0x90: {  	s2 =	sld [smem:$0x3FD0];
	(tm) =	ssettm $0x1  }
0x91: {  	s18 =	sld [smem:$0x3FFB];
	_ =	sdelay $0x3  }
0x92: {  	_ =	strace s18  }
0x93: {  	s3 =	sld [smem:$0x3FFC];
	_ =	sdelay $0x3  }
0x94: {  	_ =	strace s3  }
0x95: {  	s3 =	sld [smem:$0x3FFD];
	_ =	sdelay $0x3  }
0x96: {  	_ =	strace s3  }
0x97: {  	_ =	strace $0x8FFFFFFF  }
0x98: {  	s19 =	sld [smem:$0x3FDB];
	_ =	sdelay $0x1  }
0x99: {  	s4 =	simm.s32 $_scs_section_size  }
0x9a: {  	s5 =	simm.s32 $_size__tile_overlayer_lowered;
	s6 =	simm.s32 $_tile_overlayer_lowered  }
0x9b: {  	s22 =	simm.s32 $0x1BFF;
	s21 =	sshll.u32 s6, $0x1;
	s3 =	sadd.s32 s4, s19  }
0x9c: {  	s7 =	simm.s32 $0x0;
	s20 =	sshll.u32 s5, $0x1;
	s5 =	sadd.s32 s21, s3  }
0x9d: {  	[timem:s7], [sflag:s22] =	dma.local [hbm:s5], s20  }
0x9e: {  	_ =	swait.ge [sflag:s22], s20  }
0x9f: {  	s4 =	ssub.s32 $0x0, s20;
	[sflag:s22] =	ssyncset.done $0x0  }
0xa0: {  	[sflag:s22] =	ssyncadd.s32 s4;
	_ =	sdelay $0x1  }
0xa1: {  	s23 =	simm.s32 $0x1B8B  }
0xa2: {  	_ =	swait.ge [sflag:s23], $0x1  }
0xa3: {  	[sflag:s23] =	ssyncset.done $0x0  }
0xa4: {  	s25 =	simm.s32 $0x1B8E;
	s24 =	sld [smem:$0x3FFE];
	[sflag:s23] =	ssyncadd.s32 $0xFFFFFFFF  }
0xa5: {  	s26 =	simm.s32 $execute0_lowered;
	[smem:$0x3FD2] =	sst s25  }
0xa6: {  	s5 =	sshll.u32 s26, $0x1;
	_ =	strace $0x80000049;
	[dreg:$0x1] =	wrdreg $0xFFFFFFFF  }
0xa7: {  	s28 =	simm.s32 $_size_execute0_lowered;
	s3 =	sadd.s32 s3, s5;
	[dreg:$0x0] =	wrdreg $0x0  }
0xa8: {  	s5 =	sshll.u32 s28, $0x1;
	[dreg:$0x2] =	wrdreg s3  }
0xa9: {  	[dreg:$0x3] =	wrdreg s5  }
0xaa: {  	[dreg:$0x4] =	wrdreg $0xC0  }
0xab: {  	_ =	task [dreg:s7], $0x5FFFF  }
0xac: {  	[dreg:$0x1] =	wrdreg $0xFFFFFFFF  }
0xad: {  	[dreg:$0x0] =	wrdreg $0x60  }
0xae: {  	[dreg:$0x2] =	wrdreg s24  }
0xaf: {  	[dreg:$0x3] =	wrdreg s2  }
0xb0: {  	[dreg:$0x4] =	wrdreg $0x11D000  }
0xb1: {  	[dreg:$0x5] =	wrdreg $0x9  }
0xb2: {  	_ =	task.clear_ibuf [dreg:s7], $0x6FFFF;
	_ =	strace $0x90000049  }
0xb3: {  	s29 =	simm.s32 $0x9;
	_ =	strace $0x8000004B  }
0xb4: {  	_ =	swait.ge [sflag:s29], $0x1  }
0xb5: {  	[sflag:s29] =	ssyncadd.s32 $0xFFFFFFFF  }
0xb6: {  	_ =	strace $0x9000004B  }
0xb7: {  	_ =	sfence  }
0xb8: {  	s30 =	sld [smem:$0x0];
	_ =	sdelay $0x2  }
0xb9: {  	s31 =	sshll.u32 s1, $0xD;
	s1 =	sshrl.u32 s1, $0x2  }
0xba: {  	s3 =	sand.u32 $0x4000, s31;
	s1 =	sadd.s32 s1, s30  }
0xbb: {  	s0 =	sor.u32 s3, s0;
	s1 =	sshll.u32 s1, $0x11  }
0xbc: {  	s0 =	sor.u32 s1, s0  }
0xbd: {  	s0 =	sadd.s32 $0x8F2B, s0  }
0xbe: {  	[sflag:s0] =	ssyncadd.remote.s32 $0x1  }
0xbf: {  	_ =	sfence.sel $0xFFFF  }
0xc0: {  	[dreg:$0x0] =	wrdreg $0xFFFFFFFF;
	(pc) =	sbr.abs _section_cstart, $3  }
0xc1: {  	[dreg:$0x1] =	wrdreg $0xFFFFFFFF  }
0xc2: {  	_ =	task.clear_ibuf [dreg:s7], $0x2FFFF;
	_ =	strace $0x9FFFFFFF  }
0xc3: {  	(tm) =	ssettm $0x7FFFFFFF  }
tec
execute0_lowered:
.L_overlay_start_1:
0x0: {  	(tag) =	ssettag $0x1  }
0x1: {  	s0 =	srdreg.scid;
	s1 =	rddreg [dreg:$0x0]  }
0x2: {  	s17 =	stileid.u32;
	s2 =	rddreg [dreg:$0x1]  }
0x3: {  	s3 =	rddreg [dreg:$0x2];
	s4 =	simm.s32 $0x0;
	s5 =	smul.u32 $0x5000, s17  }
0x4: {  	s28 =	simm.s32 $0x2;
	s31 =	simm.s32 $0xFDC0;
	s8 =	smul.u32 $0x271, s17  }
0x5: {  	s30 =	simm.s32 $0x4;
	s29 =	simm.s32 $0x6;
	s7 =	smul.u32 $0x27100, s17  }
0x6: {  	s0 =	sand.u32 $0x1, s0;
	[smem:$0x7FF] =	sst s4;
	s17 =	smul.u32 $0x13880, s17  }
0x7: {  	s6 =	smul.u32 $0x50000, s0;
	_ =	strace $0x8000004A;
	s13 =	ssub.s32 $0x2, s0  }
0x8: {  	s0 =	sshll.u32 s0, $0x6;
	s14 =	sshrl.u32 s13, $0x1;
	s15 =	sshrl.u32 s7, $0x2  }
0x9: {  	s20 =	sor.u32 s0, s17;
	s6 =	sadd.s32 s5, s6;
	s5 =	sshrl.u32 s5, $0x3  }
0xa: {  	s12 =	ssub.s32 s13, s14;
	s13 =	sadd.s32 $0x7D, s8;
	s14 =	sadd.s32 $0xFA, s8  }
0xb: {  	s6 =	sshrl.u32 s6, $0x3;
	s11 =	sadd.s32 s5, s1;
	s5 =	sadd.s32 s15, s3  }
0xc: {  	s16 =	sshll.u32 s13, $0x6;
	s18 =	sshll.u32 s14, $0x6;
	s15 =	sadd.s32 $0x177, s8  }
0xd: {  	s13 =	sshll.u32 s13, $0x7;
	s23 =	sshll.u32 s14, $0x7;
	s17 =	smax.u32 s12, $0x1  }
0xe: {  	s12 =	simm.s32 $0x40;
	s10 =	sadd.s32 s6, s1;
	s1 =	sadd.s32 $0x22800, s1  }
0xf: {  	s6 =	sadd.s32 s16, s3;
	s7 =	sadd.s32 s18, s3;
	s9 =	sshll.u32 s15, $0x6  }
0x10: {  	s16 =	sadd.s32 $0x1F4, s8;
	s13 =	sor.u32 s0, s13;
	s11 =	sadd.s32 $0x4800, s11  }
0x11: {  	s24 =	sshll.u32 s15, $0x7;
	s18 =	simm.s32 $0xA000;
	s8 =	sadd.s32 s9, s3  }
0x12: {  	s19 =	sshll.u32 s16, $0x6;
	s10 =	sadd.s32 $0xE800, s10;
	[dreg:$0x5] =	wrdreg s11  }
0x13: {  	s21 =	sshrl.u32 s13, $0x3;
	s25 =	sshll.u32 s16, $0x7;
	s11 =	sor.u32 s0, s24  }
0x14: {  	s24 =	simm.s32 $0x1;
	s9 =	sadd.s32 s19, s3;
	[dreg:$0x4] =	wrdreg s10  }
0x15: {  	s10 =	sshrl.u32 s20, $0x3;
	s22 =	sadd.s32 s1, s21;
	s26 =	sshrl.u32 s11, $0x3  }
0x16: {  	s19 =	simm.s32 $0x9;
	s21 =	simm.s32 $0x7D;
	s11 =	simm.s32 $0x4F80  }
0x17: {  	s10 =	sadd.s32 s1, s10;
	[dreg:$0x7] =	wrdreg s22;
	s15 =	sadd.s32 s1, s26  }
0x18: {  	s22 =	simm.s32 $0x80;
	s26 =	simm.s32 $0xDE80;
	[dreg:$0x6] =	wrdreg s10  }
0x19: {  	s10 =	sor.u32 s0, s23;
	s0 =	sor.u32 s0, s25;
	s23 =	simm.s32 $0xBF40  }
0x1a: {  	s25 =	simm.s32 $0x5;
	s10 =	sshrl.u32 s10, $0x3;
	s0 =	sshrl.u32 s0, $0x3  }
0x1b: {  	s10 =	sadd.s32 s1, s10;
	s16 =	sadd.s32 s1, s0;
	s1 =	simm.s32 $0x3  }
0x1c: {  	v0 =	vimm.f32 $0.0e+00;
	s0 =	simm.s32 $0x7;
	[dreg:$0x8] =	wrdreg s10;
	s10 =	simm.s32 $0x8  }
.LBB2_1:
0x1d: {  	s14 =	simm.s32 $0x100;
	s13 =	simm.s32 $0x0  }
.LBB2_2:
0x1e: {  	p0 =	sne.s32 s14, $0x7C00;
	[tilespmem:s13+$0xA030] =	vst v0;
	s20 =	smov.u32 s14;
	s14 =	sadd.s32 $0x100, s14  }
.Ltmp0:
0x1f: {  	[tilespmem:s13+$0xA020] =	vst v0;
	(pc) =	sbr.rel @p0 .LBB2_2-.Ltmp0, $3  }
0x20: {  	[tilespmem:s13+$0xA000] =	vst v0  }
0x21: {  	[tilespmem:s13+$0xA010] =	vst v0;
	_ =	sdelay $0x1  }
0x22: {  	s13 =	sshra.s32 s20, $0x2  }
0x23: {  	[tilespmem:s13+$0xA030] =	vst v0  }
0x24: {  	[tilespmem:s13+$0xA020] =	vst v0  }
0x25: {  	[tilespmem:s13+$0xA000] =	vst v0  }
0x26: {  	[tilespmem:s13+$0xA010] =	vst v0  }
0x27: {  	[spmem:s5] =	stream.linear.scatter [tilespmem:s18], [sflag:$0x9], $0x1F40, $0x38;
	[tilespmem:$0x1B940] =	vst v63  }
0x28: {  	_ =	swait.ge [sflag:s19], $0x1F40  }
0x29: {  	[sflag:s19] =	ssyncset.done $0x0  }
0x2a: {  	[sflag:s19] =	ssyncadd.s32 $0xFFFFE0C0  }
0x2b: {  	[spmem:s6] =	stream.linear.scatter [tilespmem:s18], [sflag:$0x9], $0x1F40, $0x38;
	[tilespmem:$0x1B940] =	vst v63  }
0x2c: {  	_ =	swait.ge [sflag:s19], $0x1F40  }
0x2d: {  	[sflag:s19] =	ssyncset.done $0x0  }
0x2e: {  	[sflag:s19] =	ssyncadd.s32 $0xFFFFE0C0  }
0x2f: {  	[spmem:s7] =	stream.linear.scatter [tilespmem:s18], [sflag:$0x9], $0x1F40, $0x38;
	[tilespmem:$0x1B940] =	vst v63  }
0x30: {  	_ =	swait.ge [sflag:s19], $0x1F40  }
0x31: {  	[sflag:s19] =	ssyncset.done $0x0  }
0x32: {  	[sflag:s19] =	ssyncadd.s32 $0xFFFFE0C0  }
0x33: {  	[spmem:s8] =	stream.linear.scatter [tilespmem:s18], [sflag:$0x9], $0x1F40, $0x38;
	[tilespmem:$0x1B940] =	vst v63  }
0x34: {  	_ =	swait.ge [sflag:s19], $0x1F40  }
0x35: {  	[sflag:s19] =	ssyncset.done $0x0  }
0x36: {  	[sflag:s19] =	ssyncadd.s32 $0xFFFFE0C0  }
0x37: {  	[spmem:s9] =	stream.linear.scatter [tilespmem:s18], [sflag:$0x9], $0x1F40, $0x38;
	[tilespmem:$0x1B940] =	vst v63  }
0x38: {  	_ =	swait.ge [sflag:s19], $0x1F40  }
0x39: {  	[sflag:s19] =	ssyncset.done $0x0  }
0x3a: {  	[sflag:s19] =	ssyncadd.s32 $0xFFFFE0C0  }
0x3b: {  	[bflag:$0x0] =	sbarrier.arrive $0xFFFF  }
0x3c: {  	s13 =	simm.s32 $0x0;
	s14 =	rddreg [dreg:$0x4]  }
0x3d: {  	[tilespmem:s13], [sflag:$0x9] =	stream.linear.gather [hbm4b:s14+s13], $0x5000, $0x38;
	[tilespmem:$0x1B940] =	vst v63  }
0x3e: {  	_ =	swait.ge [sflag:s19], $0x5000  }
0x3f: {  	[sflag:s19] =	ssyncset.done $0x0  }
0x40: {  	s20 =	simm.s32 $0x5000;
	s14 =	rddreg [dreg:$0x5];
	[sflag:s19] =	ssyncadd.s32 $0xFFFFB000  }
0x41: {  	[tilespmem:s20], [sflag:$0x9] =	stream.linear.gather [hbm4b:s14+s13], $0x5000, $0x38;
	[tilespmem:$0x1B940] =	vst v63  }
0x42: {  	_ =	swait.ge [sflag:s19], $0x5000  }
0x43: {  	[sflag:s19] =	ssyncset.done $0x0  }
0x44: {  	[sflag:s19] =	ssyncadd.s32 $0xFFFFB000  }
0x45: {  	[tilespmem:s18], [sflag:$0x1] =	stream.indirect.gather [hbm4b:s2+s21], $0x40, s13, s21, $0xb8;
	[tilespmem:$0x1B940] =	vst v63  }
0x46: {  	_ = 	snop  }
0x47: {  	[tilespmem:s23], [sflag:$0x2] =	stream.indirect.gather [hbm4b:s2+s21], $0x40, s22, s21, $0xb8;
	[tilespmem:$0x1B940] =	vst v63  }
0x48: {  	_ =	swait.ge [sflag:s24], $0x1F40  }
0x49: {  	[sflag:s24] =	ssyncset.done $0x0  }
0x4a: {  	[sflag:s24] =	ssyncadd.s32 $0xFFFFE0C0  }
0x4b: {  	[spmem:s3] =	stream.indirect.scatter.add.f32 [tilespmem:s18], [sflag:$0x5], $0x40, s20, s21, $0xb8;
	[tilespmem:$0x1B940] =	vst v63  }
0x4c: {  	s14 =	simm.s32 $0x100  }
0x4d: {  	[tilespmem:s26], [sflag:$0x3] =	stream.indirect.gather [hbm4b:s2+s21], $0x40, s14, s21, $0xb8;
	[tilespmem:$0x1B940] =	vst v63  }
0x4e: {  	_ =	swait.ge [sflag:s28], $0x1F40  }
0x4f: {  	[sflag:s28] =	ssyncset.done $0x0  }
0x50: {  	s20 =	simm.s32 $0x5080;
	[sflag:s28] =	ssyncadd.s32 $0xFFFFE0C0  }
0x51: {  	[spmem:s3] =	stream.indirect.scatter.add.f32 [tilespmem:s23], [sflag:$0x6], $0x40, s20, s21, $0xb8;
	[tilespmem:$0x1B940] =	vst v63  }
0x52: {  	s14 =	simm.s32 $0x180  }
0x53: {  	[tilespmem:s31], [sflag:$0x4] =	stream.indirect.gather [hbm4b:s2+s21], $0x40, s14, s21, $0xb8;
	[tilespmem:$0x1B940] =	vst v63  }
0x54: {  	_ =	swait.ge [sflag:s1], $0x1F40  }
0x55: {  	[sflag:s1] =	ssyncset.done $0x0  }
0x56: {  	s20 =	simm.s32 $0x5100;
	[sflag:s1] =	ssyncadd.s32 $0xFFFFE0C0  }
0x57: {  	[spmem:s3] =	stream.indirect.scatter.add.f32 [tilespmem:s26], [sflag:$0x7], $0x40, s20, s21, $0xb8;
	[tilespmem:$0x1B940] =	vst v63  }
0x58: {  	_ =	swait.ge [sflag:s25], $0x1F40  }
0x59: {  	[sflag:s25] =	ssyncset.done $0x0  }
0x5a: {  	s14 =	simm.s32 $0x200;
	[sflag:s25] =	ssyncadd.s32 $0xFFFFE0C0  }
0x5b: {  	[tilespmem:s18], [sflag:$0x1] =	stream.indirect.gather [hbm4b:s2+s21], $0x40, s14, s21, $0xb8;
	[tilespmem:$0x1B940] =	vst v63  }
0x5c: {  	_ =	swait.ge [sflag:s30], $0x1F40  }
0x5d: {  	[sflag:s30] =	ssyncset.done $0x0  }
0x5e: {  	s20 =	simm.s32 $0x5180;
	[sflag:s30] =	ssyncadd.s32 $0xFFFFE0C0  }
0x5f: {  	[spmem:s3] =	stream.indirect.scatter.add.f32 [tilespmem:s31], [sflag:$0x8], $0x40, s20, s21, $0xb8;
	[tilespmem:$0x1B940] =	vst v63  }
0x60: {  	_ =	swait.ge [sflag:s29], $0x1F40  }
0x61: {  	[sflag:s29] =	ssyncset.done $0x0  }
0x62: {  	s14 =	simm.s32 $0x280;
	[sflag:s29] =	ssyncadd.s32 $0xFFFFE0C0  }
0x63: {  	[tilespmem:s23], [sflag:$0x2] =	stream.indirect.gather [hbm4b:s2+s21], $0x40, s14, s21, $0xb8;
	[tilespmem:$0x1B940] =	vst v63  }
0x64: {  	_ =	swait.ge [sflag:s24], $0x1F40  }
0x65: {  	[sflag:s24] =	ssyncset.done $0x0  }
0x66: {  	s20 =	simm.s32 $0x5200;
	[sflag:s24] =	ssyncadd.s32 $0xFFFFE0C0  }
0x67: {  	[spmem:s3] =	stream.indirect.scatter.add.f32 [tilespmem:s18], [sflag:$0x5], $0x40, s20, s21, $0xb8;
	[tilespmem:$0x1B940] =	vst v63  }
0x68: {  	_ =	swait.ge [sflag:s0], $0x1F40  }
0x69: {  	[sflag:s0] =	ssyncset.done $0x0  }
0x6a: {  	s14 =	simm.s32 $0x300;
	[sflag:s0] =	ssyncadd.s32 $0xFFFFE0C0  }
0x6b: {  	[tilespmem:s26], [sflag:$0x3] =	stream.indirect.gather [hbm4b:s2+s21], $0x40, s14, s21, $0xb8;
	[tilespmem:$0x1B940] =	vst v63  }
0x6c: {  	_ =	swait.ge [sflag:s28], $0x1F40  }
0x6d: {  	[sflag:s28] =	ssyncset.done $0x0  }
0x6e: {  	s20 =	simm.s32 $0x5280;
	[sflag:s28] =	ssyncadd.s32 $0xFFFFE0C0  }
0x6f: {  	[spmem:s3] =	stream.indirect.scatter.add.f32 [tilespmem:s23], [sflag:$0x6], $0x40, s20, s21, $0xb8;
	[tilespmem:$0x1B940] =	vst v63  }
0x70: {  	_ =	swait.ge [sflag:s10], $0x1F40  }
0x71: {  	[sflag:s10] =	ssyncset.done $0x0  }
0x72: {  	s14 =	simm.s32 $0x380;
	[sflag:s10] =	ssyncadd.s32 $0xFFFFE0C0  }
0x73: {  	[tilespmem:s31], [sflag:$0x4] =	stream.indirect.gather [hbm4b:s2+s21], $0x40, s14, s21, $0xb8;
	[tilespmem:$0x1B940] =	vst v63  }
0x74: {  	_ =	swait.ge [sflag:s1], $0x1F40  }
0x75: {  	[sflag:s1] =	ssyncset.done $0x0  }
0x76: {  	s20 =	simm.s32 $0x5300;
	[sflag:s1] =	ssyncadd.s32 $0xFFFFE0C0  }
0x77: {  	[spmem:s3] =	stream.indirect.scatter.add.f32 [tilespmem:s26], [sflag:$0x7], $0x40, s20, s21, $0xb8;
	[tilespmem:$0x1B940] =	vst v63  }
0x78: {  	_ =	swait.ge [sflag:s25], $0x1F40  }
0x79: {  	[sflag:s25] =	ssyncset.done $0x0  }
0x7a: {  	s14 =	simm.s32 $0x400;
	[sflag:s25] =	ssyncadd.s32 $0xFFFFE0C0  }
0x7b: {  	[tilespmem:s18], [sflag:$0x1] =	stream.indirect.gather [hbm4b:s2+s21], $0x40, s14, s21, $0xb8;
	[tilespmem:$0x1B940] =	vst v63  }
0x7c: {  	_ =	swait.ge [sflag:s30], $0x1F40  }
0x7d: {  	[sflag:s30] =	ssyncset.done $0x0  }
0x7e: {  	s20 =	simm.s32 $0x5380;
	[sflag:s30] =	ssyncadd.s32 $0xFFFFE0C0  }
0x7f: {  	[spmem:s3] =	stream.indirect.scatter.add.f32 [tilespmem:s31], [sflag:$0x8], $0x40, s20, s21, $0xb8;
	[tilespmem:$0x1B940] =	vst v63  }
0x80: {  	_ =	swait.ge [sflag:s29], $0x1F40  }
0x81: {  	[sflag:s29] =	ssyncset.done $0x0  }
0x82: {  	s13 =	simm.s32 $0x800;
	s14 =	simm.s32 $0x480;
	[sflag:s29] =	ssyncadd.s32 $0xFFFFE0C0  }
.LBB2_4:
0x83: {  	[tilespmem:s23], [sflag:$0x2] =	stream.indirect.gather [hbm4b:s2+s21], $0x40, s14, s21, $0xb8;
	[tilespmem:$0x1B940] =	vst v63  }
0x84: {  	s14 =	smov.u32 s13  }
0x85: {  	p0 =	sne.s32 s13, $0x12800;
	s13 =	sadd.s32 $0x800, s13;
	_ =	swait.ge [sflag:s24], $0x1F40  }
0x86: {  	s14 =	sshra.s32 s14, $0x2;
	[sflag:s24] =	ssyncset.done $0x0  }
0x87: {  	s20 =	sadd.s32 $0x5200, s14;
	[sflag:s24] =	ssyncadd.s32 $0xFFFFE0C0  }
0x88: {  	[spmem:s3] =	stream.indirect.scatter.add.f32 [tilespmem:s18], [sflag:$0x5], $0x40, s20, s21, $0xb8;
	[tilespmem:$0x1B940] =	vst v63  }
0x89: {  	_ =	swait.ge [sflag:s0], $0x1F40  }
0x8a: {  	[sflag:s0] =	ssyncset.done $0x0  }
0x8b: {  	s20 =	sadd.s32 $0x300, s14;
	[sflag:s0] =	ssyncadd.s32 $0xFFFFE0C0  }
0x8c: {  	[tilespmem:s26], [sflag:$0x3] =	stream.indirect.gather [hbm4b:s2+s21], $0x40, s20, s21, $0xb8;
	[tilespmem:$0x1B940] =	vst v63  }
0x8d: {  	_ =	swait.ge [sflag:s28], $0x1F40  }
0x8e: {  	[sflag:s28] =	ssyncset.done $0x0  }
0x8f: {  	s20 =	sadd.s32 $0x5280, s14;
	[sflag:s28] =	ssyncadd.s32 $0xFFFFE0C0  }
0x90: {  	[spmem:s3] =	stream.indirect.scatter.add.f32 [tilespmem:s23], [sflag:$0x6], $0x40, s20, s21, $0xb8;
	[tilespmem:$0x1B940] =	vst v63  }
0x91: {  	_ =	swait.ge [sflag:s10], $0x1F40  }
0x92: {  	[sflag:s10] =	ssyncset.done $0x0  }
0x93: {  	s20 =	sadd.s32 $0x380, s14;
	[sflag:s10] =	ssyncadd.s32 $0xFFFFE0C0  }
0x94: {  	[tilespmem:s31], [sflag:$0x4] =	stream.indirect.gather [hbm4b:s2+s21], $0x40, s20, s21, $0xb8;
	[tilespmem:$0x1B940] =	vst v63  }
0x95: {  	_ =	swait.ge [sflag:s1], $0x1F40  }
0x96: {  	[sflag:s1] =	ssyncset.done $0x0  }
0x97: {  	s20 =	sadd.s32 $0x5300, s14;
	[sflag:s1] =	ssyncadd.s32 $0xFFFFE0C0  }
0x98: {  	[spmem:s3] =	stream.indirect.scatter.add.f32 [tilespmem:s26], [sflag:$0x7], $0x40, s20, s21, $0xb8;
	[tilespmem:$0x1B940] =	vst v63  }
0x99: {  	_ =	swait.ge [sflag:s25], $0x1F40  }
0x9a: {  	[sflag:s25] =	ssyncset.done $0x0  }
0x9b: {  	s20 =	sadd.s32 $0x400, s14;
	[sflag:s25] =	ssyncadd.s32 $0xFFFFE0C0  }
0x9c: {  	[tilespmem:s18], [sflag:$0x1] =	stream.indirect.gather [hbm4b:s2+s21], $0x40, s20, s21, $0xb8;
	[tilespmem:$0x1B940] =	vst v63  }
0x9d: {  	_ =	swait.ge [sflag:s30], $0x1F40  }
0x9e: {  	[sflag:s30] =	ssyncset.done $0x0  }
.Ltmp1:
0x9f: {  	s20 =	sadd.s32 $0x5380, s14;
	[sflag:s30] =	ssyncadd.s32 $0xFFFFE0C0;
	(pc) =	sbr.rel @p0 .LBB2_4-.Ltmp1, $4  }
0xa0: {  	[spmem:s3] =	stream.indirect.scatter.add.f32 [tilespmem:s31], [sflag:$0x8], $0x40, s20, s21, $0xb8;
	[tilespmem:$0x1B940] =	vst v63  }
0xa1: {  	_ =	swait.ge [sflag:s29], $0x1F40  }
0xa2: {  	[sflag:s29] =	ssyncset.done $0x0  }
0xa3: {  	s14 =	sadd.s32 $0x480, s14;
	[sflag:s29] =	ssyncadd.s32 $0xFFFFE0C0  }
0xa4: {  	[tilespmem:s23], [sflag:$0x2] =	stream.indirect.gather [hbm4b:s2+s21], $0x40, s14, s21, $0xb8;
	[tilespmem:$0x1B940] =	vst v63  }
0xa5: {  	_ =	swait.ge [sflag:s24], $0x1F40  }
0xa6: {  	[sflag:s24] =	ssyncset.done $0x0  }
0xa7: {  	s13 =	simm.s32 $0x9E00;
	[sflag:s24] =	ssyncadd.s32 $0xFFFFE0C0  }
0xa8: {  	[spmem:s3] =	stream.indirect.scatter.add.f32 [tilespmem:s18], [sflag:$0x5], $0x40, s13, s21, $0xb8;
	[tilespmem:$0x1B940] =	vst v63  }
0xa9: {  	_ =	swait.ge [sflag:s0], $0x1F40  }
0xaa: {  	[sflag:s0] =	ssyncset.done $0x0  }
0xab: {  	s20 =	simm.s32 $0x4F00;
	[sflag:s0] =	ssyncadd.s32 $0xFFFFE0C0  }
0xac: {  	[tilespmem:s26], [sflag:$0x3] =	stream.indirect.gather [hbm4b:s2+s21], $0x40, s20, s21, $0xb8;
	[tilespmem:$0x1B940] =	vst v63  }
0xad: {  	_ =	swait.ge [sflag:s28], $0x1F40  }
0xae: {  	[sflag:s28] =	ssyncset.done $0x0  }
0xaf: {  	s14 =	simm.s32 $0x9E80;
	[sflag:s28] =	ssyncadd.s32 $0xFFFFE0C0  }
0xb0: {  	[spmem:s3] =	stream.indirect.scatter.add.f32 [tilespmem:s23], [sflag:$0x6], $0x40, s14, s21, $0xb8;
	[tilespmem:$0x1B940] =	vst v63  }
0xb1: {  	_ =	swait.ge [sflag:s10], $0x1F40  }
0xb2: {  	[sflag:s10] =	ssyncset.done $0x0  }
0xb3: {  	[sflag:s10] =	ssyncadd.s32 $0xFFFFE0C0  }
0xb4: {  	[tilespmem:s31], [sflag:$0x4] =	stream.indirect.gather [hbm4b:s2+s21], $0x40, s11, s21, $0xb8;
	[tilespmem:$0x1B940] =	vst v63  }
0xb5: {  	_ =	swait.ge [sflag:s1], $0x1F40  }
0xb6: {  	[sflag:s1] =	ssyncset.done $0x0  }
0xb7: {  	s20 =	simm.s32 $0x9F00;
	[sflag:s1] =	ssyncadd.s32 $0xFFFFE0C0  }
0xb8: {  	[spmem:s3] =	stream.indirect.scatter.add.f32 [tilespmem:s26], [sflag:$0x7], $0x40, s20, s21, $0xb8;
	[tilespmem:$0x1B940] =	vst v63  }
0xb9: {  	_ =	swait.ge [sflag:s25], $0x1F40  }
0xba: {  	[sflag:s25] =	ssyncset.done $0x0  }
0xbb: {  	[sflag:s25] =	ssyncadd.s32 $0xFFFFE0C0  }
0xbc: {  	[tilespmem:s18], [sflag:$0x1] =	stream.indirect.gather [hbm4b:s2+s21], $0x40, s11, s21, $0xb8;
	[tilespmem:$0x1B940] =	vst v63  }
0xbd: {  	_ =	swait.ge [sflag:s30], $0x1F40  }
0xbe: {  	[sflag:s30] =	ssyncset.done $0x0  }
0xbf: {  	s14 =	simm.s32 $0x9F80;
	[sflag:s30] =	ssyncadd.s32 $0xFFFFE0C0  }
0xc0: {  	[spmem:s3] =	stream.indirect.scatter.add.f32 [tilespmem:s31], [sflag:$0x8], $0x40, s14, s21, $0xb8;
	[tilespmem:$0x1B940] =	vst v63  }
0xc1: {  	_ =	swait.ge [sflag:s29], $0x1F40  }
0xc2: {  	[sflag:s29] =	ssyncset.done $0x0  }
0xc3: {  	[sflag:s29] =	ssyncadd.s32 $0xFFFFE0C0  }
0xc4: {  	[tilespmem:s23], [sflag:$0x2] =	stream.indirect.gather [hbm4b:s2+s21], $0x40, s11, s21, $0xb8;
	[tilespmem:$0x1B940] =	vst v63  }
0xc5: {  	_ =	swait.ge [sflag:s24], $0x1F40  }
0xc6: {  	[sflag:s24] =	ssyncset.done $0x0  }
0xc7: {  	[sflag:s24] =	ssyncadd.s32 $0xFFFFE0C0  }
0xc8: {  	_ =	swait.ge [sflag:s28], $0x1F40  }
0xc9: {  	[sflag:s28] =	ssyncset.done $0x0  }
0xca: {  	[sflag:s28] =	ssyncadd.s32 $0xFFFFE0C0  }
0xcb: {  	_ =	swait.ge [sflag:s0], $0x1F40  }
0xcc: {  	[sflag:s0] =	ssyncset.done $0x0  }
0xcd: {  	[sflag:s0] =	ssyncadd.s32 $0xFFFFE0C0  }
0xce: {  	_ =	swait.ge [sflag:s10], $0x1F40  }
0xcf: {  	[sflag:s10] =	ssyncset.done $0x0  }
0xd0: {  	[sflag:s10] =	ssyncadd.s32 $0xFFFFE0C0  }
0xd1: {  	[bflag:$0x0] =	sbarrier.arrive $0xFFFF  }
0xd2: {  	[tilespmem:s18], [sflag:$0x9] =	stream.linear.gather [spmem:s5], $0x1F40, $0x38;
	[tilespmem:$0x1B940] =	vst v63  }
0xd3: {  	_ =	swait.ge [sflag:s19], $0x1F40  }
0xd4: {  	[sflag:s19] =	ssyncset.done $0x0  }
0xd5: {  	s20 =	rddreg [dreg:$0x6];
	[sflag:s19] =	ssyncadd.s32 $0xFFFFE0C0  }
0xd6: {  	[hbm4b:s20+s12] =	stream.strided.scatter [tilespmem:s18], [sflag:$0x1], $0x1F40, s22, s12, $0x38;
	[tilespmem:$0x1B940] =	vst v63  }
0xd7: {  	_ = 	snop  }
0xd8: {  	[tilespmem:s23], [sflag:$0x9] =	stream.linear.gather [spmem:s6], $0x1F40, $0x38;
	[tilespmem:$0x1B940] =	vst v63  }
0xd9: {  	_ =	swait.ge [sflag:s19], $0x1F40  }
0xda: {  	[sflag:s19] =	ssyncset.done $0x0  }
0xdb: {  	s14 =	rddreg [dreg:$0x7];
	[sflag:s19] =	ssyncadd.s32 $0xFFFFE0C0  }
0xdc: {  	[hbm4b:s14+s12] =	stream.strided.scatter [tilespmem:s23], [sflag:$0x2], $0x1F40, s22, s12, $0x38;
	[tilespmem:$0x1B940] =	vst v63  }
0xdd: {  	_ =	swait.ge [sflag:s24], $0x1F40  }
0xde: {  	[sflag:s24] =	ssyncset.done $0x0  }
0xdf: {  	[sflag:s24] =	ssyncadd.s32 $0xFFFFE0C0  }
0xe0: {  	[tilespmem:s18], [sflag:$0x9] =	stream.linear.gather [spmem:s7], $0x1F40, $0x38;
	[tilespmem:$0x1B940] =	vst v63  }
0xe1: {  	_ =	swait.ge [sflag:s19], $0x1F40  }
0xe2: {  	[sflag:s19] =	ssyncset.done $0x0  }
0xe3: {  	s20 =	rddreg [dreg:$0x8];
	[sflag:s19] =	ssyncadd.s32 $0xFFFFE0C0  }
0xe4: {  	[hbm4b:s20+s12] =	stream.strided.scatter [tilespmem:s18], [sflag:$0x1], $0x1F40, s22, s12, $0x38;
	[tilespmem:$0x1B940] =	vst v63  }
0xe5: {  	_ =	swait.ge [sflag:s28], $0x1F40  }
0xe6: {  	[sflag:s28] =	ssyncset.done $0x0  }
0xe7: {  	[sflag:s28] =	ssyncadd.s32 $0xFFFFE0C0  }
0xe8: {  	[tilespmem:s23], [sflag:$0x9] =	stream.linear.gather [spmem:s8], $0x1F40, $0x38;
	[tilespmem:$0x1B940] =	vst v63  }
0xe9: {  	_ =	swait.ge [sflag:s19], $0x1F40  }
0xea: {  	[sflag:s19] =	ssyncset.done $0x0  }
0xeb: {  	[sflag:s19] =	ssyncadd.s32 $0xFFFFE0C0  }
0xec: {  	[hbm4b:s15+s12] =	stream.strided.scatter [tilespmem:s23], [sflag:$0x2], $0x1F40, s22, s12, $0x38;
	[tilespmem:$0x1B940] =	vst v63  }
0xed: {  	_ =	swait.ge [sflag:s24], $0x1F40  }
0xee: {  	[sflag:s24] =	ssyncset.done $0x0  }
0xef: {  	[sflag:s24] =	ssyncadd.s32 $0xFFFFE0C0  }
0xf0: {  	[tilespmem:s18], [sflag:$0x9] =	stream.linear.gather [spmem:s9], $0x1F40, $0x38;
	[tilespmem:$0x1B940] =	vst v63  }
0xf1: {  	_ =	swait.ge [sflag:s19], $0x1F40  }
0xf2: {  	[sflag:s19] =	ssyncset.done $0x0  }
0xf3: {  	s4 =	sadd.s32 $0x1, s4;
	[sflag:s19] =	ssyncadd.s32 $0xFFFFE0C0  }
0xf4: {  	[hbm4b:s16+s12] =	stream.strided.scatter [tilespmem:s18], [sflag:$0x1], $0x1F40, s22, s12, $0x38;
	[tilespmem:$0x1B940] =	vst v63  }
0xf5: {  	p0 =	sne.s32 s4, s17;
	_ =	swait.ge [sflag:s24], $0x1F40  }
.Ltmp2:
0xf6: {  	[sflag:s24] =	ssyncset.done $0x0;
	(pc) =	sbr.rel @p0 .LBB2_1-.Ltmp2, $4  }
0xf7: {  	[sflag:s24] =	ssyncadd.s32 $0xFFFFE0C0  }
0xf8: {  	_ =	swait.ge [sflag:s28], $0x1F40  }
0xf9: {  	[sflag:s28] =	ssyncset.done $0x0  }
0xfa: {  	[sflag:s28] =	ssyncadd.s32 $0xFFFFE0C0  }
0xfb: {  	_ =	sfence.sel $0x180000  }
0xfc: {  	[bflag:$0x0] =	sbarrier.arrive $0xFFFF  }
0xfd: {  	_ =	strace $0x9000004A  }
0xfe: {  	s0 =	stileid.u32;
	[bflag:$0x2] =	sbarrier.arrive $0xFFFF  }
0xff: {  	p0 =	sne.s32 s0, $0x0;
	s0 =	rddreg [dreg:$0x3]  }
0x100: {  	s0 =	sadd.s32 @!p0 $0x100000, s0  }
0x101: {  	[sflag:s0] =	ssyncadd.tile.s32 @!p0 $0x1;
	_ =	shalt  }
.Lfunc_end2:
_tile_overlayer_lowered:
.L_overlay_start_2:
0x102: {  	(tag) =	ssettag $0x2  }
0x103: {  	s0 =	rddreg [dreg:$0x0];
	s2 =	stileid.u32  }
0x104: {  	s1 =	rddreg [dreg:$0x1];
	p0 =	sne.s32 s2, $0x0  }
0x105: {  	s3 =	rddreg [dreg:$0x2];
	[bflag:$0x3] =	sbarrier.arrive $0xFFFF;
	s2 =	simm.s32 @!p0 $0x1C09  }
0x106: {  	[timem:s3], [sflag:s2] =	dma.local @!p0 [hbm:s0], s1  }
0x107: {  	s0 =	simm.s32 @!p0 $0x9  }
0x108: {  	_ =	swait.ge @!p0 [sflag:s0], s1  }
0x109: {  	s1 =	ssub.s32 @!p0 $0x0, s1;
	[sflag:s0] =	ssyncset.done @!p0 $0x0  }
0x10a: {  	[sflag:s0] =	ssyncadd.s32 @!p0 s1  }
0x10b: {  	[bflag:$0x3] =	sbarrier.arrive $0xFFFF  }
0x10c: {  	_ =	shalt  }

// kernel: kernel.20.cloned.1.call-start
scs
__scs_entry_jumppad:
0x0: {  	(pc) =	sbr.rel $0x88, $3  }
0x1: {  	(tag) =	ssettag $0x0;
	lr =	simm.s32 $0x1  }
0x2: {  	[smem:$0x3F93] =	sst lr;
	_ =	strace $0xD0000000  }
0x3: {  	_ = 	snop  }
0x4: {  	_ = 	snop  }
0x5: {  	_ = 	snop  }
0x6: {  	_ = 	snop  }
0x7: {  	_ = 	snop  }
__scs_overlays_trampoline_lowered:
0x8: {  	[smem:$0x3FA2] =	sst s0  }
0x9: {  	[smem:$0x3FA3] =	sst s1  }
0xa: {  	[smem:$0x3FA4] =	sst s2  }
0xb: {  	[smem:$0x3FA5] =	sst s3  }
0xc: {  	[smem:$0x3FA6] =	sst s4  }
0xd: {  	[smem:$0x3FA7] =	sst s5  }
0xe: {  	[smem:$0x3FA8] =	sst s6  }
0xf: {  	[smem:$0x3FA9] =	sst s7  }
0x10: {  	[smem:$0x3FAA] =	sst s8  }
0x11: {  	[smem:$0x3FAB] =	sst s9;
	s0 =	simm.s32 @!p0 $0x0  }
0x12: {  	s1 =	sld [smem:$0x3F91];
	s0 =	simm.s32 @p0 $0x1  }
0x13: {  	[smem:$0x3FAC] =	sst s0;
	s0 =	simm.s32 @!p1 $0x0  }
0x14: {  	s2 =	sld [smem:$0x3F90];
	s0 =	simm.s32 @p1 $0x1  }
0x15: {  	[smem:$0x3FAD] =	sst s0;
	s0 =	simm.s32 @!p2 $0x0  }
0x16: {  	s3 =	sld [smem:$0x3FDB];
	s0 =	simm.s32 @p2 $0x1  }
0x17: {  	s4 =	simm.s32 $0x1BF5;
	[smem:$0x3FAF] =	sst s0  }
0x18: {  	s0 =	sld [smem:$0x3F92];
	_ =	swait.ge [sflag:s4], $0x0  }
0x19: {  	s7 =	sld [smem:$0x3F93]  }
0x1a: {  	s8 =	sadd.s32 $0xFFFFE003, lr  }
0x1b: {  	s9 =	sadd.s32 $0xFFFFFEF7, lr;
	s5 =	simm.s32 $0xFFFFFFFF;
	p2 =	slt.u32 s8, $0xFFFFF086  }
0x1c: {  	p1 =	slt.u32 s9, $0xF7A;
	s5 =	simm.s32 @!p2 $0x0  }
0x1d: {  	s5 =	simm.s32 @p1 $0x1;
	p0 =	seq.s32 s7, s2  }
0x1e: {  	s7 =	smul.u32 @!p0 $0xF7A, s2;
	p2 =	seq.s32 @!p0 s5, $0x0  }
0x1f: {  	s9 =	smul.u32 $0xF7A, s1;
	s8 =	simm.s32 @!p0 $0x1BF5;
	p2 =	por !p2, p0  }
0x20: {  	[sflag:s8] =	ssyncset.s32 @!p0 $0xFFFFF086;
	s6 =	sadd.s32 @!p0 s3, s7;
	s7 =	simm.s32 @!p0 $0x108  }
0x21: {  	s3 =	sadd.s32 s3, s9;
	s6 =	sadd.s32 @!p0 $0x88, s6;
	s7 =	simm.s32 @p2 $0x1082  }
0x22: {  	[simem:s7], [sflag:s8] =	dma.local @!p0 [hbm:s6], $0xF7A  }
0x23: {  	s9 =	sor.u32 $0xD0000000, s2;
	s6 =	simm.s32 $0x108;
	_ =	swait.ge @!p0 [sflag:s8], $0x0  }
0x24: {  	s3 =	sadd.s32 $0x88, s3;
	s6 =	simm.s32 @!p1 $0x1082;
	[sflag:s4] =	ssyncset.s32 $0xFFFFF086  }
0x25: {  	[simem:s6], [sflag:s4] =	dma.local [hbm:s3], $0xF7A  }
0x26: {  	[smem:$0x3F93] =	sst s1;
	(tag) =	ssettag s2;
	_ =	strace s9  }
0x27: {  	s1 =	sld [smem:$0x3FA3]  }
0x28: {  	s2 =	sld [smem:$0x3FA4]  }
0x29: {  	s4 =	sld [smem:$0x3FA6]  }
0x2a: {  	p0 =	seq.s32 s5, $0x0;
	s5 =	sld [smem:$0x3FA7]  }
0x2b: {  	s6 =	sld [smem:$0x3FA8]  }
0x2c: {  	s7 =	sld [smem:$0x3FA9]  }
0x2d: {  	s3 =	simm.s32 $0x108;
	s8 =	sld [smem:$0x3FAA]  }
0x2e: {  	s3 =	simm.s32 @!p0 $0x1082;
	s9 =	sld [smem:$0x3FAB]  }
0x2f: {  	lr =	sadd.s32 s0, s3;
	s0 =	sld [smem:$0x3FA2]  }
0x30: {  	s3 =	sld [smem:$0x3FA5]  }
0x31: {  	[smem:$0x3FAE] =	sst s10  }
0x32: {  	s10 =	sld [smem:$0x3FAC];
	_ =	sdelay $0x3  }
0x33: {  	p0 =	seq.s32 s10, $0x1;
	s10 =	sld [smem:$0x3FAE];
	_ =	sdelay $0x3  }
0x34: {  	[smem:$0x3FAE] =	sst s10  }
0x35: {  	s10 =	sld [smem:$0x3FAD];
	_ =	sdelay $0x3  }
0x36: {  	p1 =	seq.s32 s10, $0x1;
	s10 =	sld [smem:$0x3FAE];
	_ =	sdelay $0x3  }
0x37: {  	[smem:$0x3FAE] =	sst s10  }
0x38: {  	s10 =	sld [smem:$0x3FAF]  }
0x39: {  	_ = 	snop;
	(pc) =	sbr.ind lr, $3  }
0x3a: {  	_ = 	snop  }
0x3b: {  	_ = 	snop  }
0x3c: {  	p2 =	seq.s32 s10, $0x1;
	s10 =	sld [smem:$0x3FAE]  }
0x3d: {  	_ =	shalt  }
0x3e: {  	_ =	shalt  }
0x3f: {  	_ =	shalt  }
0x40: {  	_ =	shalt  }
0x41: {  	_ =	shalt  }
0x42: {  	_ =	shalt  }
0x43: {  	_ =	shalt  }
0x44: {  	_ =	shalt  }
0x45: {  	_ =	shalt  }
0x46: {  	_ =	shalt  }
0x47: {  	_ =	shalt  }
0x48: {  	_ =	shalt  }
0x49: {  	_ =	shalt  }
0x4a: {  	_ =	shalt  }
0x4b: {  	_ =	shalt  }
0x4c: {  	_ =	shalt  }
0x4d: {  	_ =	shalt  }
0x4e: {  	_ =	shalt  }
0x4f: {  	_ =	shalt  }
0x50: {  	_ =	shalt  }
0x51: {  	_ =	shalt  }
0x52: {  	_ =	shalt  }
0x53: {  	_ =	shalt  }
0x54: {  	_ =	shalt  }
0x55: {  	_ =	shalt  }
0x56: {  	_ =	shalt  }
0x57: {  	_ =	shalt  }
0x58: {  	_ =	shalt  }
0x59: {  	_ =	shalt  }
0x5a: {  	_ =	shalt  }
0x5b: {  	_ =	shalt  }
0x5c: {  	_ =	shalt  }
0x5d: {  	_ =	shalt  }
0x5e: {  	_ =	shalt  }
0x5f: {  	_ =	shalt  }
0x60: {  	_ =	shalt  }
0x61: {  	_ =	shalt  }
0x62: {  	_ =	shalt  }
0x63: {  	_ =	shalt  }
0x64: {  	_ =	shalt  }
0x65: {  	_ =	shalt  }
0x66: {  	_ =	shalt  }
0x67: {  	_ =	shalt  }
0x68: {  	_ =	shalt  }
0x69: {  	_ =	shalt  }
0x6a: {  	_ =	shalt  }
0x6b: {  	_ =	shalt  }
0x6c: {  	_ =	shalt  }
0x6d: {  	_ =	shalt  }
0x6e: {  	_ =	shalt  }
0x6f: {  	_ =	shalt  }
0x70: {  	_ =	shalt  }
0x71: {  	_ =	shalt  }
0x72: {  	_ =	shalt  }
0x73: {  	_ =	shalt  }
0x74: {  	_ =	shalt  }
0x75: {  	_ =	shalt  }
0x76: {  	_ =	shalt  }
0x77: {  	_ =	shalt  }
0x78: {  	_ =	shalt  }
0x79: {  	_ =	shalt  }
0x7a: {  	_ =	shalt  }
0x7b: {  	_ =	shalt  }
0x7c: {  	_ =	shalt  }
0x7d: {  	_ =	shalt  }
0x7e: {  	_ =	shalt  }
0x7f: {  	_ =	shalt  }
0x80: {  	_ =	shalt  }
0x81: {  	_ =	shalt  }
0x82: {  	_ =	shalt  }
0x83: {  	_ =	shalt  }
0x84: {  	_ =	shalt  }
0x85: {  	_ =	shalt  }
0x86: {  	_ =	shalt  }
0x87: {  	_ =	shalt  }
.Lfunc_end0:
.L_simem_size_0:
called_computation.2_lowered:
.L_overlay_start_0:
0x88: {  	s2 =	sld [smem:$0x3FD9]  }
0x89: {  	s3 =	sld [smem:$0x3FFE];
	_ =	sdelay $0x1  }
0x8a: {  	s1 =	srdreg.scid  }
0x8b: {  	s0 =	sand.u32 $0x1, s1  }
0x8c: {  	s17 =	sshll.u32 s0, $0xA;
	s2 =	sadd.s32 s3, s2  }
0x8d: {  	s2 =	sadd.s32 s2, s17  }
0x8e: {  	[smem:$0x3FBA] =	sst s2  }
0x8f: {  	_ = 	snop  }
0x90: {  	s2 =	sld [smem:$0x3FD0];
	(tm) =	ssettm $0x1  }
0x91: {  	s18 =	sld [smem:$0x3FFB];
	_ =	sdelay $0x3  }
0x92: {  	_ =	strace s18  }
0x93: {  	s3 =	sld [smem:$0x3FFC];
	_ =	sdelay $0x3  }
0x94: {  	_ =	strace s3  }
0x95: {  	s3 =	sld [smem:$0x3FFD];
	_ =	sdelay $0x3  }
0x96: {  	_ =	strace s3  }
0x97: {  	_ =	strace $0x8FFFFFFF  }
0x98: {  	s19 =	sld [smem:$0x3FDB];
	_ =	sdelay $0x1  }
0x99: {  	s4 =	simm.s32 $_scs_section_size  }
0x9a: {  	s5 =	simm.s32 $_size__tile_overlayer_lowered;
	s6 =	simm.s32 $_tile_overlayer_lowered  }
0x9b: {  	s22 =	simm.s32 $0x1BFF;
	s21 =	sshll.u32 s6, $0x1;
	s3 =	sadd.s32 s4, s19  }
0x9c: {  	s7 =	simm.s32 $0x0;
	s20 =	sshll.u32 s5, $0x1;
	s5 =	sadd.s32 s21, s3  }
0x9d: {  	[timem:s7], [sflag:s22] =	dma.local [hbm:s5], s20  }
0x9e: {  	_ =	swait.ge [sflag:s22], s20  }
0x9f: {  	s4 =	ssub.s32 $0x0, s20;
	[sflag:s22] =	ssyncset.done $0x0  }
0xa0: {  	[sflag:s22] =	ssyncadd.s32 s4;
	_ =	sdelay $0x1  }
0xa1: {  	s23 =	simm.s32 $0x1B8B  }
0xa2: {  	_ =	swait.ge [sflag:s23], $0x1  }
0xa3: {  	[sflag:s23] =	ssyncset.done $0x0  }
0xa4: {  	s25 =	simm.s32 $0x1B8E;
	s24 =	sld [smem:$0x3FFE];
	[sflag:s23] =	ssyncadd.s32 $0xFFFFFFFF  }
0xa5: {  	s26 =	simm.s32 $execute0_lowered;
	[smem:$0x3FD2] =	sst s25  }
0xa6: {  	s5 =	sshll.u32 s26, $0x1;
	_ =	strace $0x8000004C;
	[dreg:$0x1] =	wrdreg $0xFFFFFFFF  }
0xa7: {  	s28 =	simm.s32 $_size_execute0_lowered;
	s3 =	sadd.s32 s3, s5;
	[dreg:$0x0] =	wrdreg $0x0  }
0xa8: {  	s5 =	sshll.u32 s28, $0x1;
	[dreg:$0x2] =	wrdreg s3  }
0xa9: {  	[dreg:$0x3] =	wrdreg s5  }
0xaa: {  	[dreg:$0x4] =	wrdreg $0xC0  }
0xab: {  	_ =	task [dreg:s7], $0x5FFFF  }
0xac: {  	[dreg:$0x1] =	wrdreg $0xFFFFFFFF  }
0xad: {  	[dreg:$0x0] =	wrdreg $0x60  }
0xae: {  	[dreg:$0x2] =	wrdreg s24  }
0xaf: {  	[dreg:$0x3] =	wrdreg s2  }
0xb0: {  	[dreg:$0x4] =	wrdreg $0x11D000  }
0xb1: {  	[dreg:$0x5] =	wrdreg $0x9  }
0xb2: {  	_ =	task.clear_ibuf [dreg:s7], $0x6FFFF;
	_ =	strace $0x9000004C  }
0xb3: {  	s29 =	simm.s32 $0x9;
	_ =	strace $0x8000004E  }
0xb4: {  	_ =	swait.ge [sflag:s29], $0x1  }
0xb5: {  	[sflag:s29] =	ssyncadd.s32 $0xFFFFFFFF  }
0xb6: {  	_ =	strace $0x9000004E  }
0xb7: {  	_ =	sfence  }
0xb8: {  	s30 =	sld [smem:$0x0];
	_ =	sdelay $0x2  }
0xb9: {  	s31 =	sshll.u32 s1, $0xD;
	s1 =	sshrl.u32 s1, $0x2  }
0xba: {  	s3 =	sand.u32 $0x4000, s31;
	s1 =	sadd.s32 s1, s30  }
0xbb: {  	s0 =	sor.u32 s3, s0;
	s1 =	sshll.u32 s1, $0x11  }
0xbc: {  	s0 =	sor.u32 s1, s0  }
0xbd: {  	s0 =	sadd.s32 $0x8F2B, s0  }
0xbe: {  	[sflag:s0] =	ssyncadd.remote.s32 $0x1  }
0xbf: {  	_ =	sfence.sel $0xFFFF  }
0xc0: {  	[dreg:$0x0] =	wrdreg $0xFFFFFFFF;
	(pc) =	sbr.abs _section_cstart, $3  }
0xc1: {  	[dreg:$0x1] =	wrdreg $0xFFFFFFFF  }
0xc2: {  	_ =	task.clear_ibuf [dreg:s7], $0x2FFFF;
	_ =	strace $0x9FFFFFFF  }
0xc3: {  	(tm) =	ssettm $0x7FFFFFFF  }
tec
execute0_lowered:
.L_overlay_start_1:
0x0: {  	(tag) =	ssettag $0x1  }
0x1: {  	s0 =	srdreg.scid;
	s1 =	rddreg [dreg:$0x0]  }
0x2: {  	s17 =	stileid.u32;
	s2 =	rddreg [dreg:$0x1]  }
0x3: {  	s3 =	rddreg [dreg:$0x2];
	s4 =	simm.s32 $0x0;
	s5 =	smul.u32 $0x5000, s17  }
0x4: {  	s28 =	simm.s32 $0x2;
	s31 =	simm.s32 $0xFDC0;
	s8 =	smul.u32 $0x271, s17  }
0x5: {  	s30 =	simm.s32 $0x4;
	s29 =	simm.s32 $0x6;
	s7 =	smul.u32 $0x27100, s17  }
0x6: {  	s0 =	sand.u32 $0x1, s0;
	[smem:$0x7FF] =	sst s4;
	s17 =	smul.u32 $0x13880, s17  }
0x7: {  	s6 =	smul.u32 $0x50000, s0;
	_ =	strace $0x8000004D;
	s13 =	ssub.s32 $0x2, s0  }
0x8: {  	s0 =	sshll.u32 s0, $0x6;
	s14 =	sshrl.u32 s13, $0x1;
	s15 =	sshrl.u32 s7, $0x2  }
0x9: {  	s20 =	sor.u32 s0, s17;
	s6 =	sadd.s32 s5, s6;
	s5 =	sshrl.u32 s5, $0x3  }
0xa: {  	s12 =	ssub.s32 s13, s14;
	s13 =	sadd.s32 $0x7D, s8;
	s14 =	sadd.s32 $0xFA, s8  }
0xb: {  	s6 =	sshrl.u32 s6, $0x3;
	s11 =	sadd.s32 s5, s1;
	s5 =	sadd.s32 s15, s3  }
0xc: {  	s16 =	sshll.u32 s13, $0x6;
	s18 =	sshll.u32 s14, $0x6;
	s15 =	sadd.s32 $0x177, s8  }
0xd: {  	s13 =	sshll.u32 s13, $0x7;
	s23 =	sshll.u32 s14, $0x7;
	s17 =	smax.u32 s12, $0x1  }
0xe: {  	s12 =	simm.s32 $0x40;
	s10 =	sadd.s32 s6, s1;
	s1 =	sadd.s32 $0x22800, s1  }
0xf: {  	s6 =	sadd.s32 s16, s3;
	s7 =	sadd.s32 s18, s3;
	s9 =	sshll.u32 s15, $0x6  }
0x10: {  	s16 =	sadd.s32 $0x1F4, s8;
	s13 =	sor.u32 s0, s13;
	s11 =	sadd.s32 $0x4800, s11  }
0x11: {  	s24 =	sshll.u32 s15, $0x7;
	s18 =	simm.s32 $0xA000;
	s8 =	sadd.s32 s9, s3  }
0x12: {  	s19 =	sshll.u32 s16, $0x6;
	s10 =	sadd.s32 $0xE800, s10;
	[dreg:$0x5] =	wrdreg s11  }
0x13: {  	s21 =	sshrl.u32 s13, $0x3;
	s25 =	sshll.u32 s16, $0x7;
	s11 =	sor.u32 s0, s24  }
0x14: {  	s24 =	simm.s32 $0x1;
	s9 =	sadd.s32 s19, s3;
	[dreg:$0x4] =	wrdreg s10  }
0x15: {  	s10 =	sshrl.u32 s20, $0x3;
	s22 =	sadd.s32 s1, s21;
	s26 =	sshrl.u32 s11, $0x3  }
0x16: {  	s19 =	simm.s32 $0x9;
	s21 =	simm.s32 $0x7D;
	s11 =	simm.s32 $0x4F80  }
0x17: {  	s10 =	sadd.s32 s1, s10;
	[dreg:$0x7] =	wrdreg s22;
	s15 =	sadd.s32 s1, s26  }
0x18: {  	s22 =	simm.s32 $0x80;
	s26 =	simm.s32 $0xDE80;
	[dreg:$0x6] =	wrdreg s10  }
0x19: {  	s10 =	sor.u32 s0, s23;
	s0 =	sor.u32 s0, s25;
	s23 =	simm.s32 $0xBF40  }
0x1a: {  	s25 =	simm.s32 $0x5;
	s10 =	sshrl.u32 s10, $0x3;
	s0 =	sshrl.u32 s0, $0x3  }
0x1b: {  	s10 =	sadd.s32 s1, s10;
	s16 =	sadd.s32 s1, s0;
	s1 =	simm.s32 $0x3  }
0x1c: {  	v0 =	vimm.f32 $0.0e+00;
	s0 =	simm.s32 $0x7;
	[dreg:$0x8] =	wrdreg s10;
	s10 =	simm.s32 $0x8  }
.LBB2_1:
0x1d: {  	s14 =	simm.s32 $0x100;
	s13 =	simm.s32 $0x0  }
.LBB2_2:
0x1e: {  	p0 =	sne.s32 s14, $0x7C00;
	[tilespmem:s13+$0xA030] =	vst v0;
	s20 =	smov.u32 s14;
	s14 =	sadd.s32 $0x100, s14  }
.Ltmp0:
0x1f: {  	[tilespmem:s13+$0xA020] =	vst v0;
	(pc) =	sbr.rel @p0 .LBB2_2-.Ltmp0, $3  }
0x20: {  	[tilespmem:s13+$0xA000] =	vst v0  }
0x21: {  	[tilespmem:s13+$0xA010] =	vst v0;
	_ =	sdelay $0x1  }
0x22: {  	s13 =	sshra.s32 s20, $0x2  }
0x23: {  	[tilespmem:s13+$0xA030] =	vst v0  }
0x24: {  	[tilespmem:s13+$0xA020] =	vst v0  }
0x25: {  	[tilespmem:s13+$0xA000] =	vst v0  }
0x26: {  	[tilespmem:s13+$0xA010] =	vst v0  }
0x27: {  	[spmem:s5] =	stream.linear.scatter [tilespmem:s18], [sflag:$0x9], $0x1F40, $0x38;
	[tilespmem:$0x1B940] =	vst v63  }
0x28: {  	_ =	swait.ge [sflag:s19], $0x1F40  }
0x29: {  	[sflag:s19] =	ssyncset.done $0x0  }
0x2a: {  	[sflag:s19] =	ssyncadd.s32 $0xFFFFE0C0  }
0x2b: {  	[spmem:s6] =	stream.linear.scatter [tilespmem:s18], [sflag:$0x9], $0x1F40, $0x38;
	[tilespmem:$0x1B940] =	vst v63  }
0x2c: {  	_ =	swait.ge [sflag:s19], $0x1F40  }
0x2d: {  	[sflag:s19] =	ssyncset.done $0x0  }
0x2e: {  	[sflag:s19] =	ssyncadd.s32 $0xFFFFE0C0  }
0x2f: {  	[spmem:s7] =	stream.linear.scatter [tilespmem:s18], [sflag:$0x9], $0x1F40, $0x38;
	[tilespmem:$0x1B940] =	vst v63  }
0x30: {  	_ =	swait.ge [sflag:s19], $0x1F40  }
0x31: {  	[sflag:s19] =	ssyncset.done $0x0  }
0x32: {  	[sflag:s19] =	ssyncadd.s32 $0xFFFFE0C0  }
0x33: {  	[spmem:s8] =	stream.linear.scatter [tilespmem:s18], [sflag:$0x9], $0x1F40, $0x38;
	[tilespmem:$0x1B940] =	vst v63  }
0x34: {  	_ =	swait.ge [sflag:s19], $0x1F40  }
0x35: {  	[sflag:s19] =	ssyncset.done $0x0  }
0x36: {  	[sflag:s19] =	ssyncadd.s32 $0xFFFFE0C0  }
0x37: {  	[spmem:s9] =	stream.linear.scatter [tilespmem:s18], [sflag:$0x9], $0x1F40, $0x38;
	[tilespmem:$0x1B940] =	vst v63  }
0x38: {  	_ =	swait.ge [sflag:s19], $0x1F40  }
0x39: {  	[sflag:s19] =	ssyncset.done $0x0  }
0x3a: {  	[sflag:s19] =	ssyncadd.s32 $0xFFFFE0C0  }
0x3b: {  	[bflag:$0x0] =	sbarrier.arrive $0xFFFF  }
0x3c: {  	s13 =	simm.s32 $0x0;
	s14 =	rddreg [dreg:$0x4]  }
0x3d: {  	[tilespmem:s13], [sflag:$0x9] =	stream.linear.gather [hbm4b:s14+s13], $0x5000, $0x38;
	[tilespmem:$0x1B940] =	vst v63  }
0x3e: {  	_ =	swait.ge [sflag:s19], $0x5000  }
0x3f: {  	[sflag:s19] =	ssyncset.done $0x0  }
0x40: {  	s20 =	simm.s32 $0x5000;
	s14 =	rddreg [dreg:$0x5];
	[sflag:s19] =	ssyncadd.s32 $0xFFFFB000  }
0x41: {  	[tilespmem:s20], [sflag:$0x9] =	stream.linear.gather [hbm4b:s14+s13], $0x5000, $0x38;
	[tilespmem:$0x1B940] =	vst v63  }
0x42: {  	_ =	swait.ge [sflag:s19], $0x5000  }
0x43: {  	[sflag:s19] =	ssyncset.done $0x0  }
0x44: {  	[sflag:s19] =	ssyncadd.s32 $0xFFFFB000  }
0x45: {  	[tilespmem:s18], [sflag:$0x1] =	stream.indirect.gather [hbm4b:s2+s21], $0x40, s13, s21, $0xb8;
	[tilespmem:$0x1B940] =	vst v63  }
0x46: {  	_ = 	snop  }
0x47: {  	[tilespmem:s23], [sflag:$0x2] =	stream.indirect.gather [hbm4b:s2+s21], $0x40, s22, s21, $0xb8;
	[tilespmem:$0x1B940] =	vst v63  }
0x48: {  	_ =	swait.ge [sflag:s24], $0x1F40  }
0x49: {  	[sflag:s24] =	ssyncset.done $0x0  }
0x4a: {  	[sflag:s24] =	ssyncadd.s32 $0xFFFFE0C0  }
0x4b: {  	[spmem:s3] =	stream.indirect.scatter.add.f32 [tilespmem:s18], [sflag:$0x5], $0x40, s20, s21, $0xb8;
	[tilespmem:$0x1B940] =	vst v63  }
0x4c: {  	s14 =	simm.s32 $0x100  }
0x4d: {  	[tilespmem:s26], [sflag:$0x3] =	stream.indirect.gather [hbm4b:s2+s21], $0x40, s14, s21, $0xb8;
	[tilespmem:$0x1B940] =	vst v63  }
0x4e: {  	_ =	swait.ge [sflag:s28], $0x1F40  }
0x4f: {  	[sflag:s28] =	ssyncset.done $0x0  }
0x50: {  	s20 =	simm.s32 $0x5080;
	[sflag:s28] =	ssyncadd.s32 $0xFFFFE0C0  }
0x51: {  	[spmem:s3] =	stream.indirect.scatter.add.f32 [tilespmem:s23], [sflag:$0x6], $0x40, s20, s21, $0xb8;
	[tilespmem:$0x1B940] =	vst v63  }
0x52: {  	s14 =	simm.s32 $0x180  }
0x53: {  	[tilespmem:s31], [sflag:$0x4] =	stream.indirect.gather [hbm4b:s2+s21], $0x40, s14, s21, $0xb8;
	[tilespmem:$0x1B940] =	vst v63  }
0x54: {  	_ =	swait.ge [sflag:s1], $0x1F40  }
0x55: {  	[sflag:s1] =	ssyncset.done $0x0  }
0x56: {  	s20 =	simm.s32 $0x5100;
	[sflag:s1] =	ssyncadd.s32 $0xFFFFE0C0  }
0x57: {  	[spmem:s3] =	stream.indirect.scatter.add.f32 [tilespmem:s26], [sflag:$0x7], $0x40, s20, s21, $0xb8;
	[tilespmem:$0x1B940] =	vst v63  }
0x58: {  	_ =	swait.ge [sflag:s25], $0x1F40  }
0x59: {  	[sflag:s25] =	ssyncset.done $0x0  }
0x5a: {  	s14 =	simm.s32 $0x200;
	[sflag:s25] =	ssyncadd.s32 $0xFFFFE0C0  }
0x5b: {  	[tilespmem:s18], [sflag:$0x1] =	stream.indirect.gather [hbm4b:s2+s21], $0x40, s14, s21, $0xb8;
	[tilespmem:$0x1B940] =	vst v63  }
0x5c: {  	_ =	swait.ge [sflag:s30], $0x1F40  }
0x5d: {  	[sflag:s30] =	ssyncset.done $0x0  }
0x5e: {  	s20 =	simm.s32 $0x5180;
	[sflag:s30] =	ssyncadd.s32 $0xFFFFE0C0  }
0x5f: {  	[spmem:s3] =	stream.indirect.scatter.add.f32 [tilespmem:s31], [sflag:$0x8], $0x40, s20, s21, $0xb8;
	[tilespmem:$0x1B940] =	vst v63  }
0x60: {  	_ =	swait.ge [sflag:s29], $0x1F40  }
0x61: {  	[sflag:s29] =	ssyncset.done $0x0  }
0x62: {  	s14 =	simm.s32 $0x280;
	[sflag:s29] =	ssyncadd.s32 $0xFFFFE0C0  }
0x63: {  	[tilespmem:s23], [sflag:$0x2] =	stream.indirect.gather [hbm4b:s2+s21], $0x40, s14, s21, $0xb8;
	[tilespmem:$0x1B940] =	vst v63  }
0x64: {  	_ =	swait.ge [sflag:s24], $0x1F40  }
0x65: {  	[sflag:s24] =	ssyncset.done $0x0  }
0x66: {  	s20 =	simm.s32 $0x5200;
	[sflag:s24] =	ssyncadd.s32 $0xFFFFE0C0  }
0x67: {  	[spmem:s3] =	stream.indirect.scatter.add.f32 [tilespmem:s18], [sflag:$0x5], $0x40, s20, s21, $0xb8;
	[tilespmem:$0x1B940] =	vst v63  }
0x68: {  	_ =	swait.ge [sflag:s0], $0x1F40  }
0x69: {  	[sflag:s0] =	ssyncset.done $0x0  }
0x6a: {  	s14 =	simm.s32 $0x300;
	[sflag:s0] =	ssyncadd.s32 $0xFFFFE0C0  }
0x6b: {  	[tilespmem:s26], [sflag:$0x3] =	stream.indirect.gather [hbm4b:s2+s21], $0x40, s14, s21, $0xb8;
	[tilespmem:$0x1B940] =	vst v63  }
0x6c: {  	_ =	swait.ge [sflag:s28], $0x1F40  }
0x6d: {  	[sflag:s28] =	ssyncset.done $0x0  }
0x6e: {  	s20 =	simm.s32 $0x5280;
	[sflag:s28] =	ssyncadd.s32 $0xFFFFE0C0  }
0x6f: {  	[spmem:s3] =	stream.indirect.scatter.add.f32 [tilespmem:s23], [sflag:$0x6], $0x40, s20, s21, $0xb8;
	[tilespmem:$0x1B940] =	vst v63  }
0x70: {  	_ =	swait.ge [sflag:s10], $0x1F40  }
0x71: {  	[sflag:s10] =	ssyncset.done $0x0  }
0x72: {  	s14 =	simm.s32 $0x380;
	[sflag:s10] =	ssyncadd.s32 $0xFFFFE0C0  }
0x73: {  	[tilespmem:s31], [sflag:$0x4] =	stream.indirect.gather [hbm4b:s2+s21], $0x40, s14, s21, $0xb8;
	[tilespmem:$0x1B940] =	vst v63  }
0x74: {  	_ =	swait.ge [sflag:s1], $0x1F40  }
0x75: {  	[sflag:s1] =	ssyncset.done $0x0  }
0x76: {  	s20 =	simm.s32 $0x5300;
	[sflag:s1] =	ssyncadd.s32 $0xFFFFE0C0  }
0x77: {  	[spmem:s3] =	stream.indirect.scatter.add.f32 [tilespmem:s26], [sflag:$0x7], $0x40, s20, s21, $0xb8;
	[tilespmem:$0x1B940] =	vst v63  }
0x78: {  	_ =	swait.ge [sflag:s25], $0x1F40  }
0x79: {  	[sflag:s25] =	ssyncset.done $0x0  }
0x7a: {  	s14 =	simm.s32 $0x400;
	[sflag:s25] =	ssyncadd.s32 $0xFFFFE0C0  }
0x7b: {  	[tilespmem:s18], [sflag:$0x1] =	stream.indirect.gather [hbm4b:s2+s21], $0x40, s14, s21, $0xb8;
	[tilespmem:$0x1B940] =	vst v63  }
0x7c: {  	_ =	swait.ge [sflag:s30], $0x1F40  }
0x7d: {  	[sflag:s30] =	ssyncset.done $0x0  }
0x7e: {  	s20 =	simm.s32 $0x5380;
	[sflag:s30] =	ssyncadd.s32 $0xFFFFE0C0  }
0x7f: {  	[spmem:s3] =	stream.indirect.scatter.add.f32 [tilespmem:s31], [sflag:$0x8], $0x40, s20, s21, $0xb8;
	[tilespmem:$0x1B940] =	vst v63  }
0x80: {  	_ =	swait.ge [sflag:s29], $0x1F40  }
0x81: {  	[sflag:s29] =	ssyncset.done $0x0  }
0x82: {  	s13 =	simm.s32 $0x800;
	s14 =	simm.s32 $0x480;
	[sflag:s29] =	ssyncadd.s32 $0xFFFFE0C0  }
.LBB2_4:
0x83: {  	[tilespmem:s23], [sflag:$0x2] =	stream.indirect.gather [hbm4b:s2+s21], $0x40, s14, s21, $0xb8;
	[tilespmem:$0x1B940] =	vst v63  }
0x84: {  	s14 =	smov.u32 s13  }
0x85: {  	p0 =	sne.s32 s13, $0x12800;
	s13 =	sadd.s32 $0x800, s13;
	_ =	swait.ge [sflag:s24], $0x1F40  }
0x86: {  	s14 =	sshra.s32 s14, $0x2;
	[sflag:s24] =	ssyncset.done $0x0  }
0x87: {  	s20 =	sadd.s32 $0x5200, s14;
	[sflag:s24] =	ssyncadd.s32 $0xFFFFE0C0  }
0x88: {  	[spmem:s3] =	stream.indirect.scatter.add.f32 [tilespmem:s18], [sflag:$0x5], $0x40, s20, s21, $0xb8;
	[tilespmem:$0x1B940] =	vst v63  }
0x89: {  	_ =	swait.ge [sflag:s0], $0x1F40  }
0x8a: {  	[sflag:s0] =	ssyncset.done $0x0  }
0x8b: {  	s20 =	sadd.s32 $0x300, s14;
	[sflag:s0] =	ssyncadd.s32 $0xFFFFE0C0  }
0x8c: {  	[tilespmem:s26], [sflag:$0x3] =	stream.indirect.gather [hbm4b:s2+s21], $0x40, s20, s21, $0xb8;
	[tilespmem:$0x1B940] =	vst v63  }
0x8d: {  	_ =	swait.ge [sflag:s28], $0x1F40  }
0x8e: {  	[sflag:s28] =	ssyncset.done $0x0  }
0x8f: {  	s20 =	sadd.s32 $0x5280, s14;
	[sflag:s28] =	ssyncadd.s32 $0xFFFFE0C0  }
0x90: {  	[spmem:s3] =	stream.indirect.scatter.add.f32 [tilespmem:s23], [sflag:$0x6], $0x40, s20, s21, $0xb8;
	[tilespmem:$0x1B940] =	vst v63  }
0x91: {  	_ =	swait.ge [sflag:s10], $0x1F40  }
0x92: {  	[sflag:s10] =	ssyncset.done $0x0  }
0x93: {  	s20 =	sadd.s32 $0x380, s14;
	[sflag:s10] =	ssyncadd.s32 $0xFFFFE0C0  }
0x94: {  	[tilespmem:s31], [sflag:$0x4] =	stream.indirect.gather [hbm4b:s2+s21], $0x40, s20, s21, $0xb8;
	[tilespmem:$0x1B940] =	vst v63  }
0x95: {  	_ =	swait.ge [sflag:s1], $0x1F40  }
0x96: {  	[sflag:s1] =	ssyncset.done $0x0  }
0x97: {  	s20 =	sadd.s32 $0x5300, s14;
	[sflag:s1] =	ssyncadd.s32 $0xFFFFE0C0  }
0x98: {  	[spmem:s3] =	stream.indirect.scatter.add.f32 [tilespmem:s26], [sflag:$0x7], $0x40, s20, s21, $0xb8;
	[tilespmem:$0x1B940] =	vst v63  }
0x99: {  	_ =	swait.ge [sflag:s25], $0x1F40  }
0x9a: {  	[sflag:s25] =	ssyncset.done $0x0  }
0x9b: {  	s20 =	sadd.s32 $0x400, s14;
	[sflag:s25] =	ssyncadd.s32 $0xFFFFE0C0  }
0x9c: {  	[tilespmem:s18], [sflag:$0x1] =	stream.indirect.gather [hbm4b:s2+s21], $0x40, s20, s21, $0xb8;
	[tilespmem:$0x1B940] =	vst v63  }
0x9d: {  	_ =	swait.ge [sflag:s30], $0x1F40  }
0x9e: {  	[sflag:s30] =	ssyncset.done $0x0  }
.Ltmp1:
0x9f: {  	s20 =	sadd.s32 $0x5380, s14;
	[sflag:s30] =	ssyncadd.s32 $0xFFFFE0C0;
	(pc) =	sbr.rel @p0 .LBB2_4-.Ltmp1, $4  }
0xa0: {  	[spmem:s3] =	stream.indirect.scatter.add.f32 [tilespmem:s31], [sflag:$0x8], $0x40, s20, s21, $0xb8;
	[tilespmem:$0x1B940] =	vst v63  }
0xa1: {  	_ =	swait.ge [sflag:s29], $0x1F40  }
0xa2: {  	[sflag:s29] =	ssyncset.done $0x0  }
0xa3: {  	s14 =	sadd.s32 $0x480, s14;
	[sflag:s29] =	ssyncadd.s32 $0xFFFFE0C0  }
0xa4: {  	[tilespmem:s23], [sflag:$0x2] =	stream.indirect.gather [hbm4b:s2+s21], $0x40, s14, s21, $0xb8;
	[tilespmem:$0x1B940] =	vst v63  }
0xa5: {  	_ =	swait.ge [sflag:s24], $0x1F40  }
0xa6: {  	[sflag:s24] =	ssyncset.done $0x0  }
0xa7: {  	s13 =	simm.s32 $0x9E00;
	[sflag:s24] =	ssyncadd.s32 $0xFFFFE0C0  }
0xa8: {  	[spmem:s3] =	stream.indirect.scatter.add.f32 [tilespmem:s18], [sflag:$0x5], $0x40, s13, s21, $0xb8;
	[tilespmem:$0x1B940] =	vst v63  }
0xa9: {  	_ =	swait.ge [sflag:s0], $0x1F40  }
0xaa: {  	[sflag:s0] =	ssyncset.done $0x0  }
0xab: {  	s20 =	simm.s32 $0x4F00;
	[sflag:s0] =	ssyncadd.s32 $0xFFFFE0C0  }
0xac: {  	[tilespmem:s26], [sflag:$0x3] =	stream.indirect.gather [hbm4b:s2+s21], $0x40, s20, s21, $0xb8;
	[tilespmem:$0x1B940] =	vst v63  }
0xad: {  	_ =	swait.ge [sflag:s28], $0x1F40  }
0xae: {  	[sflag:s28] =	ssyncset.done $0x0  }
0xaf: {  	s14 =	simm.s32 $0x9E80;
	[sflag:s28] =	ssyncadd.s32 $0xFFFFE0C0  }
0xb0: {  	[spmem:s3] =	stream.indirect.scatter.add.f32 [tilespmem:s23], [sflag:$0x6], $0x40, s14, s21, $0xb8;
	[tilespmem:$0x1B940] =	vst v63  }
0xb1: {  	_ =	swait.ge [sflag:s10], $0x1F40  }
0xb2: {  	[sflag:s10] =	ssyncset.done $0x0  }
0xb3: {  	[sflag:s10] =	ssyncadd.s32 $0xFFFFE0C0  }
0xb4: {  	[tilespmem:s31], [sflag:$0x4] =	stream.indirect.gather [hbm4b:s2+s21], $0x40, s11, s21, $0xb8;
	[tilespmem:$0x1B940] =	vst v63  }
0xb5: {  	_ =	swait.ge [sflag:s1], $0x1F40  }
0xb6: {  	[sflag:s1] =	ssyncset.done $0x0  }
0xb7: {  	s20 =	simm.s32 $0x9F00;
	[sflag:s1] =	ssyncadd.s32 $0xFFFFE0C0  }
0xb8: {  	[spmem:s3] =	stream.indirect.scatter.add.f32 [tilespmem:s26], [sflag:$0x7], $0x40, s20, s21, $0xb8;
	[tilespmem:$0x1B940] =	vst v63  }
0xb9: {  	_ =	swait.ge [sflag:s25], $0x1F40  }
0xba: {  	[sflag:s25] =	ssyncset.done $0x0  }
0xbb: {  	[sflag:s25] =	ssyncadd.s32 $0xFFFFE0C0  }
0xbc: {  	[tilespmem:s18], [sflag:$0x1] =	stream.indirect.gather [hbm4b:s2+s21], $0x40, s11, s21, $0xb8;
	[tilespmem:$0x1B940] =	vst v63  }
0xbd: {  	_ =	swait.ge [sflag:s30], $0x1F40  }
0xbe: {  	[sflag:s30] =	ssyncset.done $0x0  }
0xbf: {  	s14 =	simm.s32 $0x9F80;
	[sflag:s30] =	ssyncadd.s32 $0xFFFFE0C0  }
0xc0: {  	[spmem:s3] =	stream.indirect.scatter.add.f32 [tilespmem:s31], [sflag:$0x8], $0x40, s14, s21, $0xb8;
	[tilespmem:$0x1B940] =	vst v63  }
0xc1: {  	_ =	swait.ge [sflag:s29], $0x1F40  }
0xc2: {  	[sflag:s29] =	ssyncset.done $0x0  }
0xc3: {  	[sflag:s29] =	ssyncadd.s32 $0xFFFFE0C0  }
0xc4: {  	[tilespmem:s23], [sflag:$0x2] =	stream.indirect.gather [hbm4b:s2+s21], $0x40, s11, s21, $0xb8;
	[tilespmem:$0x1B940] =	vst v63  }
0xc5: {  	_ =	swait.ge [sflag:s24], $0x1F40  }
0xc6: {  	[sflag:s24] =	ssyncset.done $0x0  }
0xc7: {  	[sflag:s24] =	ssyncadd.s32 $0xFFFFE0C0  }
0xc8: {  	_ =	swait.ge [sflag:s28], $0x1F40  }
0xc9: {  	[sflag:s28] =	ssyncset.done $0x0  }
0xca: {  	[sflag:s28] =	ssyncadd.s32 $0xFFFFE0C0  }
0xcb: {  	_ =	swait.ge [sflag:s0], $0x1F40  }
0xcc: {  	[sflag:s0] =	ssyncset.done $0x0  }
0xcd: {  	[sflag:s0] =	ssyncadd.s32 $0xFFFFE0C0  }
0xce: {  	_ =	swait.ge [sflag:s10], $0x1F40  }
0xcf: {  	[sflag:s10] =	ssyncset.done $0x0  }
0xd0: {  	[sflag:s10] =	ssyncadd.s32 $0xFFFFE0C0  }
0xd1: {  	[bflag:$0x0] =	sbarrier.arrive $0xFFFF  }
0xd2: {  	[tilespmem:s18], [sflag:$0x9] =	stream.linear.gather [spmem:s5], $0x1F40, $0x38;
	[tilespmem:$0x1B940] =	vst v63  }
0xd3: {  	_ =	swait.ge [sflag:s19], $0x1F40  }
0xd4: {  	[sflag:s19] =	ssyncset.done $0x0  }
0xd5: {  	s20 =	rddreg [dreg:$0x6];
	[sflag:s19] =	ssyncadd.s32 $0xFFFFE0C0  }
0xd6: {  	[hbm4b:s20+s12] =	stream.strided.scatter [tilespmem:s18], [sflag:$0x1], $0x1F40, s22, s12, $0x38;
	[tilespmem:$0x1B940] =	vst v63  }
0xd7: {  	_ = 	snop  }
0xd8: {  	[tilespmem:s23], [sflag:$0x9] =	stream.linear.gather [spmem:s6], $0x1F40, $0x38;
	[tilespmem:$0x1B940] =	vst v63  }
0xd9: {  	_ =	swait.ge [sflag:s19], $0x1F40  }
0xda: {  	[sflag:s19] =	ssyncset.done $0x0  }
0xdb: {  	s14 =	rddreg [dreg:$0x7];
	[sflag:s19] =	ssyncadd.s32 $0xFFFFE0C0  }
0xdc: {  	[hbm4b:s14+s12] =	stream.strided.scatter [tilespmem:s23], [sflag:$0x2], $0x1F40, s22, s12, $0x38;
	[tilespmem:$0x1B940] =	vst v63  }
0xdd: {  	_ =	swait.ge [sflag:s24], $0x1F40  }
0xde: {  	[sflag:s24] =	ssyncset.done $0x0  }
0xdf: {  	[sflag:s24] =	ssyncadd.s32 $0xFFFFE0C0  }
0xe0: {  	[tilespmem:s18], [sflag:$0x9] =	stream.linear.gather [spmem:s7], $0x1F40, $0x38;
	[tilespmem:$0x1B940] =	vst v63  }
0xe1: {  	_ =	swait.ge [sflag:s19], $0x1F40  }
0xe2: {  	[sflag:s19] =	ssyncset.done $0x0  }
0xe3: {  	s20 =	rddreg [dreg:$0x8];
	[sflag:s19] =	ssyncadd.s32 $0xFFFFE0C0  }
0xe4: {  	[hbm4b:s20+s12] =	stream.strided.scatter [tilespmem:s18], [sflag:$0x1], $0x1F40, s22, s12, $0x38;
	[tilespmem:$0x1B940] =	vst v63  }
0xe5: {  	_ =	swait.ge [sflag:s28], $0x1F40  }
0xe6: {  	[sflag:s28] =	ssyncset.done $0x0  }
0xe7: {  	[sflag:s28] =	ssyncadd.s32 $0xFFFFE0C0  }
0xe8: {  	[tilespmem:s23], [sflag:$0x9] =	stream.linear.gather [spmem:s8], $0x1F40, $0x38;
	[tilespmem:$0x1B940] =	vst v63  }
0xe9: {  	_ =	swait.ge [sflag:s19], $0x1F40  }
0xea: {  	[sflag:s19] =	ssyncset.done $0x0  }
0xeb: {  	[sflag:s19] =	ssyncadd.s32 $0xFFFFE0C0  }
0xec: {  	[hbm4b:s15+s12] =	stream.strided.scatter [tilespmem:s23], [sflag:$0x2], $0x1F40, s22, s12, $0x38;
	[tilespmem:$0x1B940] =	vst v63  }
0xed: {  	_ =	swait.ge [sflag:s24], $0x1F40  }
0xee: {  	[sflag:s24] =	ssyncset.done $0x0  }
0xef: {  	[sflag:s24] =	ssyncadd.s32 $0xFFFFE0C0  }
0xf0: {  	[tilespmem:s18], [sflag:$0x9] =	stream.linear.gather [spmem:s9], $0x1F40, $0x38;
	[tilespmem:$0x1B940] =	vst v63  }
0xf1: {  	_ =	swait.ge [sflag:s19], $0x1F40  }
0xf2: {  	[sflag:s19] =	ssyncset.done $0x0  }
0xf3: {  	s4 =	sadd.s32 $0x1, s4;
	[sflag:s19] =	ssyncadd.s32 $0xFFFFE0C0  }
0xf4: {  	[hbm4b:s16+s12] =	stream.strided.scatter [tilespmem:s18], [sflag:$0x1], $0x1F40, s22, s12, $0x38;
	[tilespmem:$0x1B940] =	vst v63  }
0xf5: {  	p0 =	sne.s32 s4, s17;
	_ =	swait.ge [sflag:s24], $0x1F40  }
.Ltmp2:
0xf6: {  	[sflag:s24] =	ssyncset.done $0x0;
	(pc) =	sbr.rel @p0 .LBB2_1-.Ltmp2, $4  }
0xf7: {  	[sflag:s24] =	ssyncadd.s32 $0xFFFFE0C0  }
0xf8: {  	_ =	swait.ge [sflag:s28], $0x1F40  }
0xf9: {  	[sflag:s28] =	ssyncset.done $0x0  }
0xfa: {  	[sflag:s28] =	ssyncadd.s32 $0xFFFFE0C0  }
0xfb: {  	_ =	sfence.sel $0x180000  }
0xfc: {  	[bflag:$0x0] =	sbarrier.arrive $0xFFFF  }
0xfd: {  	_ =	strace $0x9000004D  }
0xfe: {  	s0 =	stileid.u32;
	[bflag:$0x2] =	sbarrier.arrive $0xFFFF  }
0xff: {  	p0 =	sne.s32 s0, $0x0;
	s0 =	rddreg [dreg:$0x3]  }
0x100: {  	s0 =	sadd.s32 @!p0 $0x100000, s0  }
0x101: {  	[sflag:s0] =	ssyncadd.tile.s32 @!p0 $0x1;
	_ =	shalt  }
.Lfunc_end2:
_tile_overlayer_lowered:
.L_overlay_start_2:
0x102: {  	(tag) =	ssettag $0x2  }
0x103: {  	s0 =	rddreg [dreg:$0x0];
	s2 =	stileid.u32  }
0x104: {  	s1 =	rddreg [dreg:$0x1];
	p0 =	sne.s32 s2, $0x0  }
0x105: {  	s3 =	rddreg [dreg:$0x2];
	[bflag:$0x3] =	sbarrier.arrive $0xFFFF;
	s2 =	simm.s32 @!p0 $0x1C09  }
0x106: {  	[timem:s3], [sflag:s2] =	dma.local @!p0 [hbm:s0], s1  }
0x107: {  	s0 =	simm.s32 @!p0 $0x9  }
0x108: {  	_ =	swait.ge @!p0 [sflag:s0], s1  }
0x109: {  	s1 =	ssub.s32 @!p0 $0x0, s1;
	[sflag:s0] =	ssyncset.done @!p0 $0x0  }
0x10a: {  	[sflag:s0] =	ssyncadd.s32 @!p0 s1  }
0x10b: {  	[bflag:$0x3] =	sbarrier.arrive $0xFFFF  }
0x10c: {  	_ =	shalt  }

// kernel: kernel.23.cloned.1.call-start
scs
__scs_entry_jumppad:
0x0: {  	(pc) =	sbr.rel $0x88, $3  }
0x1: {  	(tag) =	ssettag $0x0;
	lr =	simm.s32 $0x1  }
0x2: {  	[smem:$0x3F93] =	sst lr;
	_ =	strace $0xD0000000  }
0x3: {  	_ = 	snop  }
0x4: {  	_ = 	snop  }
0x5: {  	_ = 	snop  }
0x6: {  	_ = 	snop  }
0x7: {  	_ = 	snop  }
__scs_overlays_trampoline_lowered:
0x8: {  	[smem:$0x3FA2] =	sst s0  }
0x9: {  	[smem:$0x3FA3] =	sst s1  }
0xa: {  	[smem:$0x3FA4] =	sst s2  }
0xb: {  	[smem:$0x3FA5] =	sst s3  }
0xc: {  	[smem:$0x3FA6] =	sst s4  }
0xd: {  	[smem:$0x3FA7] =	sst s5  }
0xe: {  	[smem:$0x3FA8] =	sst s6  }
0xf: {  	[smem:$0x3FA9] =	sst s7  }
0x10: {  	[smem:$0x3FAA] =	sst s8  }
0x11: {  	[smem:$0x3FAB] =	sst s9;
	s0 =	simm.s32 @!p0 $0x0  }
0x12: {  	s1 =	sld [smem:$0x3F91];
	s0 =	simm.s32 @p0 $0x1  }
0x13: {  	[smem:$0x3FAC] =	sst s0;
	s0 =	simm.s32 @!p1 $0x0  }
0x14: {  	s2 =	sld [smem:$0x3F90];
	s0 =	simm.s32 @p1 $0x1  }
0x15: {  	[smem:$0x3FAD] =	sst s0;
	s0 =	simm.s32 @!p2 $0x0  }
0x16: {  	s3 =	sld [smem:$0x3FDB];
	s0 =	simm.s32 @p2 $0x1  }
0x17: {  	s4 =	simm.s32 $0x1BF5;
	[smem:$0x3FAF] =	sst s0  }
0x18: {  	s0 =	sld [smem:$0x3F92];
	_ =	swait.ge [sflag:s4], $0x0  }
0x19: {  	s7 =	sld [smem:$0x3F93]  }
0x1a: {  	s8 =	sadd.s32 $0xFFFFE003, lr  }
0x1b: {  	s9 =	sadd.s32 $0xFFFFFEF7, lr;
	s5 =	simm.s32 $0xFFFFFFFF;
	p2 =	slt.u32 s8, $0xFFFFF086  }
0x1c: {  	p1 =	slt.u32 s9, $0xF7A;
	s5 =	simm.s32 @!p2 $0x0  }
0x1d: {  	s5 =	simm.s32 @p1 $0x1;
	p0 =	seq.s32 s7, s2  }
0x1e: {  	s7 =	smul.u32 @!p0 $0xF7A, s2;
	p2 =	seq.s32 @!p0 s5, $0x0  }
0x1f: {  	s9 =	smul.u32 $0xF7A, s1;
	s8 =	simm.s32 @!p0 $0x1BF5;
	p2 =	por !p2, p0  }
0x20: {  	[sflag:s8] =	ssyncset.s32 @!p0 $0xFFFFF086;
	s6 =	sadd.s32 @!p0 s3, s7;
	s7 =	simm.s32 @!p0 $0x108  }
0x21: {  	s3 =	sadd.s32 s3, s9;
	s6 =	sadd.s32 @!p0 $0x88, s6;
	s7 =	simm.s32 @p2 $0x1082  }
0x22: {  	[simem:s7], [sflag:s8] =	dma.local @!p0 [hbm:s6], $0xF7A  }
0x23: {  	s9 =	sor.u32 $0xD0000000, s2;
	s6 =	simm.s32 $0x108;
	_ =	swait.ge @!p0 [sflag:s8], $0x0  }
0x24: {  	s3 =	sadd.s32 $0x88, s3;
	s6 =	simm.s32 @!p1 $0x1082;
	[sflag:s4] =	ssyncset.s32 $0xFFFFF086  }
0x25: {  	[simem:s6], [sflag:s4] =	dma.local [hbm:s3], $0xF7A  }
0x26: {  	[smem:$0x3F93] =	sst s1;
	(tag) =	ssettag s2;
	_ =	strace s9  }
0x27: {  	s1 =	sld [smem:$0x3FA3]  }
0x28: {  	s2 =	sld [smem:$0x3FA4]  }
0x29: {  	s4 =	sld [smem:$0x3FA6]  }
0x2a: {  	p0 =	seq.s32 s5, $0x0;
	s5 =	sld [smem:$0x3FA7]  }
0x2b: {  	s6 =	sld [smem:$0x3FA8]  }
0x2c: {  	s7 =	sld [smem:$0x3FA9]  }
0x2d: {  	s3 =	simm.s32 $0x108;
	s8 =	sld [smem:$0x3FAA]  }
0x2e: {  	s3 =	simm.s32 @!p0 $0x1082;
	s9 =	sld [smem:$0x3FAB]  }
0x2f: {  	lr =	sadd.s32 s0, s3;
	s0 =	sld [smem:$0x3FA2]  }
0x30: {  	s3 =	sld [smem:$0x3FA5]  }
0x31: {  	[smem:$0x3FAE] =	sst s10  }
0x32: {  	s10 =	sld [smem:$0x3FAC];
	_ =	sdelay $0x3  }
0x33: {  	p0 =	seq.s32 s10, $0x1;
	s10 =	sld [smem:$0x3FAE];
	_ =	sdelay $0x3  }
0x34: {  	[smem:$0x3FAE] =	sst s10  }
0x35: {  	s10 =	sld [smem:$0x3FAD];
	_ =	sdelay $0x3  }
0x36: {  	p1 =	seq.s32 s10, $0x1;
	s10 =	sld [smem:$0x3FAE];
	_ =	sdelay $0x3  }
0x37: {  	[smem:$0x3FAE] =	sst s10  }
0x38: {  	s10 =	sld [smem:$0x3FAF]  }
0x39: {  	_ = 	snop;
	(pc) =	sbr.ind lr, $3  }
0x3a: {  	_ = 	snop  }
0x3b: {  	_ = 	snop  }
0x3c: {  	p2 =	seq.s32 s10, $0x1;
	s10 =	sld [smem:$0x3FAE]  }
0x3d: {  	_ =	shalt  }
0x3e: {  	_ =	shalt  }
0x3f: {  	_ =	shalt  }
0x40: {  	_ =	shalt  }
0x41: {  	_ =	shalt  }
0x42: {  	_ =	shalt  }
0x43: {  	_ =	shalt  }
0x44: {  	_ =	shalt  }
0x45: {  	_ =	shalt  }
0x46: {  	_ =	shalt  }
0x47: {  	_ =	shalt  }
0x48: {  	_ =	shalt  }
0x49: {  	_ =	shalt  }
0x4a: {  	_ =	shalt  }
0x4b: {  	_ =	shalt  }
0x4c: {  	_ =	shalt  }
0x4d: {  	_ =	shalt  }
0x4e: {  	_ =	shalt  }
0x4f: {  	_ =	shalt  }
0x50: {  	_ =	shalt  }
0x51: {  	_ =	shalt  }
0x52: {  	_ =	shalt  }
0x53: {  	_ =	shalt  }
0x54: {  	_ =	shalt  }
0x55: {  	_ =	shalt  }
0x56: {  	_ =	shalt  }
0x57: {  	_ =	shalt  }
0x58: {  	_ =	shalt  }
0x59: {  	_ =	shalt  }
0x5a: {  	_ =	shalt  }
0x5b: {  	_ =	shalt  }
0x5c: {  	_ =	shalt  }
0x5d: {  	_ =	shalt  }
0x5e: {  	_ =	shalt  }
0x5f: {  	_ =	shalt  }
0x60: {  	_ =	shalt  }
0x61: {  	_ =	shalt  }
0x62: {  	_ =	shalt  }
0x63: {  	_ =	shalt  }
0x64: {  	_ =	shalt  }
0x65: {  	_ =	shalt  }
0x66: {  	_ =	shalt  }
0x67: {  	_ =	shalt  }
0x68: {  	_ =	shalt  }
0x69: {  	_ =	shalt  }
0x6a: {  	_ =	shalt  }
0x6b: {  	_ =	shalt  }
0x6c: {  	_ =	shalt  }
0x6d: {  	_ =	shalt  }
0x6e: {  	_ =	shalt  }
0x6f: {  	_ =	shalt  }
0x70: {  	_ =	shalt  }
0x71: {  	_ =	shalt  }
0x72: {  	_ =	shalt  }
0x73: {  	_ =	shalt  }
0x74: {  	_ =	shalt  }
0x75: {  	_ =	shalt  }
0x76: {  	_ =	shalt  }
0x77: {  	_ =	shalt  }
0x78: {  	_ =	shalt  }
0x79: {  	_ =	shalt  }
0x7a: {  	_ =	shalt  }
0x7b: {  	_ =	shalt  }
0x7c: {  	_ =	shalt  }
0x7d: {  	_ =	shalt  }
0x7e: {  	_ =	shalt  }
0x7f: {  	_ =	shalt  }
0x80: {  	_ =	shalt  }
0x81: {  	_ =	shalt  }
0x82: {  	_ =	shalt  }
0x83: {  	_ =	shalt  }
0x84: {  	_ =	shalt  }
0x85: {  	_ =	shalt  }
0x86: {  	_ =	shalt  }
0x87: {  	_ =	shalt  }
.Lfunc_end0:
.L_simem_size_0:
called_computation.3_lowered:
.L_overlay_start_0:
0x88: {  	s2 =	sld [smem:$0x3FD9]  }
0x89: {  	s3 =	sld [smem:$0x3FFE];
	_ =	sdelay $0x1  }
0x8a: {  	s1 =	srdreg.scid  }
0x8b: {  	s0 =	sand.u32 $0x1, s1  }
0x8c: {  	s17 =	sshll.u32 s0, $0xA;
	s2 =	sadd.s32 s3, s2  }
0x8d: {  	s2 =	sadd.s32 s2, s17  }
0x8e: {  	[smem:$0x3FBA] =	sst s2  }
0x8f: {  	_ = 	snop  }
0x90: {  	s2 =	sld [smem:$0x3FD0];
	(tm) =	ssettm $0x1  }
0x91: {  	s18 =	sld [smem:$0x3FFB];
	_ =	sdelay $0x3  }
0x92: {  	_ =	strace s18  }
0x93: {  	s3 =	sld [smem:$0x3FFC];
	_ =	sdelay $0x3  }
0x94: {  	_ =	strace s3  }
0x95: {  	s3 =	sld [smem:$0x3FFD];
	_ =	sdelay $0x3  }
0x96: {  	_ =	strace s3  }
0x97: {  	_ =	strace $0x8FFFFFFF  }
0x98: {  	s19 =	sld [smem:$0x3FDB];
	_ =	sdelay $0x1  }
0x99: {  	s4 =	simm.s32 $_scs_section_size  }
0x9a: {  	s5 =	simm.s32 $_size__tile_overlayer_lowered;
	s6 =	simm.s32 $_tile_overlayer_lowered  }
0x9b: {  	s22 =	simm.s32 $0x1BFF;
	s21 =	sshll.u32 s6, $0x1;
	s3 =	sadd.s32 s4, s19  }
0x9c: {  	s7 =	simm.s32 $0x0;
	s20 =	sshll.u32 s5, $0x1;
	s5 =	sadd.s32 s21, s3  }
0x9d: {  	[timem:s7], [sflag:s22] =	dma.local [hbm:s5], s20  }
0x9e: {  	_ =	swait.ge [sflag:s22], s20  }
0x9f: {  	s4 =	ssub.s32 $0x0, s20;
	[sflag:s22] =	ssyncset.done $0x0  }
0xa0: {  	[sflag:s22] =	ssyncadd.s32 s4;
	_ =	sdelay $0x1  }
0xa1: {  	s23 =	simm.s32 $0x1B8B  }
0xa2: {  	_ =	swait.ge [sflag:s23], $0x1  }
0xa3: {  	[sflag:s23] =	ssyncset.done $0x0  }
0xa4: {  	s25 =	simm.s32 $0x1B8E;
	s24 =	sld [smem:$0x3FFE];
	[sflag:s23] =	ssyncadd.s32 $0xFFFFFFFF  }
0xa5: {  	s26 =	simm.s32 $execute0_lowered;
	[smem:$0x3FD2] =	sst s25  }
0xa6: {  	s5 =	sshll.u32 s26, $0x1;
	_ =	strace $0x8000004F;
	[dreg:$0x1] =	wrdreg $0xFFFFFFFF  }
0xa7: {  	s28 =	simm.s32 $_size_execute0_lowered;
	s3 =	sadd.s32 s3, s5;
	[dreg:$0x0] =	wrdreg $0x0  }
0xa8: {  	s5 =	sshll.u32 s28, $0x1;
	[dreg:$0x2] =	wrdreg s3  }
0xa9: {  	[dreg:$0x3] =	wrdreg s5  }
0xaa: {  	[dreg:$0x4] =	wrdreg $0xC0  }
0xab: {  	_ =	task [dreg:s7], $0x5FFFF  }
0xac: {  	[dreg:$0x1] =	wrdreg $0xFFFFFFFF  }
0xad: {  	[dreg:$0x0] =	wrdreg $0x60  }
0xae: {  	[dreg:$0x2] =	wrdreg s24  }
0xaf: {  	[dreg:$0x3] =	wrdreg s2  }
0xb0: {  	[dreg:$0x4] =	wrdreg $0x11D000  }
0xb1: {  	[dreg:$0x5] =	wrdreg $0x9  }
0xb2: {  	_ =	task.clear_ibuf [dreg:s7], $0x6FFFF;
	_ =	strace $0x9000004F  }
0xb3: {  	s29 =	simm.s32 $0x9;
	_ =	strace $0x80000051  }
0xb4: {  	_ =	swait.ge [sflag:s29], $0x1  }
0xb5: {  	[sflag:s29] =	ssyncadd.s32 $0xFFFFFFFF  }
0xb6: {  	_ =	strace $0x90000051  }
0xb7: {  	_ =	sfence  }
0xb8: {  	s30 =	sld [smem:$0x0];
	_ =	sdelay $0x2  }
0xb9: {  	s31 =	sshll.u32 s1, $0xD;
	s1 =	sshrl.u32 s1, $0x2  }
0xba: {  	s3 =	sand.u32 $0x4000, s31;
	s1 =	sadd.s32 s1, s30  }
0xbb: {  	s0 =	sor.u32 s3, s0;
	s1 =	sshll.u32 s1, $0x11  }
0xbc: {  	s0 =	sor.u32 s1, s0  }
0xbd: {  	s0 =	sadd.s32 $0x8F2B, s0  }
0xbe: {  	[sflag:s0] =	ssyncadd.remote.s32 $0x1  }
0xbf: {  	_ =	sfence.sel $0xFFFF  }
0xc0: {  	[dreg:$0x0] =	wrdreg $0xFFFFFFFF;
	(pc) =	sbr.abs _section_cstart, $3  }
0xc1: {  	[dreg:$0x1] =	wrdreg $0xFFFFFFFF  }
0xc2: {  	_ =	task.clear_ibuf [dreg:s7], $0x2FFFF;
	_ =	strace $0x9FFFFFFF  }
0xc3: {  	(tm) =	ssettm $0x7FFFFFFF  }
tec
execute0_lowered:
.L_overlay_start_1:
0x0: {  	(tag) =	ssettag $0x1  }
0x1: {  	s0 =	srdreg.scid;
	s1 =	rddreg [dreg:$0x0]  }
0x2: {  	s17 =	stileid.u32;
	s2 =	rddreg [dreg:$0x1]  }
0x3: {  	s3 =	rddreg [dreg:$0x2];
	s4 =	simm.s32 $0x0;
	s5 =	smul.u32 $0x5000, s17  }
0x4: {  	s28 =	simm.s32 $0x2;
	s31 =	simm.s32 $0xFDC0;
	s8 =	smul.u32 $0x271, s17  }
0x5: {  	s30 =	simm.s32 $0x4;
	s29 =	simm.s32 $0x6;
	s7 =	smul.u32 $0x27100, s17  }
0x6: {  	s0 =	sand.u32 $0x1, s0;
	[smem:$0x7FF] =	sst s4;
	s17 =	smul.u32 $0x13880, s17  }
0x7: {  	s6 =	smul.u32 $0x50000, s0;
	_ =	strace $0x80000050;
	s13 =	ssub.s32 $0x2, s0  }
0x8: {  	s0 =	sshll.u32 s0, $0x6;
	s14 =	sshrl.u32 s13, $0x1;
	s15 =	sshrl.u32 s7, $0x2  }
0x9: {  	s20 =	sor.u32 s0, s17;
	s6 =	sadd.s32 s5, s6;
	s5 =	sshrl.u32 s5, $0x3  }
0xa: {  	s12 =	ssub.s32 s13, s14;
	s13 =	sadd.s32 $0x7D, s8;
	s14 =	sadd.s32 $0xFA, s8  }
0xb: {  	s6 =	sshrl.u32 s6, $0x3;
	s11 =	sadd.s32 s5, s1;
	s5 =	sadd.s32 s15, s3  }
0xc: {  	s16 =	sshll.u32 s13, $0x6;
	s18 =	sshll.u32 s14, $0x6;
	s15 =	sadd.s32 $0x177, s8  }
0xd: {  	s13 =	sshll.u32 s13, $0x7;
	s23 =	sshll.u32 s14, $0x7;
	s17 =	smax.u32 s12, $0x1  }
0xe: {  	s12 =	simm.s32 $0x40;
	s10 =	sadd.s32 s6, s1;
	s1 =	sadd.s32 $0x22800, s1  }
0xf: {  	s6 =	sadd.s32 s16, s3;
	s7 =	sadd.s32 s18, s3;
	s9 =	sshll.u32 s15, $0x6  }
0x10: {  	s16 =	sadd.s32 $0x1F4, s8;
	s13 =	sor.u32 s0, s13;
	s11 =	sadd.s32 $0x4800, s11  }
0x11: {  	s24 =	sshll.u32 s15, $0x7;
	s18 =	simm.s32 $0xA000;
	s8 =	sadd.s32 s9, s3  }
0x12: {  	s19 =	sshll.u32 s16, $0x6;
	s10 =	sadd.s32 $0xE800, s10;
	[dreg:$0x5] =	wrdreg s11  }
0x13: {  	s21 =	sshrl.u32 s13, $0x3;
	s25 =	sshll.u32 s16, $0x7;
	s11 =	sor.u32 s0, s24  }
0x14: {  	s24 =	simm.s32 $0x1;
	s9 =	sadd.s32 s19, s3;
	[dreg:$0x4] =	wrdreg s10  }
0x15: {  	s10 =	sshrl.u32 s20, $0x3;
	s22 =	sadd.s32 s1, s21;
	s26 =	sshrl.u32 s11, $0x3  }
0x16: {  	s19 =	simm.s32 $0x9;
	s21 =	simm.s32 $0x7D;
	s11 =	simm.s32 $0x4F80  }
0x17: {  	s10 =	sadd.s32 s1, s10;
	[dreg:$0x7] =	wrdreg s22;
	s15 =	sadd.s32 s1, s26  }
0x18: {  	s22 =	simm.s32 $0x80;
	s26 =	simm.s32 $0xDE80;
	[dreg:$0x6] =	wrdreg s10  }
0x19: {  	s10 =	sor.u32 s0, s23;
	s0 =	sor.u32 s0, s25;
	s23 =	simm.s32 $0xBF40  }
0x1a: {  	s25 =	simm.s32 $0x5;
	s10 =	sshrl.u32 s10, $0x3;
	s0 =	sshrl.u32 s0, $0x3  }
0x1b: {  	s10 =	sadd.s32 s1, s10;
	s16 =	sadd.s32 s1, s0;
	s1 =	simm.s32 $0x3  }
0x1c: {  	v0 =	vimm.f32 $0.0e+00;
	s0 =	simm.s32 $0x7;
	[dreg:$0x8] =	wrdreg s10;
	s10 =	simm.s32 $0x8  }
.LBB2_1:
0x1d: {  	s14 =	simm.s32 $0x100;
	s13 =	simm.s32 $0x0  }
.LBB2_2:
0x1e: {  	p0 =	sne.s32 s14, $0x7C00;
	[tilespmem:s13+$0xA030] =	vst v0;
	s20 =	smov.u32 s14;
	s14 =	sadd.s32 $0x100, s14  }
.Ltmp0:
0x1f: {  	[tilespmem:s13+$0xA020] =	vst v0;
	(pc) =	sbr.rel @p0 .LBB2_2-.Ltmp0, $3  }
0x20: {  	[tilespmem:s13+$0xA000] =	vst v0  }
0x21: {  	[tilespmem:s13+$0xA010] =	vst v0;
	_ =	sdelay $0x1  }
0x22: {  	s13 =	sshra.s32 s20, $0x2  }
0x23: {  	[tilespmem:s13+$0xA030] =	vst v0  }
0x24: {  	[tilespmem:s13+$0xA020] =	vst v0  }
0x25: {  	[tilespmem:s13+$0xA000] =	vst v0  }
0x26: {  	[tilespmem:s13+$0xA010] =	vst v0  }
0x27: {  	[spmem:s5] =	stream.linear.scatter [tilespmem:s18], [sflag:$0x9], $0x1F40, $0x38;
	[tilespmem:$0x1B940] =	vst v63  }
0x28: {  	_ =	swait.ge [sflag:s19], $0x1F40  }
0x29: {  	[sflag:s19] =	ssyncset.done $0x0  }
0x2a: {  	[sflag:s19] =	ssyncadd.s32 $0xFFFFE0C0  }
0x2b: {  	[spmem:s6] =	stream.linear.scatter [tilespmem:s18], [sflag:$0x9], $0x1F40, $0x38;
	[tilespmem:$0x1B940] =	vst v63  }
0x2c: {  	_ =	swait.ge [sflag:s19], $0x1F40  }
0x2d: {  	[sflag:s19] =	ssyncset.done $0x0  }
0x2e: {  	[sflag:s19] =	ssyncadd.s32 $0xFFFFE0C0  }
0x2f: {  	[spmem:s7] =	stream.linear.scatter [tilespmem:s18], [sflag:$0x9], $0x1F40, $0x38;
	[tilespmem:$0x1B940] =	vst v63  }
0x30: {  	_ =	swait.ge [sflag:s19], $0x1F40  }
0x31: {  	[sflag:s19] =	ssyncset.done $0x0  }
0x32: {  	[sflag:s19] =	ssyncadd.s32 $0xFFFFE0C0  }
0x33: {  	[spmem:s8] =	stream.linear.scatter [tilespmem:s18], [sflag:$0x9], $0x1F40, $0x38;
	[tilespmem:$0x1B940] =	vst v63  }
0x34: {  	_ =	swait.ge [sflag:s19], $0x1F40  }
0x35: {  	[sflag:s19] =	ssyncset.done $0x0  }
0x36: {  	[sflag:s19] =	ssyncadd.s32 $0xFFFFE0C0  }
0x37: {  	[spmem:s9] =	stream.linear.scatter [tilespmem:s18], [sflag:$0x9], $0x1F40, $0x38;
	[tilespmem:$0x1B940] =	vst v63  }
0x38: {  	_ =	swait.ge [sflag:s19], $0x1F40  }
0x39: {  	[sflag:s19] =	ssyncset.done $0x0  }
0x3a: {  	[sflag:s19] =	ssyncadd.s32 $0xFFFFE0C0  }
0x3b: {  	[bflag:$0x0] =	sbarrier.arrive $0xFFFF  }
0x3c: {  	s13 =	simm.s32 $0x0;
	s14 =	rddreg [dreg:$0x4]  }
0x3d: {  	[tilespmem:s13], [sflag:$0x9] =	stream.linear.gather [hbm4b:s14+s13], $0x5000, $0x38;
	[tilespmem:$0x1B940] =	vst v63  }
0x3e: {  	_ =	swait.ge [sflag:s19], $0x5000  }
0x3f: {  	[sflag:s19] =	ssyncset.done $0x0  }
0x40: {  	s20 =	simm.s32 $0x5000;
	s14 =	rddreg [dreg:$0x5];
	[sflag:s19] =	ssyncadd.s32 $0xFFFFB000  }
0x41: {  	[tilespmem:s20], [sflag:$0x9] =	stream.linear.gather [hbm4b:s14+s13], $0x5000, $0x38;
	[tilespmem:$0x1B940] =	vst v63  }
0x42: {  	_ =	swait.ge [sflag:s19], $0x5000  }
0x43: {  	[sflag:s19] =	ssyncset.done $0x0  }
0x44: {  	[sflag:s19] =	ssyncadd.s32 $0xFFFFB000  }
0x45: {  	[tilespmem:s18], [sflag:$0x1] =	stream.indirect.gather [hbm4b:s2+s21], $0x40, s13, s21, $0xb8;
	[tilespmem:$0x1B940] =	vst v63  }
0x46: {  	_ = 	snop  }
0x47: {  	[tilespmem:s23], [sflag:$0x2] =	stream.indirect.gather [hbm4b:s2+s21], $0x40, s22, s21, $0xb8;
	[tilespmem:$0x1B940] =	vst v63  }
0x48: {  	_ =	swait.ge [sflag:s24], $0x1F40  }
0x49: {  	[sflag:s24] =	ssyncset.done $0x0  }
0x4a: {  	[sflag:s24] =	ssyncadd.s32 $0xFFFFE0C0  }
0x4b: {  	[spmem:s3] =	stream.indirect.scatter.add.f32 [tilespmem:s18], [sflag:$0x5], $0x40, s20, s21, $0xb8;
	[tilespmem:$0x1B940] =	vst v63  }
0x4c: {  	s14 =	simm.s32 $0x100  }
0x4d: {  	[tilespmem:s26], [sflag:$0x3] =	stream.indirect.gather [hbm4b:s2+s21], $0x40, s14, s21, $0xb8;
	[tilespmem:$0x1B940] =	vst v63  }
0x4e: {  	_ =	swait.ge [sflag:s28], $0x1F40  }
0x4f: {  	[sflag:s28] =	ssyncset.done $0x0  }
0x50: {  	s20 =	simm.s32 $0x5080;
	[sflag:s28] =	ssyncadd.s32 $0xFFFFE0C0  }
0x51: {  	[spmem:s3] =	stream.indirect.scatter.add.f32 [tilespmem:s23], [sflag:$0x6], $0x40, s20, s21, $0xb8;
	[tilespmem:$0x1B940] =	vst v63  }
0x52: {  	s14 =	simm.s32 $0x180  }
0x53: {  	[tilespmem:s31], [sflag:$0x4] =	stream.indirect.gather [hbm4b:s2+s21], $0x40, s14, s21, $0xb8;
	[tilespmem:$0x1B940] =	vst v63  }
0x54: {  	_ =	swait.ge [sflag:s1], $0x1F40  }
0x55: {  	[sflag:s1] =	ssyncset.done $0x0  }
0x56: {  	s20 =	simm.s32 $0x5100;
	[sflag:s1] =	ssyncadd.s32 $0xFFFFE0C0  }
0x57: {  	[spmem:s3] =	stream.indirect.scatter.add.f32 [tilespmem:s26], [sflag:$0x7], $0x40, s20, s21, $0xb8;
	[tilespmem:$0x1B940] =	vst v63  }
0x58: {  	_ =	swait.ge [sflag:s25], $0x1F40  }
0x59: {  	[sflag:s25] =	ssyncset.done $0x0  }
0x5a: {  	s14 =	simm.s32 $0x200;
	[sflag:s25] =	ssyncadd.s32 $0xFFFFE0C0  }
0x5b: {  	[tilespmem:s18], [sflag:$0x1] =	stream.indirect.gather [hbm4b:s2+s21], $0x40, s14, s21, $0xb8;
	[tilespmem:$0x1B940] =	vst v63  }
0x5c: {  	_ =	swait.ge [sflag:s30], $0x1F40  }
0x5d: {  	[sflag:s30] =	ssyncset.done $0x0  }
0x5e: {  	s20 =	simm.s32 $0x5180;
	[sflag:s30] =	ssyncadd.s32 $0xFFFFE0C0  }
0x5f: {  	[spmem:s3] =	stream.indirect.scatter.add.f32 [tilespmem:s31], [sflag:$0x8], $0x40, s20, s21, $0xb8;
	[tilespmem:$0x1B940] =	vst v63  }
0x60: {  	_ =	swait.ge [sflag:s29], $0x1F40  }
0x61: {  	[sflag:s29] =	ssyncset.done $0x0  }
0x62: {  	s14 =	simm.s32 $0x280;
	[sflag:s29] =	ssyncadd.s32 $0xFFFFE0C0  }
0x63: {  	[tilespmem:s23], [sflag:$0x2] =	stream.indirect.gather [hbm4b:s2+s21], $0x40, s14, s21, $0xb8;
	[tilespmem:$0x1B940] =	vst v63  }
0x64: {  	_ =	swait.ge [sflag:s24], $0x1F40  }
0x65: {  	[sflag:s24] =	ssyncset.done $0x0  }
0x66: {  	s20 =	simm.s32 $0x5200;
	[sflag:s24] =	ssyncadd.s32 $0xFFFFE0C0  }
0x67: {  	[spmem:s3] =	stream.indirect.scatter.add.f32 [tilespmem:s18], [sflag:$0x5], $0x40, s20, s21, $0xb8;
	[tilespmem:$0x1B940] =	vst v63  }
0x68: {  	_ =	swait.ge [sflag:s0], $0x1F40  }
0x69: {  	[sflag:s0] =	ssyncset.done $0x0  }
0x6a: {  	s14 =	simm.s32 $0x300;
	[sflag:s0] =	ssyncadd.s32 $0xFFFFE0C0  }
0x6b: {  	[tilespmem:s26], [sflag:$0x3] =	stream.indirect.gather [hbm4b:s2+s21], $0x40, s14, s21, $0xb8;
	[tilespmem:$0x1B940] =	vst v63  }
0x6c: {  	_ =	swait.ge [sflag:s28], $0x1F40  }
0x6d: {  	[sflag:s28] =	ssyncset.done $0x0  }
0x6e: {  	s20 =	simm.s32 $0x5280;
	[sflag:s28] =	ssyncadd.s32 $0xFFFFE0C0  }
0x6f: {  	[spmem:s3] =	stream.indirect.scatter.add.f32 [tilespmem:s23], [sflag:$0x6], $0x40, s20, s21, $0xb8;
	[tilespmem:$0x1B940] =	vst v63  }
0x70: {  	_ =	swait.ge [sflag:s10], $0x1F40  }
0x71: {  	[sflag:s10] =	ssyncset.done $0x0  }
0x72: {  	s14 =	simm.s32 $0x380;
	[sflag:s10] =	ssyncadd.s32 $0xFFFFE0C0  }
0x73: {  	[tilespmem:s31], [sflag:$0x4] =	stream.indirect.gather [hbm4b:s2+s21], $0x40, s14, s21, $0xb8;
	[tilespmem:$0x1B940] =	vst v63  }
0x74: {  	_ =	swait.ge [sflag:s1], $0x1F40  }
0x75: {  	[sflag:s1] =	ssyncset.done $0x0  }
0x76: {  	s20 =	simm.s32 $0x5300;
	[sflag:s1] =	ssyncadd.s32 $0xFFFFE0C0  }
0x77: {  	[spmem:s3] =	stream.indirect.scatter.add.f32 [tilespmem:s26], [sflag:$0x7], $0x40, s20, s21, $0xb8;
	[tilespmem:$0x1B940] =	vst v63  }
0x78: {  	_ =	swait.ge [sflag:s25], $0x1F40  }
0x79: {  	[sflag:s25] =	ssyncset.done $0x0  }
0x7a: {  	s14 =	simm.s32 $0x400;
	[sflag:s25] =	ssyncadd.s32 $0xFFFFE0C0  }
0x7b: {  	[tilespmem:s18], [sflag:$0x1] =	stream.indirect.gather [hbm4b:s2+s21], $0x40, s14, s21, $0xb8;
	[tilespmem:$0x1B940] =	vst v63  }
0x7c: {  	_ =	swait.ge [sflag:s30], $0x1F40  }
0x7d: {  	[sflag:s30] =	ssyncset.done $0x0  }
0x7e: {  	s20 =	simm.s32 $0x5380;
	[sflag:s30] =	ssyncadd.s32 $0xFFFFE0C0  }
0x7f: {  	[spmem:s3] =	stream.indirect.scatter.add.f32 [tilespmem:s31], [sflag:$0x8], $0x40, s20, s21, $0xb8;
	[tilespmem:$0x1B940] =	vst v63  }
0x80: {  	_ =	swait.ge [sflag:s29], $0x1F40  }
0x81: {  	[sflag:s29] =	ssyncset.done $0x0  }
0x82: {  	s13 =	simm.s32 $0x800;
	s14 =	simm.s32 $0x480;
	[sflag:s29] =	ssyncadd.s32 $0xFFFFE0C0  }
.LBB2_4:
0x83: {  	[tilespmem:s23], [sflag:$0x2] =	stream.indirect.gather [hbm4b:s2+s21], $0x40, s14, s21, $0xb8;
	[tilespmem:$0x1B940] =	vst v63  }
0x84: {  	s14 =	smov.u32 s13  }
0x85: {  	p0 =	sne.s32 s13, $0x12800;
	s13 =	sadd.s32 $0x800, s13;
	_ =	swait.ge [sflag:s24], $0x1F40  }
0x86: {  	s14 =	sshra.s32 s14, $0x2;
	[sflag:s24] =	ssyncset.done $0x0  }
0x87: {  	s20 =	sadd.s32 $0x5200, s14;
	[sflag:s24] =	ssyncadd.s32 $0xFFFFE0C0  }
0x88: {  	[spmem:s3] =	stream.indirect.scatter.add.f32 [tilespmem:s18], [sflag:$0x5], $0x40, s20, s21, $0xb8;
	[tilespmem:$0x1B940] =	vst v63  }
0x89: {  	_ =	swait.ge [sflag:s0], $0x1F40  }
0x8a: {  	[sflag:s0] =	ssyncset.done $0x0  }
0x8b: {  	s20 =	sadd.s32 $0x300, s14;
	[sflag:s0] =	ssyncadd.s32 $0xFFFFE0C0  }
0x8c: {  	[tilespmem:s26], [sflag:$0x3] =	stream.indirect.gather [hbm4b:s2+s21], $0x40, s20, s21, $0xb8;
	[tilespmem:$0x1B940] =	vst v63  }
0x8d: {  	_ =	swait.ge [sflag:s28], $0x1F40  }
0x8e: {  	[sflag:s28] =	ssyncset.done $0x0  }
0x8f: {  	s20 =	sadd.s32 $0x5280, s14;
	[sflag:s28] =	ssyncadd.s32 $0xFFFFE0C0  }
0x90: {  	[spmem:s3] =	stream.indirect.scatter.add.f32 [tilespmem:s23], [sflag:$0x6], $0x40, s20, s21, $0xb8;
	[tilespmem:$0x1B940] =	vst v63  }
0x91: {  	_ =	swait.ge [sflag:s10], $0x1F40  }
0x92: {  	[sflag:s10] =	ssyncset.done $0x0  }
0x93: {  	s20 =	sadd.s32 $0x380, s14;
	[sflag:s10] =	ssyncadd.s32 $0xFFFFE0C0  }
0x94: {  	[tilespmem:s31], [sflag:$0x4] =	stream.indirect.gather [hbm4b:s2+s21], $0x40, s20, s21, $0xb8;
	[tilespmem:$0x1B940] =	vst v63  }
0x95: {  	_ =	swait.ge [sflag:s1], $0x1F40  }
0x96: {  	[sflag:s1] =	ssyncset.done $0x0  }
0x97: {  	s20 =	sadd.s32 $0x5300, s14;
	[sflag:s1] =	ssyncadd.s32 $0xFFFFE0C0  }
0x98: {  	[spmem:s3] =	stream.indirect.scatter.add.f32 [tilespmem:s26], [sflag:$0x7], $0x40, s20, s21, $0xb8;
	[tilespmem:$0x1B940] =	vst v63  }
0x99: {  	_ =	swait.ge [sflag:s25], $0x1F40  }
0x9a: {  	[sflag:s25] =	ssyncset.done $0x0  }
0x9b: {  	s20 =	sadd.s32 $0x400, s14;
	[sflag:s25] =	ssyncadd.s32 $0xFFFFE0C0  }
0x9c: {  	[tilespmem:s18], [sflag:$0x1] =	stream.indirect.gather [hbm4b:s2+s21], $0x40, s20, s21, $0xb8;
	[tilespmem:$0x1B940] =	vst v63  }
0x9d: {  	_ =	swait.ge [sflag:s30], $0x1F40  }
0x9e: {  	[sflag:s30] =	ssyncset.done $0x0  }
.Ltmp1:
0x9f: {  	s20 =	sadd.s32 $0x5380, s14;
	[sflag:s30] =	ssyncadd.s32 $0xFFFFE0C0;
	(pc) =	sbr.rel @p0 .LBB2_4-.Ltmp1, $4  }
0xa0: {  	[spmem:s3] =	stream.indirect.scatter.add.f32 [tilespmem:s31], [sflag:$0x8], $0x40, s20, s21, $0xb8;
	[tilespmem:$0x1B940] =	vst v63  }
0xa1: {  	_ =	swait.ge [sflag:s29], $0x1F40  }
0xa2: {  	[sflag:s29] =	ssyncset.done $0x0  }
0xa3: {  	s14 =	sadd.s32 $0x480, s14;
	[sflag:s29] =	ssyncadd.s32 $0xFFFFE0C0  }
0xa4: {  	[tilespmem:s23], [sflag:$0x2] =	stream.indirect.gather [hbm4b:s2+s21], $0x40, s14, s21, $0xb8;
	[tilespmem:$0x1B940] =	vst v63  }
0xa5: {  	_ =	swait.ge [sflag:s24], $0x1F40  }
0xa6: {  	[sflag:s24] =	ssyncset.done $0x0  }
0xa7: {  	s13 =	simm.s32 $0x9E00;
	[sflag:s24] =	ssyncadd.s32 $0xFFFFE0C0  }
0xa8: {  	[spmem:s3] =	stream.indirect.scatter.add.f32 [tilespmem:s18], [sflag:$0x5], $0x40, s13, s21, $0xb8;
	[tilespmem:$0x1B940] =	vst v63  }
0xa9: {  	_ =	swait.ge [sflag:s0], $0x1F40  }
0xaa: {  	[sflag:s0] =	ssyncset.done $0x0  }
0xab: {  	s20 =	simm.s32 $0x4F00;
	[sflag:s0] =	ssyncadd.s32 $0xFFFFE0C0  }
0xac: {  	[tilespmem:s26], [sflag:$0x3] =	stream.indirect.gather [hbm4b:s2+s21], $0x40, s20, s21, $0xb8;
	[tilespmem:$0x1B940] =	vst v63  }
0xad: {  	_ =	swait.ge [sflag:s28], $0x1F40  }
0xae: {  	[sflag:s28] =	ssyncset.done $0x0  }
0xaf: {  	s14 =	simm.s32 $0x9E80;
	[sflag:s28] =	ssyncadd.s32 $0xFFFFE0C0  }
0xb0: {  	[spmem:s3] =	stream.indirect.scatter.add.f32 [tilespmem:s23], [sflag:$0x6], $0x40, s14, s21, $0xb8;
	[tilespmem:$0x1B940] =	vst v63  }
0xb1: {  	_ =	swait.ge [sflag:s10], $0x1F40  }
0xb2: {  	[sflag:s10] =	ssyncset.done $0x0  }
0xb3: {  	[sflag:s10] =	ssyncadd.s32 $0xFFFFE0C0  }
0xb4: {  	[tilespmem:s31], [sflag:$0x4] =	stream.indirect.gather [hbm4b:s2+s21], $0x40, s11, s21, $0xb8;
	[tilespmem:$0x1B940] =	vst v63  }
0xb5: {  	_ =	swait.ge [sflag:s1], $0x1F40  }
0xb6: {  	[sflag:s1] =	ssyncset.done $0x0  }
0xb7: {  	s20 =	simm.s32 $0x9F00;
	[sflag:s1] =	ssyncadd.s32 $0xFFFFE0C0  }
0xb8: {  	[spmem:s3] =	stream.indirect.scatter.add.f32 [tilespmem:s26], [sflag:$0x7], $0x40, s20, s21, $0xb8;
	[tilespmem:$0x1B940] =	vst v63  }
0xb9: {  	_ =	swait.ge [sflag:s25], $0x1F40  }
0xba: {  	[sflag:s25] =	ssyncset.done $0x0  }
0xbb: {  	[sflag:s25] =	ssyncadd.s32 $0xFFFFE0C0  }
0xbc: {  	[tilespmem:s18], [sflag:$0x1] =	stream.indirect.gather [hbm4b:s2+s21], $0x40, s11, s21, $0xb8;
	[tilespmem:$0x1B940] =	vst v63  }
0xbd: {  	_ =	swait.ge [sflag:s30], $0x1F40  }
0xbe: {  	[sflag:s30] =	ssyncset.done $0x0  }
0xbf: {  	s14 =	simm.s32 $0x9F80;
	[sflag:s30] =	ssyncadd.s32 $0xFFFFE0C0  }
0xc0: {  	[spmem:s3] =	stream.indirect.scatter.add.f32 [tilespmem:s31], [sflag:$0x8], $0x40, s14, s21, $0xb8;
	[tilespmem:$0x1B940] =	vst v63  }
0xc1: {  	_ =	swait.ge [sflag:s29], $0x1F40  }
0xc2: {  	[sflag:s29] =	ssyncset.done $0x0  }
0xc3: {  	[sflag:s29] =	ssyncadd.s32 $0xFFFFE0C0  }
0xc4: {  	[tilespmem:s23], [sflag:$0x2] =	stream.indirect.gather [hbm4b:s2+s21], $0x40, s11, s21, $0xb8;
	[tilespmem:$0x1B940] =	vst v63  }
0xc5: {  	_ =	swait.ge [sflag:s24], $0x1F40  }
0xc6: {  	[sflag:s24] =	ssyncset.done $0x0  }
0xc7: {  	[sflag:s24] =	ssyncadd.s32 $0xFFFFE0C0  }
0xc8: {  	_ =	swait.ge [sflag:s28], $0x1F40  }
0xc9: {  	[sflag:s28] =	ssyncset.done $0x0  }
0xca: {  	[sflag:s28] =	ssyncadd.s32 $0xFFFFE0C0  }
0xcb: {  	_ =	swait.ge [sflag:s0], $0x1F40  }
0xcc: {  	[sflag:s0] =	ssyncset.done $0x0  }
0xcd: {  	[sflag:s0] =	ssyncadd.s32 $0xFFFFE0C0  }
0xce: {  	_ =	swait.ge [sflag:s10], $0x1F40  }
0xcf: {  	[sflag:s10] =	ssyncset.done $0x0  }
0xd0: {  	[sflag:s10] =	ssyncadd.s32 $0xFFFFE0C0  }
0xd1: {  	[bflag:$0x0] =	sbarrier.arrive $0xFFFF  }
0xd2: {  	[tilespmem:s18], [sflag:$0x9] =	stream.linear.gather [spmem:s5], $0x1F40, $0x38;
	[tilespmem:$0x1B940] =	vst v63  }
0xd3: {  	_ =	swait.ge [sflag:s19], $0x1F40  }
0xd4: {  	[sflag:s19] =	ssyncset.done $0x0  }
0xd5: {  	s20 =	rddreg [dreg:$0x6];
	[sflag:s19] =	ssyncadd.s32 $0xFFFFE0C0  }
0xd6: {  	[hbm4b:s20+s12] =	stream.strided.scatter [tilespmem:s18], [sflag:$0x1], $0x1F40, s22, s12, $0x38;
	[tilespmem:$0x1B940] =	vst v63  }
0xd7: {  	_ = 	snop  }
0xd8: {  	[tilespmem:s23], [sflag:$0x9] =	stream.linear.gather [spmem:s6], $0x1F40, $0x38;
	[tilespmem:$0x1B940] =	vst v63  }
0xd9: {  	_ =	swait.ge [sflag:s19], $0x1F40  }
0xda: {  	[sflag:s19] =	ssyncset.done $0x0  }
0xdb: {  	s14 =	rddreg [dreg:$0x7];
	[sflag:s19] =	ssyncadd.s32 $0xFFFFE0C0  }
0xdc: {  	[hbm4b:s14+s12] =	stream.strided.scatter [tilespmem:s23], [sflag:$0x2], $0x1F40, s22, s12, $0x38;
	[tilespmem:$0x1B940] =	vst v63  }
0xdd: {  	_ =	swait.ge [sflag:s24], $0x1F40  }
0xde: {  	[sflag:s24] =	ssyncset.done $0x0  }
0xdf: {  	[sflag:s24] =	ssyncadd.s32 $0xFFFFE0C0  }
0xe0: {  	[tilespmem:s18], [sflag:$0x9] =	stream.linear.gather [spmem:s7], $0x1F40, $0x38;
	[tilespmem:$0x1B940] =	vst v63  }
0xe1: {  	_ =	swait.ge [sflag:s19], $0x1F40  }
0xe2: {  	[sflag:s19] =	ssyncset.done $0x0  }
0xe3: {  	s20 =	rddreg [dreg:$0x8];
	[sflag:s19] =	ssyncadd.s32 $0xFFFFE0C0  }
0xe4: {  	[hbm4b:s20+s12] =	stream.strided.scatter [tilespmem:s18], [sflag:$0x1], $0x1F40, s22, s12, $0x38;
	[tilespmem:$0x1B940] =	vst v63  }
0xe5: {  	_ =	swait.ge [sflag:s28], $0x1F40  }
0xe6: {  	[sflag:s28] =	ssyncset.done $0x0  }
0xe7: {  	[sflag:s28] =	ssyncadd.s32 $0xFFFFE0C0  }
0xe8: {  	[tilespmem:s23], [sflag:$0x9] =	stream.linear.gather [spmem:s8], $0x1F40, $0x38;
	[tilespmem:$0x1B940] =	vst v63  }
0xe9: {  	_ =	swait.ge [sflag:s19], $0x1F40  }
0xea: {  	[sflag:s19] =	ssyncset.done $0x0  }
0xeb: {  	[sflag:s19] =	ssyncadd.s32 $0xFFFFE0C0  }
0xec: {  	[hbm4b:s15+s12] =	stream.strided.scatter [tilespmem:s23], [sflag:$0x2], $0x1F40, s22, s12, $0x38;
	[tilespmem:$0x1B940] =	vst v63  }
0xed: {  	_ =	swait.ge [sflag:s24], $0x1F40  }
0xee: {  	[sflag:s24] =	ssyncset.done $0x0  }
0xef: {  	[sflag:s24] =	ssyncadd.s32 $0xFFFFE0C0  }
0xf0: {  	[tilespmem:s18], [sflag:$0x9] =	stream.linear.gather [spmem:s9], $0x1F40, $0x38;
	[tilespmem:$0x1B940] =	vst v63  }
0xf1: {  	_ =	swait.ge [sflag:s19], $0x1F40  }
0xf2: {  	[sflag:s19] =	ssyncset.done $0x0  }
0xf3: {  	s4 =	sadd.s32 $0x1, s4;
	[sflag:s19] =	ssyncadd.s32 $0xFFFFE0C0  }
0xf4: {  	[hbm4b:s16+s12] =	stream.strided.scatter [tilespmem:s18], [sflag:$0x1], $0x1F40, s22, s12, $0x38;
	[tilespmem:$0x1B940] =	vst v63  }
0xf5: {  	p0 =	sne.s32 s4, s17;
	_ =	swait.ge [sflag:s24], $0x1F40  }
.Ltmp2:
0xf6: {  	[sflag:s24] =	ssyncset.done $0x0;
	(pc) =	sbr.rel @p0 .LBB2_1-.Ltmp2, $4  }
0xf7: {  	[sflag:s24] =	ssyncadd.s32 $0xFFFFE0C0  }
0xf8: {  	_ =	swait.ge [sflag:s28], $0x1F40  }
0xf9: {  	[sflag:s28] =	ssyncset.done $0x0  }
0xfa: {  	[sflag:s28] =	ssyncadd.s32 $0xFFFFE0C0  }
0xfb: {  	_ =	sfence.sel $0x180000  }
0xfc: {  	[bflag:$0x0] =	sbarrier.arrive $0xFFFF  }
0xfd: {  	_ =	strace $0x90000050  }
0xfe: {  	s0 =	stileid.u32;
	[bflag:$0x2] =	sbarrier.arrive $0xFFFF  }
0xff: {  	p0 =	sne.s32 s0, $0x0;
	s0 =	rddreg [dreg:$0x3]  }
0x100: {  	s0 =	sadd.s32 @!p0 $0x100000, s0  }
0x101: {  	[sflag:s0] =	ssyncadd.tile.s32 @!p0 $0x1;
	_ =	shalt  }
.Lfunc_end2:
_tile_overlayer_lowered:
.L_overlay_start_2:
0x102: {  	(tag) =	ssettag $0x2  }
0x103: {  	s0 =	rddreg [dreg:$0x0];
	s2 =	stileid.u32  }
0x104: {  	s1 =	rddreg [dreg:$0x1];
	p0 =	sne.s32 s2, $0x0  }
0x105: {  	s3 =	rddreg [dreg:$0x2];
	[bflag:$0x3] =	sbarrier.arrive $0xFFFF;
	s2 =	simm.s32 @!p0 $0x1C09  }
0x106: {  	[timem:s3], [sflag:s2] =	dma.local @!p0 [hbm:s0], s1  }
0x107: {  	s0 =	simm.s32 @!p0 $0x9  }
0x108: {  	_ =	swait.ge @!p0 [sflag:s0], s1  }
0x109: {  	s1 =	ssub.s32 @!p0 $0x0, s1;
	[sflag:s0] =	ssyncset.done @!p0 $0x0  }
0x10a: {  	[sflag:s0] =	ssyncadd.s32 @!p0 s1  }
0x10b: {  	[bflag:$0x3] =	sbarrier.arrive $0xFFFF  }
0x10c: {  	_ =	shalt  }

</sc_bundles>
